<compile_context>
chip_gen: v7x
topology: tpu7x:2x2x1
jax: 0.10.2.dev20260603
libtpu: 0.0.44.dev20260713+nightly
codegen_flags: <defaults>
</compile_context>

<pallas_src>
import functools
import math

import jax
import jax.numpy as jnp
from jax import lax
from jax.experimental import pallas as pl
from jax.experimental.pallas import tpu as pltpu
from jax.experimental.pallas import tpu_sc as plsc

_NC = 2
_NS = 16
_NW = _NC * _NS


def _mm_block(x_ref, w_ref, o_ref):
    o_ref[...] = jnp.dot(x_ref[...], w_ref[...], preferred_element_type=jnp.float32)


def _matmul(x, w, block_m):
    m, k = x.shape
    _, n = w.shape
    return pl.pallas_call(
        _mm_block,
        grid=(m // block_m,),
        in_specs=[
            pl.BlockSpec((block_m, k), lambda i: (i, 0)),
            pl.BlockSpec((k, n), lambda i: (0, 0)),
        ],
        out_specs=pl.BlockSpec((block_m, n), lambda i: (i, 0)),
        out_shape=jax.ShapeDtypeStruct((m, n), jnp.float32),
    )(x, w)


def _addmm_block(p_ref, w_ref, o_ref):
    h = p_ref[0] + p_ref[1]
    o_ref[...] = jnp.dot(h, w_ref[...], preferred_element_type=jnp.float32)


def _add_matmul(p, w, block_m, m):
    _, _, k = p.shape
    _, n = w.shape
    return pl.pallas_call(
        _addmm_block,
        grid=(m // block_m,),
        in_specs=[
            pl.BlockSpec((2, block_m, k), lambda i: (0, i, 0)),
            pl.BlockSpec((k, n), lambda i: (0, 0)),
        ],
        out_specs=pl.BlockSpec((block_m, n), lambda i: (i, 0)),
        out_shape=jax.ShapeDtypeStruct((m, n), jnp.float32),
    )(p, w)


def _add2(p):
    _, m, n = p.shape

    def body(p_ref, o_ref):
        o_ref[...] = p_ref[0] + p_ref[1]

    return pl.pallas_call(
        body,
        in_specs=[pl.BlockSpec((2, m, n), lambda: (0, 0, 0))],
        out_specs=pl.BlockSpec((m, n), lambda: (0, 0)),
        out_shape=jax.ShapeDtypeStruct((m, n), jnp.float32),
    )(p)


def _sc_gather_scatter(h, packed, chunk, nbuf, rpt):
    e = packed.shape[0]
    d = h.shape[1]
    ew = e // _NW
    nch = ew // chunk
    npad = rpt * _NS

    mesh = plsc.VectorSubcoreMesh(
        core_axis_name="c", subcore_axis_name="s", num_cores=_NC, num_subcores=_NS
    )

    @functools.partial(
        pl.kernel,
        out_type=jax.ShapeDtypeStruct((_NC, npad, d), jnp.float32),
        mesh=mesh,
        scratch_types=[
            pltpu.VMEM((nch, chunk), jnp.int32),
            [pltpu.VMEM((chunk,), jnp.int32) for _ in range(nbuf)],
            [pltpu.VMEM((chunk,), jnp.int32) for _ in range(nbuf)],
            [pltpu.VMEM((chunk, d), jnp.float32) for _ in range(nbuf)],
            pltpu.VMEM_SHARED((npad, d), jnp.float32),
            [pltpu.SemaphoreType.DMA for _ in range(nbuf)],
        ],
        compiler_params=pltpu.CompilerParams(use_tc_tiling_on_sc=False),
    )
    def edge_pass(h_hbm, pidx_hbm, z_hbm, out_hbm,
                  pidx, sidxs, didxs, rows, acc, sems):
        cid = lax.axis_index("c")
        sid = lax.axis_index("s")
        wid = sid * _NC + cid
        stripe = pl.ds(sid * rpt, rpt)
        pltpu.sync_copy(pidx_hbm.at[wid], pidx)

        def issue(k, b):
            for t in range(chunk // 16):
                v = pidx[k, pl.ds(t * 16, 16)]
                sidxs[b][pl.ds(t * 16, 16)] = v & 0xFFFF
                didxs[b][pl.ds(t * 16, 16)] = lax.shift_right_logical(v, 16)
            pltpu.async_copy(h_hbm.at[sidxs[b]], rows[b], sems[b])

        for b in range(nbuf - 1):
            issue(b, b)
        pltpu.sync_copy(z_hbm, acc.at[stripe])
        plsc.subcore_barrier()

        def step(j, carry):
            nxt = j + (nbuf - 1)
            for b in range(nbuf):
                @pl.when(jnp.logical_and(nxt < nch, nxt % nbuf == b))
                def _(b=b):
                    issue(nxt, b)

            for b in range(nbuf):
                @pl.when(j % nbuf == b)
                def _(b=b):
                    pltpu.make_async_copy(h_hbm.at[sidxs[b]], rows[b], sems[b]).wait()
                    pltpu.sync_copy(rows[b], acc.at[didxs[b]], add=True)

            return carry

        lax.fori_loop(0, nch, step, 0)
        plsc.subcore_barrier()
        pltpu.sync_copy(acc.at[stripe], out_hbm.at[cid, stripe])

    zeros = jnp.zeros((rpt, d), jnp.float32)
    pidx_r = packed.reshape(_NW, nch, chunk)
    return edge_pass(h, pidx_r, zeros)


def _sc_linearize(edge_index, n, spare, epad):
    e = edge_index.shape[1]
    ew = e // _NW
    ewp = epad // _NW
    npadw = ewp - ew
    alen = (127 + ew) // 128 * 128

    mesh = plsc.VectorSubcoreMesh(
        core_axis_name="c", subcore_axis_name="s", num_cores=_NC, num_subcores=_NS
    )

    @functools.partial(
        pl.kernel,
        out_type=jax.ShapeDtypeStruct((epad,), jnp.int32),
        mesh=mesh,
        scratch_types=[
            pltpu.VMEM((2, alen + 256), jnp.int32),
            pltpu.VMEM((ewp,), jnp.int32),
        ],
        compiler_params=pltpu.CompilerParams(use_tc_tiling_on_sc=True),
    )
    def linearize(ei_hbm, out_hbm, ebuf, pbuf):
        cid = lax.axis_index("c")
        sid = lax.axis_index("s")
        wid = sid * _NC + cid
        lead = (wid * ew) % 128
        abase = pl.multiple_of(wid * ew - lead, 128)
        pltpu.sync_copy(ei_hbm.at[:, pl.ds(abase, alen)], ebuf.at[:, pl.ds(0, alen)])

        def pack(t, carry):
            off = lead + t * 16
            p = ebuf[0, pl.ds(off, 16)] | (ebuf[1, pl.ds(off, 16)] << 16)
            pbuf[pl.ds(t * 16, 16)] = p
            return carry

        lax.fori_loop(0, ewp // 16, pack, 0)
        lanes = lax.iota(jnp.int32, 16)
        for t in range(npadw // 16):
            sp = wid * 16 + lanes
            dp = n + (wid * 16 + lanes) % spare
            pbuf[pl.ds(ew + t * 16, 16)] = sp | (dp << 16)
        pltpu.sync_copy(pbuf, out_hbm.at[pl.ds(wid * ewp, ewp)])

    return linearize(edge_index)


def kernel(x, edge_index, W1, W2):
    n = x.shape[0]
    d2 = W2.shape[1]

    e = edge_index.shape[1]
    epad = -(-e // (_NW * 128 * 8)) * (_NW * 128 * 8)
    rpt1 = -(-n // (_NS * 8)) * 8
    spare = rpt1 * _NS - n
    ei32 = edge_index.astype(jnp.int32)
    packed = _sc_linearize(ei32, n, spare, epad)

    g = 128 // math.gcd(d2, 128)
    rpt2 = -(-n // (_NS * 8 * g)) * 8 * g

    h1p = _matmul(x, W1, block_m=10000)
    p1 = _sc_gather_scatter(h1p, packed, 64, 4, rpt1)
    h2p = _add_matmul(p1, W2, block_m=10000, m=n)
    p2 = _sc_gather_scatter(h2p, packed, 128, 8, rpt2)
    npad2 = rpt2 * _NS
    p2r = p2.reshape(2, npad2 * d2 // 128, 128)
    s = _add2(p2r)
    return s[: n * d2 // 128].reshape(n, d2)

# --- scband reference (transcript-rebuilt; emitter-appended) ---
"""Pipeline reference for scband-gcn-18176301596999 (READ-ONLY COPY).

The authoritative reference and input builder live on the scoring server;
editing this copy changes nothing except your own understanding.
"""

import jax, jax.numpy as jnp
import numpy as np

N_NODES = 10000
N_EDGES = 320000
IN_FEATS = 128
N_HIDDEN = 128
N_CLASSES = 40


def setup_inputs(seed: int = 0) -> dict:
    key = jax.random.key(seed)
    k1, k2, k3, k4 = jax.random.split(key, 4)
    x = jax.random.normal(k1, (N_NODES, IN_FEATS), dtype=jnp.float32)
    edge_index = jax.random.randint(k2, (2, N_EDGES), 0, N_NODES, dtype=jnp.int64)
    # GraphConv weights (no bias, norm='none'), glorot-like init
    W1 = jax.random.normal(k3, (IN_FEATS, N_HIDDEN), dtype=jnp.float32) * (1.0 / np.sqrt(IN_FEATS))
    W2 = jax.random.normal(k4, (N_HIDDEN, N_CLASSES), dtype=jnp.float32) * (1.0 / np.sqrt(N_HIDDEN))
    return {"x": x, "edge_index": edge_index, "W1": W1, "W2": W2}


def _graph_conv(h, src, dst, W, n_nodes):
    # DGL GraphConv with norm='none', bias=False: h_dst = sum_{(src->dst)} (h_src @ W)
    # (weight-then-aggregate; mathematically identical to aggregate-then-weight for sum)
    h = h @ W
    msgs = jnp.take(h, src, axis=0)            # gather source features per edge
    out = jax.ops.segment_sum(msgs, dst, num_segments=n_nodes)  # scatter-add to dst
    return out


def reference(x, edge_index, W1, W2):
    src = edge_index[0]
    dst = edge_index[1]
    # Layer 1 (block 0) and Layer 2 (block 1); same graph used for both blocks.
    # Note: the original forward applies layers only (activation/dropout unused in forward).
    h = _graph_conv(x, src, dst, W1, N_NODES)
    h = _graph_conv(h, src, dst, W2, N_NODES)
    return h

if __name__ == "__main__":
    import jax
    _d = setup_inputs()
    print(jax.jit(kernel)(*tuple(_d.values())))

</pallas_src>

<mosaic_0001>
#map = affine_map<(d0, d1) -> (0, 0)>
#map1 = affine_map<(d0, d1) -> (0, 0, 0)>
module attributes {stable_mosaic.version = 14 : i64} {
  func.func @edge_pass(%arg0: i32, %arg1: i32, %arg2: memref<10000x40xf32, #tpu.memory_space<hbm>>, %arg3: memref<32x80x128xi32, #tpu.memory_space<hbm>>, %arg4: memref<640x40xf32, #tpu.memory_space<hbm>>, %arg5: memref<2x10240x40xf32, #tpu.memory_space<hbm>>, %arg6: memref<80x128xi32, #tpu.memory_space<vmem>>, %arg7: memref<128xi32, #tpu.memory_space<vmem>>, %arg8: memref<128xi32, #tpu.memory_space<vmem>>, %arg9: memref<128xi32, #tpu.memory_space<vmem>>, %arg10: memref<128xi32, #tpu.memory_space<vmem>>, %arg11: memref<128xi32, #tpu.memory_space<vmem>>, %arg12: memref<128xi32, #tpu.memory_space<vmem>>, %arg13: memref<128xi32, #tpu.memory_space<vmem>>, %arg14: memref<128xi32, #tpu.memory_space<vmem>>, %arg15: memref<128xi32, #tpu.memory_space<vmem>>, %arg16: memref<128xi32, #tpu.memory_space<vmem>>, %arg17: memref<128xi32, #tpu.memory_space<vmem>>, %arg18: memref<128xi32, #tpu.memory_space<vmem>>, %arg19: memref<128xi32, #tpu.memory_space<vmem>>, %arg20: memref<128xi32, #tpu.memory_space<vmem>>, %arg21: memref<128xi32, #tpu.memory_space<vmem>>, %arg22: memref<128xi32, #tpu.memory_space<vmem>>, %arg23: memref<128x40xf32, #tpu.memory_space<vmem>>, %arg24: memref<128x40xf32, #tpu.memory_space<vmem>>, %arg25: memref<128x40xf32, #tpu.memory_space<vmem>>, %arg26: memref<128x40xf32, #tpu.memory_space<vmem>>, %arg27: memref<128x40xf32, #tpu.memory_space<vmem>>, %arg28: memref<128x40xf32, #tpu.memory_space<vmem>>, %arg29: memref<128x40xf32, #tpu.memory_space<vmem>>, %arg30: memref<128x40xf32, #tpu.memory_space<vmem>>, %arg31: memref<10240x40xf32, #tpu.memory_space<vmem_shared>>, %arg32: memref<!tpu.dma_semaphore, #tpu.memory_space<semaphore_mem>>, %arg33: memref<!tpu.dma_semaphore, #tpu.memory_space<semaphore_mem>>, %arg34: memref<!tpu.dma_semaphore, #tpu.memory_space<semaphore_mem>>, %arg35: memref<!tpu.dma_semaphore, #tpu.memory_space<semaphore_mem>>, %arg36: memref<!tpu.dma_semaphore, #tpu.memory_space<semaphore_mem>>, %arg37: memref<!tpu.dma_semaphore, #tpu.memory_space<semaphore_mem>>, %arg38: memref<!tpu.dma_semaphore, #tpu.memory_space<semaphore_mem>>, %arg39: memref<!tpu.dma_semaphore, #tpu.memory_space<semaphore_mem>>) attributes {dimension_semantics = [#tpu.dimension_semantics<core_parallel>, #tpu.dimension_semantics<subcore_parallel>], iteration_bounds = array<i64: 2, 16>, scalar_prefetch = 0 : i64, scratch_operands = 34 : i64, tpu.core_type = #tpu.core_type<sc_vector_subcore>, window_params = [{transform_indices = #map}, {transform_indices = #map1}, {transform_indices = #map}, {transform_indices = #map1}]} {
    %mul3A = arith.constant 2 : i32
    %mul3A_0 = arith.muli %arg1, %mul3A : i32
    %add3A = arith.addi %mul3A_0, %arg0 : i32
    %mul3A_1 = arith.constant 640 : i32
    %mul3A_2 = arith.muli %arg1, %mul3A_1 : i32
    "tpu.region"() ({
      %run_scoped3A = tpu.sem_alloc : memref<!tpu.dma_semaphore, #tpu.memory_space<semaphore_mem>>
      %dma_start3A_1089 = arith.constant 0 : i32
      %dma_start3A_1090 = arith.constant 0 : i32
      %dma_start3A_1091 = tpu.memref_slice %arg3[%add3A, %dma_start3A_1089, %dma_start3A_1090] : memref<32x80x128xi32, #tpu.memory_space<hbm>> -> memref<1x80x128xi32, #tpu.memory_space<hbm>>
      %dma_start3A_1092 = tpu.memref_squeeze %dma_start3A_1091 : memref<1x80x128xi32, #tpu.memory_space<hbm>> -> memref<80x128xi32, #tpu.memory_space<hbm>>
      %dma_start3A_1093 = arith.constant 0 : i32
      %dma_start3A_1094 = arith.constant 0 : i32
      %dma_start3A_1095 = tpu.memref_slice %arg3[%add3A, %dma_start3A_1093, %dma_start3A_1094] : memref<32x80x128xi32, #tpu.memory_space<hbm>> -> memref<1x80x128xi32, #tpu.memory_space<hbm>>
      %dma_start3A_1096 = tpu.memref_squeeze %dma_start3A_1095 : memref<1x80x128xi32, #tpu.memory_space<hbm>> -> memref<80x128xi32, #tpu.memory_space<hbm>>
      tpu.enqueue_dma source(%dma_start3A_1096 : memref<80x128xi32, #tpu.memory_space<hbm>>) target(%arg6 : memref<80x128xi32, #tpu.memory_space<vmem>>) target_semaphore(%run_scoped3A : memref<!tpu.dma_semaphore, #tpu.memory_space<semaphore_mem>>)
      %dma_wait3A = arith.constant 0 : i32
      %dma_wait3A_1097 = arith.constant 0 : i32
      %dma_wait3A_1098 = tpu.memref_slice %arg3[%add3A, %dma_wait3A, %dma_wait3A_1097] : memref<32x80x128xi32, #tpu.memory_space<hbm>> -> memref<1x80x128xi32, #tpu.memory_space<hbm>>
      %dma_wait3A_1099 = tpu.memref_squeeze %dma_wait3A_1098 : memref<1x80x128xi32, #tpu.memory_space<hbm>> -> memref<80x128xi32, #tpu.memory_space<hbm>>
      %dma_wait3A_1100 = arith.constant 0 : i32
      %dma_wait3A_1101 = arith.constant 0 : i32
      %dma_wait3A_1102 = tpu.memref_slice %arg3[%add3A, %dma_wait3A_1100, %dma_wait3A_1101] : memref<32x80x128xi32, #tpu.memory_space<hbm>> -> memref<1x80x128xi32, #tpu.memory_space<hbm>>
      %dma_wait3A_1103 = tpu.memref_squeeze %dma_wait3A_1102 : memref<1x80x128xi32, #tpu.memory_space<hbm>> -> memref<80x128xi32, #tpu.memory_space<hbm>>
      tpu.wait_dma2 semaphore(%run_scoped3A : memref<!tpu.dma_semaphore, #tpu.memory_space<semaphore_mem>>) src(%dma_wait3A_1103 : memref<80x128xi32, #tpu.memory_space<hbm>>) dst(%arg6 : memref<80x128xi32, #tpu.memory_space<vmem>>)
      tpu.yield
    }) : () -> ()
    %get3A = arith.constant 0 : i32
    %get3A_3 = arith.index_cast %get3A : i32 to index
    %get3A_4 = arith.constant 0 : index
    %get3A_5 = tpu.vector_load %arg6[%get3A_3, %get3A_4] {strides = array<i32>} : memref<80x128xi32, #tpu.memory_space<vmem>>, vector<1x16xi32>,
    %get3A_6 = vector.shape_cast %get3A_5 : vector<1x16xi32> to vector<16xi32>
    %and3A = arith.constant 65535 : i32
    %and3A_7 = vector.broadcast %and3A : i32 to vector<16xi32>
    %and3A_8 = arith.andi %get3A_6, %and3A_7 : vector<16xi32>
    %swap3A = arith.constant 0 : index
    %swap3A_9 = tpu.vector_load %arg7[%swap3A] {strides = array<i32>} : memref<128xi32, #tpu.memory_space<vmem>>, vector<16xi32>,
    %swap3A_10 = vector.shape_cast %swap3A_9 : vector<16xi32> to vector<16xi32>
    %swap3A_11 = vector.shape_cast %and3A_8 : vector<16xi32> to vector<16xi32>
    tpu.vector_store %arg7[%swap3A], %swap3A_11 {strides = array<i32>} : memref<128xi32, #tpu.memory_space<vmem>>, vector<16xi32>,
    %shift_right_logical3A = arith.constant 16 : i32
    %shift_right_logical3A_12 = vector.broadcast %shift_right_logical3A : i32 to vector<16xi32>
    %shift_right_logical3A_13 = arith.shrui %get3A_6, %shift_right_logical3A_12 : vector<16xi32>
    %swap3A_14 = arith.constant 0 : index
    %swap3A_15 = tpu.vector_load %arg15[%swap3A_14] {strides = array<i32>} : memref<128xi32, #tpu.memory_space<vmem>>, vector<16xi32>,
    %swap3A_16 = vector.shape_cast %swap3A_15 : vector<16xi32> to vector<16xi32>
    %swap3A_17 = vector.shape_cast %shift_right_logical3A_13 : vector<16xi32> to vector<16xi32>
    tpu.vector_store %arg15[%swap3A_14], %swap3A_17 {strides = array<i32>} : memref<128xi32, #tpu.memory_space<vmem>>, vector<16xi32>,
    %get3A_18 = arith.constant 0 : i32
    %get3A_19 = arith.index_cast %get3A_18 : i32 to index
    %get3A_20 = arith.constant 16 : index
    %get3A_21 = tpu.vector_load %arg6[%get3A_19, %get3A_20] {strides = array<i32>} : memref<80x128xi32, #tpu.memory_space<vmem>>, vector<1x16xi32>,
    %get3A_22 = vector.shape_cast %get3A_21 : vector<1x16xi32> to vector<16xi32>
    %and3A_23 = arith.constant 65535 : i32
    %and3A_24 = vector.broadcast %and3A_23 : i32 to vector<16xi32>
    %and3A_25 = arith.andi %get3A_22, %and3A_24 : vector<16xi32>
    %swap3A_26 = arith.constant 16 : index
    %swap3A_27 = tpu.vector_load %arg7[%swap3A_26] {strides = array<i32>} : memref<128xi32, #tpu.memory_space<vmem>>, vector<16xi32>,
    %swap3A_28 = vector.shape_cast %swap3A_27 : vector<16xi32> to vector<16xi32>
    %swap3A_29 = vector.shape_cast %and3A_25 : vector<16xi32> to vector<16xi32>
    tpu.vector_store %arg7[%swap3A_26], %swap3A_29 {strides = array<i32>} : memref<128xi32, #tpu.memory_space<vmem>>, vector<16xi32>,
    %shift_right_logical3A_30 = arith.constant 16 : i32
    %shift_right_logical3A_31 = vector.broadcast %shift_right_logical3A_30 : i32 to vector<16xi32>
    %shift_right_logical3A_32 = arith.shrui %get3A_22, %shift_right_logical3A_31 : vector<16xi32>
    %swap3A_33 = arith.constant 16 : index
    %swap3A_34 = tpu.vector_load %arg15[%swap3A_33] {strides = array<i32>} : memref<128xi32, #tpu.memory_space<vmem>>, vector<16xi32>,
    %swap3A_35 = vector.shape_cast %swap3A_34 : vector<16xi32> to vector<16xi32>
    %swap3A_36 = vector.shape_cast %shift_right_logical3A_32 : vector<16xi32> to vector<16xi32>
    tpu.vector_store %arg15[%swap3A_33], %swap3A_36 {strides = array<i32>} : memref<128xi32, #tpu.memory_space<vmem>>, vector<16xi32>,
    %get3A_37 = arith.constant 0 : i32
    %get3A_38 = arith.index_cast %get3A_37 : i32 to index
    %get3A_39 = arith.constant 32 : index
    %get3A_40 = tpu.vector_load %arg6[%get3A_38, %get3A_39] {strides = array<i32>} : memref<80x128xi32, #tpu.memory_space<vmem>>, vector<1x16xi32>,
    %get3A_41 = vector.shape_cast %get3A_40 : vector<1x16xi32> to vector<16xi32>
    %and3A_42 = arith.constant 65535 : i32
    %and3A_43 = vector.broadcast %and3A_42 : i32 to vector<16xi32>
    %and3A_44 = arith.andi %get3A_41, %and3A_43 : vector<16xi32>
    %swap3A_45 = arith.constant 32 : index
    %swap3A_46 = tpu.vector_load %arg7[%swap3A_45] {strides = array<i32>} : memref<128xi32, #tpu.memory_space<vmem>>, vector<16xi32>,
    %swap3A_47 = vector.shape_cast %swap3A_46 : vector<16xi32> to vector<16xi32>
    %swap3A_48 = vector.shape_cast %and3A_44 : vector<16xi32> to vector<16xi32>
    tpu.vector_store %arg7[%swap3A_45], %swap3A_48 {strides = array<i32>} : memref<128xi32, #tpu.memory_space<vmem>>, vector<16xi32>,
    %shift_right_logical3A_49 = arith.constant 16 : i32
    %shift_right_logical3A_50 = vector.broadcast %shift_right_logical3A_49 : i32 to vector<16xi32>
    %shift_right_logical3A_51 = arith.shrui %get3A_41, %shift_right_logical3A_50 : vector<16xi32>
    %swap3A_52 = arith.constant 32 : index
    %swap3A_53 = tpu.vector_load %arg15[%swap3A_52] {strides = array<i32>} : memref<128xi32, #tpu.memory_space<vmem>>, vector<16xi32>,
    %swap3A_54 = vector.shape_cast %swap3A_53 : vector<16xi32> to vector<16xi32>
    %swap3A_55 = vector.shape_cast %shift_right_logical3A_51 : vector<16xi32> to vector<16xi32>
    tpu.vector_store %arg15[%swap3A_52], %swap3A_55 {strides = array<i32>} : memref<128xi32, #tpu.memory_space<vmem>>, vector<16xi32>,
    %get3A_56 = arith.constant 0 : i32
    %get3A_57 = arith.index_cast %get3A_56 : i32 to index
    %get3A_58 = arith.constant 48 : index
    %get3A_59 = tpu.vector_load %arg6[%get3A_57, %get3A_58] {strides = array<i32>} : memref<80x128xi32, #tpu.memory_space<vmem>>, vector<1x16xi32>,
    %get3A_60 = vector.shape_cast %get3A_59 : vector<1x16xi32> to vector<16xi32>
    %and3A_61 = arith.constant 65535 : i32
    %and3A_62 = vector.broadcast %and3A_61 : i32 to vector<16xi32>
    %and3A_63 = arith.andi %get3A_60, %and3A_62 : vector<16xi32>
    %swap3A_64 = arith.constant 48 : index
    %swap3A_65 = tpu.vector_load %arg7[%swap3A_64] {strides = array<i32>} : memref<128xi32, #tpu.memory_space<vmem>>, vector<16xi32>,
    %swap3A_66 = vector.shape_cast %swap3A_65 : vector<16xi32> to vector<16xi32>
    %swap3A_67 = vector.shape_cast %and3A_63 : vector<16xi32> to vector<16xi32>
    tpu.vector_store %arg7[%swap3A_64], %swap3A_67 {strides = array<i32>} : memref<128xi32, #tpu.memory_space<vmem>>, vector<16xi32>,
    %shift_right_logical3A_68 = arith.constant 16 : i32
    %shift_right_logical3A_69 = vector.broadcast %shift_right_logical3A_68 : i32 to vector<16xi32>
    %shift_right_logical3A_70 = arith.shrui %get3A_60, %shift_right_logical3A_69 : vector<16xi32>
    %swap3A_71 = arith.constant 48 : index
    %swap3A_72 = tpu.vector_load %arg15[%swap3A_71] {strides = array<i32>} : memref<128xi32, #tpu.memory_space<vmem>>, vector<16xi32>,
    %swap3A_73 = vector.shape_cast %swap3A_72 : vector<16xi32> to vector<16xi32>
    %swap3A_74 = vector.shape_cast %shift_right_logical3A_70 : vector<16xi32> to vector<16xi32>
    tpu.vector_store %arg15[%swap3A_71], %swap3A_74 {strides = array<i32>} : memref<128xi32, #tpu.memory_space<vmem>>, vector<16xi32>,
    %get3A_75 = arith.constant 0 : i32
    %get3A_76 = arith.index_cast %get3A_75 : i32 to index
    %get3A_77 = arith.constant 64 : index
    %get3A_78 = tpu.vector_load %arg6[%get3A_76, %get3A_77] {strides = array<i32>} : memref<80x128xi32, #tpu.memory_space<vmem>>, vector<1x16xi32>,
    %get3A_79 = vector.shape_cast %get3A_78 : vector<1x16xi32> to vector<16xi32>
    %and3A_80 = arith.constant 65535 : i32
    %and3A_81 = vector.broadcast %and3A_80 : i32 to vector<16xi32>
    %and3A_82 = arith.andi %get3A_79, %and3A_81 : vector<16xi32>
    %swap3A_83 = arith.constant 64 : index
    %swap3A_84 = tpu.vector_load %arg7[%swap3A_83] {strides = array<i32>} : memref<128xi32, #tpu.memory_space<vmem>>, vector<16xi32>,
    %swap3A_85 = vector.shape_cast %swap3A_84 : vector<16xi32> to vector<16xi32>
    %swap3A_86 = vector.shape_cast %and3A_82 : vector<16xi32> to vector<16xi32>
    tpu.vector_store %arg7[%swap3A_83], %swap3A_86 {strides = array<i32>} : memref<128xi32, #tpu.memory_space<vmem>>, vector<16xi32>,
    %shift_right_logical3A_87 = arith.constant 16 : i32
    %shift_right_logical3A_88 = vector.broadcast %shift_right_logical3A_87 : i32 to vector<16xi32>
    %shift_right_logical3A_89 = arith.shrui %get3A_79, %shift_right_logical3A_88 : vector<16xi32>
    %swap3A_90 = arith.constant 64 : index
    %swap3A_91 = tpu.vector_load %arg15[%swap3A_90] {strides = array<i32>} : memref<128xi32, #tpu.memory_space<vmem>>, vector<16xi32>,
    %swap3A_92 = vector.shape_cast %swap3A_91 : vector<16xi32> to vector<16xi32>
    %swap3A_93 = vector.shape_cast %shift_right_logical3A_89 : vector<16xi32> to vector<16xi32>
    tpu.vector_store %arg15[%swap3A_90], %swap3A_93 {strides = array<i32>} : memref<128xi32, #tpu.memory_space<vmem>>, vector<16xi32>,
    %get3A_94 = arith.constant 0 : i32
    %get3A_95 = arith.index_cast %get3A_94 : i32 to index
    %get3A_96 = arith.constant 80 : index
    %get3A_97 = tpu.vector_load %arg6[%get3A_95, %get3A_96] {strides = array<i32>} : memref<80x128xi32, #tpu.memory_space<vmem>>, vector<1x16xi32>,
    %get3A_98 = vector.shape_cast %get3A_97 : vector<1x16xi32> to vector<16xi32>
    %and3A_99 = arith.constant 65535 : i32
    %and3A_100 = vector.broadcast %and3A_99 : i32 to vector<16xi32>
    %and3A_101 = arith.andi %get3A_98, %and3A_100 : vector<16xi32>
    %swap3A_102 = arith.constant 80 : index
    %swap3A_103 = tpu.vector_load %arg7[%swap3A_102] {strides = array<i32>} : memref<128xi32, #tpu.memory_space<vmem>>, vector<16xi32>,
    %swap3A_104 = vector.shape_cast %swap3A_103 : vector<16xi32> to vector<16xi32>
    %swap3A_105 = vector.shape_cast %and3A_101 : vector<16xi32> to vector<16xi32>
    tpu.vector_store %arg7[%swap3A_102], %swap3A_105 {strides = array<i32>} : memref<128xi32, #tpu.memory_space<vmem>>, vector<16xi32>,
    %shift_right_logical3A_106 = arith.constant 16 : i32
    %shift_right_logical3A_107 = vector.broadcast %shift_right_logical3A_106 : i32 to vector<16xi32>
    %shift_right_logical3A_108 = arith.shrui %get3A_98, %shift_right_logical3A_107 : vector<16xi32>
    %swap3A_109 = arith.constant 80 : index
    %swap3A_110 = tpu.vector_load %arg15[%swap3A_109] {strides = array<i32>} : memref<128xi32, #tpu.memory_space<vmem>>, vector<16xi32>,
    %swap3A_111 = vector.shape_cast %swap3A_110 : vector<16xi32> to vector<16xi32>
    %swap3A_112 = vector.shape_cast %shift_right_logical3A_108 : vector<16xi32> to vector<16xi32>
    tpu.vector_store %arg15[%swap3A_109], %swap3A_112 {strides = array<i32>} : memref<128xi32, #tpu.memory_space<vmem>>, vector<16xi32>,
    %get3A_113 = arith.constant 0 : i32
    %get3A_114 = arith.index_cast %get3A_113 : i32 to index
    %get3A_115 = arith.constant 96 : index
    %get3A_116 = tpu.vector_load %arg6[%get3A_114, %get3A_115] {strides = array<i32>} : memref<80x128xi32, #tpu.memory_space<vmem>>, vector<1x16xi32>,
    %get3A_117 = vector.shape_cast %get3A_116 : vector<1x16xi32> to vector<16xi32>
    %and3A_118 = arith.constant 65535 : i32
    %and3A_119 = vector.broadcast %and3A_118 : i32 to vector<16xi32>
    %and3A_120 = arith.andi %get3A_117, %and3A_119 : vector<16xi32>
    %swap3A_121 = arith.constant 96 : index
    %swap3A_122 = tpu.vector_load %arg7[%swap3A_121] {strides = array<i32>} : memref<128xi32, #tpu.memory_space<vmem>>, vector<16xi32>,
    %swap3A_123 = vector.shape_cast %swap3A_122 : vector<16xi32> to vector<16xi32>
    %swap3A_124 = vector.shape_cast %and3A_120 : vector<16xi32> to vector<16xi32>
    tpu.vector_store %arg7[%swap3A_121], %swap3A_124 {strides = array<i32>} : memref<128xi32, #tpu.memory_space<vmem>>, vector<16xi32>,
    %shift_right_logical3A_125 = arith.constant 16 : i32
    %shift_right_logical3A_126 = vector.broadcast %shift_right_logical3A_125 : i32 to vector<16xi32>
    %shift_right_logical3A_127 = arith.shrui %get3A_117, %shift_right_logical3A_126 : vector<16xi32>
    %swap3A_128 = arith.constant 96 : index
    %swap3A_129 = tpu.vector_load %arg15[%swap3A_128] {strides = array<i32>} : memref<128xi32, #tpu.memory_space<vmem>>, vector<16xi32>,
    %swap3A_130 = vector.shape_cast %swap3A_129 : vector<16xi32> to vector<16xi32>
    %swap3A_131 = vector.shape_cast %shift_right_logical3A_127 : vector<16xi32> to vector<16xi32>
    tpu.vector_store %arg15[%swap3A_128], %swap3A_131 {strides = array<i32>} : memref<128xi32, #tpu.memory_space<vmem>>, vector<16xi32>,
    %get3A_132 = arith.constant 0 : i32
    %get3A_133 = arith.index_cast %get3A_132 : i32 to index
    %get3A_134 = arith.constant 112 : index
    %get3A_135 = tpu.vector_load %arg6[%get3A_133, %get3A_134] {strides = array<i32>} : memref<80x128xi32, #tpu.memory_space<vmem>>, vector<1x16xi32>,
    %get3A_136 = vector.shape_cast %get3A_135 : vector<1x16xi32> to vector<16xi32>
    %and3A_137 = arith.constant 65535 : i32
    %and3A_138 = vector.broadcast %and3A_137 : i32 to vector<16xi32>
    %and3A_139 = arith.andi %get3A_136, %and3A_138 : vector<16xi32>
    %swap3A_140 = arith.constant 112 : index
    %swap3A_141 = tpu.vector_load %arg7[%swap3A_140] {strides = array<i32>} : memref<128xi32, #tpu.memory_space<vmem>>, vector<16xi32>,
    %swap3A_142 = vector.shape_cast %swap3A_141 : vector<16xi32> to vector<16xi32>
    %swap3A_143 = vector.shape_cast %and3A_139 : vector<16xi32> to vector<16xi32>
    tpu.vector_store %arg7[%swap3A_140], %swap3A_143 {strides = array<i32>} : memref<128xi32, #tpu.memory_space<vmem>>, vector<16xi32>,
    %shift_right_logical3A_144 = arith.constant 16 : i32
    %shift_right_logical3A_145 = vector.broadcast %shift_right_logical3A_144 : i32 to vector<16xi32>
    %shift_right_logical3A_146 = arith.shrui %get3A_136, %shift_right_logical3A_145 : vector<16xi32>
    %swap3A_147 = arith.constant 112 : index
    %swap3A_148 = tpu.vector_load %arg15[%swap3A_147] {strides = array<i32>} : memref<128xi32, #tpu.memory_space<vmem>>, vector<16xi32>,
    %swap3A_149 = vector.shape_cast %swap3A_148 : vector<16xi32> to vector<16xi32>
    %swap3A_150 = vector.shape_cast %shift_right_logical3A_146 : vector<16xi32> to vector<16xi32>
    tpu.vector_store %arg15[%swap3A_147], %swap3A_150 {strides = array<i32>} : memref<128xi32, #tpu.memory_space<vmem>>, vector<16xi32>,
    %dma_start3A = arith.constant 0 : i32
    %dma_start3A_151 = arith.constant 0 : i32
    %dma_start3A_152 = tpu.memref_slice %arg2[%dma_start3A, %dma_start3A_151] : memref<10000x40xf32, #tpu.memory_space<hbm>> -> memref<10000x40xf32, #tpu.memory_space<hbm>>
    tpu.enqueue_indirect_dma source(%dma_start3A_152 : memref<10000x40xf32, #tpu.memory_space<hbm>>) target(%arg23 : memref<128x40xf32, #tpu.memory_space<vmem>>) offsets(%arg7 : memref<128xi32, #tpu.memory_space<vmem>>) semaphore(%arg32 : memref<!tpu.dma_semaphore, #tpu.memory_space<semaphore_mem>>)
    %get3A_153 = arith.constant 1 : i32
    %get3A_154 = arith.index_cast %get3A_153 : i32 to index
    %get3A_155 = arith.constant 0 : index
    %get3A_156 = tpu.vector_load %arg6[%get3A_154, %get3A_155] {strides = array<i32>} : memref<80x128xi32, #tpu.memory_space<vmem>>, vector<1x16xi32>,
    %get3A_157 = vector.shape_cast %get3A_156 : vector<1x16xi32> to vector<16xi32>
    %and3A_158 = arith.constant 65535 : i32
    %and3A_159 = vector.broadcast %and3A_158 : i32 to vector<16xi32>
    %and3A_160 = arith.andi %get3A_157, %and3A_159 : vector<16xi32>
    %swap3A_161 = arith.constant 0 : index
    %swap3A_162 = tpu.vector_load %arg8[%swap3A_161] {strides = array<i32>} : memref<128xi32, #tpu.memory_space<vmem>>, vector<16xi32>,
    %swap3A_163 = vector.shape_cast %swap3A_162 : vector<16xi32> to vector<16xi32>
    %swap3A_164 = vector.shape_cast %and3A_160 : vector<16xi32> to vector<16xi32>
    tpu.vector_store %arg8[%swap3A_161], %swap3A_164 {strides = array<i32>} : memref<128xi32, #tpu.memory_space<vmem>>, vector<16xi32>,
    %shift_right_logical3A_165 = arith.constant 16 : i32
    %shift_right_logical3A_166 = vector.broadcast %shift_right_logical3A_165 : i32 to vector<16xi32>
    %shift_right_logical3A_167 = arith.shrui %get3A_157, %shift_right_logical3A_166 : vector<16xi32>
    %swap3A_168 = arith.constant 0 : index
    %swap3A_169 = tpu.vector_load %arg16[%swap3A_168] {strides = array<i32>} : memref<128xi32, #tpu.memory_space<vmem>>, vector<16xi32>,
    %swap3A_170 = vector.shape_cast %swap3A_169 : vector<16xi32> to vector<16xi32>
    %swap3A_171 = vector.shape_cast %shift_right_logical3A_167 : vector<16xi32> to vector<16xi32>
    tpu.vector_store %arg16[%swap3A_168], %swap3A_171 {strides = array<i32>} : memref<128xi32, #tpu.memory_space<vmem>>, vector<16xi32>,
    %get3A_172 = arith.constant 1 : i32
    %get3A_173 = arith.index_cast %get3A_172 : i32 to index
    %get3A_174 = arith.constant 16 : index
    %get3A_175 = tpu.vector_load %arg6[%get3A_173, %get3A_174] {strides = array<i32>} : memref<80x128xi32, #tpu.memory_space<vmem>>, vector<1x16xi32>,
    %get3A_176 = vector.shape_cast %get3A_175 : vector<1x16xi32> to vector<16xi32>
    %and3A_177 = arith.constant 65535 : i32
    %and3A_178 = vector.broadcast %and3A_177 : i32 to vector<16xi32>
    %and3A_179 = arith.andi %get3A_176, %and3A_178 : vector<16xi32>
    %swap3A_180 = arith.constant 16 : index
    %swap3A_181 = tpu.vector_load %arg8[%swap3A_180] {strides = array<i32>} : memref<128xi32, #tpu.memory_space<vmem>>, vector<16xi32>,
    %swap3A_182 = vector.shape_cast %swap3A_181 : vector<16xi32> to vector<16xi32>
    %swap3A_183 = vector.shape_cast %and3A_179 : vector<16xi32> to vector<16xi32>
    tpu.vector_store %arg8[%swap3A_180], %swap3A_183 {strides = array<i32>} : memref<128xi32, #tpu.memory_space<vmem>>, vector<16xi32>,
    %shift_right_logical3A_184 = arith.constant 16 : i32
    %shift_right_logical3A_185 = vector.broadcast %shift_right_logical3A_184 : i32 to vector<16xi32>
    %shift_right_logical3A_186 = arith.shrui %get3A_176, %shift_right_logical3A_185 : vector<16xi32>
    %swap3A_187 = arith.constant 16 : index
    %swap3A_188 = tpu.vector_load %arg16[%swap3A_187] {strides = array<i32>} : memref<128xi32, #tpu.memory_space<vmem>>, vector<16xi32>,
    %swap3A_189 = vector.shape_cast %swap3A_188 : vector<16xi32> to vector<16xi32>
    %swap3A_190 = vector.shape_cast %shift_right_logical3A_186 : vector<16xi32> to vector<16xi32>
    tpu.vector_store %arg16[%swap3A_187], %swap3A_190 {strides = array<i32>} : memref<128xi32, #tpu.memory_space<vmem>>, vector<16xi32>,
    %get3A_191 = arith.constant 1 : i32
    %get3A_192 = arith.index_cast %get3A_191 : i32 to index
    %get3A_193 = arith.constant 32 : index
    %get3A_194 = tpu.vector_load %arg6[%get3A_192, %get3A_193] {strides = array<i32>} : memref<80x128xi32, #tpu.memory_space<vmem>>, vector<1x16xi32>,
    %get3A_195 = vector.shape_cast %get3A_194 : vector<1x16xi32> to vector<16xi32>
    %and3A_196 = arith.constant 65535 : i32
    %and3A_197 = vector.broadcast %and3A_196 : i32 to vector<16xi32>
    %and3A_198 = arith.andi %get3A_195, %and3A_197 : vector<16xi32>
    %swap3A_199 = arith.constant 32 : index
    %swap3A_200 = tpu.vector_load %arg8[%swap3A_199] {strides = array<i32>} : memref<128xi32, #tpu.memory_space<vmem>>, vector<16xi32>,
    %swap3A_201 = vector.shape_cast %swap3A_200 : vector<16xi32> to vector<16xi32>
    %swap3A_202 = vector.shape_cast %and3A_198 : vector<16xi32> to vector<16xi32>
    tpu.vector_store %arg8[%swap3A_199], %swap3A_202 {strides = array<i32>} : memref<128xi32, #tpu.memory_space<vmem>>, vector<16xi32>,
    %shift_right_logical3A_203 = arith.constant 16 : i32
    %shift_right_logical3A_204 = vector.broadcast %shift_right_logical3A_203 : i32 to vector<16xi32>
    %shift_right_logical3A_205 = arith.shrui %get3A_195, %shift_right_logical3A_204 : vector<16xi32>
    %swap3A_206 = arith.constant 32 : index
    %swap3A_207 = tpu.vector_load %arg16[%swap3A_206] {strides = array<i32>} : memref<128xi32, #tpu.memory_space<vmem>>, vector<16xi32>,
    %swap3A_208 = vector.shape_cast %swap3A_207 : vector<16xi32> to vector<16xi32>
    %swap3A_209 = vector.shape_cast %shift_right_logical3A_205 : vector<16xi32> to vector<16xi32>
    tpu.vector_store %arg16[%swap3A_206], %swap3A_209 {strides = array<i32>} : memref<128xi32, #tpu.memory_space<vmem>>, vector<16xi32>,
    %get3A_210 = arith.constant 1 : i32
    %get3A_211 = arith.index_cast %get3A_210 : i32 to index
    %get3A_212 = arith.constant 48 : index
    %get3A_213 = tpu.vector_load %arg6[%get3A_211, %get3A_212] {strides = array<i32>} : memref<80x128xi32, #tpu.memory_space<vmem>>, vector<1x16xi32>,
    %get3A_214 = vector.shape_cast %get3A_213 : vector<1x16xi32> to vector<16xi32>
    %and3A_215 = arith.constant 65535 : i32
    %and3A_216 = vector.broadcast %and3A_215 : i32 to vector<16xi32>
    %and3A_217 = arith.andi %get3A_214, %and3A_216 : vector<16xi32>
    %swap3A_218 = arith.constant 48 : index
    %swap3A_219 = tpu.vector_load %arg8[%swap3A_218] {strides = array<i32>} : memref<128xi32, #tpu.memory_space<vmem>>, vector<16xi32>,
    %swap3A_220 = vector.shape_cast %swap3A_219 : vector<16xi32> to vector<16xi32>
    %swap3A_221 = vector.shape_cast %and3A_217 : vector<16xi32> to vector<16xi32>
    tpu.vector_store %arg8[%swap3A_218], %swap3A_221 {strides = array<i32>} : memref<128xi32, #tpu.memory_space<vmem>>, vector<16xi32>,
    %shift_right_logical3A_222 = arith.constant 16 : i32
    %shift_right_logical3A_223 = vector.broadcast %shift_right_logical3A_222 : i32 to vector<16xi32>
    %shift_right_logical3A_224 = arith.shrui %get3A_214, %shift_right_logical3A_223 : vector<16xi32>
    %swap3A_225 = arith.constant 48 : index
    %swap3A_226 = tpu.vector_load %arg16[%swap3A_225] {strides = array<i32>} : memref<128xi32, #tpu.memory_space<vmem>>, vector<16xi32>,
    %swap3A_227 = vector.shape_cast %swap3A_226 : vector<16xi32> to vector<16xi32>
    %swap3A_228 = vector.shape_cast %shift_right_logical3A_224 : vector<16xi32> to vector<16xi32>
    tpu.vector_store %arg16[%swap3A_225], %swap3A_228 {strides = array<i32>} : memref<128xi32, #tpu.memory_space<vmem>>, vector<16xi32>,
    %get3A_229 = arith.constant 1 : i32
    %get3A_230 = arith.index_cast %get3A_229 : i32 to index
    %get3A_231 = arith.constant 64 : index
    %get3A_232 = tpu.vector_load %arg6[%get3A_230, %get3A_231] {strides = array<i32>} : memref<80x128xi32, #tpu.memory_space<vmem>>, vector<1x16xi32>,
    %get3A_233 = vector.shape_cast %get3A_232 : vector<1x16xi32> to vector<16xi32>
    %and3A_234 = arith.constant 65535 : i32
    %and3A_235 = vector.broadcast %and3A_234 : i32 to vector<16xi32>
    %and3A_236 = arith.andi %get3A_233, %and3A_235 : vector<16xi32>
    %swap3A_237 = arith.constant 64 : index
    %swap3A_238 = tpu.vector_load %arg8[%swap3A_237] {strides = array<i32>} : memref<128xi32, #tpu.memory_space<vmem>>, vector<16xi32>,
    %swap3A_239 = vector.shape_cast %swap3A_238 : vector<16xi32> to vector<16xi32>
    %swap3A_240 = vector.shape_cast %and3A_236 : vector<16xi32> to vector<16xi32>
    tpu.vector_store %arg8[%swap3A_237], %swap3A_240 {strides = array<i32>} : memref<128xi32, #tpu.memory_space<vmem>>, vector<16xi32>,
    %shift_right_logical3A_241 = arith.constant 16 : i32
    %shift_right_logical3A_242 = vector.broadcast %shift_right_logical3A_241 : i32 to vector<16xi32>
    %shift_right_logical3A_243 = arith.shrui %get3A_233, %shift_right_logical3A_242 : vector<16xi32>
    %swap3A_244 = arith.constant 64 : index
    %swap3A_245 = tpu.vector_load %arg16[%swap3A_244] {strides = array<i32>} : memref<128xi32, #tpu.memory_space<vmem>>, vector<16xi32>,
    %swap3A_246 = vector.shape_cast %swap3A_245 : vector<16xi32> to vector<16xi32>
    %swap3A_247 = vector.shape_cast %shift_right_logical3A_243 : vector<16xi32> to vector<16xi32>
    tpu.vector_store %arg16[%swap3A_244], %swap3A_247 {strides = array<i32>} : memref<128xi32, #tpu.memory_space<vmem>>, vector<16xi32>,
    %get3A_248 = arith.constant 1 : i32
    %get3A_249 = arith.index_cast %get3A_248 : i32 to index
    %get3A_250 = arith.constant 80 : index
    %get3A_251 = tpu.vector_load %arg6[%get3A_249, %get3A_250] {strides = array<i32>} : memref<80x128xi32, #tpu.memory_space<vmem>>, vector<1x16xi32>,
    %get3A_252 = vector.shape_cast %get3A_251 : vector<1x16xi32> to vector<16xi32>
    %and3A_253 = arith.constant 65535 : i32
    %and3A_254 = vector.broadcast %and3A_253 : i32 to vector<16xi32>
    %and3A_255 = arith.andi %get3A_252, %and3A_254 : vector<16xi32>
    %swap3A_256 = arith.constant 80 : index
    %swap3A_257 = tpu.vector_load %arg8[%swap3A_256] {strides = array<i32>} : memref<128xi32, #tpu.memory_space<vmem>>, vector<16xi32>,
    %swap3A_258 = vector.shape_cast %swap3A_257 : vector<16xi32> to vector<16xi32>
    %swap3A_259 = vector.shape_cast %and3A_255 : vector<16xi32> to vector<16xi32>
    tpu.vector_store %arg8[%swap3A_256], %swap3A_259 {strides = array<i32>} : memref<128xi32, #tpu.memory_space<vmem>>, vector<16xi32>,
    %shift_right_logical3A_260 = arith.constant 16 : i32
    %shift_right_logical3A_261 = vector.broadcast %shift_right_logical3A_260 : i32 to vector<16xi32>
    %shift_right_logical3A_262 = arith.shrui %get3A_252, %shift_right_logical3A_261 : vector<16xi32>
    %swap3A_263 = arith.constant 80 : index
    %swap3A_264 = tpu.vector_load %arg16[%swap3A_263] {strides = array<i32>} : memref<128xi32, #tpu.memory_space<vmem>>, vector<16xi32>,
    %swap3A_265 = vector.shape_cast %swap3A_264 : vector<16xi32> to vector<16xi32>
    %swap3A_266 = vector.shape_cast %shift_right_logical3A_262 : vector<16xi32> to vector<16xi32>
    tpu.vector_store %arg16[%swap3A_263], %swap3A_266 {strides = array<i32>} : memref<128xi32, #tpu.memory_space<vmem>>, vector<16xi32>,
    %get3A_267 = arith.constant 1 : i32
    %get3A_268 = arith.index_cast %get3A_267 : i32 to index
    %get3A_269 = arith.constant 96 : index
    %get3A_270 = tpu.vector_load %arg6[%get3A_268, %get3A_269] {strides = array<i32>} : memref<80x128xi32, #tpu.memory_space<vmem>>, vector<1x16xi32>,
    %get3A_271 = vector.shape_cast %get3A_270 : vector<1x16xi32> to vector<16xi32>
    %and3A_272 = arith.constant 65535 : i32
    %and3A_273 = vector.broadcast %and3A_272 : i32 to vector<16xi32>
    %and3A_274 = arith.andi %get3A_271, %and3A_273 : vector<16xi32>
    %swap3A_275 = arith.constant 96 : index
    %swap3A_276 = tpu.vector_load %arg8[%swap3A_275] {strides = array<i32>} : memref<128xi32, #tpu.memory_space<vmem>>, vector<16xi32>,
    %swap3A_277 = vector.shape_cast %swap3A_276 : vector<16xi32> to vector<16xi32>
    %swap3A_278 = vector.shape_cast %and3A_274 : vector<16xi32> to vector<16xi32>
    tpu.vector_store %arg8[%swap3A_275], %swap3A_278 {strides = array<i32>} : memref<128xi32, #tpu.memory_space<vmem>>, vector<16xi32>,
    %shift_right_logical3A_279 = arith.constant 16 : i32
    %shift_right_logical3A_280 = vector.broadcast %shift_right_logical3A_279 : i32 to vector<16xi32>
    %shift_right_logical3A_281 = arith.shrui %get3A_271, %shift_right_logical3A_280 : vector<16xi32>
    %swap3A_282 = arith.constant 96 : index
    %swap3A_283 = tpu.vector_load %arg16[%swap3A_282] {strides = array<i32>} : memref<128xi32, #tpu.memory_space<vmem>>, vector<16xi32>,
    %swap3A_284 = vector.shape_cast %swap3A_283 : vector<16xi32> to vector<16xi32>
    %swap3A_285 = vector.shape_cast %shift_right_logical3A_281 : vector<16xi32> to vector<16xi32>
    tpu.vector_store %arg16[%swap3A_282], %swap3A_285 {strides = array<i32>} : memref<128xi32, #tpu.memory_space<vmem>>, vector<16xi32>,
    %get3A_286 = arith.constant 1 : i32
    %get3A_287 = arith.index_cast %get3A_286 : i32 to index
    %get3A_288 = arith.constant 112 : index
    %get3A_289 = tpu.vector_load %arg6[%get3A_287, %get3A_288] {strides = array<i32>} : memref<80x128xi32, #tpu.memory_space<vmem>>, vector<1x16xi32>,
    %get3A_290 = vector.shape_cast %get3A_289 : vector<1x16xi32> to vector<16xi32>
    %and3A_291 = arith.constant 65535 : i32
    %and3A_292 = vector.broadcast %and3A_291 : i32 to vector<16xi32>
    %and3A_293 = arith.andi %get3A_290, %and3A_292 : vector<16xi32>
    %swap3A_294 = arith.constant 112 : index
    %swap3A_295 = tpu.vector_load %arg8[%swap3A_294] {strides = array<i32>} : memref<128xi32, #tpu.memory_space<vmem>>, vector<16xi32>,
    %swap3A_296 = vector.shape_cast %swap3A_295 : vector<16xi32> to vector<16xi32>
    %swap3A_297 = vector.shape_cast %and3A_293 : vector<16xi32> to vector<16xi32>
    tpu.vector_store %arg8[%swap3A_294], %swap3A_297 {strides = array<i32>} : memref<128xi32, #tpu.memory_space<vmem>>, vector<16xi32>,
    %shift_right_logical3A_298 = arith.constant 16 : i32
    %shift_right_logical3A_299 = vector.broadcast %shift_right_logical3A_298 : i32 to vector<16xi32>
    %shift_right_logical3A_300 = arith.shrui %get3A_290, %shift_right_logical3A_299 : vector<16xi32>
    %swap3A_301 = arith.constant 112 : index
    %swap3A_302 = tpu.vector_load %arg16[%swap3A_301] {strides = array<i32>} : memref<128xi32, #tpu.memory_space<vmem>>, vector<16xi32>,
    %swap3A_303 = vector.shape_cast %swap3A_302 : vector<16xi32> to vector<16xi32>
    %swap3A_304 = vector.shape_cast %shift_right_logical3A_300 : vector<16xi32> to vector<16xi32>
    tpu.vector_store %arg16[%swap3A_301], %swap3A_304 {strides = array<i32>} : memref<128xi32, #tpu.memory_space<vmem>>, vector<16xi32>,
    %dma_start3A_305 = arith.constant 0 : i32
    %dma_start3A_306 = arith.constant 0 : i32
    %dma_start3A_307 = tpu.memref_slice %arg2[%dma_start3A_305, %dma_start3A_306] : memref<10000x40xf32, #tpu.memory_space<hbm>> -> memref<10000x40xf32, #tpu.memory_space<hbm>>
    tpu.enqueue_indirect_dma source(%dma_start3A_307 : memref<10000x40xf32, #tpu.memory_space<hbm>>) target(%arg24 : memref<128x40xf32, #tpu.memory_space<vmem>>) offsets(%arg8 : memref<128xi32, #tpu.memory_space<vmem>>) semaphore(%arg33 : memref<!tpu.dma_semaphore, #tpu.memory_space<semaphore_mem>>)
    %get3A_308 = arith.constant 2 : i32
    %get3A_309 = arith.index_cast %get3A_308 : i32 to index
    %get3A_310 = arith.constant 0 : index
    %get3A_311 = tpu.vector_load %arg6[%get3A_309, %get3A_310] {strides = array<i32>} : memref<80x128xi32, #tpu.memory_space<vmem>>, vector<1x16xi32>,
    %get3A_312 = vector.shape_cast %get3A_311 : vector<1x16xi32> to vector<16xi32>
    %and3A_313 = arith.constant 65535 : i32
    %and3A_314 = vector.broadcast %and3A_313 : i32 to vector<16xi32>
    %and3A_315 = arith.andi %get3A_312, %and3A_314 : vector<16xi32>
    %swap3A_316 = arith.constant 0 : index
    %swap3A_317 = tpu.vector_load %arg9[%swap3A_316] {strides = array<i32>} : memref<128xi32, #tpu.memory_space<vmem>>, vector<16xi32>,
    %swap3A_318 = vector.shape_cast %swap3A_317 : vector<16xi32> to vector<16xi32>
    %swap3A_319 = vector.shape_cast %and3A_315 : vector<16xi32> to vector<16xi32>
    tpu.vector_store %arg9[%swap3A_316], %swap3A_319 {strides = array<i32>} : memref<128xi32, #tpu.memory_space<vmem>>, vector<16xi32>,
    %shift_right_logical3A_320 = arith.constant 16 : i32
    %shift_right_logical3A_321 = vector.broadcast %shift_right_logical3A_320 : i32 to vector<16xi32>
    %shift_right_logical3A_322 = arith.shrui %get3A_312, %shift_right_logical3A_321 : vector<16xi32>
    %swap3A_323 = arith.constant 0 : index
    %swap3A_324 = tpu.vector_load %arg17[%swap3A_323] {strides = array<i32>} : memref<128xi32, #tpu.memory_space<vmem>>, vector<16xi32>,
    %swap3A_325 = vector.shape_cast %swap3A_324 : vector<16xi32> to vector<16xi32>
    %swap3A_326 = vector.shape_cast %shift_right_logical3A_322 : vector<16xi32> to vector<16xi32>
    tpu.vector_store %arg17[%swap3A_323], %swap3A_326 {strides = array<i32>} : memref<128xi32, #tpu.memory_space<vmem>>, vector<16xi32>,
    %get3A_327 = arith.constant 2 : i32
    %get3A_328 = arith.index_cast %get3A_327 : i32 to index
    %get3A_329 = arith.constant 16 : index
    %get3A_330 = tpu.vector_load %arg6[%get3A_328, %get3A_329] {strides = array<i32>} : memref<80x128xi32, #tpu.memory_space<vmem>>, vector<1x16xi32>,
    %get3A_331 = vector.shape_cast %get3A_330 : vector<1x16xi32> to vector<16xi32>
    %and3A_332 = arith.constant 65535 : i32
    %and3A_333 = vector.broadcast %and3A_332 : i32 to vector<16xi32>
    %and3A_334 = arith.andi %get3A_331, %and3A_333 : vector<16xi32>
    %swap3A_335 = arith.constant 16 : index
    %swap3A_336 = tpu.vector_load %arg9[%swap3A_335] {strides = array<i32>} : memref<128xi32, #tpu.memory_space<vmem>>, vector<16xi32>,
    %swap3A_337 = vector.shape_cast %swap3A_336 : vector<16xi32> to vector<16xi32>
    %swap3A_338 = vector.shape_cast %and3A_334 : vector<16xi32> to vector<16xi32>
    tpu.vector_store %arg9[%swap3A_335], %swap3A_338 {strides = array<i32>} : memref<128xi32, #tpu.memory_space<vmem>>, vector<16xi32>,
    %shift_right_logical3A_339 = arith.constant 16 : i32
    %shift_right_logical3A_340 = vector.broadcast %shift_right_logical3A_339 : i32 to vector<16xi32>
    %shift_right_logical3A_341 = arith.shrui %get3A_331, %shift_right_logical3A_340 : vector<16xi32>
    %swap3A_342 = arith.constant 16 : index
    %swap3A_343 = tpu.vector_load %arg17[%swap3A_342] {strides = array<i32>} : memref<128xi32, #tpu.memory_space<vmem>>, vector<16xi32>,
    %swap3A_344 = vector.shape_cast %swap3A_343 : vector<16xi32> to vector<16xi32>
    %swap3A_345 = vector.shape_cast %shift_right_logical3A_341 : vector<16xi32> to vector<16xi32>
    tpu.vector_store %arg17[%swap3A_342], %swap3A_345 {strides = array<i32>} : memref<128xi32, #tpu.memory_space<vmem>>, vector<16xi32>,
    %get3A_346 = arith.constant 2 : i32
    %get3A_347 = arith.index_cast %get3A_346 : i32 to index
    %get3A_348 = arith.constant 32 : index
    %get3A_349 = tpu.vector_load %arg6[%get3A_347, %get3A_348] {strides = array<i32>} : memref<80x128xi32, #tpu.memory_space<vmem>>, vector<1x16xi32>,
    %get3A_350 = vector.shape_cast %get3A_349 : vector<1x16xi32> to vector<16xi32>
    %and3A_351 = arith.constant 65535 : i32
    %and3A_352 = vector.broadcast %and3A_351 : i32 to vector<16xi32>
    %and3A_353 = arith.andi %get3A_350, %and3A_352 : vector<16xi32>
    %swap3A_354 = arith.constant 32 : index
    %swap3A_355 = tpu.vector_load %arg9[%swap3A_354] {strides = array<i32>} : memref<128xi32, #tpu.memory_space<vmem>>, vector<16xi32>,
    %swap3A_356 = vector.shape_cast %swap3A_355 : vector<16xi32> to vector<16xi32>
    %swap3A_357 = vector.shape_cast %and3A_353 : vector<16xi32> to vector<16xi32>
    tpu.vector_store %arg9[%swap3A_354], %swap3A_357 {strides = array<i32>} : memref<128xi32, #tpu.memory_space<vmem>>, vector<16xi32>,
    %shift_right_logical3A_358 = arith.constant 16 : i32
    %shift_right_logical3A_359 = vector.broadcast %shift_right_logical3A_358 : i32 to vector<16xi32>
    %shift_right_logical3A_360 = arith.shrui %get3A_350, %shift_right_logical3A_359 : vector<16xi32>
    %swap3A_361 = arith.constant 32 : index
    %swap3A_362 = tpu.vector_load %arg17[%swap3A_361] {strides = array<i32>} : memref<128xi32, #tpu.memory_space<vmem>>, vector<16xi32>,
    %swap3A_363 = vector.shape_cast %swap3A_362 : vector<16xi32> to vector<16xi32>
    %swap3A_364 = vector.shape_cast %shift_right_logical3A_360 : vector<16xi32> to vector<16xi32>
    tpu.vector_store %arg17[%swap3A_361], %swap3A_364 {strides = array<i32>} : memref<128xi32, #tpu.memory_space<vmem>>, vector<16xi32>,
    %get3A_365 = arith.constant 2 : i32
    %get3A_366 = arith.index_cast %get3A_365 : i32 to index
    %get3A_367 = arith.constant 48 : index
    %get3A_368 = tpu.vector_load %arg6[%get3A_366, %get3A_367] {strides = array<i32>} : memref<80x128xi32, #tpu.memory_space<vmem>>, vector<1x16xi32>,
    %get3A_369 = vector.shape_cast %get3A_368 : vector<1x16xi32> to vector<16xi32>
    %and3A_370 = arith.constant 65535 : i32
    %and3A_371 = vector.broadcast %and3A_370 : i32 to vector<16xi32>
    %and3A_372 = arith.andi %get3A_369, %and3A_371 : vector<16xi32>
    %swap3A_373 = arith.constant 48 : index
    %swap3A_374 = tpu.vector_load %arg9[%swap3A_373] {strides = array<i32>} : memref<128xi32, #tpu.memory_space<vmem>>, vector<16xi32>,
    %swap3A_375 = vector.shape_cast %swap3A_374 : vector<16xi32> to vector<16xi32>
    %swap3A_376 = vector.shape_cast %and3A_372 : vector<16xi32> to vector<16xi32>
    tpu.vector_store %arg9[%swap3A_373], %swap3A_376 {strides = array<i32>} : memref<128xi32, #tpu.memory_space<vmem>>, vector<16xi32>,
    %shift_right_logical3A_377 = arith.constant 16 : i32
    %shift_right_logical3A_378 = vector.broadcast %shift_right_logical3A_377 : i32 to vector<16xi32>
    %shift_right_logical3A_379 = arith.shrui %get3A_369, %shift_right_logical3A_378 : vector<16xi32>
    %swap3A_380 = arith.constant 48 : index
    %swap3A_381 = tpu.vector_load %arg17[%swap3A_380] {strides = array<i32>} : memref<128xi32, #tpu.memory_space<vmem>>, vector<16xi32>,
    %swap3A_382 = vector.shape_cast %swap3A_381 : vector<16xi32> to vector<16xi32>
    %swap3A_383 = vector.shape_cast %shift_right_logical3A_379 : vector<16xi32> to vector<16xi32>
    tpu.vector_store %arg17[%swap3A_380], %swap3A_383 {strides = array<i32>} : memref<128xi32, #tpu.memory_space<vmem>>, vector<16xi32>,
    %get3A_384 = arith.constant 2 : i32
    %get3A_385 = arith.index_cast %get3A_384 : i32 to index
    %get3A_386 = arith.constant 64 : index
    %get3A_387 = tpu.vector_load %arg6[%get3A_385, %get3A_386] {strides = array<i32>} : memref<80x128xi32, #tpu.memory_space<vmem>>, vector<1x16xi32>,
    %get3A_388 = vector.shape_cast %get3A_387 : vector<1x16xi32> to vector<16xi32>
    %and3A_389 = arith.constant 65535 : i32
    %and3A_390 = vector.broadcast %and3A_389 : i32 to vector<16xi32>
    %and3A_391 = arith.andi %get3A_388, %and3A_390 : vector<16xi32>
    %swap3A_392 = arith.constant 64 : index
    %swap3A_393 = tpu.vector_load %arg9[%swap3A_392] {strides = array<i32>} : memref<128xi32, #tpu.memory_space<vmem>>, vector<16xi32>,
    %swap3A_394 = vector.shape_cast %swap3A_393 : vector<16xi32> to vector<16xi32>
    %swap3A_395 = vector.shape_cast %and3A_391 : vector<16xi32> to vector<16xi32>
    tpu.vector_store %arg9[%swap3A_392], %swap3A_395 {strides = array<i32>} : memref<128xi32, #tpu.memory_space<vmem>>, vector<16xi32>,
    %shift_right_logical3A_396 = arith.constant 16 : i32
    %shift_right_logical3A_397 = vector.broadcast %shift_right_logical3A_396 : i32 to vector<16xi32>
    %shift_right_logical3A_398 = arith.shrui %get3A_388, %shift_right_logical3A_397 : vector<16xi32>
    %swap3A_399 = arith.constant 64 : index
    %swap3A_400 = tpu.vector_load %arg17[%swap3A_399] {strides = array<i32>} : memref<128xi32, #tpu.memory_space<vmem>>, vector<16xi32>,
    %swap3A_401 = vector.shape_cast %swap3A_400 : vector<16xi32> to vector<16xi32>
    %swap3A_402 = vector.shape_cast %shift_right_logical3A_398 : vector<16xi32> to vector<16xi32>
    tpu.vector_store %arg17[%swap3A_399], %swap3A_402 {strides = array<i32>} : memref<128xi32, #tpu.memory_space<vmem>>, vector<16xi32>,
    %get3A_403 = arith.constant 2 : i32
    %get3A_404 = arith.index_cast %get3A_403 : i32 to index
    %get3A_405 = arith.constant 80 : index
    %get3A_406 = tpu.vector_load %arg6[%get3A_404, %get3A_405] {strides = array<i32>} : memref<80x128xi32, #tpu.memory_space<vmem>>, vector<1x16xi32>,
    %get3A_407 = vector.shape_cast %get3A_406 : vector<1x16xi32> to vector<16xi32>
    %and3A_408 = arith.constant 65535 : i32
    %and3A_409 = vector.broadcast %and3A_408 : i32 to vector<16xi32>
    %and3A_410 = arith.andi %get3A_407, %and3A_409 : vector<16xi32>
    %swap3A_411 = arith.constant 80 : index
    %swap3A_412 = tpu.vector_load %arg9[%swap3A_411] {strides = array<i32>} : memref<128xi32, #tpu.memory_space<vmem>>, vector<16xi32>,
    %swap3A_413 = vector.shape_cast %swap3A_412 : vector<16xi32> to vector<16xi32>
    %swap3A_414 = vector.shape_cast %and3A_410 : vector<16xi32> to vector<16xi32>
    tpu.vector_store %arg9[%swap3A_411], %swap3A_414 {strides = array<i32>} : memref<128xi32, #tpu.memory_space<vmem>>, vector<16xi32>,
    %shift_right_logical3A_415 = arith.constant 16 : i32
    %shift_right_logical3A_416 = vector.broadcast %shift_right_logical3A_415 : i32 to vector<16xi32>
    %shift_right_logical3A_417 = arith.shrui %get3A_407, %shift_right_logical3A_416 : vector<16xi32>
    %swap3A_418 = arith.constant 80 : index
    %swap3A_419 = tpu.vector_load %arg17[%swap3A_418] {strides = array<i32>} : memref<128xi32, #tpu.memory_space<vmem>>, vector<16xi32>,
    %swap3A_420 = vector.shape_cast %swap3A_419 : vector<16xi32> to vector<16xi32>
    %swap3A_421 = vector.shape_cast %shift_right_logical3A_417 : vector<16xi32> to vector<16xi32>
    tpu.vector_store %arg17[%swap3A_418], %swap3A_421 {strides = array<i32>} : memref<128xi32, #tpu.memory_space<vmem>>, vector<16xi32>,
    %get3A_422 = arith.constant 2 : i32
    %get3A_423 = arith.index_cast %get3A_422 : i32 to index
    %get3A_424 = arith.constant 96 : index
    %get3A_425 = tpu.vector_load %arg6[%get3A_423, %get3A_424] {strides = array<i32>} : memref<80x128xi32, #tpu.memory_space<vmem>>, vector<1x16xi32>,
    %get3A_426 = vector.shape_cast %get3A_425 : vector<1x16xi32> to vector<16xi32>
    %and3A_427 = arith.constant 65535 : i32
    %and3A_428 = vector.broadcast %and3A_427 : i32 to vector<16xi32>
    %and3A_429 = arith.andi %get3A_426, %and3A_428 : vector<16xi32>
    %swap3A_430 = arith.constant 96 : index
    %swap3A_431 = tpu.vector_load %arg9[%swap3A_430] {strides = array<i32>} : memref<128xi32, #tpu.memory_space<vmem>>, vector<16xi32>,
    %swap3A_432 = vector.shape_cast %swap3A_431 : vector<16xi32> to vector<16xi32>
    %swap3A_433 = vector.shape_cast %and3A_429 : vector<16xi32> to vector<16xi32>
    tpu.vector_store %arg9[%swap3A_430], %swap3A_433 {strides = array<i32>} : memref<128xi32, #tpu.memory_space<vmem>>, vector<16xi32>,
    %shift_right_logical3A_434 = arith.constant 16 : i32
    %shift_right_logical3A_435 = vector.broadcast %shift_right_logical3A_434 : i32 to vector<16xi32>
    %shift_right_logical3A_436 = arith.shrui %get3A_426, %shift_right_logical3A_435 : vector<16xi32>
    %swap3A_437 = arith.constant 96 : index
    %swap3A_438 = tpu.vector_load %arg17[%swap3A_437] {strides = array<i32>} : memref<128xi32, #tpu.memory_space<vmem>>, vector<16xi32>,
    %swap3A_439 = vector.shape_cast %swap3A_438 : vector<16xi32> to vector<16xi32>
    %swap3A_440 = vector.shape_cast %shift_right_logical3A_436 : vector<16xi32> to vector<16xi32>
    tpu.vector_store %arg17[%swap3A_437], %swap3A_440 {strides = array<i32>} : memref<128xi32, #tpu.memory_space<vmem>>, vector<16xi32>,
    %get3A_441 = arith.constant 2 : i32
    %get3A_442 = arith.index_cast %get3A_441 : i32 to index
    %get3A_443 = arith.constant 112 : index
    %get3A_444 = tpu.vector_load %arg6[%get3A_442, %get3A_443] {strides = array<i32>} : memref<80x128xi32, #tpu.memory_space<vmem>>, vector<1x16xi32>,
    %get3A_445 = vector.shape_cast %get3A_444 : vector<1x16xi32> to vector<16xi32>
    %and3A_446 = arith.constant 65535 : i32
    %and3A_447 = vector.broadcast %and3A_446 : i32 to vector<16xi32>
    %and3A_448 = arith.andi %get3A_445, %and3A_447 : vector<16xi32>
    %swap3A_449 = arith.constant 112 : index
    %swap3A_450 = tpu.vector_load %arg9[%swap3A_449] {strides = array<i32>} : memref<128xi32, #tpu.memory_space<vmem>>, vector<16xi32>,
    %swap3A_451 = vector.shape_cast %swap3A_450 : vector<16xi32> to vector<16xi32>
    %swap3A_452 = vector.shape_cast %and3A_448 : vector<16xi32> to vector<16xi32>
    tpu.vector_store %arg9[%swap3A_449], %swap3A_452 {strides = array<i32>} : memref<128xi32, #tpu.memory_space<vmem>>, vector<16xi32>,
    %shift_right_logical3A_453 = arith.constant 16 : i32
    %shift_right_logical3A_454 = vector.broadcast %shift_right_logical3A_453 : i32 to vector<16xi32>
    %shift_right_logical3A_455 = arith.shrui %get3A_445, %shift_right_logical3A_454 : vector<16xi32>
    %swap3A_456 = arith.constant 112 : index
    %swap3A_457 = tpu.vector_load %arg17[%swap3A_456] {strides = array<i32>} : memref<128xi32, #tpu.memory_space<vmem>>, vector<16xi32>,
    %swap3A_458 = vector.shape_cast %swap3A_457 : vector<16xi32> to vector<16xi32>
    %swap3A_459 = vector.shape_cast %shift_right_logical3A_455 : vector<16xi32> to vector<16xi32>
    tpu.vector_store %arg17[%swap3A_456], %swap3A_459 {strides = array<i32>} : memref<128xi32, #tpu.memory_space<vmem>>, vector<16xi32>,
    %dma_start3A_460 = arith.constant 0 : i32
    %dma_start3A_461 = arith.constant 0 : i32
    %dma_start3A_462 = tpu.memref_slice %arg2[%dma_start3A_460, %dma_start3A_461] : memref<10000x40xf32, #tpu.memory_space<hbm>> -> memref<10000x40xf32, #tpu.memory_space<hbm>>
    tpu.enqueue_indirect_dma source(%dma_start3A_462 : memref<10000x40xf32, #tpu.memory_space<hbm>>) target(%arg25 : memref<128x40xf32, #tpu.memory_space<vmem>>) offsets(%arg9 : memref<128xi32, #tpu.memory_space<vmem>>) semaphore(%arg34 : memref<!tpu.dma_semaphore, #tpu.memory_space<semaphore_mem>>)
    %get3A_463 = arith.constant 3 : i32
    %get3A_464 = arith.index_cast %get3A_463 : i32 to index
    %get3A_465 = arith.constant 0 : index
    %get3A_466 = tpu.vector_load %arg6[%get3A_464, %get3A_465] {strides = array<i32>} : memref<80x128xi32, #tpu.memory_space<vmem>>, vector<1x16xi32>,
    %get3A_467 = vector.shape_cast %get3A_466 : vector<1x16xi32> to vector<16xi32>
    %and3A_468 = arith.constant 65535 : i32
    %and3A_469 = vector.broadcast %and3A_468 : i32 to vector<16xi32>
    %and3A_470 = arith.andi %get3A_467, %and3A_469 : vector<16xi32>
    %swap3A_471 = arith.constant 0 : index
    %swap3A_472 = tpu.vector_load %arg10[%swap3A_471] {strides = array<i32>} : memref<128xi32, #tpu.memory_space<vmem>>, vector<16xi32>,
    %swap3A_473 = vector.shape_cast %swap3A_472 : vector<16xi32> to vector<16xi32>
    %swap3A_474 = vector.shape_cast %and3A_470 : vector<16xi32> to vector<16xi32>
    tpu.vector_store %arg10[%swap3A_471], %swap3A_474 {strides = array<i32>} : memref<128xi32, #tpu.memory_space<vmem>>, vector<16xi32>,
    %shift_right_logical3A_475 = arith.constant 16 : i32
    %shift_right_logical3A_476 = vector.broadcast %shift_right_logical3A_475 : i32 to vector<16xi32>
    %shift_right_logical3A_477 = arith.shrui %get3A_467, %shift_right_logical3A_476 : vector<16xi32>
    %swap3A_478 = arith.constant 0 : index
    %swap3A_479 = tpu.vector_load %arg18[%swap3A_478] {strides = array<i32>} : memref<128xi32, #tpu.memory_space<vmem>>, vector<16xi32>,
    %swap3A_480 = vector.shape_cast %swap3A_479 : vector<16xi32> to vector<16xi32>
    %swap3A_481 = vector.shape_cast %shift_right_logical3A_477 : vector<16xi32> to vector<16xi32>
    tpu.vector_store %arg18[%swap3A_478], %swap3A_481 {strides = array<i32>} : memref<128xi32, #tpu.memory_space<vmem>>, vector<16xi32>,
    %get3A_482 = arith.constant 3 : i32
    %get3A_483 = arith.index_cast %get3A_482 : i32 to index
    %get3A_484 = arith.constant 16 : index
    %get3A_485 = tpu.vector_load %arg6[%get3A_483, %get3A_484] {strides = array<i32>} : memref<80x128xi32, #tpu.memory_space<vmem>>, vector<1x16xi32>,
    %get3A_486 = vector.shape_cast %get3A_485 : vector<1x16xi32> to vector<16xi32>
    %and3A_487 = arith.constant 65535 : i32
    %and3A_488 = vector.broadcast %and3A_487 : i32 to vector<16xi32>
    %and3A_489 = arith.andi %get3A_486, %and3A_488 : vector<16xi32>
    %swap3A_490 = arith.constant 16 : index
    %swap3A_491 = tpu.vector_load %arg10[%swap3A_490] {strides = array<i32>} : memref<128xi32, #tpu.memory_space<vmem>>, vector<16xi32>,
    %swap3A_492 = vector.shape_cast %swap3A_491 : vector<16xi32> to vector<16xi32>
    %swap3A_493 = vector.shape_cast %and3A_489 : vector<16xi32> to vector<16xi32>
    tpu.vector_store %arg10[%swap3A_490], %swap3A_493 {strides = array<i32>} : memref<128xi32, #tpu.memory_space<vmem>>, vector<16xi32>,
    %shift_right_logical3A_494 = arith.constant 16 : i32
    %shift_right_logical3A_495 = vector.broadcast %shift_right_logical3A_494 : i32 to vector<16xi32>
    %shift_right_logical3A_496 = arith.shrui %get3A_486, %shift_right_logical3A_495 : vector<16xi32>
    %swap3A_497 = arith.constant 16 : index
    %swap3A_498 = tpu.vector_load %arg18[%swap3A_497] {strides = array<i32>} : memref<128xi32, #tpu.memory_space<vmem>>, vector<16xi32>,
    %swap3A_499 = vector.shape_cast %swap3A_498 : vector<16xi32> to vector<16xi32>
    %swap3A_500 = vector.shape_cast %shift_right_logical3A_496 : vector<16xi32> to vector<16xi32>
    tpu.vector_store %arg18[%swap3A_497], %swap3A_500 {strides = array<i32>} : memref<128xi32, #tpu.memory_space<vmem>>, vector<16xi32>,
    %get3A_501 = arith.constant 3 : i32
    %get3A_502 = arith.index_cast %get3A_501 : i32 to index
    %get3A_503 = arith.constant 32 : index
    %get3A_504 = tpu.vector_load %arg6[%get3A_502, %get3A_503] {strides = array<i32>} : memref<80x128xi32, #tpu.memory_space<vmem>>, vector<1x16xi32>,
    %get3A_505 = vector.shape_cast %get3A_504 : vector<1x16xi32> to vector<16xi32>
    %and3A_506 = arith.constant 65535 : i32
    %and3A_507 = vector.broadcast %and3A_506 : i32 to vector<16xi32>
    %and3A_508 = arith.andi %get3A_505, %and3A_507 : vector<16xi32>
    %swap3A_509 = arith.constant 32 : index
    %swap3A_510 = tpu.vector_load %arg10[%swap3A_509] {strides = array<i32>} : memref<128xi32, #tpu.memory_space<vmem>>, vector<16xi32>,
    %swap3A_511 = vector.shape_cast %swap3A_510 : vector<16xi32> to vector<16xi32>
    %swap3A_512 = vector.shape_cast %and3A_508 : vector<16xi32> to vector<16xi32>
    tpu.vector_store %arg10[%swap3A_509], %swap3A_512 {strides = array<i32>} : memref<128xi32, #tpu.memory_space<vmem>>, vector<16xi32>,
    %shift_right_logical3A_513 = arith.constant 16 : i32
    %shift_right_logical3A_514 = vector.broadcast %shift_right_logical3A_513 : i32 to vector<16xi32>
    %shift_right_logical3A_515 = arith.shrui %get3A_505, %shift_right_logical3A_514 : vector<16xi32>
    %swap3A_516 = arith.constant 32 : index
    %swap3A_517 = tpu.vector_load %arg18[%swap3A_516] {strides = array<i32>} : memref<128xi32, #tpu.memory_space<vmem>>, vector<16xi32>,
    %swap3A_518 = vector.shape_cast %swap3A_517 : vector<16xi32> to vector<16xi32>
    %swap3A_519 = vector.shape_cast %shift_right_logical3A_515 : vector<16xi32> to vector<16xi32>
    tpu.vector_store %arg18[%swap3A_516], %swap3A_519 {strides = array<i32>} : memref<128xi32, #tpu.memory_space<vmem>>, vector<16xi32>,
    %get3A_520 = arith.constant 3 : i32
    %get3A_521 = arith.index_cast %get3A_520 : i32 to index
    %get3A_522 = arith.constant 48 : index
    %get3A_523 = tpu.vector_load %arg6[%get3A_521, %get3A_522] {strides = array<i32>} : memref<80x128xi32, #tpu.memory_space<vmem>>, vector<1x16xi32>,
    %get3A_524 = vector.shape_cast %get3A_523 : vector<1x16xi32> to vector<16xi32>
    %and3A_525 = arith.constant 65535 : i32
    %and3A_526 = vector.broadcast %and3A_525 : i32 to vector<16xi32>
    %and3A_527 = arith.andi %get3A_524, %and3A_526 : vector<16xi32>
    %swap3A_528 = arith.constant 48 : index
    %swap3A_529 = tpu.vector_load %arg10[%swap3A_528] {strides = array<i32>} : memref<128xi32, #tpu.memory_space<vmem>>, vector<16xi32>,
    %swap3A_530 = vector.shape_cast %swap3A_529 : vector<16xi32> to vector<16xi32>
    %swap3A_531 = vector.shape_cast %and3A_527 : vector<16xi32> to vector<16xi32>
    tpu.vector_store %arg10[%swap3A_528], %swap3A_531 {strides = array<i32>} : memref<128xi32, #tpu.memory_space<vmem>>, vector<16xi32>,
    %shift_right_logical3A_532 = arith.constant 16 : i32
    %shift_right_logical3A_533 = vector.broadcast %shift_right_logical3A_532 : i32 to vector<16xi32>
    %shift_right_logical3A_534 = arith.shrui %get3A_524, %shift_right_logical3A_533 : vector<16xi32>
    %swap3A_535 = arith.constant 48 : index
    %swap3A_536 = tpu.vector_load %arg18[%swap3A_535] {strides = array<i32>} : memref<128xi32, #tpu.memory_space<vmem>>, vector<16xi32>,
    %swap3A_537 = vector.shape_cast %swap3A_536 : vector<16xi32> to vector<16xi32>
    %swap3A_538 = vector.shape_cast %shift_right_logical3A_534 : vector<16xi32> to vector<16xi32>
    tpu.vector_store %arg18[%swap3A_535], %swap3A_538 {strides = array<i32>} : memref<128xi32, #tpu.memory_space<vmem>>, vector<16xi32>,
    %get3A_539 = arith.constant 3 : i32
    %get3A_540 = arith.index_cast %get3A_539 : i32 to index
    %get3A_541 = arith.constant 64 : index
    %get3A_542 = tpu.vector_load %arg6[%get3A_540, %get3A_541] {strides = array<i32>} : memref<80x128xi32, #tpu.memory_space<vmem>>, vector<1x16xi32>,
    %get3A_543 = vector.shape_cast %get3A_542 : vector<1x16xi32> to vector<16xi32>
    %and3A_544 = arith.constant 65535 : i32
    %and3A_545 = vector.broadcast %and3A_544 : i32 to vector<16xi32>
    %and3A_546 = arith.andi %get3A_543, %and3A_545 : vector<16xi32>
    %swap3A_547 = arith.constant 64 : index
    %swap3A_548 = tpu.vector_load %arg10[%swap3A_547] {strides = array<i32>} : memref<128xi32, #tpu.memory_space<vmem>>, vector<16xi32>,
    %swap3A_549 = vector.shape_cast %swap3A_548 : vector<16xi32> to vector<16xi32>
    %swap3A_550 = vector.shape_cast %and3A_546 : vector<16xi32> to vector<16xi32>
    tpu.vector_store %arg10[%swap3A_547], %swap3A_550 {strides = array<i32>} : memref<128xi32, #tpu.memory_space<vmem>>, vector<16xi32>,
    %shift_right_logical3A_551 = arith.constant 16 : i32
    %shift_right_logical3A_552 = vector.broadcast %shift_right_logical3A_551 : i32 to vector<16xi32>
    %shift_right_logical3A_553 = arith.shrui %get3A_543, %shift_right_logical3A_552 : vector<16xi32>
    %swap3A_554 = arith.constant 64 : index
    %swap3A_555 = tpu.vector_load %arg18[%swap3A_554] {strides = array<i32>} : memref<128xi32, #tpu.memory_space<vmem>>, vector<16xi32>,
    %swap3A_556 = vector.shape_cast %swap3A_555 : vector<16xi32> to vector<16xi32>
    %swap3A_557 = vector.shape_cast %shift_right_logical3A_553 : vector<16xi32> to vector<16xi32>
    tpu.vector_store %arg18[%swap3A_554], %swap3A_557 {strides = array<i32>} : memref<128xi32, #tpu.memory_space<vmem>>, vector<16xi32>,
    %get3A_558 = arith.constant 3 : i32
    %get3A_559 = arith.index_cast %get3A_558 : i32 to index
    %get3A_560 = arith.constant 80 : index
    %get3A_561 = tpu.vector_load %arg6[%get3A_559, %get3A_560] {strides = array<i32>} : memref<80x128xi32, #tpu.memory_space<vmem>>, vector<1x16xi32>,
    %get3A_562 = vector.shape_cast %get3A_561 : vector<1x16xi32> to vector<16xi32>
    %and3A_563 = arith.constant 65535 : i32
    %and3A_564 = vector.broadcast %and3A_563 : i32 to vector<16xi32>
    %and3A_565 = arith.andi %get3A_562, %and3A_564 : vector<16xi32>
    %swap3A_566 = arith.constant 80 : index
    %swap3A_567 = tpu.vector_load %arg10[%swap3A_566] {strides = array<i32>} : memref<128xi32, #tpu.memory_space<vmem>>, vector<16xi32>,
    %swap3A_568 = vector.shape_cast %swap3A_567 : vector<16xi32> to vector<16xi32>
    %swap3A_569 = vector.shape_cast %and3A_565 : vector<16xi32> to vector<16xi32>
    tpu.vector_store %arg10[%swap3A_566], %swap3A_569 {strides = array<i32>} : memref<128xi32, #tpu.memory_space<vmem>>, vector<16xi32>,
    %shift_right_logical3A_570 = arith.constant 16 : i32
    %shift_right_logical3A_571 = vector.broadcast %shift_right_logical3A_570 : i32 to vector<16xi32>
    %shift_right_logical3A_572 = arith.shrui %get3A_562, %shift_right_logical3A_571 : vector<16xi32>
    %swap3A_573 = arith.constant 80 : index
    %swap3A_574 = tpu.vector_load %arg18[%swap3A_573] {strides = array<i32>} : memref<128xi32, #tpu.memory_space<vmem>>, vector<16xi32>,
    %swap3A_575 = vector.shape_cast %swap3A_574 : vector<16xi32> to vector<16xi32>
    %swap3A_576 = vector.shape_cast %shift_right_logical3A_572 : vector<16xi32> to vector<16xi32>
    tpu.vector_store %arg18[%swap3A_573], %swap3A_576 {strides = array<i32>} : memref<128xi32, #tpu.memory_space<vmem>>, vector<16xi32>,
    %get3A_577 = arith.constant 3 : i32
    %get3A_578 = arith.index_cast %get3A_577 : i32 to index
    %get3A_579 = arith.constant 96 : index
    %get3A_580 = tpu.vector_load %arg6[%get3A_578, %get3A_579] {strides = array<i32>} : memref<80x128xi32, #tpu.memory_space<vmem>>, vector<1x16xi32>,
    %get3A_581 = vector.shape_cast %get3A_580 : vector<1x16xi32> to vector<16xi32>
    %and3A_582 = arith.constant 65535 : i32
    %and3A_583 = vector.broadcast %and3A_582 : i32 to vector<16xi32>
    %and3A_584 = arith.andi %get3A_581, %and3A_583 : vector<16xi32>
    %swap3A_585 = arith.constant 96 : index
    %swap3A_586 = tpu.vector_load %arg10[%swap3A_585] {strides = array<i32>} : memref<128xi32, #tpu.memory_space<vmem>>, vector<16xi32>,
    %swap3A_587 = vector.shape_cast %swap3A_586 : vector<16xi32> to vector<16xi32>
    %swap3A_588 = vector.shape_cast %and3A_584 : vector<16xi32> to vector<16xi32>
    tpu.vector_store %arg10[%swap3A_585], %swap3A_588 {strides = array<i32>} : memref<128xi32, #tpu.memory_space<vmem>>, vector<16xi32>,
    %shift_right_logical3A_589 = arith.constant 16 : i32
    %shift_right_logical3A_590 = vector.broadcast %shift_right_logical3A_589 : i32 to vector<16xi32>
    %shift_right_logical3A_591 = arith.shrui %get3A_581, %shift_right_logical3A_590 : vector<16xi32>
    %swap3A_592 = arith.constant 96 : index
    %swap3A_593 = tpu.vector_load %arg18[%swap3A_592] {strides = array<i32>} : memref<128xi32, #tpu.memory_space<vmem>>, vector<16xi32>,
    %swap3A_594 = vector.shape_cast %swap3A_593 : vector<16xi32> to vector<16xi32>
    %swap3A_595 = vector.shape_cast %shift_right_logical3A_591 : vector<16xi32> to vector<16xi32>
    tpu.vector_store %arg18[%swap3A_592], %swap3A_595 {strides = array<i32>} : memref<128xi32, #tpu.memory_space<vmem>>, vector<16xi32>,
    %get3A_596 = arith.constant 3 : i32
    %get3A_597 = arith.index_cast %get3A_596 : i32 to index
    %get3A_598 = arith.constant 112 : index
    %get3A_599 = tpu.vector_load %arg6[%get3A_597, %get3A_598] {strides = array<i32>} : memref<80x128xi32, #tpu.memory_space<vmem>>, vector<1x16xi32>,
    %get3A_600 = vector.shape_cast %get3A_599 : vector<1x16xi32> to vector<16xi32>
    %and3A_601 = arith.constant 65535 : i32
    %and3A_602 = vector.broadcast %and3A_601 : i32 to vector<16xi32>
    %and3A_603 = arith.andi %get3A_600, %and3A_602 : vector<16xi32>
    %swap3A_604 = arith.constant 112 : index
    %swap3A_605 = tpu.vector_load %arg10[%swap3A_604] {strides = array<i32>} : memref<128xi32, #tpu.memory_space<vmem>>, vector<16xi32>,
    %swap3A_606 = vector.shape_cast %swap3A_605 : vector<16xi32> to vector<16xi32>
    %swap3A_607 = vector.shape_cast %and3A_603 : vector<16xi32> to vector<16xi32>
    tpu.vector_store %arg10[%swap3A_604], %swap3A_607 {strides = array<i32>} : memref<128xi32, #tpu.memory_space<vmem>>, vector<16xi32>,
    %shift_right_logical3A_608 = arith.constant 16 : i32
    %shift_right_logical3A_609 = vector.broadcast %shift_right_logical3A_608 : i32 to vector<16xi32>
    %shift_right_logical3A_610 = arith.shrui %get3A_600, %shift_right_logical3A_609 : vector<16xi32>
    %swap3A_611 = arith.constant 112 : index
    %swap3A_612 = tpu.vector_load %arg18[%swap3A_611] {strides = array<i32>} : memref<128xi32, #tpu.memory_space<vmem>>, vector<16xi32>,
    %swap3A_613 = vector.shape_cast %swap3A_612 : vector<16xi32> to vector<16xi32>
    %swap3A_614 = vector.shape_cast %shift_right_logical3A_610 : vector<16xi32> to vector<16xi32>
    tpu.vector_store %arg18[%swap3A_611], %swap3A_614 {strides = array<i32>} : memref<128xi32, #tpu.memory_space<vmem>>, vector<16xi32>,
    %dma_start3A_615 = arith.constant 0 : i32
    %dma_start3A_616 = arith.constant 0 : i32
    %dma_start3A_617 = tpu.memref_slice %arg2[%dma_start3A_615, %dma_start3A_616] : memref<10000x40xf32, #tpu.memory_space<hbm>> -> memref<10000x40xf32, #tpu.memory_space<hbm>>
    tpu.enqueue_indirect_dma source(%dma_start3A_617 : memref<10000x40xf32, #tpu.memory_space<hbm>>) target(%arg26 : memref<128x40xf32, #tpu.memory_space<vmem>>) offsets(%arg10 : memref<128xi32, #tpu.memory_space<vmem>>) semaphore(%arg35 : memref<!tpu.dma_semaphore, #tpu.memory_space<semaphore_mem>>)
    %get3A_618 = arith.constant 4 : i32
    %get3A_619 = arith.index_cast %get3A_618 : i32 to index
    %get3A_620 = arith.constant 0 : index
    %get3A_621 = tpu.vector_load %arg6[%get3A_619, %get3A_620] {strides = array<i32>} : memref<80x128xi32, #tpu.memory_space<vmem>>, vector<1x16xi32>,
    %get3A_622 = vector.shape_cast %get3A_621 : vector<1x16xi32> to vector<16xi32>
    %and3A_623 = arith.constant 65535 : i32
    %and3A_624 = vector.broadcast %and3A_623 : i32 to vector<16xi32>
    %and3A_625 = arith.andi %get3A_622, %and3A_624 : vector<16xi32>
    %swap3A_626 = arith.constant 0 : index
    %swap3A_627 = tpu.vector_load %arg11[%swap3A_626] {strides = array<i32>} : memref<128xi32, #tpu.memory_space<vmem>>, vector<16xi32>,
    %swap3A_628 = vector.shape_cast %swap3A_627 : vector<16xi32> to vector<16xi32>
    %swap3A_629 = vector.shape_cast %and3A_625 : vector<16xi32> to vector<16xi32>
    tpu.vector_store %arg11[%swap3A_626], %swap3A_629 {strides = array<i32>} : memref<128xi32, #tpu.memory_space<vmem>>, vector<16xi32>,
    %shift_right_logical3A_630 = arith.constant 16 : i32
    %shift_right_logical3A_631 = vector.broadcast %shift_right_logical3A_630 : i32 to vector<16xi32>
    %shift_right_logical3A_632 = arith.shrui %get3A_622, %shift_right_logical3A_631 : vector<16xi32>
    %swap3A_633 = arith.constant 0 : index
    %swap3A_634 = tpu.vector_load %arg19[%swap3A_633] {strides = array<i32>} : memref<128xi32, #tpu.memory_space<vmem>>, vector<16xi32>,
    %swap3A_635 = vector.shape_cast %swap3A_634 : vector<16xi32> to vector<16xi32>
    %swap3A_636 = vector.shape_cast %shift_right_logical3A_632 : vector<16xi32> to vector<16xi32>
    tpu.vector_store %arg19[%swap3A_633], %swap3A_636 {strides = array<i32>} : memref<128xi32, #tpu.memory_space<vmem>>, vector<16xi32>,
    %get3A_637 = arith.constant 4 : i32
    %get3A_638 = arith.index_cast %get3A_637 : i32 to index
    %get3A_639 = arith.constant 16 : index
    %get3A_640 = tpu.vector_load %arg6[%get3A_638, %get3A_639] {strides = array<i32>} : memref<80x128xi32, #tpu.memory_space<vmem>>, vector<1x16xi32>,
    %get3A_641 = vector.shape_cast %get3A_640 : vector<1x16xi32> to vector<16xi32>
    %and3A_642 = arith.constant 65535 : i32
    %and3A_643 = vector.broadcast %and3A_642 : i32 to vector<16xi32>
    %and3A_644 = arith.andi %get3A_641, %and3A_643 : vector<16xi32>
    %swap3A_645 = arith.constant 16 : index
    %swap3A_646 = tpu.vector_load %arg11[%swap3A_645] {strides = array<i32>} : memref<128xi32, #tpu.memory_space<vmem>>, vector<16xi32>,
    %swap3A_647 = vector.shape_cast %swap3A_646 : vector<16xi32> to vector<16xi32>
    %swap3A_648 = vector.shape_cast %and3A_644 : vector<16xi32> to vector<16xi32>
    tpu.vector_store %arg11[%swap3A_645], %swap3A_648 {strides = array<i32>} : memref<128xi32, #tpu.memory_space<vmem>>, vector<16xi32>,
    %shift_right_logical3A_649 = arith.constant 16 : i32
    %shift_right_logical3A_650 = vector.broadcast %shift_right_logical3A_649 : i32 to vector<16xi32>
    %shift_right_logical3A_651 = arith.shrui %get3A_641, %shift_right_logical3A_650 : vector<16xi32>
    %swap3A_652 = arith.constant 16 : index
    %swap3A_653 = tpu.vector_load %arg19[%swap3A_652] {strides = array<i32>} : memref<128xi32, #tpu.memory_space<vmem>>, vector<16xi32>,
    %swap3A_654 = vector.shape_cast %swap3A_653 : vector<16xi32> to vector<16xi32>
    %swap3A_655 = vector.shape_cast %shift_right_logical3A_651 : vector<16xi32> to vector<16xi32>
    tpu.vector_store %arg19[%swap3A_652], %swap3A_655 {strides = array<i32>} : memref<128xi32, #tpu.memory_space<vmem>>, vector<16xi32>,
    %get3A_656 = arith.constant 4 : i32
    %get3A_657 = arith.index_cast %get3A_656 : i32 to index
    %get3A_658 = arith.constant 32 : index
    %get3A_659 = tpu.vector_load %arg6[%get3A_657, %get3A_658] {strides = array<i32>} : memref<80x128xi32, #tpu.memory_space<vmem>>, vector<1x16xi32>,
    %get3A_660 = vector.shape_cast %get3A_659 : vector<1x16xi32> to vector<16xi32>
    %and3A_661 = arith.constant 65535 : i32
    %and3A_662 = vector.broadcast %and3A_661 : i32 to vector<16xi32>
    %and3A_663 = arith.andi %get3A_660, %and3A_662 : vector<16xi32>
    %swap3A_664 = arith.constant 32 : index
    %swap3A_665 = tpu.vector_load %arg11[%swap3A_664] {strides = array<i32>} : memref<128xi32, #tpu.memory_space<vmem>>, vector<16xi32>,
    %swap3A_666 = vector.shape_cast %swap3A_665 : vector<16xi32> to vector<16xi32>
    %swap3A_667 = vector.shape_cast %and3A_663 : vector<16xi32> to vector<16xi32>
    tpu.vector_store %arg11[%swap3A_664], %swap3A_667 {strides = array<i32>} : memref<128xi32, #tpu.memory_space<vmem>>, vector<16xi32>,
    %shift_right_logical3A_668 = arith.constant 16 : i32
    %shift_right_logical3A_669 = vector.broadcast %shift_right_logical3A_668 : i32 to vector<16xi32>
    %shift_right_logical3A_670 = arith.shrui %get3A_660, %shift_right_logical3A_669 : vector<16xi32>
    %swap3A_671 = arith.constant 32 : index
    %swap3A_672 = tpu.vector_load %arg19[%swap3A_671] {strides = array<i32>} : memref<128xi32, #tpu.memory_space<vmem>>, vector<16xi32>,
    %swap3A_673 = vector.shape_cast %swap3A_672 : vector<16xi32> to vector<16xi32>
    %swap3A_674 = vector.shape_cast %shift_right_logical3A_670 : vector<16xi32> to vector<16xi32>
    tpu.vector_store %arg19[%swap3A_671], %swap3A_674 {strides = array<i32>} : memref<128xi32, #tpu.memory_space<vmem>>, vector<16xi32>,
    %get3A_675 = arith.constant 4 : i32
    %get3A_676 = arith.index_cast %get3A_675 : i32 to index
    %get3A_677 = arith.constant 48 : index
    %get3A_678 = tpu.vector_load %arg6[%get3A_676, %get3A_677] {strides = array<i32>} : memref<80x128xi32, #tpu.memory_space<vmem>>, vector<1x16xi32>,
    %get3A_679 = vector.shape_cast %get3A_678 : vector<1x16xi32> to vector<16xi32>
    %and3A_680 = arith.constant 65535 : i32
    %and3A_681 = vector.broadcast %and3A_680 : i32 to vector<16xi32>
    %and3A_682 = arith.andi %get3A_679, %and3A_681 : vector<16xi32>
    %swap3A_683 = arith.constant 48 : index
    %swap3A_684 = tpu.vector_load %arg11[%swap3A_683] {strides = array<i32>} : memref<128xi32, #tpu.memory_space<vmem>>, vector<16xi32>,
    %swap3A_685 = vector.shape_cast %swap3A_684 : vector<16xi32> to vector<16xi32>
    %swap3A_686 = vector.shape_cast %and3A_682 : vector<16xi32> to vector<16xi32>
    tpu.vector_store %arg11[%swap3A_683], %swap3A_686 {strides = array<i32>} : memref<128xi32, #tpu.memory_space<vmem>>, vector<16xi32>,
    %shift_right_logical3A_687 = arith.constant 16 : i32
    %shift_right_logical3A_688 = vector.broadcast %shift_right_logical3A_687 : i32 to vector<16xi32>
    %shift_right_logical3A_689 = arith.shrui %get3A_679, %shift_right_logical3A_688 : vector<16xi32>
    %swap3A_690 = arith.constant 48 : index
    %swap3A_691 = tpu.vector_load %arg19[%swap3A_690] {strides = array<i32>} : memref<128xi32, #tpu.memory_space<vmem>>, vector<16xi32>,
    %swap3A_692 = vector.shape_cast %swap3A_691 : vector<16xi32> to vector<16xi32>
    %swap3A_693 = vector.shape_cast %shift_right_logical3A_689 : vector<16xi32> to vector<16xi32>
    tpu.vector_store %arg19[%swap3A_690], %swap3A_693 {strides = array<i32>} : memref<128xi32, #tpu.memory_space<vmem>>, vector<16xi32>,
    %get3A_694 = arith.constant 4 : i32
    %get3A_695 = arith.index_cast %get3A_694 : i32 to index
    %get3A_696 = arith.constant 64 : index
    %get3A_697 = tpu.vector_load %arg6[%get3A_695, %get3A_696] {strides = array<i32>} : memref<80x128xi32, #tpu.memory_space<vmem>>, vector<1x16xi32>,
    %get3A_698 = vector.shape_cast %get3A_697 : vector<1x16xi32> to vector<16xi32>
    %and3A_699 = arith.constant 65535 : i32
    %and3A_700 = vector.broadcast %and3A_699 : i32 to vector<16xi32>
    %and3A_701 = arith.andi %get3A_698, %and3A_700 : vector<16xi32>
    %swap3A_702 = arith.constant 64 : index
    %swap3A_703 = tpu.vector_load %arg11[%swap3A_702] {strides = array<i32>} : memref<128xi32, #tpu.memory_space<vmem>>, vector<16xi32>,
    %swap3A_704 = vector.shape_cast %swap3A_703 : vector<16xi32> to vector<16xi32>
    %swap3A_705 = vector.shape_cast %and3A_701 : vector<16xi32> to vector<16xi32>
    tpu.vector_store %arg11[%swap3A_702], %swap3A_705 {strides = array<i32>} : memref<128xi32, #tpu.memory_space<vmem>>, vector<16xi32>,
    %shift_right_logical3A_706 = arith.constant 16 : i32
    %shift_right_logical3A_707 = vector.broadcast %shift_right_logical3A_706 : i32 to vector<16xi32>
    %shift_right_logical3A_708 = arith.shrui %get3A_698, %shift_right_logical3A_707 : vector<16xi32>
    %swap3A_709 = arith.constant 64 : index
    %swap3A_710 = tpu.vector_load %arg19[%swap3A_709] {strides = array<i32>} : memref<128xi32, #tpu.memory_space<vmem>>, vector<16xi32>,
    %swap3A_711 = vector.shape_cast %swap3A_710 : vector<16xi32> to vector<16xi32>
    %swap3A_712 = vector.shape_cast %shift_right_logical3A_708 : vector<16xi32> to vector<16xi32>
    tpu.vector_store %arg19[%swap3A_709], %swap3A_712 {strides = array<i32>} : memref<128xi32, #tpu.memory_space<vmem>>, vector<16xi32>,
    %get3A_713 = arith.constant 4 : i32
    %get3A_714 = arith.index_cast %get3A_713 : i32 to index
    %get3A_715 = arith.constant 80 : index
    %get3A_716 = tpu.vector_load %arg6[%get3A_714, %get3A_715] {strides = array<i32>} : memref<80x128xi32, #tpu.memory_space<vmem>>, vector<1x16xi32>,
    %get3A_717 = vector.shape_cast %get3A_716 : vector<1x16xi32> to vector<16xi32>
    %and3A_718 = arith.constant 65535 : i32
    %and3A_719 = vector.broadcast %and3A_718 : i32 to vector<16xi32>
    %and3A_720 = arith.andi %get3A_717, %and3A_719 : vector<16xi32>
    %swap3A_721 = arith.constant 80 : index
    %swap3A_722 = tpu.vector_load %arg11[%swap3A_721] {strides = array<i32>} : memref<128xi32, #tpu.memory_space<vmem>>, vector<16xi32>,
    %swap3A_723 = vector.shape_cast %swap3A_722 : vector<16xi32> to vector<16xi32>
    %swap3A_724 = vector.shape_cast %and3A_720 : vector<16xi32> to vector<16xi32>
    tpu.vector_store %arg11[%swap3A_721], %swap3A_724 {strides = array<i32>} : memref<128xi32, #tpu.memory_space<vmem>>, vector<16xi32>,
    %shift_right_logical3A_725 = arith.constant 16 : i32
    %shift_right_logical3A_726 = vector.broadcast %shift_right_logical3A_725 : i32 to vector<16xi32>
    %shift_right_logical3A_727 = arith.shrui %get3A_717, %shift_right_logical3A_726 : vector<16xi32>
    %swap3A_728 = arith.constant 80 : index
    %swap3A_729 = tpu.vector_load %arg19[%swap3A_728] {strides = array<i32>} : memref<128xi32, #tpu.memory_space<vmem>>, vector<16xi32>,
    %swap3A_730 = vector.shape_cast %swap3A_729 : vector<16xi32> to vector<16xi32>
    %swap3A_731 = vector.shape_cast %shift_right_logical3A_727 : vector<16xi32> to vector<16xi32>
    tpu.vector_store %arg19[%swap3A_728], %swap3A_731 {strides = array<i32>} : memref<128xi32, #tpu.memory_space<vmem>>, vector<16xi32>,
    %get3A_732 = arith.constant 4 : i32
    %get3A_733 = arith.index_cast %get3A_732 : i32 to index
    %get3A_734 = arith.constant 96 : index
    %get3A_735 = tpu.vector_load %arg6[%get3A_733, %get3A_734] {strides = array<i32>} : memref<80x128xi32, #tpu.memory_space<vmem>>, vector<1x16xi32>,
    %get3A_736 = vector.shape_cast %get3A_735 : vector<1x16xi32> to vector<16xi32>
    %and3A_737 = arith.constant 65535 : i32
    %and3A_738 = vector.broadcast %and3A_737 : i32 to vector<16xi32>
    %and3A_739 = arith.andi %get3A_736, %and3A_738 : vector<16xi32>
    %swap3A_740 = arith.constant 96 : index
    %swap3A_741 = tpu.vector_load %arg11[%swap3A_740] {strides = array<i32>} : memref<128xi32, #tpu.memory_space<vmem>>, vector<16xi32>,
    %swap3A_742 = vector.shape_cast %swap3A_741 : vector<16xi32> to vector<16xi32>
    %swap3A_743 = vector.shape_cast %and3A_739 : vector<16xi32> to vector<16xi32>
    tpu.vector_store %arg11[%swap3A_740], %swap3A_743 {strides = array<i32>} : memref<128xi32, #tpu.memory_space<vmem>>, vector<16xi32>,
    %shift_right_logical3A_744 = arith.constant 16 : i32
    %shift_right_logical3A_745 = vector.broadcast %shift_right_logical3A_744 : i32 to vector<16xi32>
    %shift_right_logical3A_746 = arith.shrui %get3A_736, %shift_right_logical3A_745 : vector<16xi32>
    %swap3A_747 = arith.constant 96 : index
    %swap3A_748 = tpu.vector_load %arg19[%swap3A_747] {strides = array<i32>} : memref<128xi32, #tpu.memory_space<vmem>>, vector<16xi32>,
    %swap3A_749 = vector.shape_cast %swap3A_748 : vector<16xi32> to vector<16xi32>
    %swap3A_750 = vector.shape_cast %shift_right_logical3A_746 : vector<16xi32> to vector<16xi32>
    tpu.vector_store %arg19[%swap3A_747], %swap3A_750 {strides = array<i32>} : memref<128xi32, #tpu.memory_space<vmem>>, vector<16xi32>,
    %get3A_751 = arith.constant 4 : i32
    %get3A_752 = arith.index_cast %get3A_751 : i32 to index
    %get3A_753 = arith.constant 112 : index
    %get3A_754 = tpu.vector_load %arg6[%get3A_752, %get3A_753] {strides = array<i32>} : memref<80x128xi32, #tpu.memory_space<vmem>>, vector<1x16xi32>,
    %get3A_755 = vector.shape_cast %get3A_754 : vector<1x16xi32> to vector<16xi32>
    %and3A_756 = arith.constant 65535 : i32
    %and3A_757 = vector.broadcast %and3A_756 : i32 to vector<16xi32>
    %and3A_758 = arith.andi %get3A_755, %and3A_757 : vector<16xi32>
    %swap3A_759 = arith.constant 112 : index
    %swap3A_760 = tpu.vector_load %arg11[%swap3A_759] {strides = array<i32>} : memref<128xi32, #tpu.memory_space<vmem>>, vector<16xi32>,
    %swap3A_761 = vector.shape_cast %swap3A_760 : vector<16xi32> to vector<16xi32>
    %swap3A_762 = vector.shape_cast %and3A_758 : vector<16xi32> to vector<16xi32>
    tpu.vector_store %arg11[%swap3A_759], %swap3A_762 {strides = array<i32>} : memref<128xi32, #tpu.memory_space<vmem>>, vector<16xi32>,
    %shift_right_logical3A_763 = arith.constant 16 : i32
    %shift_right_logical3A_764 = vector.broadcast %shift_right_logical3A_763 : i32 to vector<16xi32>
    %shift_right_logical3A_765 = arith.shrui %get3A_755, %shift_right_logical3A_764 : vector<16xi32>
    %swap3A_766 = arith.constant 112 : index
    %swap3A_767 = tpu.vector_load %arg19[%swap3A_766] {strides = array<i32>} : memref<128xi32, #tpu.memory_space<vmem>>, vector<16xi32>,
    %swap3A_768 = vector.shape_cast %swap3A_767 : vector<16xi32> to vector<16xi32>
    %swap3A_769 = vector.shape_cast %shift_right_logical3A_765 : vector<16xi32> to vector<16xi32>
    tpu.vector_store %arg19[%swap3A_766], %swap3A_769 {strides = array<i32>} : memref<128xi32, #tpu.memory_space<vmem>>, vector<16xi32>,
    %dma_start3A_770 = arith.constant 0 : i32
    %dma_start3A_771 = arith.constant 0 : i32
    %dma_start3A_772 = tpu.memref_slice %arg2[%dma_start3A_770, %dma_start3A_771] : memref<10000x40xf32, #tpu.memory_space<hbm>> -> memref<10000x40xf32, #tpu.memory_space<hbm>>
    tpu.enqueue_indirect_dma source(%dma_start3A_772 : memref<10000x40xf32, #tpu.memory_space<hbm>>) target(%arg27 : memref<128x40xf32, #tpu.memory_space<vmem>>) offsets(%arg11 : memref<128xi32, #tpu.memory_space<vmem>>) semaphore(%arg36 : memref<!tpu.dma_semaphore, #tpu.memory_space<semaphore_mem>>)
    %get3A_773 = arith.constant 5 : i32
    %get3A_774 = arith.index_cast %get3A_773 : i32 to index
    %get3A_775 = arith.constant 0 : index
    %get3A_776 = tpu.vector_load %arg6[%get3A_774, %get3A_775] {strides = array<i32>} : memref<80x128xi32, #tpu.memory_space<vmem>>, vector<1x16xi32>,
    %get3A_777 = vector.shape_cast %get3A_776 : vector<1x16xi32> to vector<16xi32>
    %and3A_778 = arith.constant 65535 : i32
    %and3A_779 = vector.broadcast %and3A_778 : i32 to vector<16xi32>
    %and3A_780 = arith.andi %get3A_777, %and3A_779 : vector<16xi32>
    %swap3A_781 = arith.constant 0 : index
    %swap3A_782 = tpu.vector_load %arg12[%swap3A_781] {strides = array<i32>} : memref<128xi32, #tpu.memory_space<vmem>>, vector<16xi32>,
    %swap3A_783 = vector.shape_cast %swap3A_782 : vector<16xi32> to vector<16xi32>
    %swap3A_784 = vector.shape_cast %and3A_780 : vector<16xi32> to vector<16xi32>
    tpu.vector_store %arg12[%swap3A_781], %swap3A_784 {strides = array<i32>} : memref<128xi32, #tpu.memory_space<vmem>>, vector<16xi32>,
    %shift_right_logical3A_785 = arith.constant 16 : i32
    %shift_right_logical3A_786 = vector.broadcast %shift_right_logical3A_785 : i32 to vector<16xi32>
    %shift_right_logical3A_787 = arith.shrui %get3A_777, %shift_right_logical3A_786 : vector<16xi32>
    %swap3A_788 = arith.constant 0 : index
    %swap3A_789 = tpu.vector_load %arg20[%swap3A_788] {strides = array<i32>} : memref<128xi32, #tpu.memory_space<vmem>>, vector<16xi32>,
    %swap3A_790 = vector.shape_cast %swap3A_789 : vector<16xi32> to vector<16xi32>
    %swap3A_791 = vector.shape_cast %shift_right_logical3A_787 : vector<16xi32> to vector<16xi32>
    tpu.vector_store %arg20[%swap3A_788], %swap3A_791 {strides = array<i32>} : memref<128xi32, #tpu.memory_space<vmem>>, vector<16xi32>,
    %get3A_792 = arith.constant 5 : i32
    %get3A_793 = arith.index_cast %get3A_792 : i32 to index
    %get3A_794 = arith.constant 16 : index
    %get3A_795 = tpu.vector_load %arg6[%get3A_793, %get3A_794] {strides = array<i32>} : memref<80x128xi32, #tpu.memory_space<vmem>>, vector<1x16xi32>,
    %get3A_796 = vector.shape_cast %get3A_795 : vector<1x16xi32> to vector<16xi32>
    %and3A_797 = arith.constant 65535 : i32
    %and3A_798 = vector.broadcast %and3A_797 : i32 to vector<16xi32>
    %and3A_799 = arith.andi %get3A_796, %and3A_798 : vector<16xi32>
    %swap3A_800 = arith.constant 16 : index
    %swap3A_801 = tpu.vector_load %arg12[%swap3A_800] {strides = array<i32>} : memref<128xi32, #tpu.memory_space<vmem>>, vector<16xi32>,
    %swap3A_802 = vector.shape_cast %swap3A_801 : vector<16xi32> to vector<16xi32>
    %swap3A_803 = vector.shape_cast %and3A_799 : vector<16xi32> to vector<16xi32>
    tpu.vector_store %arg12[%swap3A_800], %swap3A_803 {strides = array<i32>} : memref<128xi32, #tpu.memory_space<vmem>>, vector<16xi32>,
    %shift_right_logical3A_804 = arith.constant 16 : i32
    %shift_right_logical3A_805 = vector.broadcast %shift_right_logical3A_804 : i32 to vector<16xi32>
    %shift_right_logical3A_806 = arith.shrui %get3A_796, %shift_right_logical3A_805 : vector<16xi32>
    %swap3A_807 = arith.constant 16 : index
    %swap3A_808 = tpu.vector_load %arg20[%swap3A_807] {strides = array<i32>} : memref<128xi32, #tpu.memory_space<vmem>>, vector<16xi32>,
    %swap3A_809 = vector.shape_cast %swap3A_808 : vector<16xi32> to vector<16xi32>
    %swap3A_810 = vector.shape_cast %shift_right_logical3A_806 : vector<16xi32> to vector<16xi32>
    tpu.vector_store %arg20[%swap3A_807], %swap3A_810 {strides = array<i32>} : memref<128xi32, #tpu.memory_space<vmem>>, vector<16xi32>,
    %get3A_811 = arith.constant 5 : i32
    %get3A_812 = arith.index_cast %get3A_811 : i32 to index
    %get3A_813 = arith.constant 32 : index
    %get3A_814 = tpu.vector_load %arg6[%get3A_812, %get3A_813] {strides = array<i32>} : memref<80x128xi32, #tpu.memory_space<vmem>>, vector<1x16xi32>,
    %get3A_815 = vector.shape_cast %get3A_814 : vector<1x16xi32> to vector<16xi32>
    %and3A_816 = arith.constant 65535 : i32
    %and3A_817 = vector.broadcast %and3A_816 : i32 to vector<16xi32>
    %and3A_818 = arith.andi %get3A_815, %and3A_817 : vector<16xi32>
    %swap3A_819 = arith.constant 32 : index
    %swap3A_820 = tpu.vector_load %arg12[%swap3A_819] {strides = array<i32>} : memref<128xi32, #tpu.memory_space<vmem>>, vector<16xi32>,
    %swap3A_821 = vector.shape_cast %swap3A_820 : vector<16xi32> to vector<16xi32>
    %swap3A_822 = vector.shape_cast %and3A_818 : vector<16xi32> to vector<16xi32>
    tpu.vector_store %arg12[%swap3A_819], %swap3A_822 {strides = array<i32>} : memref<128xi32, #tpu.memory_space<vmem>>, vector<16xi32>,
    %shift_right_logical3A_823 = arith.constant 16 : i32
    %shift_right_logical3A_824 = vector.broadcast %shift_right_logical3A_823 : i32 to vector<16xi32>
    %shift_right_logical3A_825 = arith.shrui %get3A_815, %shift_right_logical3A_824 : vector<16xi32>
    %swap3A_826 = arith.constant 32 : index
    %swap3A_827 = tpu.vector_load %arg20[%swap3A_826] {strides = array<i32>} : memref<128xi32, #tpu.memory_space<vmem>>, vector<16xi32>,
    %swap3A_828 = vector.shape_cast %swap3A_827 : vector<16xi32> to vector<16xi32>
    %swap3A_829 = vector.shape_cast %shift_right_logical3A_825 : vector<16xi32> to vector<16xi32>
    tpu.vector_store %arg20[%swap3A_826], %swap3A_829 {strides = array<i32>} : memref<128xi32, #tpu.memory_space<vmem>>, vector<16xi32>,
    %get3A_830 = arith.constant 5 : i32
    %get3A_831 = arith.index_cast %get3A_830 : i32 to index
    %get3A_832 = arith.constant 48 : index
    %get3A_833 = tpu.vector_load %arg6[%get3A_831, %get3A_832] {strides = array<i32>} : memref<80x128xi32, #tpu.memory_space<vmem>>, vector<1x16xi32>,
    %get3A_834 = vector.shape_cast %get3A_833 : vector<1x16xi32> to vector<16xi32>
    %and3A_835 = arith.constant 65535 : i32
    %and3A_836 = vector.broadcast %and3A_835 : i32 to vector<16xi32>
    %and3A_837 = arith.andi %get3A_834, %and3A_836 : vector<16xi32>
    %swap3A_838 = arith.constant 48 : index
    %swap3A_839 = tpu.vector_load %arg12[%swap3A_838] {strides = array<i32>} : memref<128xi32, #tpu.memory_space<vmem>>, vector<16xi32>,
    %swap3A_840 = vector.shape_cast %swap3A_839 : vector<16xi32> to vector<16xi32>
    %swap3A_841 = vector.shape_cast %and3A_837 : vector<16xi32> to vector<16xi32>
    tpu.vector_store %arg12[%swap3A_838], %swap3A_841 {strides = array<i32>} : memref<128xi32, #tpu.memory_space<vmem>>, vector<16xi32>,
    %shift_right_logical3A_842 = arith.constant 16 : i32
    %shift_right_logical3A_843 = vector.broadcast %shift_right_logical3A_842 : i32 to vector<16xi32>
    %shift_right_logical3A_844 = arith.shrui %get3A_834, %shift_right_logical3A_843 : vector<16xi32>
    %swap3A_845 = arith.constant 48 : index
    %swap3A_846 = tpu.vector_load %arg20[%swap3A_845] {strides = array<i32>} : memref<128xi32, #tpu.memory_space<vmem>>, vector<16xi32>,
    %swap3A_847 = vector.shape_cast %swap3A_846 : vector<16xi32> to vector<16xi32>
    %swap3A_848 = vector.shape_cast %shift_right_logical3A_844 : vector<16xi32> to vector<16xi32>
    tpu.vector_store %arg20[%swap3A_845], %swap3A_848 {strides = array<i32>} : memref<128xi32, #tpu.memory_space<vmem>>, vector<16xi32>,
    %get3A_849 = arith.constant 5 : i32
    %get3A_850 = arith.index_cast %get3A_849 : i32 to index
    %get3A_851 = arith.constant 64 : index
    %get3A_852 = tpu.vector_load %arg6[%get3A_850, %get3A_851] {strides = array<i32>} : memref<80x128xi32, #tpu.memory_space<vmem>>, vector<1x16xi32>,
    %get3A_853 = vector.shape_cast %get3A_852 : vector<1x16xi32> to vector<16xi32>
    %and3A_854 = arith.constant 65535 : i32
    %and3A_855 = vector.broadcast %and3A_854 : i32 to vector<16xi32>
    %and3A_856 = arith.andi %get3A_853, %and3A_855 : vector<16xi32>
    %swap3A_857 = arith.constant 64 : index
    %swap3A_858 = tpu.vector_load %arg12[%swap3A_857] {strides = array<i32>} : memref<128xi32, #tpu.memory_space<vmem>>, vector<16xi32>,
    %swap3A_859 = vector.shape_cast %swap3A_858 : vector<16xi32> to vector<16xi32>
    %swap3A_860 = vector.shape_cast %and3A_856 : vector<16xi32> to vector<16xi32>
    tpu.vector_store %arg12[%swap3A_857], %swap3A_860 {strides = array<i32>} : memref<128xi32, #tpu.memory_space<vmem>>, vector<16xi32>,
    %shift_right_logical3A_861 = arith.constant 16 : i32
    %shift_right_logical3A_862 = vector.broadcast %shift_right_logical3A_861 : i32 to vector<16xi32>
    %shift_right_logical3A_863 = arith.shrui %get3A_853, %shift_right_logical3A_862 : vector<16xi32>
    %swap3A_864 = arith.constant 64 : index
    %swap3A_865 = tpu.vector_load %arg20[%swap3A_864] {strides = array<i32>} : memref<128xi32, #tpu.memory_space<vmem>>, vector<16xi32>,
    %swap3A_866 = vector.shape_cast %swap3A_865 : vector<16xi32> to vector<16xi32>
    %swap3A_867 = vector.shape_cast %shift_right_logical3A_863 : vector<16xi32> to vector<16xi32>
    tpu.vector_store %arg20[%swap3A_864], %swap3A_867 {strides = array<i32>} : memref<128xi32, #tpu.memory_space<vmem>>, vector<16xi32>,
    %get3A_868 = arith.constant 5 : i32
    %get3A_869 = arith.index_cast %get3A_868 : i32 to index
    %get3A_870 = arith.constant 80 : index
    %get3A_871 = tpu.vector_load %arg6[%get3A_869, %get3A_870] {strides = array<i32>} : memref<80x128xi32, #tpu.memory_space<vmem>>, vector<1x16xi32>,
    %get3A_872 = vector.shape_cast %get3A_871 : vector<1x16xi32> to vector<16xi32>
    %and3A_873 = arith.constant 65535 : i32
    %and3A_874 = vector.broadcast %and3A_873 : i32 to vector<16xi32>
    %and3A_875 = arith.andi %get3A_872, %and3A_874 : vector<16xi32>
    %swap3A_876 = arith.constant 80 : index
    %swap3A_877 = tpu.vector_load %arg12[%swap3A_876] {strides = array<i32>} : memref<128xi32, #tpu.memory_space<vmem>>, vector<16xi32>,
    %swap3A_878 = vector.shape_cast %swap3A_877 : vector<16xi32> to vector<16xi32>
    %swap3A_879 = vector.shape_cast %and3A_875 : vector<16xi32> to vector<16xi32>
    tpu.vector_store %arg12[%swap3A_876], %swap3A_879 {strides = array<i32>} : memref<128xi32, #tpu.memory_space<vmem>>, vector<16xi32>,
    %shift_right_logical3A_880 = arith.constant 16 : i32
    %shift_right_logical3A_881 = vector.broadcast %shift_right_logical3A_880 : i32 to vector<16xi32>
    %shift_right_logical3A_882 = arith.shrui %get3A_872, %shift_right_logical3A_881 : vector<16xi32>
    %swap3A_883 = arith.constant 80 : index
    %swap3A_884 = tpu.vector_load %arg20[%swap3A_883] {strides = array<i32>} : memref<128xi32, #tpu.memory_space<vmem>>, vector<16xi32>,
    %swap3A_885 = vector.shape_cast %swap3A_884 : vector<16xi32> to vector<16xi32>
    %swap3A_886 = vector.shape_cast %shift_right_logical3A_882 : vector<16xi32> to vector<16xi32>
    tpu.vector_store %arg20[%swap3A_883], %swap3A_886 {strides = array<i32>} : memref<128xi32, #tpu.memory_space<vmem>>, vector<16xi32>,
    %get3A_887 = arith.constant 5 : i32
    %get3A_888 = arith.index_cast %get3A_887 : i32 to index
    %get3A_889 = arith.constant 96 : index
    %get3A_890 = tpu.vector_load %arg6[%get3A_888, %get3A_889] {strides = array<i32>} : memref<80x128xi32, #tpu.memory_space<vmem>>, vector<1x16xi32>,
    %get3A_891 = vector.shape_cast %get3A_890 : vector<1x16xi32> to vector<16xi32>
    %and3A_892 = arith.constant 65535 : i32
    %and3A_893 = vector.broadcast %and3A_892 : i32 to vector<16xi32>
    %and3A_894 = arith.andi %get3A_891, %and3A_893 : vector<16xi32>
    %swap3A_895 = arith.constant 96 : index
    %swap3A_896 = tpu.vector_load %arg12[%swap3A_895] {strides = array<i32>} : memref<128xi32, #tpu.memory_space<vmem>>, vector<16xi32>,
    %swap3A_897 = vector.shape_cast %swap3A_896 : vector<16xi32> to vector<16xi32>
    %swap3A_898 = vector.shape_cast %and3A_894 : vector<16xi32> to vector<16xi32>
    tpu.vector_store %arg12[%swap3A_895], %swap3A_898 {strides = array<i32>} : memref<128xi32, #tpu.memory_space<vmem>>, vector<16xi32>,
    %shift_right_logical3A_899 = arith.constant 16 : i32
    %shift_right_logical3A_900 = vector.broadcast %shift_right_logical3A_899 : i32 to vector<16xi32>
    %shift_right_logical3A_901 = arith.shrui %get3A_891, %shift_right_logical3A_900 : vector<16xi32>
    %swap3A_902 = arith.constant 96 : index
    %swap3A_903 = tpu.vector_load %arg20[%swap3A_902] {strides = array<i32>} : memref<128xi32, #tpu.memory_space<vmem>>, vector<16xi32>,
    %swap3A_904 = vector.shape_cast %swap3A_903 : vector<16xi32> to vector<16xi32>
    %swap3A_905 = vector.shape_cast %shift_right_logical3A_901 : vector<16xi32> to vector<16xi32>
    tpu.vector_store %arg20[%swap3A_902], %swap3A_905 {strides = array<i32>} : memref<128xi32, #tpu.memory_space<vmem>>, vector<16xi32>,
    %get3A_906 = arith.constant 5 : i32
    %get3A_907 = arith.index_cast %get3A_906 : i32 to index
    %get3A_908 = arith.constant 112 : index
    %get3A_909 = tpu.vector_load %arg6[%get3A_907, %get3A_908] {strides = array<i32>} : memref<80x128xi32, #tpu.memory_space<vmem>>, vector<1x16xi32>,
    %get3A_910 = vector.shape_cast %get3A_909 : vector<1x16xi32> to vector<16xi32>
    %and3A_911 = arith.constant 65535 : i32
    %and3A_912 = vector.broadcast %and3A_911 : i32 to vector<16xi32>
    %and3A_913 = arith.andi %get3A_910, %and3A_912 : vector<16xi32>
    %swap3A_914 = arith.constant 112 : index
    %swap3A_915 = tpu.vector_load %arg12[%swap3A_914] {strides = array<i32>} : memref<128xi32, #tpu.memory_space<vmem>>, vector<16xi32>,
    %swap3A_916 = vector.shape_cast %swap3A_915 : vector<16xi32> to vector<16xi32>
    %swap3A_917 = vector.shape_cast %and3A_913 : vector<16xi32> to vector<16xi32>
    tpu.vector_store %arg12[%swap3A_914], %swap3A_917 {strides = array<i32>} : memref<128xi32, #tpu.memory_space<vmem>>, vector<16xi32>,
    %shift_right_logical3A_918 = arith.constant 16 : i32
    %shift_right_logical3A_919 = vector.broadcast %shift_right_logical3A_918 : i32 to vector<16xi32>
    %shift_right_logical3A_920 = arith.shrui %get3A_910, %shift_right_logical3A_919 : vector<16xi32>
    %swap3A_921 = arith.constant 112 : index
    %swap3A_922 = tpu.vector_load %arg20[%swap3A_921] {strides = array<i32>} : memref<128xi32, #tpu.memory_space<vmem>>, vector<16xi32>,
    %swap3A_923 = vector.shape_cast %swap3A_922 : vector<16xi32> to vector<16xi32>
    %swap3A_924 = vector.shape_cast %shift_right_logical3A_920 : vector<16xi32> to vector<16xi32>
    tpu.vector_store %arg20[%swap3A_921], %swap3A_924 {strides = array<i32>} : memref<128xi32, #tpu.memory_space<vmem>>, vector<16xi32>,
    %dma_start3A_925 = arith.constant 0 : i32
    %dma_start3A_926 = arith.constant 0 : i32
    %dma_start3A_927 = tpu.memref_slice %arg2[%dma_start3A_925, %dma_start3A_926] : memref<10000x40xf32, #tpu.memory_space<hbm>> -> memref<10000x40xf32, #tpu.memory_space<hbm>>
    tpu.enqueue_indirect_dma source(%dma_start3A_927 : memref<10000x40xf32, #tpu.memory_space<hbm>>) target(%arg28 : memref<128x40xf32, #tpu.memory_space<vmem>>) offsets(%arg12 : memref<128xi32, #tpu.memory_space<vmem>>) semaphore(%arg37 : memref<!tpu.dma_semaphore, #tpu.memory_space<semaphore_mem>>)
    %get3A_928 = arith.constant 6 : i32
    %get3A_929 = arith.index_cast %get3A_928 : i32 to index
    %get3A_930 = arith.constant 0 : index
    %get3A_931 = tpu.vector_load %arg6[%get3A_929, %get3A_930] {strides = array<i32>} : memref<80x128xi32, #tpu.memory_space<vmem>>, vector<1x16xi32>,
    %get3A_932 = vector.shape_cast %get3A_931 : vector<1x16xi32> to vector<16xi32>
    %and3A_933 = arith.constant 65535 : i32
    %and3A_934 = vector.broadcast %and3A_933 : i32 to vector<16xi32>
    %and3A_935 = arith.andi %get3A_932, %and3A_934 : vector<16xi32>
    %swap3A_936 = arith.constant 0 : index
    %swap3A_937 = tpu.vector_load %arg13[%swap3A_936] {strides = array<i32>} : memref<128xi32, #tpu.memory_space<vmem>>, vector<16xi32>,
    %swap3A_938 = vector.shape_cast %swap3A_937 : vector<16xi32> to vector<16xi32>
    %swap3A_939 = vector.shape_cast %and3A_935 : vector<16xi32> to vector<16xi32>
    tpu.vector_store %arg13[%swap3A_936], %swap3A_939 {strides = array<i32>} : memref<128xi32, #tpu.memory_space<vmem>>, vector<16xi32>,
    %shift_right_logical3A_940 = arith.constant 16 : i32
    %shift_right_logical3A_941 = vector.broadcast %shift_right_logical3A_940 : i32 to vector<16xi32>
    %shift_right_logical3A_942 = arith.shrui %get3A_932, %shift_right_logical3A_941 : vector<16xi32>
    %swap3A_943 = arith.constant 0 : index
    %swap3A_944 = tpu.vector_load %arg21[%swap3A_943] {strides = array<i32>} : memref<128xi32, #tpu.memory_space<vmem>>, vector<16xi32>,
    %swap3A_945 = vector.shape_cast %swap3A_944 : vector<16xi32> to vector<16xi32>
    %swap3A_946 = vector.shape_cast %shift_right_logical3A_942 : vector<16xi32> to vector<16xi32>
    tpu.vector_store %arg21[%swap3A_943], %swap3A_946 {strides = array<i32>} : memref<128xi32, #tpu.memory_space<vmem>>, vector<16xi32>,
    %get3A_947 = arith.constant 6 : i32
    %get3A_948 = arith.index_cast %get3A_947 : i32 to index
    %get3A_949 = arith.constant 16 : index
    %get3A_950 = tpu.vector_load %arg6[%get3A_948, %get3A_949] {strides = array<i32>} : memref<80x128xi32, #tpu.memory_space<vmem>>, vector<1x16xi32>,
    %get3A_951 = vector.shape_cast %get3A_950 : vector<1x16xi32> to vector<16xi32>
    %and3A_952 = arith.constant 65535 : i32
    %and3A_953 = vector.broadcast %and3A_952 : i32 to vector<16xi32>
    %and3A_954 = arith.andi %get3A_951, %and3A_953 : vector<16xi32>
    %swap3A_955 = arith.constant 16 : index
    %swap3A_956 = tpu.vector_load %arg13[%swap3A_955] {strides = array<i32>} : memref<128xi32, #tpu.memory_space<vmem>>, vector<16xi32>,
    %swap3A_957 = vector.shape_cast %swap3A_956 : vector<16xi32> to vector<16xi32>
    %swap3A_958 = vector.shape_cast %and3A_954 : vector<16xi32> to vector<16xi32>
    tpu.vector_store %arg13[%swap3A_955], %swap3A_958 {strides = array<i32>} : memref<128xi32, #tpu.memory_space<vmem>>, vector<16xi32>,
    %shift_right_logical3A_959 = arith.constant 16 : i32
    %shift_right_logical3A_960 = vector.broadcast %shift_right_logical3A_959 : i32 to vector<16xi32>
    %shift_right_logical3A_961 = arith.shrui %get3A_951, %shift_right_logical3A_960 : vector<16xi32>
    %swap3A_962 = arith.constant 16 : index
    %swap3A_963 = tpu.vector_load %arg21[%swap3A_962] {strides = array<i32>} : memref<128xi32, #tpu.memory_space<vmem>>, vector<16xi32>,
    %swap3A_964 = vector.shape_cast %swap3A_963 : vector<16xi32> to vector<16xi32>
    %swap3A_965 = vector.shape_cast %shift_right_logical3A_961 : vector<16xi32> to vector<16xi32>
    tpu.vector_store %arg21[%swap3A_962], %swap3A_965 {strides = array<i32>} : memref<128xi32, #tpu.memory_space<vmem>>, vector<16xi32>,
    %get3A_966 = arith.constant 6 : i32
    %get3A_967 = arith.index_cast %get3A_966 : i32 to index
    %get3A_968 = arith.constant 32 : index
    %get3A_969 = tpu.vector_load %arg6[%get3A_967, %get3A_968] {strides = array<i32>} : memref<80x128xi32, #tpu.memory_space<vmem>>, vector<1x16xi32>,
    %get3A_970 = vector.shape_cast %get3A_969 : vector<1x16xi32> to vector<16xi32>
    %and3A_971 = arith.constant 65535 : i32
    %and3A_972 = vector.broadcast %and3A_971 : i32 to vector<16xi32>
    %and3A_973 = arith.andi %get3A_970, %and3A_972 : vector<16xi32>
    %swap3A_974 = arith.constant 32 : index
    %swap3A_975 = tpu.vector_load %arg13[%swap3A_974] {strides = array<i32>} : memref<128xi32, #tpu.memory_space<vmem>>, vector<16xi32>,
    %swap3A_976 = vector.shape_cast %swap3A_975 : vector<16xi32> to vector<16xi32>
    %swap3A_977 = vector.shape_cast %and3A_973 : vector<16xi32> to vector<16xi32>
    tpu.vector_store %arg13[%swap3A_974], %swap3A_977 {strides = array<i32>} : memref<128xi32, #tpu.memory_space<vmem>>, vector<16xi32>,
    %shift_right_logical3A_978 = arith.constant 16 : i32
    %shift_right_logical3A_979 = vector.broadcast %shift_right_logical3A_978 : i32 to vector<16xi32>
    %shift_right_logical3A_980 = arith.shrui %get3A_970, %shift_right_logical3A_979 : vector<16xi32>
    %swap3A_981 = arith.constant 32 : index
    %swap3A_982 = tpu.vector_load %arg21[%swap3A_981] {strides = array<i32>} : memref<128xi32, #tpu.memory_space<vmem>>, vector<16xi32>,
    %swap3A_983 = vector.shape_cast %swap3A_982 : vector<16xi32> to vector<16xi32>
    %swap3A_984 = vector.shape_cast %shift_right_logical3A_980 : vector<16xi32> to vector<16xi32>
    tpu.vector_store %arg21[%swap3A_981], %swap3A_984 {strides = array<i32>} : memref<128xi32, #tpu.memory_space<vmem>>, vector<16xi32>,
    %get3A_985 = arith.constant 6 : i32
    %get3A_986 = arith.index_cast %get3A_985 : i32 to index
    %get3A_987 = arith.constant 48 : index
    %get3A_988 = tpu.vector_load %arg6[%get3A_986, %get3A_987] {strides = array<i32>} : memref<80x128xi32, #tpu.memory_space<vmem>>, vector<1x16xi32>,
    %get3A_989 = vector.shape_cast %get3A_988 : vector<1x16xi32> to vector<16xi32>
    %and3A_990 = arith.constant 65535 : i32
    %and3A_991 = vector.broadcast %and3A_990 : i32 to vector<16xi32>
    %and3A_992 = arith.andi %get3A_989, %and3A_991 : vector<16xi32>
    %swap3A_993 = arith.constant 48 : index
    %swap3A_994 = tpu.vector_load %arg13[%swap3A_993] {strides = array<i32>} : memref<128xi32, #tpu.memory_space<vmem>>, vector<16xi32>,
    %swap3A_995 = vector.shape_cast %swap3A_994 : vector<16xi32> to vector<16xi32>
    %swap3A_996 = vector.shape_cast %and3A_992 : vector<16xi32> to vector<16xi32>
    tpu.vector_store %arg13[%swap3A_993], %swap3A_996 {strides = array<i32>} : memref<128xi32, #tpu.memory_space<vmem>>, vector<16xi32>,
    %shift_right_logical3A_997 = arith.constant 16 : i32
    %shift_right_logical3A_998 = vector.broadcast %shift_right_logical3A_997 : i32 to vector<16xi32>
    %shift_right_logical3A_999 = arith.shrui %get3A_989, %shift_right_logical3A_998 : vector<16xi32>
    %swap3A_1000 = arith.constant 48 : index
    %swap3A_1001 = tpu.vector_load %arg21[%swap3A_1000] {strides = array<i32>} : memref<128xi32, #tpu.memory_space<vmem>>, vector<16xi32>,
    %swap3A_1002 = vector.shape_cast %swap3A_1001 : vector<16xi32> to vector<16xi32>
    %swap3A_1003 = vector.shape_cast %shift_right_logical3A_999 : vector<16xi32> to vector<16xi32>
    tpu.vector_store %arg21[%swap3A_1000], %swap3A_1003 {strides = array<i32>} : memref<128xi32, #tpu.memory_space<vmem>>, vector<16xi32>,
    %get3A_1004 = arith.constant 6 : i32
    %get3A_1005 = arith.index_cast %get3A_1004 : i32 to index
    %get3A_1006 = arith.constant 64 : index
    %get3A_1007 = tpu.vector_load %arg6[%get3A_1005, %get3A_1006] {strides = array<i32>} : memref<80x128xi32, #tpu.memory_space<vmem>>, vector<1x16xi32>,
    %get3A_1008 = vector.shape_cast %get3A_1007 : vector<1x16xi32> to vector<16xi32>
    %and3A_1009 = arith.constant 65535 : i32
    %and3A_1010 = vector.broadcast %and3A_1009 : i32 to vector<16xi32>
    %and3A_1011 = arith.andi %get3A_1008, %and3A_1010 : vector<16xi32>
    %swap3A_1012 = arith.constant 64 : index
    %swap3A_1013 = tpu.vector_load %arg13[%swap3A_1012] {strides = array<i32>} : memref<128xi32, #tpu.memory_space<vmem>>, vector<16xi32>,
    %swap3A_1014 = vector.shape_cast %swap3A_1013 : vector<16xi32> to vector<16xi32>
    %swap3A_1015 = vector.shape_cast %and3A_1011 : vector<16xi32> to vector<16xi32>
    tpu.vector_store %arg13[%swap3A_1012], %swap3A_1015 {strides = array<i32>} : memref<128xi32, #tpu.memory_space<vmem>>, vector<16xi32>,
    %shift_right_logical3A_1016 = arith.constant 16 : i32
    %shift_right_logical3A_1017 = vector.broadcast %shift_right_logical3A_1016 : i32 to vector<16xi32>
    %shift_right_logical3A_1018 = arith.shrui %get3A_1008, %shift_right_logical3A_1017 : vector<16xi32>
    %swap3A_1019 = arith.constant 64 : index
    %swap3A_1020 = tpu.vector_load %arg21[%swap3A_1019] {strides = array<i32>} : memref<128xi32, #tpu.memory_space<vmem>>, vector<16xi32>,
    %swap3A_1021 = vector.shape_cast %swap3A_1020 : vector<16xi32> to vector<16xi32>
    %swap3A_1022 = vector.shape_cast %shift_right_logical3A_1018 : vector<16xi32> to vector<16xi32>
    tpu.vector_store %arg21[%swap3A_1019], %swap3A_1022 {strides = array<i32>} : memref<128xi32, #tpu.memory_space<vmem>>, vector<16xi32>,
    %get3A_1023 = arith.constant 6 : i32
    %get3A_1024 = arith.index_cast %get3A_1023 : i32 to index
    %get3A_1025 = arith.constant 80 : index
    %get3A_1026 = tpu.vector_load %arg6[%get3A_1024, %get3A_1025] {strides = array<i32>} : memref<80x128xi32, #tpu.memory_space<vmem>>, vector<1x16xi32>,
    %get3A_1027 = vector.shape_cast %get3A_1026 : vector<1x16xi32> to vector<16xi32>
    %and3A_1028 = arith.constant 65535 : i32
    %and3A_1029 = vector.broadcast %and3A_1028 : i32 to vector<16xi32>
    %and3A_1030 = arith.andi %get3A_1027, %and3A_1029 : vector<16xi32>
    %swap3A_1031 = arith.constant 80 : index
    %swap3A_1032 = tpu.vector_load %arg13[%swap3A_1031] {strides = array<i32>} : memref<128xi32, #tpu.memory_space<vmem>>, vector<16xi32>,
    %swap3A_1033 = vector.shape_cast %swap3A_1032 : vector<16xi32> to vector<16xi32>
    %swap3A_1034 = vector.shape_cast %and3A_1030 : vector<16xi32> to vector<16xi32>
    tpu.vector_store %arg13[%swap3A_1031], %swap3A_1034 {strides = array<i32>} : memref<128xi32, #tpu.memory_space<vmem>>, vector<16xi32>,
    %shift_right_logical3A_1035 = arith.constant 16 : i32
    %shift_right_logical3A_1036 = vector.broadcast %shift_right_logical3A_1035 : i32 to vector<16xi32>
    %shift_right_logical3A_1037 = arith.shrui %get3A_1027, %shift_right_logical3A_1036 : vector<16xi32>
    %swap3A_1038 = arith.constant 80 : index
    %swap3A_1039 = tpu.vector_load %arg21[%swap3A_1038] {strides = array<i32>} : memref<128xi32, #tpu.memory_space<vmem>>, vector<16xi32>,
    %swap3A_1040 = vector.shape_cast %swap3A_1039 : vector<16xi32> to vector<16xi32>
    %swap3A_1041 = vector.shape_cast %shift_right_logical3A_1037 : vector<16xi32> to vector<16xi32>
    tpu.vector_store %arg21[%swap3A_1038], %swap3A_1041 {strides = array<i32>} : memref<128xi32, #tpu.memory_space<vmem>>, vector<16xi32>,
    %get3A_1042 = arith.constant 6 : i32
    %get3A_1043 = arith.index_cast %get3A_1042 : i32 to index
    %get3A_1044 = arith.constant 96 : index
    %get3A_1045 = tpu.vector_load %arg6[%get3A_1043, %get3A_1044] {strides = array<i32>} : memref<80x128xi32, #tpu.memory_space<vmem>>, vector<1x16xi32>,
    %get3A_1046 = vector.shape_cast %get3A_1045 : vector<1x16xi32> to vector<16xi32>
    %and3A_1047 = arith.constant 65535 : i32
    %and3A_1048 = vector.broadcast %and3A_1047 : i32 to vector<16xi32>
    %and3A_1049 = arith.andi %get3A_1046, %and3A_1048 : vector<16xi32>
    %swap3A_1050 = arith.constant 96 : index
    %swap3A_1051 = tpu.vector_load %arg13[%swap3A_1050] {strides = array<i32>} : memref<128xi32, #tpu.memory_space<vmem>>, vector<16xi32>,
    %swap3A_1052 = vector.shape_cast %swap3A_1051 : vector<16xi32> to vector<16xi32>
    %swap3A_1053 = vector.shape_cast %and3A_1049 : vector<16xi32> to vector<16xi32>
    tpu.vector_store %arg13[%swap3A_1050], %swap3A_1053 {strides = array<i32>} : memref<128xi32, #tpu.memory_space<vmem>>, vector<16xi32>,
    %shift_right_logical3A_1054 = arith.constant 16 : i32
    %shift_right_logical3A_1055 = vector.broadcast %shift_right_logical3A_1054 : i32 to vector<16xi32>
    %shift_right_logical3A_1056 = arith.shrui %get3A_1046, %shift_right_logical3A_1055 : vector<16xi32>
    %swap3A_1057 = arith.constant 96 : index
    %swap3A_1058 = tpu.vector_load %arg21[%swap3A_1057] {strides = array<i32>} : memref<128xi32, #tpu.memory_space<vmem>>, vector<16xi32>,
    %swap3A_1059 = vector.shape_cast %swap3A_1058 : vector<16xi32> to vector<16xi32>
    %swap3A_1060 = vector.shape_cast %shift_right_logical3A_1056 : vector<16xi32> to vector<16xi32>
    tpu.vector_store %arg21[%swap3A_1057], %swap3A_1060 {strides = array<i32>} : memref<128xi32, #tpu.memory_space<vmem>>, vector<16xi32>,
    %get3A_1061 = arith.constant 6 : i32
    %get3A_1062 = arith.index_cast %get3A_1061 : i32 to index
    %get3A_1063 = arith.constant 112 : index
    %get3A_1064 = tpu.vector_load %arg6[%get3A_1062, %get3A_1063] {strides = array<i32>} : memref<80x128xi32, #tpu.memory_space<vmem>>, vector<1x16xi32>,
    %get3A_1065 = vector.shape_cast %get3A_1064 : vector<1x16xi32> to vector<16xi32>
    %and3A_1066 = arith.constant 65535 : i32
    %and3A_1067 = vector.broadcast %and3A_1066 : i32 to vector<16xi32>
    %and3A_1068 = arith.andi %get3A_1065, %and3A_1067 : vector<16xi32>
    %swap3A_1069 = arith.constant 112 : index
    %swap3A_1070 = tpu.vector_load %arg13[%swap3A_1069] {strides = array<i32>} : memref<128xi32, #tpu.memory_space<vmem>>, vector<16xi32>,
    %swap3A_1071 = vector.shape_cast %swap3A_1070 : vector<16xi32> to vector<16xi32>
    %swap3A_1072 = vector.shape_cast %and3A_1068 : vector<16xi32> to vector<16xi32>
    tpu.vector_store %arg13[%swap3A_1069], %swap3A_1072 {strides = array<i32>} : memref<128xi32, #tpu.memory_space<vmem>>, vector<16xi32>,
    %shift_right_logical3A_1073 = arith.constant 16 : i32
    %shift_right_logical3A_1074 = vector.broadcast %shift_right_logical3A_1073 : i32 to vector<16xi32>
    %shift_right_logical3A_1075 = arith.shrui %get3A_1065, %shift_right_logical3A_1074 : vector<16xi32>
    %swap3A_1076 = arith.constant 112 : index
    %swap3A_1077 = tpu.vector_load %arg21[%swap3A_1076] {strides = array<i32>} : memref<128xi32, #tpu.memory_space<vmem>>, vector<16xi32>,
    %swap3A_1078 = vector.shape_cast %swap3A_1077 : vector<16xi32> to vector<16xi32>
    %swap3A_1079 = vector.shape_cast %shift_right_logical3A_1075 : vector<16xi32> to vector<16xi32>
    tpu.vector_store %arg21[%swap3A_1076], %swap3A_1079 {strides = array<i32>} : memref<128xi32, #tpu.memory_space<vmem>>, vector<16xi32>,
    %dma_start3A_1080 = arith.constant 0 : i32
    %dma_start3A_1081 = arith.constant 0 : i32
    %dma_start3A_1082 = tpu.memref_slice %arg2[%dma_start3A_1080, %dma_start3A_1081] : memref<10000x40xf32, #tpu.memory_space<hbm>> -> memref<10000x40xf32, #tpu.memory_space<hbm>>
    tpu.enqueue_indirect_dma source(%dma_start3A_1082 : memref<10000x40xf32, #tpu.memory_space<hbm>>) target(%arg29 : memref<128x40xf32, #tpu.memory_space<vmem>>) offsets(%arg13 : memref<128xi32, #tpu.memory_space<vmem>>) semaphore(%arg38 : memref<!tpu.dma_semaphore, #tpu.memory_space<semaphore_mem>>)
    "tpu.region"() ({
      %run_scoped3A = tpu.sem_alloc : memref<!tpu.dma_semaphore, #tpu.memory_space<semaphore_mem>>
      %dma_start3A_1089 = arith.constant 0 : i32
      %dma_start3A_1090 = tpu.memref_slice %arg31[%mul3A_2, %dma_start3A_1089] : memref<10240x40xf32, #tpu.memory_space<vmem_shared>> -> memref<640x40xf32, #tpu.memory_space<vmem_shared>>
      tpu.enqueue_dma source(%arg4 : memref<640x40xf32, #tpu.memory_space<hbm>>) target(%dma_start3A_1090 : memref<640x40xf32, #tpu.memory_space<vmem_shared>>) target_semaphore(%run_scoped3A : memref<!tpu.dma_semaphore, #tpu.memory_space<semaphore_mem>>)
      %dma_wait3A = arith.constant 0 : i32
      %dma_wait3A_1091 = tpu.memref_slice %arg31[%mul3A_2, %dma_wait3A] : memref<10240x40xf32, #tpu.memory_space<vmem_shared>> -> memref<640x40xf32, #tpu.memory_space<vmem_shared>>
      tpu.wait_dma2 semaphore(%run_scoped3A : memref<!tpu.dma_semaphore, #tpu.memory_space<semaphore_mem>>) src(%arg4 : memref<640x40xf32, #tpu.memory_space<hbm>>) dst(%dma_wait3A_1091 : memref<640x40xf32, #tpu.memory_space<vmem_shared>>)
      tpu.yield
    }) : () -> ()
    %barrier3A = arith.constant 0 : index
    tpu.barrier barrier_id(%barrier3A)
    %scan3A = arith.constant 0 : i32
    %scan3A_1083 = arith.constant 0 : i32
    %scan3A_1084 = arith.constant 80 : i32
    %scan3A_1085 = arith.addi %scan3A_1083, %scan3A_1084 : i32
    %scan3A_1086 = arith.constant 1 : i32
    scf.for %scan3A_1089 = %scan3A_1083 to %scan3A_1085 step %scan3A_1086  : i32 {
      %add3A_1090 = arith.constant 7 : i32
      %add3A_1091 = arith.addi %scan3A_1089, %add3A_1090 : i32
      %lt3A = arith.constant 80 : i32
      %lt3A_1092 = arith.cmpi slt, %add3A_1091, %lt3A : i32
      %jit3A = arith.constant 8 : i32
      %eq3A = arith.constant 0 : i32
      %eq3A_1093 = arith.cmpi eq, %jit3A, %eq3A : i32
      %jit3A_1094 = arith.constant 1 : i32
      %select_n3A = arith.select %eq3A_1093, %jit3A_1094, %jit3A : i32
      %rem3A = arith.remsi %add3A_1091, %select_n3A : i32
      %ne3A = arith.constant 0 : i32
      %ne3A_1095 = arith.cmpi ne, %rem3A, %ne3A : i32
      %lt3A_1096 = arith.constant 0 : i32
      %lt3A_1097 = arith.cmpi slt, %rem3A, %lt3A_1096 : i32
      %lt3A_1098 = arith.constant 0 : i32
      %lt3A_1099 = arith.cmpi slt, %select_n3A, %lt3A_1098 : i32
      %ne3A_1100 = arith.xori %lt3A_1097, %lt3A_1099 : i1
      %and3A_1101 = arith.andi %ne3A_1100, %ne3A_1095 : i1
      %add3A_1102 = arith.addi %rem3A, %select_n3A : i32
      %select_n3A_1103 = arith.select %and3A_1101, %add3A_1102, %rem3A : i32
      %eq3A_1104 = arith.constant 0 : i32
      %eq3A_1105 = arith.cmpi eq, %select_n3A_1103, %eq3A_1104 : i32
      %and3A_1106 = arith.andi %lt3A_1092, %eq3A_1105 : i1
      %convert_element_type3A = arith.extui %and3A_1106 : i1 to i32
      %cond3A = arith.constant 0 : i32
      %cond3A_1107 = arith.cmpi ne, %convert_element_type3A, %cond3A : i32
      scf.if %cond3A_1107 {
        %get3A_1444 = arith.index_cast %add3A_1091 : i32 to index
        %get3A_1445 = arith.constant 0 : index
        %get3A_1446 = tpu.vector_load %arg6[%get3A_1444, %get3A_1445] {strides = array<i32>} : memref<80x128xi32, #tpu.memory_space<vmem>>, vector<1x16xi32>,
        %get3A_1447 = vector.shape_cast %get3A_1446 : vector<1x16xi32> to vector<16xi32>
        %and3A_1448 = arith.constant 65535 : i32
        %and3A_1449 = vector.broadcast %and3A_1448 : i32 to vector<16xi32>
        %and3A_1450 = arith.andi %get3A_1447, %and3A_1449 : vector<16xi32>
        %swap3A_1451 = arith.constant 0 : index
        %swap3A_1452 = tpu.vector_load %arg7[%swap3A_1451] {strides = array<i32>} : memref<128xi32, #tpu.memory_space<vmem>>, vector<16xi32>,
        %swap3A_1453 = vector.shape_cast %swap3A_1452 : vector<16xi32> to vector<16xi32>
        %swap3A_1454 = vector.shape_cast %and3A_1450 : vector<16xi32> to vector<16xi32>
        tpu.vector_store %arg7[%swap3A_1451], %swap3A_1454 {strides = array<i32>} : memref<128xi32, #tpu.memory_space<vmem>>, vector<16xi32>,
        %shift_right_logical3A_1455 = arith.constant 16 : i32
        %shift_right_logical3A_1456 = vector.broadcast %shift_right_logical3A_1455 : i32 to vector<16xi32>
        %shift_right_logical3A_1457 = arith.shrui %get3A_1447, %shift_right_logical3A_1456 : vector<16xi32>
        %swap3A_1458 = arith.constant 0 : index
        %swap3A_1459 = tpu.vector_load %arg15[%swap3A_1458] {strides = array<i32>} : memref<128xi32, #tpu.memory_space<vmem>>, vector<16xi32>,
        %swap3A_1460 = vector.shape_cast %swap3A_1459 : vector<16xi32> to vector<16xi32>
        %swap3A_1461 = vector.shape_cast %shift_right_logical3A_1457 : vector<16xi32> to vector<16xi32>
        tpu.vector_store %arg15[%swap3A_1458], %swap3A_1461 {strides = array<i32>} : memref<128xi32, #tpu.memory_space<vmem>>, vector<16xi32>,
        %get3A_1462 = arith.index_cast %add3A_1091 : i32 to index
        %get3A_1463 = arith.constant 16 : index
        %get3A_1464 = tpu.vector_load %arg6[%get3A_1462, %get3A_1463] {strides = array<i32>} : memref<80x128xi32, #tpu.memory_space<vmem>>, vector<1x16xi32>,
        %get3A_1465 = vector.shape_cast %get3A_1464 : vector<1x16xi32> to vector<16xi32>
        %and3A_1466 = arith.constant 65535 : i32
        %and3A_1467 = vector.broadcast %and3A_1466 : i32 to vector<16xi32>
        %and3A_1468 = arith.andi %get3A_1465, %and3A_1467 : vector<16xi32>
        %swap3A_1469 = arith.constant 16 : index
        %swap3A_1470 = tpu.vector_load %arg7[%swap3A_1469] {strides = array<i32>} : memref<128xi32, #tpu.memory_space<vmem>>, vector<16xi32>,
        %swap3A_1471 = vector.shape_cast %swap3A_1470 : vector<16xi32> to vector<16xi32>
        %swap3A_1472 = vector.shape_cast %and3A_1468 : vector<16xi32> to vector<16xi32>
        tpu.vector_store %arg7[%swap3A_1469], %swap3A_1472 {strides = array<i32>} : memref<128xi32, #tpu.memory_space<vmem>>, vector<16xi32>,
        %shift_right_logical3A_1473 = arith.constant 16 : i32
        %shift_right_logical3A_1474 = vector.broadcast %shift_right_logical3A_1473 : i32 to vector<16xi32>
        %shift_right_logical3A_1475 = arith.shrui %get3A_1465, %shift_right_logical3A_1474 : vector<16xi32>
        %swap3A_1476 = arith.constant 16 : index
        %swap3A_1477 = tpu.vector_load %arg15[%swap3A_1476] {strides = array<i32>} : memref<128xi32, #tpu.memory_space<vmem>>, vector<16xi32>,
        %swap3A_1478 = vector.shape_cast %swap3A_1477 : vector<16xi32> to vector<16xi32>
        %swap3A_1479 = vector.shape_cast %shift_right_logical3A_1475 : vector<16xi32> to vector<16xi32>
        tpu.vector_store %arg15[%swap3A_1476], %swap3A_1479 {strides = array<i32>} : memref<128xi32, #tpu.memory_space<vmem>>, vector<16xi32>,
        %get3A_1480 = arith.index_cast %add3A_1091 : i32 to index
        %get3A_1481 = arith.constant 32 : index
        %get3A_1482 = tpu.vector_load %arg6[%get3A_1480, %get3A_1481] {strides = array<i32>} : memref<80x128xi32, #tpu.memory_space<vmem>>, vector<1x16xi32>,
        %get3A_1483 = vector.shape_cast %get3A_1482 : vector<1x16xi32> to vector<16xi32>
        %and3A_1484 = arith.constant 65535 : i32
        %and3A_1485 = vector.broadcast %and3A_1484 : i32 to vector<16xi32>
        %and3A_1486 = arith.andi %get3A_1483, %and3A_1485 : vector<16xi32>
        %swap3A_1487 = arith.constant 32 : index
        %swap3A_1488 = tpu.vector_load %arg7[%swap3A_1487] {strides = array<i32>} : memref<128xi32, #tpu.memory_space<vmem>>, vector<16xi32>,
        %swap3A_1489 = vector.shape_cast %swap3A_1488 : vector<16xi32> to vector<16xi32>
        %swap3A_1490 = vector.shape_cast %and3A_1486 : vector<16xi32> to vector<16xi32>
        tpu.vector_store %arg7[%swap3A_1487], %swap3A_1490 {strides = array<i32>} : memref<128xi32, #tpu.memory_space<vmem>>, vector<16xi32>,
        %shift_right_logical3A_1491 = arith.constant 16 : i32
        %shift_right_logical3A_1492 = vector.broadcast %shift_right_logical3A_1491 : i32 to vector<16xi32>
        %shift_right_logical3A_1493 = arith.shrui %get3A_1483, %shift_right_logical3A_1492 : vector<16xi32>
        %swap3A_1494 = arith.constant 32 : index
        %swap3A_1495 = tpu.vector_load %arg15[%swap3A_1494] {strides = array<i32>} : memref<128xi32, #tpu.memory_space<vmem>>, vector<16xi32>,
        %swap3A_1496 = vector.shape_cast %swap3A_1495 : vector<16xi32> to vector<16xi32>
        %swap3A_1497 = vector.shape_cast %shift_right_logical3A_1493 : vector<16xi32> to vector<16xi32>
        tpu.vector_store %arg15[%swap3A_1494], %swap3A_1497 {strides = array<i32>} : memref<128xi32, #tpu.memory_space<vmem>>, vector<16xi32>,
        %get3A_1498 = arith.index_cast %add3A_1091 : i32 to index
        %get3A_1499 = arith.constant 48 : index
        %get3A_1500 = tpu.vector_load %arg6[%get3A_1498, %get3A_1499] {strides = array<i32>} : memref<80x128xi32, #tpu.memory_space<vmem>>, vector<1x16xi32>,
        %get3A_1501 = vector.shape_cast %get3A_1500 : vector<1x16xi32> to vector<16xi32>
        %and3A_1502 = arith.constant 65535 : i32
        %and3A_1503 = vector.broadcast %and3A_1502 : i32 to vector<16xi32>
        %and3A_1504 = arith.andi %get3A_1501, %and3A_1503 : vector<16xi32>
        %swap3A_1505 = arith.constant 48 : index
        %swap3A_1506 = tpu.vector_load %arg7[%swap3A_1505] {strides = array<i32>} : memref<128xi32, #tpu.memory_space<vmem>>, vector<16xi32>,
        %swap3A_1507 = vector.shape_cast %swap3A_1506 : vector<16xi32> to vector<16xi32>
        %swap3A_1508 = vector.shape_cast %and3A_1504 : vector<16xi32> to vector<16xi32>
        tpu.vector_store %arg7[%swap3A_1505], %swap3A_1508 {strides = array<i32>} : memref<128xi32, #tpu.memory_space<vmem>>, vector<16xi32>,
        %shift_right_logical3A_1509 = arith.constant 16 : i32
        %shift_right_logical3A_1510 = vector.broadcast %shift_right_logical3A_1509 : i32 to vector<16xi32>
        %shift_right_logical3A_1511 = arith.shrui %get3A_1501, %shift_right_logical3A_1510 : vector<16xi32>
        %swap3A_1512 = arith.constant 48 : index
        %swap3A_1513 = tpu.vector_load %arg15[%swap3A_1512] {strides = array<i32>} : memref<128xi32, #tpu.memory_space<vmem>>, vector<16xi32>,
        %swap3A_1514 = vector.shape_cast %swap3A_1513 : vector<16xi32> to vector<16xi32>
        %swap3A_1515 = vector.shape_cast %shift_right_logical3A_1511 : vector<16xi32> to vector<16xi32>
        tpu.vector_store %arg15[%swap3A_1512], %swap3A_1515 {strides = array<i32>} : memref<128xi32, #tpu.memory_space<vmem>>, vector<16xi32>,
        %get3A_1516 = arith.index_cast %add3A_1091 : i32 to index
        %get3A_1517 = arith.constant 64 : index
        %get3A_1518 = tpu.vector_load %arg6[%get3A_1516, %get3A_1517] {strides = array<i32>} : memref<80x128xi32, #tpu.memory_space<vmem>>, vector<1x16xi32>,
        %get3A_1519 = vector.shape_cast %get3A_1518 : vector<1x16xi32> to vector<16xi32>
        %and3A_1520 = arith.constant 65535 : i32
        %and3A_1521 = vector.broadcast %and3A_1520 : i32 to vector<16xi32>
        %and3A_1522 = arith.andi %get3A_1519, %and3A_1521 : vector<16xi32>
        %swap3A_1523 = arith.constant 64 : index
        %swap3A_1524 = tpu.vector_load %arg7[%swap3A_1523] {strides = array<i32>} : memref<128xi32, #tpu.memory_space<vmem>>, vector<16xi32>,
        %swap3A_1525 = vector.shape_cast %swap3A_1524 : vector<16xi32> to vector<16xi32>
        %swap3A_1526 = vector.shape_cast %and3A_1522 : vector<16xi32> to vector<16xi32>
        tpu.vector_store %arg7[%swap3A_1523], %swap3A_1526 {strides = array<i32>} : memref<128xi32, #tpu.memory_space<vmem>>, vector<16xi32>,
        %shift_right_logical3A_1527 = arith.constant 16 : i32
        %shift_right_logical3A_1528 = vector.broadcast %shift_right_logical3A_1527 : i32 to vector<16xi32>
        %shift_right_logical3A_1529 = arith.shrui %get3A_1519, %shift_right_logical3A_1528 : vector<16xi32>
        %swap3A_1530 = arith.constant 64 : index
        %swap3A_1531 = tpu.vector_load %arg15[%swap3A_1530] {strides = array<i32>} : memref<128xi32, #tpu.memory_space<vmem>>, vector<16xi32>,
        %swap3A_1532 = vector.shape_cast %swap3A_1531 : vector<16xi32> to vector<16xi32>
        %swap3A_1533 = vector.shape_cast %shift_right_logical3A_1529 : vector<16xi32> to vector<16xi32>
        tpu.vector_store %arg15[%swap3A_1530], %swap3A_1533 {strides = array<i32>} : memref<128xi32, #tpu.memory_space<vmem>>, vector<16xi32>,
        %get3A_1534 = arith.index_cast %add3A_1091 : i32 to index
        %get3A_1535 = arith.constant 80 : index
        %get3A_1536 = tpu.vector_load %arg6[%get3A_1534, %get3A_1535] {strides = array<i32>} : memref<80x128xi32, #tpu.memory_space<vmem>>, vector<1x16xi32>,
        %get3A_1537 = vector.shape_cast %get3A_1536 : vector<1x16xi32> to vector<16xi32>
        %and3A_1538 = arith.constant 65535 : i32
        %and3A_1539 = vector.broadcast %and3A_1538 : i32 to vector<16xi32>
        %and3A_1540 = arith.andi %get3A_1537, %and3A_1539 : vector<16xi32>
        %swap3A_1541 = arith.constant 80 : index
        %swap3A_1542 = tpu.vector_load %arg7[%swap3A_1541] {strides = array<i32>} : memref<128xi32, #tpu.memory_space<vmem>>, vector<16xi32>,
        %swap3A_1543 = vector.shape_cast %swap3A_1542 : vector<16xi32> to vector<16xi32>
        %swap3A_1544 = vector.shape_cast %and3A_1540 : vector<16xi32> to vector<16xi32>
        tpu.vector_store %arg7[%swap3A_1541], %swap3A_1544 {strides = array<i32>} : memref<128xi32, #tpu.memory_space<vmem>>, vector<16xi32>,
        %shift_right_logical3A_1545 = arith.constant 16 : i32
        %shift_right_logical3A_1546 = vector.broadcast %shift_right_logical3A_1545 : i32 to vector<16xi32>
        %shift_right_logical3A_1547 = arith.shrui %get3A_1537, %shift_right_logical3A_1546 : vector<16xi32>
        %swap3A_1548 = arith.constant 80 : index
        %swap3A_1549 = tpu.vector_load %arg15[%swap3A_1548] {strides = array<i32>} : memref<128xi32, #tpu.memory_space<vmem>>, vector<16xi32>,
        %swap3A_1550 = vector.shape_cast %swap3A_1549 : vector<16xi32> to vector<16xi32>
        %swap3A_1551 = vector.shape_cast %shift_right_logical3A_1547 : vector<16xi32> to vector<16xi32>
        tpu.vector_store %arg15[%swap3A_1548], %swap3A_1551 {strides = array<i32>} : memref<128xi32, #tpu.memory_space<vmem>>, vector<16xi32>,
        %get3A_1552 = arith.index_cast %add3A_1091 : i32 to index
        %get3A_1553 = arith.constant 96 : index
        %get3A_1554 = tpu.vector_load %arg6[%get3A_1552, %get3A_1553] {strides = array<i32>} : memref<80x128xi32, #tpu.memory_space<vmem>>, vector<1x16xi32>,
        %get3A_1555 = vector.shape_cast %get3A_1554 : vector<1x16xi32> to vector<16xi32>
        %and3A_1556 = arith.constant 65535 : i32
        %and3A_1557 = vector.broadcast %and3A_1556 : i32 to vector<16xi32>
        %and3A_1558 = arith.andi %get3A_1555, %and3A_1557 : vector<16xi32>
        %swap3A_1559 = arith.constant 96 : index
        %swap3A_1560 = tpu.vector_load %arg7[%swap3A_1559] {strides = array<i32>} : memref<128xi32, #tpu.memory_space<vmem>>, vector<16xi32>,
        %swap3A_1561 = vector.shape_cast %swap3A_1560 : vector<16xi32> to vector<16xi32>
        %swap3A_1562 = vector.shape_cast %and3A_1558 : vector<16xi32> to vector<16xi32>
        tpu.vector_store %arg7[%swap3A_1559], %swap3A_1562 {strides = array<i32>} : memref<128xi32, #tpu.memory_space<vmem>>, vector<16xi32>,
        %shift_right_logical3A_1563 = arith.constant 16 : i32
        %shift_right_logical3A_1564 = vector.broadcast %shift_right_logical3A_1563 : i32 to vector<16xi32>
        %shift_right_logical3A_1565 = arith.shrui %get3A_1555, %shift_right_logical3A_1564 : vector<16xi32>
        %swap3A_1566 = arith.constant 96 : index
        %swap3A_1567 = tpu.vector_load %arg15[%swap3A_1566] {strides = array<i32>} : memref<128xi32, #tpu.memory_space<vmem>>, vector<16xi32>,
        %swap3A_1568 = vector.shape_cast %swap3A_1567 : vector<16xi32> to vector<16xi32>
        %swap3A_1569 = vector.shape_cast %shift_right_logical3A_1565 : vector<16xi32> to vector<16xi32>
        tpu.vector_store %arg15[%swap3A_1566], %swap3A_1569 {strides = array<i32>} : memref<128xi32, #tpu.memory_space<vmem>>, vector<16xi32>,
        %get3A_1570 = arith.index_cast %add3A_1091 : i32 to index
        %get3A_1571 = arith.constant 112 : index
        %get3A_1572 = tpu.vector_load %arg6[%get3A_1570, %get3A_1571] {strides = array<i32>} : memref<80x128xi32, #tpu.memory_space<vmem>>, vector<1x16xi32>,
        %get3A_1573 = vector.shape_cast %get3A_1572 : vector<1x16xi32> to vector<16xi32>
        %and3A_1574 = arith.constant 65535 : i32
        %and3A_1575 = vector.broadcast %and3A_1574 : i32 to vector<16xi32>
        %and3A_1576 = arith.andi %get3A_1573, %and3A_1575 : vector<16xi32>
        %swap3A_1577 = arith.constant 112 : index
        %swap3A_1578 = tpu.vector_load %arg7[%swap3A_1577] {strides = array<i32>} : memref<128xi32, #tpu.memory_space<vmem>>, vector<16xi32>,
        %swap3A_1579 = vector.shape_cast %swap3A_1578 : vector<16xi32> to vector<16xi32>
        %swap3A_1580 = vector.shape_cast %and3A_1576 : vector<16xi32> to vector<16xi32>
        tpu.vector_store %arg7[%swap3A_1577], %swap3A_1580 {strides = array<i32>} : memref<128xi32, #tpu.memory_space<vmem>>, vector<16xi32>,
        %shift_right_logical3A_1581 = arith.constant 16 : i32
        %shift_right_logical3A_1582 = vector.broadcast %shift_right_logical3A_1581 : i32 to vector<16xi32>
        %shift_right_logical3A_1583 = arith.shrui %get3A_1573, %shift_right_logical3A_1582 : vector<16xi32>
        %swap3A_1584 = arith.constant 112 : index
        %swap3A_1585 = tpu.vector_load %arg15[%swap3A_1584] {strides = array<i32>} : memref<128xi32, #tpu.memory_space<vmem>>, vector<16xi32>,
        %swap3A_1586 = vector.shape_cast %swap3A_1585 : vector<16xi32> to vector<16xi32>
        %swap3A_1587 = vector.shape_cast %shift_right_logical3A_1583 : vector<16xi32> to vector<16xi32>
        tpu.vector_store %arg15[%swap3A_1584], %swap3A_1587 {strides = array<i32>} : memref<128xi32, #tpu.memory_space<vmem>>, vector<16xi32>,
        %dma_start3A_1588 = arith.constant 0 : i32
        %dma_start3A_1589 = arith.constant 0 : i32
        %dma_start3A_1590 = tpu.memref_slice %arg2[%dma_start3A_1588, %dma_start3A_1589] : memref<10000x40xf32, #tpu.memory_space<hbm>> -> memref<10000x40xf32, #tpu.memory_space<hbm>>
        tpu.enqueue_indirect_dma source(%dma_start3A_1590 : memref<10000x40xf32, #tpu.memory_space<hbm>>) target(%arg23 : memref<128x40xf32, #tpu.memory_space<vmem>>) offsets(%arg7 : memref<128xi32, #tpu.memory_space<vmem>>) semaphore(%arg32 : memref<!tpu.dma_semaphore, #tpu.memory_space<semaphore_mem>>)
      } else {
      }
      %lt3A_1108 = arith.constant 80 : i32
      %lt3A_1109 = arith.cmpi slt, %add3A_1091, %lt3A_1108 : i32
      %jit3A_1110 = arith.constant 8 : i32
      %eq3A_1111 = arith.constant 0 : i32
      %eq3A_1112 = arith.cmpi eq, %jit3A_1110, %eq3A_1111 : i32
      %jit3A_1113 = arith.constant 1 : i32
      %select_n3A_1114 = arith.select %eq3A_1112, %jit3A_1113, %jit3A_1110 : i32
      %rem3A_1115 = arith.remsi %add3A_1091, %select_n3A_1114 : i32
      %ne3A_1116 = arith.constant 0 : i32
      %ne3A_1117 = arith.cmpi ne, %rem3A_1115, %ne3A_1116 : i32
      %lt3A_1118 = arith.constant 0 : i32
      %lt3A_1119 = arith.cmpi slt, %rem3A_1115, %lt3A_1118 : i32
      %lt3A_1120 = arith.constant 0 : i32
      %lt3A_1121 = arith.cmpi slt, %select_n3A_1114, %lt3A_1120 : i32
      %ne3A_1122 = arith.xori %lt3A_1119, %lt3A_1121 : i1
      %and3A_1123 = arith.andi %ne3A_1122, %ne3A_1117 : i1
      %add3A_1124 = arith.addi %rem3A_1115, %select_n3A_1114 : i32
      %select_n3A_1125 = arith.select %and3A_1123, %add3A_1124, %rem3A_1115 : i32
      %eq3A_1126 = arith.constant 1 : i32
      %eq3A_1127 = arith.cmpi eq, %select_n3A_1125, %eq3A_1126 : i32
      %and3A_1128 = arith.andi %lt3A_1109, %eq3A_1127 : i1
      %convert_element_type3A_1129 = arith.extui %and3A_1128 : i1 to i32
      %cond3A_1130 = arith.constant 0 : i32
      %cond3A_1131 = arith.cmpi ne, %convert_element_type3A_1129, %cond3A_1130 : i32
      scf.if %cond3A_1131 {
        %get3A_1444 = arith.index_cast %add3A_1091 : i32 to index
        %get3A_1445 = arith.constant 0 : index
        %get3A_1446 = tpu.vector_load %arg6[%get3A_1444, %get3A_1445] {strides = array<i32>} : memref<80x128xi32, #tpu.memory_space<vmem>>, vector<1x16xi32>,
        %get3A_1447 = vector.shape_cast %get3A_1446 : vector<1x16xi32> to vector<16xi32>
        %and3A_1448 = arith.constant 65535 : i32
        %and3A_1449 = vector.broadcast %and3A_1448 : i32 to vector<16xi32>
        %and3A_1450 = arith.andi %get3A_1447, %and3A_1449 : vector<16xi32>
        %swap3A_1451 = arith.constant 0 : index
        %swap3A_1452 = tpu.vector_load %arg8[%swap3A_1451] {strides = array<i32>} : memref<128xi32, #tpu.memory_space<vmem>>, vector<16xi32>,
        %swap3A_1453 = vector.shape_cast %swap3A_1452 : vector<16xi32> to vector<16xi32>
        %swap3A_1454 = vector.shape_cast %and3A_1450 : vector<16xi32> to vector<16xi32>
        tpu.vector_store %arg8[%swap3A_1451], %swap3A_1454 {strides = array<i32>} : memref<128xi32, #tpu.memory_space<vmem>>, vector<16xi32>,
        %shift_right_logical3A_1455 = arith.constant 16 : i32
        %shift_right_logical3A_1456 = vector.broadcast %shift_right_logical3A_1455 : i32 to vector<16xi32>
        %shift_right_logical3A_1457 = arith.shrui %get3A_1447, %shift_right_logical3A_1456 : vector<16xi32>
        %swap3A_1458 = arith.constant 0 : index
        %swap3A_1459 = tpu.vector_load %arg16[%swap3A_1458] {strides = array<i32>} : memref<128xi32, #tpu.memory_space<vmem>>, vector<16xi32>,
        %swap3A_1460 = vector.shape_cast %swap3A_1459 : vector<16xi32> to vector<16xi32>
        %swap3A_1461 = vector.shape_cast %shift_right_logical3A_1457 : vector<16xi32> to vector<16xi32>
        tpu.vector_store %arg16[%swap3A_1458], %swap3A_1461 {strides = array<i32>} : memref<128xi32, #tpu.memory_space<vmem>>, vector<16xi32>,
        %get3A_1462 = arith.index_cast %add3A_1091 : i32 to index
        %get3A_1463 = arith.constant 16 : index
        %get3A_1464 = tpu.vector_load %arg6[%get3A_1462, %get3A_1463] {strides = array<i32>} : memref<80x128xi32, #tpu.memory_space<vmem>>, vector<1x16xi32>,
        %get3A_1465 = vector.shape_cast %get3A_1464 : vector<1x16xi32> to vector<16xi32>
        %and3A_1466 = arith.constant 65535 : i32
        %and3A_1467 = vector.broadcast %and3A_1466 : i32 to vector<16xi32>
        %and3A_1468 = arith.andi %get3A_1465, %and3A_1467 : vector<16xi32>
        %swap3A_1469 = arith.constant 16 : index
        %swap3A_1470 = tpu.vector_load %arg8[%swap3A_1469] {strides = array<i32>} : memref<128xi32, #tpu.memory_space<vmem>>, vector<16xi32>,
        %swap3A_1471 = vector.shape_cast %swap3A_1470 : vector<16xi32> to vector<16xi32>
        %swap3A_1472 = vector.shape_cast %and3A_1468 : vector<16xi32> to vector<16xi32>
        tpu.vector_store %arg8[%swap3A_1469], %swap3A_1472 {strides = array<i32>} : memref<128xi32, #tpu.memory_space<vmem>>, vector<16xi32>,
        %shift_right_logical3A_1473 = arith.constant 16 : i32
        %shift_right_logical3A_1474 = vector.broadcast %shift_right_logical3A_1473 : i32 to vector<16xi32>
        %shift_right_logical3A_1475 = arith.shrui %get3A_1465, %shift_right_logical3A_1474 : vector<16xi32>
        %swap3A_1476 = arith.constant 16 : index
        %swap3A_1477 = tpu.vector_load %arg16[%swap3A_1476] {strides = array<i32>} : memref<128xi32, #tpu.memory_space<vmem>>, vector<16xi32>,
        %swap3A_1478 = vector.shape_cast %swap3A_1477 : vector<16xi32> to vector<16xi32>
        %swap3A_1479 = vector.shape_cast %shift_right_logical3A_1475 : vector<16xi32> to vector<16xi32>
        tpu.vector_store %arg16[%swap3A_1476], %swap3A_1479 {strides = array<i32>} : memref<128xi32, #tpu.memory_space<vmem>>, vector<16xi32>,
        %get3A_1480 = arith.index_cast %add3A_1091 : i32 to index
        %get3A_1481 = arith.constant 32 : index
        %get3A_1482 = tpu.vector_load %arg6[%get3A_1480, %get3A_1481] {strides = array<i32>} : memref<80x128xi32, #tpu.memory_space<vmem>>, vector<1x16xi32>,
        %get3A_1483 = vector.shape_cast %get3A_1482 : vector<1x16xi32> to vector<16xi32>
        %and3A_1484 = arith.constant 65535 : i32
        %and3A_1485 = vector.broadcast %and3A_1484 : i32 to vector<16xi32>
        %and3A_1486 = arith.andi %get3A_1483, %and3A_1485 : vector<16xi32>
        %swap3A_1487 = arith.constant 32 : index
        %swap3A_1488 = tpu.vector_load %arg8[%swap3A_1487] {strides = array<i32>} : memref<128xi32, #tpu.memory_space<vmem>>, vector<16xi32>,
        %swap3A_1489 = vector.shape_cast %swap3A_1488 : vector<16xi32> to vector<16xi32>
        %swap3A_1490 = vector.shape_cast %and3A_1486 : vector<16xi32> to vector<16xi32>
        tpu.vector_store %arg8[%swap3A_1487], %swap3A_1490 {strides = array<i32>} : memref<128xi32, #tpu.memory_space<vmem>>, vector<16xi32>,
        %shift_right_logical3A_1491 = arith.constant 16 : i32
        %shift_right_logical3A_1492 = vector.broadcast %shift_right_logical3A_1491 : i32 to vector<16xi32>
        %shift_right_logical3A_1493 = arith.shrui %get3A_1483, %shift_right_logical3A_1492 : vector<16xi32>
        %swap3A_1494 = arith.constant 32 : index
        %swap3A_1495 = tpu.vector_load %arg16[%swap3A_1494] {strides = array<i32>} : memref<128xi32, #tpu.memory_space<vmem>>, vector<16xi32>,
        %swap3A_1496 = vector.shape_cast %swap3A_1495 : vector<16xi32> to vector<16xi32>
        %swap3A_1497 = vector.shape_cast %shift_right_logical3A_1493 : vector<16xi32> to vector<16xi32>
        tpu.vector_store %arg16[%swap3A_1494], %swap3A_1497 {strides = array<i32>} : memref<128xi32, #tpu.memory_space<vmem>>, vector<16xi32>,
        %get3A_1498 = arith.index_cast %add3A_1091 : i32 to index
        %get3A_1499 = arith.constant 48 : index
        %get3A_1500 = tpu.vector_load %arg6[%get3A_1498, %get3A_1499] {strides = array<i32>} : memref<80x128xi32, #tpu.memory_space<vmem>>, vector<1x16xi32>,
        %get3A_1501 = vector.shape_cast %get3A_1500 : vector<1x16xi32> to vector<16xi32>
        %and3A_1502 = arith.constant 65535 : i32
        %and3A_1503 = vector.broadcast %and3A_1502 : i32 to vector<16xi32>
        %and3A_1504 = arith.andi %get3A_1501, %and3A_1503 : vector<16xi32>
        %swap3A_1505 = arith.constant 48 : index
        %swap3A_1506 = tpu.vector_load %arg8[%swap3A_1505] {strides = array<i32>} : memref<128xi32, #tpu.memory_space<vmem>>, vector<16xi32>,
        %swap3A_1507 = vector.shape_cast %swap3A_1506 : vector<16xi32> to vector<16xi32>
        %swap3A_1508 = vector.shape_cast %and3A_1504 : vector<16xi32> to vector<16xi32>
        tpu.vector_store %arg8[%swap3A_1505], %swap3A_1508 {strides = array<i32>} : memref<128xi32, #tpu.memory_space<vmem>>, vector<16xi32>,
        %shift_right_logical3A_1509 = arith.constant 16 : i32
        %shift_right_logical3A_1510 = vector.broadcast %shift_right_logical3A_1509 : i32 to vector<16xi32>
        %shift_right_logical3A_1511 = arith.shrui %get3A_1501, %shift_right_logical3A_1510 : vector<16xi32>
        %swap3A_1512 = arith.constant 48 : index
        %swap3A_1513 = tpu.vector_load %arg16[%swap3A_1512] {strides = array<i32>} : memref<128xi32, #tpu.memory_space<vmem>>, vector<16xi32>,
        %swap3A_1514 = vector.shape_cast %swap3A_1513 : vector<16xi32> to vector<16xi32>
        %swap3A_1515 = vector.shape_cast %shift_right_logical3A_1511 : vector<16xi32> to vector<16xi32>
        tpu.vector_store %arg16[%swap3A_1512], %swap3A_1515 {strides = array<i32>} : memref<128xi32, #tpu.memory_space<vmem>>, vector<16xi32>,
        %get3A_1516 = arith.index_cast %add3A_1091 : i32 to index
        %get3A_1517 = arith.constant 64 : index
        %get3A_1518 = tpu.vector_load %arg6[%get3A_1516, %get3A_1517] {strides = array<i32>} : memref<80x128xi32, #tpu.memory_space<vmem>>, vector<1x16xi32>,
        %get3A_1519 = vector.shape_cast %get3A_1518 : vector<1x16xi32> to vector<16xi32>
        %and3A_1520 = arith.constant 65535 : i32
        %and3A_1521 = vector.broadcast %and3A_1520 : i32 to vector<16xi32>
        %and3A_1522 = arith.andi %get3A_1519, %and3A_1521 : vector<16xi32>
        %swap3A_1523 = arith.constant 64 : index
        %swap3A_1524 = tpu.vector_load %arg8[%swap3A_1523] {strides = array<i32>} : memref<128xi32, #tpu.memory_space<vmem>>, vector<16xi32>,
        %swap3A_1525 = vector.shape_cast %swap3A_1524 : vector<16xi32> to vector<16xi32>
        %swap3A_1526 = vector.shape_cast %and3A_1522 : vector<16xi32> to vector<16xi32>
        tpu.vector_store %arg8[%swap3A_1523], %swap3A_1526 {strides = array<i32>} : memref<128xi32, #tpu.memory_space<vmem>>, vector<16xi32>,
        %shift_right_logical3A_1527 = arith.constant 16 : i32
        %shift_right_logical3A_1528 = vector.broadcast %shift_right_logical3A_1527 : i32 to vector<16xi32>
        %shift_right_logical3A_1529 = arith.shrui %get3A_1519, %shift_right_logical3A_1528 : vector<16xi32>
        %swap3A_1530 = arith.constant 64 : index
        %swap3A_1531 = tpu.vector_load %arg16[%swap3A_1530] {strides = array<i32>} : memref<128xi32, #tpu.memory_space<vmem>>, vector<16xi32>,
        %swap3A_1532 = vector.shape_cast %swap3A_1531 : vector<16xi32> to vector<16xi32>
        %swap3A_1533 = vector.shape_cast %shift_right_logical3A_1529 : vector<16xi32> to vector<16xi32>
        tpu.vector_store %arg16[%swap3A_1530], %swap3A_1533 {strides = array<i32>} : memref<128xi32, #tpu.memory_space<vmem>>, vector<16xi32>,
        %get3A_1534 = arith.index_cast %add3A_1091 : i32 to index
        %get3A_1535 = arith.constant 80 : index
        %get3A_1536 = tpu.vector_load %arg6[%get3A_1534, %get3A_1535] {strides = array<i32>} : memref<80x128xi32, #tpu.memory_space<vmem>>, vector<1x16xi32>,
        %get3A_1537 = vector.shape_cast %get3A_1536 : vector<1x16xi32> to vector<16xi32>
        %and3A_1538 = arith.constant 65535 : i32
        %and3A_1539 = vector.broadcast %and3A_1538 : i32 to vector<16xi32>
        %and3A_1540 = arith.andi %get3A_1537, %and3A_1539 : vector<16xi32>
        %swap3A_1541 = arith.constant 80 : index
        %swap3A_1542 = tpu.vector_load %arg8[%swap3A_1541] {strides = array<i32>} : memref<128xi32, #tpu.memory_space<vmem>>, vector<16xi32>,
        %swap3A_1543 = vector.shape_cast %swap3A_1542 : vector<16xi32> to vector<16xi32>
        %swap3A_1544 = vector.shape_cast %and3A_1540 : vector<16xi32> to vector<16xi32>
        tpu.vector_store %arg8[%swap3A_1541], %swap3A_1544 {strides = array<i32>} : memref<128xi32, #tpu.memory_space<vmem>>, vector<16xi32>,
        %shift_right_logical3A_1545 = arith.constant 16 : i32
        %shift_right_logical3A_1546 = vector.broadcast %shift_right_logical3A_1545 : i32 to vector<16xi32>
        %shift_right_logical3A_1547 = arith.shrui %get3A_1537, %shift_right_logical3A_1546 : vector<16xi32>
        %swap3A_1548 = arith.constant 80 : index
        %swap3A_1549 = tpu.vector_load %arg16[%swap3A_1548] {strides = array<i32>} : memref<128xi32, #tpu.memory_space<vmem>>, vector<16xi32>,
        %swap3A_1550 = vector.shape_cast %swap3A_1549 : vector<16xi32> to vector<16xi32>
        %swap3A_1551 = vector.shape_cast %shift_right_logical3A_1547 : vector<16xi32> to vector<16xi32>
        tpu.vector_store %arg16[%swap3A_1548], %swap3A_1551 {strides = array<i32>} : memref<128xi32, #tpu.memory_space<vmem>>, vector<16xi32>,
        %get3A_1552 = arith.index_cast %add3A_1091 : i32 to index
        %get3A_1553 = arith.constant 96 : index
        %get3A_1554 = tpu.vector_load %arg6[%get3A_1552, %get3A_1553] {strides = array<i32>} : memref<80x128xi32, #tpu.memory_space<vmem>>, vector<1x16xi32>,
        %get3A_1555 = vector.shape_cast %get3A_1554 : vector<1x16xi32> to vector<16xi32>
        %and3A_1556 = arith.constant 65535 : i32
        %and3A_1557 = vector.broadcast %and3A_1556 : i32 to vector<16xi32>
        %and3A_1558 = arith.andi %get3A_1555, %and3A_1557 : vector<16xi32>
        %swap3A_1559 = arith.constant 96 : index
        %swap3A_1560 = tpu.vector_load %arg8[%swap3A_1559] {strides = array<i32>} : memref<128xi32, #tpu.memory_space<vmem>>, vector<16xi32>,
        %swap3A_1561 = vector.shape_cast %swap3A_1560 : vector<16xi32> to vector<16xi32>
        %swap3A_1562 = vector.shape_cast %and3A_1558 : vector<16xi32> to vector<16xi32>
        tpu.vector_store %arg8[%swap3A_1559], %swap3A_1562 {strides = array<i32>} : memref<128xi32, #tpu.memory_space<vmem>>, vector<16xi32>,
        %shift_right_logical3A_1563 = arith.constant 16 : i32
        %shift_right_logical3A_1564 = vector.broadcast %shift_right_logical3A_1563 : i32 to vector<16xi32>
        %shift_right_logical3A_1565 = arith.shrui %get3A_1555, %shift_right_logical3A_1564 : vector<16xi32>
        %swap3A_1566 = arith.constant 96 : index
        %swap3A_1567 = tpu.vector_load %arg16[%swap3A_1566] {strides = array<i32>} : memref<128xi32, #tpu.memory_space<vmem>>, vector<16xi32>,
        %swap3A_1568 = vector.shape_cast %swap3A_1567 : vector<16xi32> to vector<16xi32>
        %swap3A_1569 = vector.shape_cast %shift_right_logical3A_1565 : vector<16xi32> to vector<16xi32>
        tpu.vector_store %arg16[%swap3A_1566], %swap3A_1569 {strides = array<i32>} : memref<128xi32, #tpu.memory_space<vmem>>, vector<16xi32>,
        %get3A_1570 = arith.index_cast %add3A_1091 : i32 to index
        %get3A_1571 = arith.constant 112 : index
        %get3A_1572 = tpu.vector_load %arg6[%get3A_1570, %get3A_1571] {strides = array<i32>} : memref<80x128xi32, #tpu.memory_space<vmem>>, vector<1x16xi32>,
        %get3A_1573 = vector.shape_cast %get3A_1572 : vector<1x16xi32> to vector<16xi32>
        %and3A_1574 = arith.constant 65535 : i32
        %and3A_1575 = vector.broadcast %and3A_1574 : i32 to vector<16xi32>
        %and3A_1576 = arith.andi %get3A_1573, %and3A_1575 : vector<16xi32>
        %swap3A_1577 = arith.constant 112 : index
        %swap3A_1578 = tpu.vector_load %arg8[%swap3A_1577] {strides = array<i32>} : memref<128xi32, #tpu.memory_space<vmem>>, vector<16xi32>,
        %swap3A_1579 = vector.shape_cast %swap3A_1578 : vector<16xi32> to vector<16xi32>
        %swap3A_1580 = vector.shape_cast %and3A_1576 : vector<16xi32> to vector<16xi32>
        tpu.vector_store %arg8[%swap3A_1577], %swap3A_1580 {strides = array<i32>} : memref<128xi32, #tpu.memory_space<vmem>>, vector<16xi32>,
        %shift_right_logical3A_1581 = arith.constant 16 : i32
        %shift_right_logical3A_1582 = vector.broadcast %shift_right_logical3A_1581 : i32 to vector<16xi32>
        %shift_right_logical3A_1583 = arith.shrui %get3A_1573, %shift_right_logical3A_1582 : vector<16xi32>
        %swap3A_1584 = arith.constant 112 : index
        %swap3A_1585 = tpu.vector_load %arg16[%swap3A_1584] {strides = array<i32>} : memref<128xi32, #tpu.memory_space<vmem>>, vector<16xi32>,
        %swap3A_1586 = vector.shape_cast %swap3A_1585 : vector<16xi32> to vector<16xi32>
        %swap3A_1587 = vector.shape_cast %shift_right_logical3A_1583 : vector<16xi32> to vector<16xi32>
        tpu.vector_store %arg16[%swap3A_1584], %swap3A_1587 {strides = array<i32>} : memref<128xi32, #tpu.memory_space<vmem>>, vector<16xi32>,
        %dma_start3A_1588 = arith.constant 0 : i32
        %dma_start3A_1589 = arith.constant 0 : i32
        %dma_start3A_1590 = tpu.memref_slice %arg2[%dma_start3A_1588, %dma_start3A_1589] : memref<10000x40xf32, #tpu.memory_space<hbm>> -> memref<10000x40xf32, #tpu.memory_space<hbm>>
        tpu.enqueue_indirect_dma source(%dma_start3A_1590 : memref<10000x40xf32, #tpu.memory_space<hbm>>) target(%arg24 : memref<128x40xf32, #tpu.memory_space<vmem>>) offsets(%arg8 : memref<128xi32, #tpu.memory_space<vmem>>) semaphore(%arg33 : memref<!tpu.dma_semaphore, #tpu.memory_space<semaphore_mem>>)
      } else {
      }
      %lt3A_1132 = arith.constant 80 : i32
      %lt3A_1133 = arith.cmpi slt, %add3A_1091, %lt3A_1132 : i32
      %jit3A_1134 = arith.constant 8 : i32
      %eq3A_1135 = arith.constant 0 : i32
      %eq3A_1136 = arith.cmpi eq, %jit3A_1134, %eq3A_1135 : i32
      %jit3A_1137 = arith.constant 1 : i32
      %select_n3A_1138 = arith.select %eq3A_1136, %jit3A_1137, %jit3A_1134 : i32
      %rem3A_1139 = arith.remsi %add3A_1091, %select_n3A_1138 : i32
      %ne3A_1140 = arith.constant 0 : i32
      %ne3A_1141 = arith.cmpi ne, %rem3A_1139, %ne3A_1140 : i32
      %lt3A_1142 = arith.constant 0 : i32
      %lt3A_1143 = arith.cmpi slt, %rem3A_1139, %lt3A_1142 : i32
      %lt3A_1144 = arith.constant 0 : i32
      %lt3A_1145 = arith.cmpi slt, %select_n3A_1138, %lt3A_1144 : i32
      %ne3A_1146 = arith.xori %lt3A_1143, %lt3A_1145 : i1
      %and3A_1147 = arith.andi %ne3A_1146, %ne3A_1141 : i1
      %add3A_1148 = arith.addi %rem3A_1139, %select_n3A_1138 : i32
      %select_n3A_1149 = arith.select %and3A_1147, %add3A_1148, %rem3A_1139 : i32
      %eq3A_1150 = arith.constant 2 : i32
      %eq3A_1151 = arith.cmpi eq, %select_n3A_1149, %eq3A_1150 : i32
      %and3A_1152 = arith.andi %lt3A_1133, %eq3A_1151 : i1
      %convert_element_type3A_1153 = arith.extui %and3A_1152 : i1 to i32
      %cond3A_1154 = arith.constant 0 : i32
      %cond3A_1155 = arith.cmpi ne, %convert_element_type3A_1153, %cond3A_1154 : i32
      scf.if %cond3A_1155 {
        %get3A_1444 = arith.index_cast %add3A_1091 : i32 to index
        %get3A_1445 = arith.constant 0 : index
        %get3A_1446 = tpu.vector_load %arg6[%get3A_1444, %get3A_1445] {strides = array<i32>} : memref<80x128xi32, #tpu.memory_space<vmem>>, vector<1x16xi32>,
        %get3A_1447 = vector.shape_cast %get3A_1446 : vector<1x16xi32> to vector<16xi32>
        %and3A_1448 = arith.constant 65535 : i32
        %and3A_1449 = vector.broadcast %and3A_1448 : i32 to vector<16xi32>
        %and3A_1450 = arith.andi %get3A_1447, %and3A_1449 : vector<16xi32>
        %swap3A_1451 = arith.constant 0 : index
        %swap3A_1452 = tpu.vector_load %arg9[%swap3A_1451] {strides = array<i32>} : memref<128xi32, #tpu.memory_space<vmem>>, vector<16xi32>,
        %swap3A_1453 = vector.shape_cast %swap3A_1452 : vector<16xi32> to vector<16xi32>
        %swap3A_1454 = vector.shape_cast %and3A_1450 : vector<16xi32> to vector<16xi32>
        tpu.vector_store %arg9[%swap3A_1451], %swap3A_1454 {strides = array<i32>} : memref<128xi32, #tpu.memory_space<vmem>>, vector<16xi32>,
        %shift_right_logical3A_1455 = arith.constant 16 : i32
        %shift_right_logical3A_1456 = vector.broadcast %shift_right_logical3A_1455 : i32 to vector<16xi32>
        %shift_right_logical3A_1457 = arith.shrui %get3A_1447, %shift_right_logical3A_1456 : vector<16xi32>
        %swap3A_1458 = arith.constant 0 : index
        %swap3A_1459 = tpu.vector_load %arg17[%swap3A_1458] {strides = array<i32>} : memref<128xi32, #tpu.memory_space<vmem>>, vector<16xi32>,
        %swap3A_1460 = vector.shape_cast %swap3A_1459 : vector<16xi32> to vector<16xi32>
        %swap3A_1461 = vector.shape_cast %shift_right_logical3A_1457 : vector<16xi32> to vector<16xi32>
        tpu.vector_store %arg17[%swap3A_1458], %swap3A_1461 {strides = array<i32>} : memref<128xi32, #tpu.memory_space<vmem>>, vector<16xi32>,
        %get3A_1462 = arith.index_cast %add3A_1091 : i32 to index
        %get3A_1463 = arith.constant 16 : index
        %get3A_1464 = tpu.vector_load %arg6[%get3A_1462, %get3A_1463] {strides = array<i32>} : memref<80x128xi32, #tpu.memory_space<vmem>>, vector<1x16xi32>,
        %get3A_1465 = vector.shape_cast %get3A_1464 : vector<1x16xi32> to vector<16xi32>
        %and3A_1466 = arith.constant 65535 : i32
        %and3A_1467 = vector.broadcast %and3A_1466 : i32 to vector<16xi32>
        %and3A_1468 = arith.andi %get3A_1465, %and3A_1467 : vector<16xi32>
        %swap3A_1469 = arith.constant 16 : index
        %swap3A_1470 = tpu.vector_load %arg9[%swap3A_1469] {strides = array<i32>} : memref<128xi32, #tpu.memory_space<vmem>>, vector<16xi32>,
        %swap3A_1471 = vector.shape_cast %swap3A_1470 : vector<16xi32> to vector<16xi32>
        %swap3A_1472 = vector.shape_cast %and3A_1468 : vector<16xi32> to vector<16xi32>
        tpu.vector_store %arg9[%swap3A_1469], %swap3A_1472 {strides = array<i32>} : memref<128xi32, #tpu.memory_space<vmem>>, vector<16xi32>,
        %shift_right_logical3A_1473 = arith.constant 16 : i32
        %shift_right_logical3A_1474 = vector.broadcast %shift_right_logical3A_1473 : i32 to vector<16xi32>
        %shift_right_logical3A_1475 = arith.shrui %get3A_1465, %shift_right_logical3A_1474 : vector<16xi32>
        %swap3A_1476 = arith.constant 16 : index
        %swap3A_1477 = tpu.vector_load %arg17[%swap3A_1476] {strides = array<i32>} : memref<128xi32, #tpu.memory_space<vmem>>, vector<16xi32>,
        %swap3A_1478 = vector.shape_cast %swap3A_1477 : vector<16xi32> to vector<16xi32>
        %swap3A_1479 = vector.shape_cast %shift_right_logical3A_1475 : vector<16xi32> to vector<16xi32>
        tpu.vector_store %arg17[%swap3A_1476], %swap3A_1479 {strides = array<i32>} : memref<128xi32, #tpu.memory_space<vmem>>, vector<16xi32>,
        %get3A_1480 = arith.index_cast %add3A_1091 : i32 to index
        %get3A_1481 = arith.constant 32 : index
        %get3A_1482 = tpu.vector_load %arg6[%get3A_1480, %get3A_1481] {strides = array<i32>} : memref<80x128xi32, #tpu.memory_space<vmem>>, vector<1x16xi32>,
        %get3A_1483 = vector.shape_cast %get3A_1482 : vector<1x16xi32> to vector<16xi32>
        %and3A_1484 = arith.constant 65535 : i32
        %and3A_1485 = vector.broadcast %and3A_1484 : i32 to vector<16xi32>
        %and3A_1486 = arith.andi %get3A_1483, %and3A_1485 : vector<16xi32>
        %swap3A_1487 = arith.constant 32 : index
        %swap3A_1488 = tpu.vector_load %arg9[%swap3A_1487] {strides = array<i32>} : memref<128xi32, #tpu.memory_space<vmem>>, vector<16xi32>,
        %swap3A_1489 = vector.shape_cast %swap3A_1488 : vector<16xi32> to vector<16xi32>
        %swap3A_1490 = vector.shape_cast %and3A_1486 : vector<16xi32> to vector<16xi32>
        tpu.vector_store %arg9[%swap3A_1487], %swap3A_1490 {strides = array<i32>} : memref<128xi32, #tpu.memory_space<vmem>>, vector<16xi32>,
        %shift_right_logical3A_1491 = arith.constant 16 : i32
        %shift_right_logical3A_1492 = vector.broadcast %shift_right_logical3A_1491 : i32 to vector<16xi32>
        %shift_right_logical3A_1493 = arith.shrui %get3A_1483, %shift_right_logical3A_1492 : vector<16xi32>
        %swap3A_1494 = arith.constant 32 : index
        %swap3A_1495 = tpu.vector_load %arg17[%swap3A_1494] {strides = array<i32>} : memref<128xi32, #tpu.memory_space<vmem>>, vector<16xi32>,
        %swap3A_1496 = vector.shape_cast %swap3A_1495 : vector<16xi32> to vector<16xi32>
        %swap3A_1497 = vector.shape_cast %shift_right_logical3A_1493 : vector<16xi32> to vector<16xi32>
        tpu.vector_store %arg17[%swap3A_1494], %swap3A_1497 {strides = array<i32>} : memref<128xi32, #tpu.memory_space<vmem>>, vector<16xi32>,
        %get3A_1498 = arith.index_cast %add3A_1091 : i32 to index
        %get3A_1499 = arith.constant 48 : index
        %get3A_1500 = tpu.vector_load %arg6[%get3A_1498, %get3A_1499] {strides = array<i32>} : memref<80x128xi32, #tpu.memory_space<vmem>>, vector<1x16xi32>,
        %get3A_1501 = vector.shape_cast %get3A_1500 : vector<1x16xi32> to vector<16xi32>
        %and3A_1502 = arith.constant 65535 : i32
        %and3A_1503 = vector.broadcast %and3A_1502 : i32 to vector<16xi32>
        %and3A_1504 = arith.andi %get3A_1501, %and3A_1503 : vector<16xi32>
        %swap3A_1505 = arith.constant 48 : index
        %swap3A_1506 = tpu.vector_load %arg9[%swap3A_1505] {strides = array<i32>} : memref<128xi32, #tpu.memory_space<vmem>>, vector<16xi32>,
        %swap3A_1507 = vector.shape_cast %swap3A_1506 : vector<16xi32> to vector<16xi32>
        %swap3A_1508 = vector.shape_cast %and3A_1504 : vector<16xi32> to vector<16xi32>
        tpu.vector_store %arg9[%swap3A_1505], %swap3A_1508 {strides = array<i32>} : memref<128xi32, #tpu.memory_space<vmem>>, vector<16xi32>,
        %shift_right_logical3A_1509 = arith.constant 16 : i32
        %shift_right_logical3A_1510 = vector.broadcast %shift_right_logical3A_1509 : i32 to vector<16xi32>
        %shift_right_logical3A_1511 = arith.shrui %get3A_1501, %shift_right_logical3A_1510 : vector<16xi32>
        %swap3A_1512 = arith.constant 48 : index
        %swap3A_1513 = tpu.vector_load %arg17[%swap3A_1512] {strides = array<i32>} : memref<128xi32, #tpu.memory_space<vmem>>, vector<16xi32>,
        %swap3A_1514 = vector.shape_cast %swap3A_1513 : vector<16xi32> to vector<16xi32>
        %swap3A_1515 = vector.shape_cast %shift_right_logical3A_1511 : vector<16xi32> to vector<16xi32>
        tpu.vector_store %arg17[%swap3A_1512], %swap3A_1515 {strides = array<i32>} : memref<128xi32, #tpu.memory_space<vmem>>, vector<16xi32>,
        %get3A_1516 = arith.index_cast %add3A_1091 : i32 to index
        %get3A_1517 = arith.constant 64 : index
        %get3A_1518 = tpu.vector_load %arg6[%get3A_1516, %get3A_1517] {strides = array<i32>} : memref<80x128xi32, #tpu.memory_space<vmem>>, vector<1x16xi32>,
        %get3A_1519 = vector.shape_cast %get3A_1518 : vector<1x16xi32> to vector<16xi32>
        %and3A_1520 = arith.constant 65535 : i32
        %and3A_1521 = vector.broadcast %and3A_1520 : i32 to vector<16xi32>
        %and3A_1522 = arith.andi %get3A_1519, %and3A_1521 : vector<16xi32>
        %swap3A_1523 = arith.constant 64 : index
        %swap3A_1524 = tpu.vector_load %arg9[%swap3A_1523] {strides = array<i32>} : memref<128xi32, #tpu.memory_space<vmem>>, vector<16xi32>,
        %swap3A_1525 = vector.shape_cast %swap3A_1524 : vector<16xi32> to vector<16xi32>
        %swap3A_1526 = vector.shape_cast %and3A_1522 : vector<16xi32> to vector<16xi32>
        tpu.vector_store %arg9[%swap3A_1523], %swap3A_1526 {strides = array<i32>} : memref<128xi32, #tpu.memory_space<vmem>>, vector<16xi32>,
        %shift_right_logical3A_1527 = arith.constant 16 : i32
        %shift_right_logical3A_1528 = vector.broadcast %shift_right_logical3A_1527 : i32 to vector<16xi32>
        %shift_right_logical3A_1529 = arith.shrui %get3A_1519, %shift_right_logical3A_1528 : vector<16xi32>
        %swap3A_1530 = arith.constant 64 : index
        %swap3A_1531 = tpu.vector_load %arg17[%swap3A_1530] {strides = array<i32>} : memref<128xi32, #tpu.memory_space<vmem>>, vector<16xi32>,
        %swap3A_1532 = vector.shape_cast %swap3A_1531 : vector<16xi32> to vector<16xi32>
        %swap3A_1533 = vector.shape_cast %shift_right_logical3A_1529 : vector<16xi32> to vector<16xi32>
        tpu.vector_store %arg17[%swap3A_1530], %swap3A_1533 {strides = array<i32>} : memref<128xi32, #tpu.memory_space<vmem>>, vector<16xi32>,
        %get3A_1534 = arith.index_cast %add3A_1091 : i32 to index
        %get3A_1535 = arith.constant 80 : index
        %get3A_1536 = tpu.vector_load %arg6[%get3A_1534, %get3A_1535] {strides = array<i32>} : memref<80x128xi32, #tpu.memory_space<vmem>>, vector<1x16xi32>,
        %get3A_1537 = vector.shape_cast %get3A_1536 : vector<1x16xi32> to vector<16xi32>
        %and3A_1538 = arith.constant 65535 : i32
        %and3A_1539 = vector.broadcast %and3A_1538 : i32 to vector<16xi32>
        %and3A_1540 = arith.andi %get3A_1537, %and3A_1539 : vector<16xi32>
        %swap3A_1541 = arith.constant 80 : index
        %swap3A_1542 = tpu.vector_load %arg9[%swap3A_1541] {strides = array<i32>} : memref<128xi32, #tpu.memory_space<vmem>>, vector<16xi32>,
        %swap3A_1543 = vector.shape_cast %swap3A_1542 : vector<16xi32> to vector<16xi32>
        %swap3A_1544 = vector.shape_cast %and3A_1540 : vector<16xi32> to vector<16xi32>
        tpu.vector_store %arg9[%swap3A_1541], %swap3A_1544 {strides = array<i32>} : memref<128xi32, #tpu.memory_space<vmem>>, vector<16xi32>,
        %shift_right_logical3A_1545 = arith.constant 16 : i32
        %shift_right_logical3A_1546 = vector.broadcast %shift_right_logical3A_1545 : i32 to vector<16xi32>
        %shift_right_logical3A_1547 = arith.shrui %get3A_1537, %shift_right_logical3A_1546 : vector<16xi32>
        %swap3A_1548 = arith.constant 80 : index
        %swap3A_1549 = tpu.vector_load %arg17[%swap3A_1548] {strides = array<i32>} : memref<128xi32, #tpu.memory_space<vmem>>, vector<16xi32>,
        %swap3A_1550 = vector.shape_cast %swap3A_1549 : vector<16xi32> to vector<16xi32>
        %swap3A_1551 = vector.shape_cast %shift_right_logical3A_1547 : vector<16xi32> to vector<16xi32>
        tpu.vector_store %arg17[%swap3A_1548], %swap3A_1551 {strides = array<i32>} : memref<128xi32, #tpu.memory_space<vmem>>, vector<16xi32>,
        %get3A_1552 = arith.index_cast %add3A_1091 : i32 to index
        %get3A_1553 = arith.constant 96 : index
        %get3A_1554 = tpu.vector_load %arg6[%get3A_1552, %get3A_1553] {strides = array<i32>} : memref<80x128xi32, #tpu.memory_space<vmem>>, vector<1x16xi32>,
        %get3A_1555 = vector.shape_cast %get3A_1554 : vector<1x16xi32> to vector<16xi32>
        %and3A_1556 = arith.constant 65535 : i32
        %and3A_1557 = vector.broadcast %and3A_1556 : i32 to vector<16xi32>
        %and3A_1558 = arith.andi %get3A_1555, %and3A_1557 : vector<16xi32>
        %swap3A_1559 = arith.constant 96 : index
        %swap3A_1560 = tpu.vector_load %arg9[%swap3A_1559] {strides = array<i32>} : memref<128xi32, #tpu.memory_space<vmem>>, vector<16xi32>,
        %swap3A_1561 = vector.shape_cast %swap3A_1560 : vector<16xi32> to vector<16xi32>
        %swap3A_1562 = vector.shape_cast %and3A_1558 : vector<16xi32> to vector<16xi32>
        tpu.vector_store %arg9[%swap3A_1559], %swap3A_1562 {strides = array<i32>} : memref<128xi32, #tpu.memory_space<vmem>>, vector<16xi32>,
        %shift_right_logical3A_1563 = arith.constant 16 : i32
        %shift_right_logical3A_1564 = vector.broadcast %shift_right_logical3A_1563 : i32 to vector<16xi32>
        %shift_right_logical3A_1565 = arith.shrui %get3A_1555, %shift_right_logical3A_1564 : vector<16xi32>
        %swap3A_1566 = arith.constant 96 : index
        %swap3A_1567 = tpu.vector_load %arg17[%swap3A_1566] {strides = array<i32>} : memref<128xi32, #tpu.memory_space<vmem>>, vector<16xi32>,
        %swap3A_1568 = vector.shape_cast %swap3A_1567 : vector<16xi32> to vector<16xi32>
        %swap3A_1569 = vector.shape_cast %shift_right_logical3A_1565 : vector<16xi32> to vector<16xi32>
        tpu.vector_store %arg17[%swap3A_1566], %swap3A_1569 {strides = array<i32>} : memref<128xi32, #tpu.memory_space<vmem>>, vector<16xi32>,
        %get3A_1570 = arith.index_cast %add3A_1091 : i32 to index
        %get3A_1571 = arith.constant 112 : index
        %get3A_1572 = tpu.vector_load %arg6[%get3A_1570, %get3A_1571] {strides = array<i32>} : memref<80x128xi32, #tpu.memory_space<vmem>>, vector<1x16xi32>,
        %get3A_1573 = vector.shape_cast %get3A_1572 : vector<1x16xi32> to vector<16xi32>
        %and3A_1574 = arith.constant 65535 : i32
        %and3A_1575 = vector.broadcast %and3A_1574 : i32 to vector<16xi32>
        %and3A_1576 = arith.andi %get3A_1573, %and3A_1575 : vector<16xi32>
        %swap3A_1577 = arith.constant 112 : index
        %swap3A_1578 = tpu.vector_load %arg9[%swap3A_1577] {strides = array<i32>} : memref<128xi32, #tpu.memory_space<vmem>>, vector<16xi32>,
        %swap3A_1579 = vector.shape_cast %swap3A_1578 : vector<16xi32> to vector<16xi32>
        %swap3A_1580 = vector.shape_cast %and3A_1576 : vector<16xi32> to vector<16xi32>
        tpu.vector_store %arg9[%swap3A_1577], %swap3A_1580 {strides = array<i32>} : memref<128xi32, #tpu.memory_space<vmem>>, vector<16xi32>,
        %shift_right_logical3A_1581 = arith.constant 16 : i32
        %shift_right_logical3A_1582 = vector.broadcast %shift_right_logical3A_1581 : i32 to vector<16xi32>
        %shift_right_logical3A_1583 = arith.shrui %get3A_1573, %shift_right_logical3A_1582 : vector<16xi32>
        %swap3A_1584 = arith.constant 112 : index
        %swap3A_1585 = tpu.vector_load %arg17[%swap3A_1584] {strides = array<i32>} : memref<128xi32, #tpu.memory_space<vmem>>, vector<16xi32>,
        %swap3A_1586 = vector.shape_cast %swap3A_1585 : vector<16xi32> to vector<16xi32>
        %swap3A_1587 = vector.shape_cast %shift_right_logical3A_1583 : vector<16xi32> to vector<16xi32>
        tpu.vector_store %arg17[%swap3A_1584], %swap3A_1587 {strides = array<i32>} : memref<128xi32, #tpu.memory_space<vmem>>, vector<16xi32>,
        %dma_start3A_1588 = arith.constant 0 : i32
        %dma_start3A_1589 = arith.constant 0 : i32
        %dma_start3A_1590 = tpu.memref_slice %arg2[%dma_start3A_1588, %dma_start3A_1589] : memref<10000x40xf32, #tpu.memory_space<hbm>> -> memref<10000x40xf32, #tpu.memory_space<hbm>>
        tpu.enqueue_indirect_dma source(%dma_start3A_1590 : memref<10000x40xf32, #tpu.memory_space<hbm>>) target(%arg25 : memref<128x40xf32, #tpu.memory_space<vmem>>) offsets(%arg9 : memref<128xi32, #tpu.memory_space<vmem>>) semaphore(%arg34 : memref<!tpu.dma_semaphore, #tpu.memory_space<semaphore_mem>>)
      } else {
      }
      %lt3A_1156 = arith.constant 80 : i32
      %lt3A_1157 = arith.cmpi slt, %add3A_1091, %lt3A_1156 : i32
      %jit3A_1158 = arith.constant 8 : i32
      %eq3A_1159 = arith.constant 0 : i32
      %eq3A_1160 = arith.cmpi eq, %jit3A_1158, %eq3A_1159 : i32
      %jit3A_1161 = arith.constant 1 : i32
      %select_n3A_1162 = arith.select %eq3A_1160, %jit3A_1161, %jit3A_1158 : i32
      %rem3A_1163 = arith.remsi %add3A_1091, %select_n3A_1162 : i32
      %ne3A_1164 = arith.constant 0 : i32
      %ne3A_1165 = arith.cmpi ne, %rem3A_1163, %ne3A_1164 : i32
      %lt3A_1166 = arith.constant 0 : i32
      %lt3A_1167 = arith.cmpi slt, %rem3A_1163, %lt3A_1166 : i32
      %lt3A_1168 = arith.constant 0 : i32
      %lt3A_1169 = arith.cmpi slt, %select_n3A_1162, %lt3A_1168 : i32
      %ne3A_1170 = arith.xori %lt3A_1167, %lt3A_1169 : i1
      %and3A_1171 = arith.andi %ne3A_1170, %ne3A_1165 : i1
      %add3A_1172 = arith.addi %rem3A_1163, %select_n3A_1162 : i32
      %select_n3A_1173 = arith.select %and3A_1171, %add3A_1172, %rem3A_1163 : i32
      %eq3A_1174 = arith.constant 3 : i32
      %eq3A_1175 = arith.cmpi eq, %select_n3A_1173, %eq3A_1174 : i32
      %and3A_1176 = arith.andi %lt3A_1157, %eq3A_1175 : i1
      %convert_element_type3A_1177 = arith.extui %and3A_1176 : i1 to i32
      %cond3A_1178 = arith.constant 0 : i32
      %cond3A_1179 = arith.cmpi ne, %convert_element_type3A_1177, %cond3A_1178 : i32
      scf.if %cond3A_1179 {
        %get3A_1444 = arith.index_cast %add3A_1091 : i32 to index
        %get3A_1445 = arith.constant 0 : index
        %get3A_1446 = tpu.vector_load %arg6[%get3A_1444, %get3A_1445] {strides = array<i32>} : memref<80x128xi32, #tpu.memory_space<vmem>>, vector<1x16xi32>,
        %get3A_1447 = vector.shape_cast %get3A_1446 : vector<1x16xi32> to vector<16xi32>
        %and3A_1448 = arith.constant 65535 : i32
        %and3A_1449 = vector.broadcast %and3A_1448 : i32 to vector<16xi32>
        %and3A_1450 = arith.andi %get3A_1447, %and3A_1449 : vector<16xi32>
        %swap3A_1451 = arith.constant 0 : index
        %swap3A_1452 = tpu.vector_load %arg10[%swap3A_1451] {strides = array<i32>} : memref<128xi32, #tpu.memory_space<vmem>>, vector<16xi32>,
        %swap3A_1453 = vector.shape_cast %swap3A_1452 : vector<16xi32> to vector<16xi32>
        %swap3A_1454 = vector.shape_cast %and3A_1450 : vector<16xi32> to vector<16xi32>
        tpu.vector_store %arg10[%swap3A_1451], %swap3A_1454 {strides = array<i32>} : memref<128xi32, #tpu.memory_space<vmem>>, vector<16xi32>,
        %shift_right_logical3A_1455 = arith.constant 16 : i32
        %shift_right_logical3A_1456 = vector.broadcast %shift_right_logical3A_1455 : i32 to vector<16xi32>
        %shift_right_logical3A_1457 = arith.shrui %get3A_1447, %shift_right_logical3A_1456 : vector<16xi32>
        %swap3A_1458 = arith.constant 0 : index
        %swap3A_1459 = tpu.vector_load %arg18[%swap3A_1458] {strides = array<i32>} : memref<128xi32, #tpu.memory_space<vmem>>, vector<16xi32>,
        %swap3A_1460 = vector.shape_cast %swap3A_1459 : vector<16xi32> to vector<16xi32>
        %swap3A_1461 = vector.shape_cast %shift_right_logical3A_1457 : vector<16xi32> to vector<16xi32>
        tpu.vector_store %arg18[%swap3A_1458], %swap3A_1461 {strides = array<i32>} : memref<128xi32, #tpu.memory_space<vmem>>, vector<16xi32>,
        %get3A_1462 = arith.index_cast %add3A_1091 : i32 to index
        %get3A_1463 = arith.constant 16 : index
        %get3A_1464 = tpu.vector_load %arg6[%get3A_1462, %get3A_1463] {strides = array<i32>} : memref<80x128xi32, #tpu.memory_space<vmem>>, vector<1x16xi32>,
        %get3A_1465 = vector.shape_cast %get3A_1464 : vector<1x16xi32> to vector<16xi32>
        %and3A_1466 = arith.constant 65535 : i32
        %and3A_1467 = vector.broadcast %and3A_1466 : i32 to vector<16xi32>
        %and3A_1468 = arith.andi %get3A_1465, %and3A_1467 : vector<16xi32>
        %swap3A_1469 = arith.constant 16 : index
        %swap3A_1470 = tpu.vector_load %arg10[%swap3A_1469] {strides = array<i32>} : memref<128xi32, #tpu.memory_space<vmem>>, vector<16xi32>,
        %swap3A_1471 = vector.shape_cast %swap3A_1470 : vector<16xi32> to vector<16xi32>
        %swap3A_1472 = vector.shape_cast %and3A_1468 : vector<16xi32> to vector<16xi32>
        tpu.vector_store %arg10[%swap3A_1469], %swap3A_1472 {strides = array<i32>} : memref<128xi32, #tpu.memory_space<vmem>>, vector<16xi32>,
        %shift_right_logical3A_1473 = arith.constant 16 : i32
        %shift_right_logical3A_1474 = vector.broadcast %shift_right_logical3A_1473 : i32 to vector<16xi32>
        %shift_right_logical3A_1475 = arith.shrui %get3A_1465, %shift_right_logical3A_1474 : vector<16xi32>
        %swap3A_1476 = arith.constant 16 : index
        %swap3A_1477 = tpu.vector_load %arg18[%swap3A_1476] {strides = array<i32>} : memref<128xi32, #tpu.memory_space<vmem>>, vector<16xi32>,
        %swap3A_1478 = vector.shape_cast %swap3A_1477 : vector<16xi32> to vector<16xi32>
        %swap3A_1479 = vector.shape_cast %shift_right_logical3A_1475 : vector<16xi32> to vector<16xi32>
        tpu.vector_store %arg18[%swap3A_1476], %swap3A_1479 {strides = array<i32>} : memref<128xi32, #tpu.memory_space<vmem>>, vector<16xi32>,
        %get3A_1480 = arith.index_cast %add3A_1091 : i32 to index
        %get3A_1481 = arith.constant 32 : index
        %get3A_1482 = tpu.vector_load %arg6[%get3A_1480, %get3A_1481] {strides = array<i32>} : memref<80x128xi32, #tpu.memory_space<vmem>>, vector<1x16xi32>,
        %get3A_1483 = vector.shape_cast %get3A_1482 : vector<1x16xi32> to vector<16xi32>
        %and3A_1484 = arith.constant 65535 : i32
        %and3A_1485 = vector.broadcast %and3A_1484 : i32 to vector<16xi32>
        %and3A_1486 = arith.andi %get3A_1483, %and3A_1485 : vector<16xi32>
        %swap3A_1487 = arith.constant 32 : index
        %swap3A_1488 = tpu.vector_load %arg10[%swap3A_1487] {strides = array<i32>} : memref<128xi32, #tpu.memory_space<vmem>>, vector<16xi32>,
        %swap3A_1489 = vector.shape_cast %swap3A_1488 : vector<16xi32> to vector<16xi32>
        %swap3A_1490 = vector.shape_cast %and3A_1486 : vector<16xi32> to vector<16xi32>
        tpu.vector_store %arg10[%swap3A_1487], %swap3A_1490 {strides = array<i32>} : memref<128xi32, #tpu.memory_space<vmem>>, vector<16xi32>,
        %shift_right_logical3A_1491 = arith.constant 16 : i32
        %shift_right_logical3A_1492 = vector.broadcast %shift_right_logical3A_1491 : i32 to vector<16xi32>
        %shift_right_logical3A_1493 = arith.shrui %get3A_1483, %shift_right_logical3A_1492 : vector<16xi32>
        %swap3A_1494 = arith.constant 32 : index
        %swap3A_1495 = tpu.vector_load %arg18[%swap3A_1494] {strides = array<i32>} : memref<128xi32, #tpu.memory_space<vmem>>, vector<16xi32>,
        %swap3A_1496 = vector.shape_cast %swap3A_1495 : vector<16xi32> to vector<16xi32>
        %swap3A_1497 = vector.shape_cast %shift_right_logical3A_1493 : vector<16xi32> to vector<16xi32>
        tpu.vector_store %arg18[%swap3A_1494], %swap3A_1497 {strides = array<i32>} : memref<128xi32, #tpu.memory_space<vmem>>, vector<16xi32>,
        %get3A_1498 = arith.index_cast %add3A_1091 : i32 to index
        %get3A_1499 = arith.constant 48 : index
        %get3A_1500 = tpu.vector_load %arg6[%get3A_1498, %get3A_1499] {strides = array<i32>} : memref<80x128xi32, #tpu.memory_space<vmem>>, vector<1x16xi32>,
        %get3A_1501 = vector.shape_cast %get3A_1500 : vector<1x16xi32> to vector<16xi32>
        %and3A_1502 = arith.constant 65535 : i32
        %and3A_1503 = vector.broadcast %and3A_1502 : i32 to vector<16xi32>
        %and3A_1504 = arith.andi %get3A_1501, %and3A_1503 : vector<16xi32>
        %swap3A_1505 = arith.constant 48 : index
        %swap3A_1506 = tpu.vector_load %arg10[%swap3A_1505] {strides = array<i32>} : memref<128xi32, #tpu.memory_space<vmem>>, vector<16xi32>,
        %swap3A_1507 = vector.shape_cast %swap3A_1506 : vector<16xi32> to vector<16xi32>
        %swap3A_1508 = vector.shape_cast %and3A_1504 : vector<16xi32> to vector<16xi32>
        tpu.vector_store %arg10[%swap3A_1505], %swap3A_1508 {strides = array<i32>} : memref<128xi32, #tpu.memory_space<vmem>>, vector<16xi32>,
        %shift_right_logical3A_1509 = arith.constant 16 : i32
        %shift_right_logical3A_1510 = vector.broadcast %shift_right_logical3A_1509 : i32 to vector<16xi32>
        %shift_right_logical3A_1511 = arith.shrui %get3A_1501, %shift_right_logical3A_1510 : vector<16xi32>
        %swap3A_1512 = arith.constant 48 : index
        %swap3A_1513 = tpu.vector_load %arg18[%swap3A_1512] {strides = array<i32>} : memref<128xi32, #tpu.memory_space<vmem>>, vector<16xi32>,
        %swap3A_1514 = vector.shape_cast %swap3A_1513 : vector<16xi32> to vector<16xi32>
        %swap3A_1515 = vector.shape_cast %shift_right_logical3A_1511 : vector<16xi32> to vector<16xi32>
        tpu.vector_store %arg18[%swap3A_1512], %swap3A_1515 {strides = array<i32>} : memref<128xi32, #tpu.memory_space<vmem>>, vector<16xi32>,
        %get3A_1516 = arith.index_cast %add3A_1091 : i32 to index
        %get3A_1517 = arith.constant 64 : index
        %get3A_1518 = tpu.vector_load %arg6[%get3A_1516, %get3A_1517] {strides = array<i32>} : memref<80x128xi32, #tpu.memory_space<vmem>>, vector<1x16xi32>,
        %get3A_1519 = vector.shape_cast %get3A_1518 : vector<1x16xi32> to vector<16xi32>
        %and3A_1520 = arith.constant 65535 : i32
        %and3A_1521 = vector.broadcast %and3A_1520 : i32 to vector<16xi32>
        %and3A_1522 = arith.andi %get3A_1519, %and3A_1521 : vector<16xi32>
        %swap3A_1523 = arith.constant 64 : index
        %swap3A_1524 = tpu.vector_load %arg10[%swap3A_1523] {strides = array<i32>} : memref<128xi32, #tpu.memory_space<vmem>>, vector<16xi32>,
        %swap3A_1525 = vector.shape_cast %swap3A_1524 : vector<16xi32> to vector<16xi32>
        %swap3A_1526 = vector.shape_cast %and3A_1522 : vector<16xi32> to vector<16xi32>
        tpu.vector_store %arg10[%swap3A_1523], %swap3A_1526 {strides = array<i32>} : memref<128xi32, #tpu.memory_space<vmem>>, vector<16xi32>,
        %shift_right_logical3A_1527 = arith.constant 16 : i32
        %shift_right_logical3A_1528 = vector.broadcast %shift_right_logical3A_1527 : i32 to vector<16xi32>
        %shift_right_logical3A_1529 = arith.shrui %get3A_1519, %shift_right_logical3A_1528 : vector<16xi32>
        %swap3A_1530 = arith.constant 64 : index
        %swap3A_1531 = tpu.vector_load %arg18[%swap3A_1530] {strides = array<i32>} : memref<128xi32, #tpu.memory_space<vmem>>, vector<16xi32>,
        %swap3A_1532 = vector.shape_cast %swap3A_1531 : vector<16xi32> to vector<16xi32>
        %swap3A_1533 = vector.shape_cast %shift_right_logical3A_1529 : vector<16xi32> to vector<16xi32>
        tpu.vector_store %arg18[%swap3A_1530], %swap3A_1533 {strides = array<i32>} : memref<128xi32, #tpu.memory_space<vmem>>, vector<16xi32>,
        %get3A_1534 = arith.index_cast %add3A_1091 : i32 to index
        %get3A_1535 = arith.constant 80 : index
        %get3A_1536 = tpu.vector_load %arg6[%get3A_1534, %get3A_1535] {strides = array<i32>} : memref<80x128xi32, #tpu.memory_space<vmem>>, vector<1x16xi32>,
        %get3A_1537 = vector.shape_cast %get3A_1536 : vector<1x16xi32> to vector<16xi32>
        %and3A_1538 = arith.constant 65535 : i32
        %and3A_1539 = vector.broadcast %and3A_1538 : i32 to vector<16xi32>
        %and3A_1540 = arith.andi %get3A_1537, %and3A_1539 : vector<16xi32>
        %swap3A_1541 = arith.constant 80 : index
        %swap3A_1542 = tpu.vector_load %arg10[%swap3A_1541] {strides = array<i32>} : memref<128xi32, #tpu.memory_space<vmem>>, vector<16xi32>,
        %swap3A_1543 = vector.shape_cast %swap3A_1542 : vector<16xi32> to vector<16xi32>
        %swap3A_1544 = vector.shape_cast %and3A_1540 : vector<16xi32> to vector<16xi32>
        tpu.vector_store %arg10[%swap3A_1541], %swap3A_1544 {strides = array<i32>} : memref<128xi32, #tpu.memory_space<vmem>>, vector<16xi32>,
        %shift_right_logical3A_1545 = arith.constant 16 : i32
        %shift_right_logical3A_1546 = vector.broadcast %shift_right_logical3A_1545 : i32 to vector<16xi32>
        %shift_right_logical3A_1547 = arith.shrui %get3A_1537, %shift_right_logical3A_1546 : vector<16xi32>
        %swap3A_1548 = arith.constant 80 : index
        %swap3A_1549 = tpu.vector_load %arg18[%swap3A_1548] {strides = array<i32>} : memref<128xi32, #tpu.memory_space<vmem>>, vector<16xi32>,
        %swap3A_1550 = vector.shape_cast %swap3A_1549 : vector<16xi32> to vector<16xi32>
        %swap3A_1551 = vector.shape_cast %shift_right_logical3A_1547 : vector<16xi32> to vector<16xi32>
        tpu.vector_store %arg18[%swap3A_1548], %swap3A_1551 {strides = array<i32>} : memref<128xi32, #tpu.memory_space<vmem>>, vector<16xi32>,
        %get3A_1552 = arith.index_cast %add3A_1091 : i32 to index
        %get3A_1553 = arith.constant 96 : index
        %get3A_1554 = tpu.vector_load %arg6[%get3A_1552, %get3A_1553] {strides = array<i32>} : memref<80x128xi32, #tpu.memory_space<vmem>>, vector<1x16xi32>,
        %get3A_1555 = vector.shape_cast %get3A_1554 : vector<1x16xi32> to vector<16xi32>
        %and3A_1556 = arith.constant 65535 : i32
        %and3A_1557 = vector.broadcast %and3A_1556 : i32 to vector<16xi32>
        %and3A_1558 = arith.andi %get3A_1555, %and3A_1557 : vector<16xi32>
        %swap3A_1559 = arith.constant 96 : index
        %swap3A_1560 = tpu.vector_load %arg10[%swap3A_1559] {strides = array<i32>} : memref<128xi32, #tpu.memory_space<vmem>>, vector<16xi32>,
        %swap3A_1561 = vector.shape_cast %swap3A_1560 : vector<16xi32> to vector<16xi32>
        %swap3A_1562 = vector.shape_cast %and3A_1558 : vector<16xi32> to vector<16xi32>
        tpu.vector_store %arg10[%swap3A_1559], %swap3A_1562 {strides = array<i32>} : memref<128xi32, #tpu.memory_space<vmem>>, vector<16xi32>,
        %shift_right_logical3A_1563 = arith.constant 16 : i32
        %shift_right_logical3A_1564 = vector.broadcast %shift_right_logical3A_1563 : i32 to vector<16xi32>
        %shift_right_logical3A_1565 = arith.shrui %get3A_1555, %shift_right_logical3A_1564 : vector<16xi32>
        %swap3A_1566 = arith.constant 96 : index
        %swap3A_1567 = tpu.vector_load %arg18[%swap3A_1566] {strides = array<i32>} : memref<128xi32, #tpu.memory_space<vmem>>, vector<16xi32>,
        %swap3A_1568 = vector.shape_cast %swap3A_1567 : vector<16xi32> to vector<16xi32>
        %swap3A_1569 = vector.shape_cast %shift_right_logical3A_1565 : vector<16xi32> to vector<16xi32>
        tpu.vector_store %arg18[%swap3A_1566], %swap3A_1569 {strides = array<i32>} : memref<128xi32, #tpu.memory_space<vmem>>, vector<16xi32>,
        %get3A_1570 = arith.index_cast %add3A_1091 : i32 to index
        %get3A_1571 = arith.constant 112 : index
        %get3A_1572 = tpu.vector_load %arg6[%get3A_1570, %get3A_1571] {strides = array<i32>} : memref<80x128xi32, #tpu.memory_space<vmem>>, vector<1x16xi32>,
        %get3A_1573 = vector.shape_cast %get3A_1572 : vector<1x16xi32> to vector<16xi32>
        %and3A_1574 = arith.constant 65535 : i32
        %and3A_1575 = vector.broadcast %and3A_1574 : i32 to vector<16xi32>
        %and3A_1576 = arith.andi %get3A_1573, %and3A_1575 : vector<16xi32>
        %swap3A_1577 = arith.constant 112 : index
        %swap3A_1578 = tpu.vector_load %arg10[%swap3A_1577] {strides = array<i32>} : memref<128xi32, #tpu.memory_space<vmem>>, vector<16xi32>,
        %swap3A_1579 = vector.shape_cast %swap3A_1578 : vector<16xi32> to vector<16xi32>
        %swap3A_1580 = vector.shape_cast %and3A_1576 : vector<16xi32> to vector<16xi32>
        tpu.vector_store %arg10[%swap3A_1577], %swap3A_1580 {strides = array<i32>} : memref<128xi32, #tpu.memory_space<vmem>>, vector<16xi32>,
        %shift_right_logical3A_1581 = arith.constant 16 : i32
        %shift_right_logical3A_1582 = vector.broadcast %shift_right_logical3A_1581 : i32 to vector<16xi32>
        %shift_right_logical3A_1583 = arith.shrui %get3A_1573, %shift_right_logical3A_1582 : vector<16xi32>
        %swap3A_1584 = arith.constant 112 : index
        %swap3A_1585 = tpu.vector_load %arg18[%swap3A_1584] {strides = array<i32>} : memref<128xi32, #tpu.memory_space<vmem>>, vector<16xi32>,
        %swap3A_1586 = vector.shape_cast %swap3A_1585 : vector<16xi32> to vector<16xi32>
        %swap3A_1587 = vector.shape_cast %shift_right_logical3A_1583 : vector<16xi32> to vector<16xi32>
        tpu.vector_store %arg18[%swap3A_1584], %swap3A_1587 {strides = array<i32>} : memref<128xi32, #tpu.memory_space<vmem>>, vector<16xi32>,
        %dma_start3A_1588 = arith.constant 0 : i32
        %dma_start3A_1589 = arith.constant 0 : i32
        %dma_start3A_1590 = tpu.memref_slice %arg2[%dma_start3A_1588, %dma_start3A_1589] : memref<10000x40xf32, #tpu.memory_space<hbm>> -> memref<10000x40xf32, #tpu.memory_space<hbm>>
        tpu.enqueue_indirect_dma source(%dma_start3A_1590 : memref<10000x40xf32, #tpu.memory_space<hbm>>) target(%arg26 : memref<128x40xf32, #tpu.memory_space<vmem>>) offsets(%arg10 : memref<128xi32, #tpu.memory_space<vmem>>) semaphore(%arg35 : memref<!tpu.dma_semaphore, #tpu.memory_space<semaphore_mem>>)
      } else {
      }
      %lt3A_1180 = arith.constant 80 : i32
      %lt3A_1181 = arith.cmpi slt, %add3A_1091, %lt3A_1180 : i32
      %jit3A_1182 = arith.constant 8 : i32
      %eq3A_1183 = arith.constant 0 : i32
      %eq3A_1184 = arith.cmpi eq, %jit3A_1182, %eq3A_1183 : i32
      %jit3A_1185 = arith.constant 1 : i32
      %select_n3A_1186 = arith.select %eq3A_1184, %jit3A_1185, %jit3A_1182 : i32
      %rem3A_1187 = arith.remsi %add3A_1091, %select_n3A_1186 : i32
      %ne3A_1188 = arith.constant 0 : i32
      %ne3A_1189 = arith.cmpi ne, %rem3A_1187, %ne3A_1188 : i32
      %lt3A_1190 = arith.constant 0 : i32
      %lt3A_1191 = arith.cmpi slt, %rem3A_1187, %lt3A_1190 : i32
      %lt3A_1192 = arith.constant 0 : i32
      %lt3A_1193 = arith.cmpi slt, %select_n3A_1186, %lt3A_1192 : i32
      %ne3A_1194 = arith.xori %lt3A_1191, %lt3A_1193 : i1
      %and3A_1195 = arith.andi %ne3A_1194, %ne3A_1189 : i1
      %add3A_1196 = arith.addi %rem3A_1187, %select_n3A_1186 : i32
      %select_n3A_1197 = arith.select %and3A_1195, %add3A_1196, %rem3A_1187 : i32
      %eq3A_1198 = arith.constant 4 : i32
      %eq3A_1199 = arith.cmpi eq, %select_n3A_1197, %eq3A_1198 : i32
      %and3A_1200 = arith.andi %lt3A_1181, %eq3A_1199 : i1
      %convert_element_type3A_1201 = arith.extui %and3A_1200 : i1 to i32
      %cond3A_1202 = arith.constant 0 : i32
      %cond3A_1203 = arith.cmpi ne, %convert_element_type3A_1201, %cond3A_1202 : i32
      scf.if %cond3A_1203 {
        %get3A_1444 = arith.index_cast %add3A_1091 : i32 to index
        %get3A_1445 = arith.constant 0 : index
        %get3A_1446 = tpu.vector_load %arg6[%get3A_1444, %get3A_1445] {strides = array<i32>} : memref<80x128xi32, #tpu.memory_space<vmem>>, vector<1x16xi32>,
        %get3A_1447 = vector.shape_cast %get3A_1446 : vector<1x16xi32> to vector<16xi32>
        %and3A_1448 = arith.constant 65535 : i32
        %and3A_1449 = vector.broadcast %and3A_1448 : i32 to vector<16xi32>
        %and3A_1450 = arith.andi %get3A_1447, %and3A_1449 : vector<16xi32>
        %swap3A_1451 = arith.constant 0 : index
        %swap3A_1452 = tpu.vector_load %arg11[%swap3A_1451] {strides = array<i32>} : memref<128xi32, #tpu.memory_space<vmem>>, vector<16xi32>,
        %swap3A_1453 = vector.shape_cast %swap3A_1452 : vector<16xi32> to vector<16xi32>
        %swap3A_1454 = vector.shape_cast %and3A_1450 : vector<16xi32> to vector<16xi32>
        tpu.vector_store %arg11[%swap3A_1451], %swap3A_1454 {strides = array<i32>} : memref<128xi32, #tpu.memory_space<vmem>>, vector<16xi32>,
        %shift_right_logical3A_1455 = arith.constant 16 : i32
        %shift_right_logical3A_1456 = vector.broadcast %shift_right_logical3A_1455 : i32 to vector<16xi32>
        %shift_right_logical3A_1457 = arith.shrui %get3A_1447, %shift_right_logical3A_1456 : vector<16xi32>
        %swap3A_1458 = arith.constant 0 : index
        %swap3A_1459 = tpu.vector_load %arg19[%swap3A_1458] {strides = array<i32>} : memref<128xi32, #tpu.memory_space<vmem>>, vector<16xi32>,
        %swap3A_1460 = vector.shape_cast %swap3A_1459 : vector<16xi32> to vector<16xi32>
        %swap3A_1461 = vector.shape_cast %shift_right_logical3A_1457 : vector<16xi32> to vector<16xi32>
        tpu.vector_store %arg19[%swap3A_1458], %swap3A_1461 {strides = array<i32>} : memref<128xi32, #tpu.memory_space<vmem>>, vector<16xi32>,
        %get3A_1462 = arith.index_cast %add3A_1091 : i32 to index
        %get3A_1463 = arith.constant 16 : index
        %get3A_1464 = tpu.vector_load %arg6[%get3A_1462, %get3A_1463] {strides = array<i32>} : memref<80x128xi32, #tpu.memory_space<vmem>>, vector<1x16xi32>,
        %get3A_1465 = vector.shape_cast %get3A_1464 : vector<1x16xi32> to vector<16xi32>
        %and3A_1466 = arith.constant 65535 : i32
        %and3A_1467 = vector.broadcast %and3A_1466 : i32 to vector<16xi32>
        %and3A_1468 = arith.andi %get3A_1465, %and3A_1467 : vector<16xi32>
        %swap3A_1469 = arith.constant 16 : index
        %swap3A_1470 = tpu.vector_load %arg11[%swap3A_1469] {strides = array<i32>} : memref<128xi32, #tpu.memory_space<vmem>>, vector<16xi32>,
        %swap3A_1471 = vector.shape_cast %swap3A_1470 : vector<16xi32> to vector<16xi32>
        %swap3A_1472 = vector.shape_cast %and3A_1468 : vector<16xi32> to vector<16xi32>
        tpu.vector_store %arg11[%swap3A_1469], %swap3A_1472 {strides = array<i32>} : memref<128xi32, #tpu.memory_space<vmem>>, vector<16xi32>,
        %shift_right_logical3A_1473 = arith.constant 16 : i32
        %shift_right_logical3A_1474 = vector.broadcast %shift_right_logical3A_1473 : i32 to vector<16xi32>
        %shift_right_logical3A_1475 = arith.shrui %get3A_1465, %shift_right_logical3A_1474 : vector<16xi32>
        %swap3A_1476 = arith.constant 16 : index
        %swap3A_1477 = tpu.vector_load %arg19[%swap3A_1476] {strides = array<i32>} : memref<128xi32, #tpu.memory_space<vmem>>, vector<16xi32>,
        %swap3A_1478 = vector.shape_cast %swap3A_1477 : vector<16xi32> to vector<16xi32>
        %swap3A_1479 = vector.shape_cast %shift_right_logical3A_1475 : vector<16xi32> to vector<16xi32>
        tpu.vector_store %arg19[%swap3A_1476], %swap3A_1479 {strides = array<i32>} : memref<128xi32, #tpu.memory_space<vmem>>, vector<16xi32>,
        %get3A_1480 = arith.index_cast %add3A_1091 : i32 to index
        %get3A_1481 = arith.constant 32 : index
        %get3A_1482 = tpu.vector_load %arg6[%get3A_1480, %get3A_1481] {strides = array<i32>} : memref<80x128xi32, #tpu.memory_space<vmem>>, vector<1x16xi32>,
        %get3A_1483 = vector.shape_cast %get3A_1482 : vector<1x16xi32> to vector<16xi32>
        %and3A_1484 = arith.constant 65535 : i32
        %and3A_1485 = vector.broadcast %and3A_1484 : i32 to vector<16xi32>
        %and3A_1486 = arith.andi %get3A_1483, %and3A_1485 : vector<16xi32>
        %swap3A_1487 = arith.constant 32 : index
        %swap3A_1488 = tpu.vector_load %arg11[%swap3A_1487] {strides = array<i32>} : memref<128xi32, #tpu.memory_space<vmem>>, vector<16xi32>,
        %swap3A_1489 = vector.shape_cast %swap3A_1488 : vector<16xi32> to vector<16xi32>
        %swap3A_1490 = vector.shape_cast %and3A_1486 : vector<16xi32> to vector<16xi32>
        tpu.vector_store %arg11[%swap3A_1487], %swap3A_1490 {strides = array<i32>} : memref<128xi32, #tpu.memory_space<vmem>>, vector<16xi32>,
        %shift_right_logical3A_1491 = arith.constant 16 : i32
        %shift_right_logical3A_1492 = vector.broadcast %shift_right_logical3A_1491 : i32 to vector<16xi32>
        %shift_right_logical3A_1493 = arith.shrui %get3A_1483, %shift_right_logical3A_1492 : vector<16xi32>
        %swap3A_1494 = arith.constant 32 : index
        %swap3A_1495 = tpu.vector_load %arg19[%swap3A_1494] {strides = array<i32>} : memref<128xi32, #tpu.memory_space<vmem>>, vector<16xi32>,
        %swap3A_1496 = vector.shape_cast %swap3A_1495 : vector<16xi32> to vector<16xi32>
        %swap3A_1497 = vector.shape_cast %shift_right_logical3A_1493 : vector<16xi32> to vector<16xi32>
        tpu.vector_store %arg19[%swap3A_1494], %swap3A_1497 {strides = array<i32>} : memref<128xi32, #tpu.memory_space<vmem>>, vector<16xi32>,
        %get3A_1498 = arith.index_cast %add3A_1091 : i32 to index
        %get3A_1499 = arith.constant 48 : index
        %get3A_1500 = tpu.vector_load %arg6[%get3A_1498, %get3A_1499] {strides = array<i32>} : memref<80x128xi32, #tpu.memory_space<vmem>>, vector<1x16xi32>,
        %get3A_1501 = vector.shape_cast %get3A_1500 : vector<1x16xi32> to vector<16xi32>
        %and3A_1502 = arith.constant 65535 : i32
        %and3A_1503 = vector.broadcast %and3A_1502 : i32 to vector<16xi32>
        %and3A_1504 = arith.andi %get3A_1501, %and3A_1503 : vector<16xi32>
        %swap3A_1505 = arith.constant 48 : index
        %swap3A_1506 = tpu.vector_load %arg11[%swap3A_1505] {strides = array<i32>} : memref<128xi32, #tpu.memory_space<vmem>>, vector<16xi32>,
        %swap3A_1507 = vector.shape_cast %swap3A_1506 : vector<16xi32> to vector<16xi32>
        %swap3A_1508 = vector.shape_cast %and3A_1504 : vector<16xi32> to vector<16xi32>
        tpu.vector_store %arg11[%swap3A_1505], %swap3A_1508 {strides = array<i32>} : memref<128xi32, #tpu.memory_space<vmem>>, vector<16xi32>,
        %shift_right_logical3A_1509 = arith.constant 16 : i32
        %shift_right_logical3A_1510 = vector.broadcast %shift_right_logical3A_1509 : i32 to vector<16xi32>
        %shift_right_logical3A_1511 = arith.shrui %get3A_1501, %shift_right_logical3A_1510 : vector<16xi32>
        %swap3A_1512 = arith.constant 48 : index
        %swap3A_1513 = tpu.vector_load %arg19[%swap3A_1512] {strides = array<i32>} : memref<128xi32, #tpu.memory_space<vmem>>, vector<16xi32>,
        %swap3A_1514 = vector.shape_cast %swap3A_1513 : vector<16xi32> to vector<16xi32>
        %swap3A_1515 = vector.shape_cast %shift_right_logical3A_1511 : vector<16xi32> to vector<16xi32>
        tpu.vector_store %arg19[%swap3A_1512], %swap3A_1515 {strides = array<i32>} : memref<128xi32, #tpu.memory_space<vmem>>, vector<16xi32>,
        %get3A_1516 = arith.index_cast %add3A_1091 : i32 to index
        %get3A_1517 = arith.constant 64 : index
        %get3A_1518 = tpu.vector_load %arg6[%get3A_1516, %get3A_1517] {strides = array<i32>} : memref<80x128xi32, #tpu.memory_space<vmem>>, vector<1x16xi32>,
        %get3A_1519 = vector.shape_cast %get3A_1518 : vector<1x16xi32> to vector<16xi32>
        %and3A_1520 = arith.constant 65535 : i32
        %and3A_1521 = vector.broadcast %and3A_1520 : i32 to vector<16xi32>
        %and3A_1522 = arith.andi %get3A_1519, %and3A_1521 : vector<16xi32>
        %swap3A_1523 = arith.constant 64 : index
        %swap3A_1524 = tpu.vector_load %arg11[%swap3A_1523] {strides = array<i32>} : memref<128xi32, #tpu.memory_space<vmem>>, vector<16xi32>,
        %swap3A_1525 = vector.shape_cast %swap3A_1524 : vector<16xi32> to vector<16xi32>
        %swap3A_1526 = vector.shape_cast %and3A_1522 : vector<16xi32> to vector<16xi32>
        tpu.vector_store %arg11[%swap3A_1523], %swap3A_1526 {strides = array<i32>} : memref<128xi32, #tpu.memory_space<vmem>>, vector<16xi32>,
        %shift_right_logical3A_1527 = arith.constant 16 : i32
        %shift_right_logical3A_1528 = vector.broadcast %shift_right_logical3A_1527 : i32 to vector<16xi32>
        %shift_right_logical3A_1529 = arith.shrui %get3A_1519, %shift_right_logical3A_1528 : vector<16xi32>
        %swap3A_1530 = arith.constant 64 : index
        %swap3A_1531 = tpu.vector_load %arg19[%swap3A_1530] {strides = array<i32>} : memref<128xi32, #tpu.memory_space<vmem>>, vector<16xi32>,
        %swap3A_1532 = vector.shape_cast %swap3A_1531 : vector<16xi32> to vector<16xi32>
        %swap3A_1533 = vector.shape_cast %shift_right_logical3A_1529 : vector<16xi32> to vector<16xi32>
        tpu.vector_store %arg19[%swap3A_1530], %swap3A_1533 {strides = array<i32>} : memref<128xi32, #tpu.memory_space<vmem>>, vector<16xi32>,
        %get3A_1534 = arith.index_cast %add3A_1091 : i32 to index
        %get3A_1535 = arith.constant 80 : index
        %get3A_1536 = tpu.vector_load %arg6[%get3A_1534, %get3A_1535] {strides = array<i32>} : memref<80x128xi32, #tpu.memory_space<vmem>>, vector<1x16xi32>,
        %get3A_1537 = vector.shape_cast %get3A_1536 : vector<1x16xi32> to vector<16xi32>
        %and3A_1538 = arith.constant 65535 : i32
        %and3A_1539 = vector.broadcast %and3A_1538 : i32 to vector<16xi32>
        %and3A_1540 = arith.andi %get3A_1537, %and3A_1539 : vector<16xi32>
        %swap3A_1541 = arith.constant 80 : index
        %swap3A_1542 = tpu.vector_load %arg11[%swap3A_1541] {strides = array<i32>} : memref<128xi32, #tpu.memory_space<vmem>>, vector<16xi32>,
        %swap3A_1543 = vector.shape_cast %swap3A_1542 : vector<16xi32> to vector<16xi32>
        %swap3A_1544 = vector.shape_cast %and3A_1540 : vector<16xi32> to vector<16xi32>
        tpu.vector_store %arg11[%swap3A_1541], %swap3A_1544 {strides = array<i32>} : memref<128xi32, #tpu.memory_space<vmem>>, vector<16xi32>,
        %shift_right_logical3A_1545 = arith.constant 16 : i32
        %shift_right_logical3A_1546 = vector.broadcast %shift_right_logical3A_1545 : i32 to vector<16xi32>
        %shift_right_logical3A_1547 = arith.shrui %get3A_1537, %shift_right_logical3A_1546 : vector<16xi32>
        %swap3A_1548 = arith.constant 80 : index
        %swap3A_1549 = tpu.vector_load %arg19[%swap3A_1548] {strides = array<i32>} : memref<128xi32, #tpu.memory_space<vmem>>, vector<16xi32>,
        %swap3A_1550 = vector.shape_cast %swap3A_1549 : vector<16xi32> to vector<16xi32>
        %swap3A_1551 = vector.shape_cast %shift_right_logical3A_1547 : vector<16xi32> to vector<16xi32>
        tpu.vector_store %arg19[%swap3A_1548], %swap3A_1551 {strides = array<i32>} : memref<128xi32, #tpu.memory_space<vmem>>, vector<16xi32>,
        %get3A_1552 = arith.index_cast %add3A_1091 : i32 to index
        %get3A_1553 = arith.constant 96 : index
        %get3A_1554 = tpu.vector_load %arg6[%get3A_1552, %get3A_1553] {strides = array<i32>} : memref<80x128xi32, #tpu.memory_space<vmem>>, vector<1x16xi32>,
        %get3A_1555 = vector.shape_cast %get3A_1554 : vector<1x16xi32> to vector<16xi32>
        %and3A_1556 = arith.constant 65535 : i32
        %and3A_1557 = vector.broadcast %and3A_1556 : i32 to vector<16xi32>
        %and3A_1558 = arith.andi %get3A_1555, %and3A_1557 : vector<16xi32>
        %swap3A_1559 = arith.constant 96 : index
        %swap3A_1560 = tpu.vector_load %arg11[%swap3A_1559] {strides = array<i32>} : memref<128xi32, #tpu.memory_space<vmem>>, vector<16xi32>,
        %swap3A_1561 = vector.shape_cast %swap3A_1560 : vector<16xi32> to vector<16xi32>
        %swap3A_1562 = vector.shape_cast %and3A_1558 : vector<16xi32> to vector<16xi32>
        tpu.vector_store %arg11[%swap3A_1559], %swap3A_1562 {strides = array<i32>} : memref<128xi32, #tpu.memory_space<vmem>>, vector<16xi32>,
        %shift_right_logical3A_1563 = arith.constant 16 : i32
        %shift_right_logical3A_1564 = vector.broadcast %shift_right_logical3A_1563 : i32 to vector<16xi32>
        %shift_right_logical3A_1565 = arith.shrui %get3A_1555, %shift_right_logical3A_1564 : vector<16xi32>
        %swap3A_1566 = arith.constant 96 : index
        %swap3A_1567 = tpu.vector_load %arg19[%swap3A_1566] {strides = array<i32>} : memref<128xi32, #tpu.memory_space<vmem>>, vector<16xi32>,
        %swap3A_1568 = vector.shape_cast %swap3A_1567 : vector<16xi32> to vector<16xi32>
        %swap3A_1569 = vector.shape_cast %shift_right_logical3A_1565 : vector<16xi32> to vector<16xi32>
        tpu.vector_store %arg19[%swap3A_1566], %swap3A_1569 {strides = array<i32>} : memref<128xi32, #tpu.memory_space<vmem>>, vector<16xi32>,
        %get3A_1570 = arith.index_cast %add3A_1091 : i32 to index
        %get3A_1571 = arith.constant 112 : index
        %get3A_1572 = tpu.vector_load %arg6[%get3A_1570, %get3A_1571] {strides = array<i32>} : memref<80x128xi32, #tpu.memory_space<vmem>>, vector<1x16xi32>,
        %get3A_1573 = vector.shape_cast %get3A_1572 : vector<1x16xi32> to vector<16xi32>
        %and3A_1574 = arith.constant 65535 : i32
        %and3A_1575 = vector.broadcast %and3A_1574 : i32 to vector<16xi32>
        %and3A_1576 = arith.andi %get3A_1573, %and3A_1575 : vector<16xi32>
        %swap3A_1577 = arith.constant 112 : index
        %swap3A_1578 = tpu.vector_load %arg11[%swap3A_1577] {strides = array<i32>} : memref<128xi32, #tpu.memory_space<vmem>>, vector<16xi32>,
        %swap3A_1579 = vector.shape_cast %swap3A_1578 : vector<16xi32> to vector<16xi32>
        %swap3A_1580 = vector.shape_cast %and3A_1576 : vector<16xi32> to vector<16xi32>
        tpu.vector_store %arg11[%swap3A_1577], %swap3A_1580 {strides = array<i32>} : memref<128xi32, #tpu.memory_space<vmem>>, vector<16xi32>,
        %shift_right_logical3A_1581 = arith.constant 16 : i32
        %shift_right_logical3A_1582 = vector.broadcast %shift_right_logical3A_1581 : i32 to vector<16xi32>
        %shift_right_logical3A_1583 = arith.shrui %get3A_1573, %shift_right_logical3A_1582 : vector<16xi32>
        %swap3A_1584 = arith.constant 112 : index
        %swap3A_1585 = tpu.vector_load %arg19[%swap3A_1584] {strides = array<i32>} : memref<128xi32, #tpu.memory_space<vmem>>, vector<16xi32>,
        %swap3A_1586 = vector.shape_cast %swap3A_1585 : vector<16xi32> to vector<16xi32>
        %swap3A_1587 = vector.shape_cast %shift_right_logical3A_1583 : vector<16xi32> to vector<16xi32>
        tpu.vector_store %arg19[%swap3A_1584], %swap3A_1587 {strides = array<i32>} : memref<128xi32, #tpu.memory_space<vmem>>, vector<16xi32>,
        %dma_start3A_1588 = arith.constant 0 : i32
        %dma_start3A_1589 = arith.constant 0 : i32
        %dma_start3A_1590 = tpu.memref_slice %arg2[%dma_start3A_1588, %dma_start3A_1589] : memref<10000x40xf32, #tpu.memory_space<hbm>> -> memref<10000x40xf32, #tpu.memory_space<hbm>>
        tpu.enqueue_indirect_dma source(%dma_start3A_1590 : memref<10000x40xf32, #tpu.memory_space<hbm>>) target(%arg27 : memref<128x40xf32, #tpu.memory_space<vmem>>) offsets(%arg11 : memref<128xi32, #tpu.memory_space<vmem>>) semaphore(%arg36 : memref<!tpu.dma_semaphore, #tpu.memory_space<semaphore_mem>>)
      } else {
      }
      %lt3A_1204 = arith.constant 80 : i32
      %lt3A_1205 = arith.cmpi slt, %add3A_1091, %lt3A_1204 : i32
      %jit3A_1206 = arith.constant 8 : i32
      %eq3A_1207 = arith.constant 0 : i32
      %eq3A_1208 = arith.cmpi eq, %jit3A_1206, %eq3A_1207 : i32
      %jit3A_1209 = arith.constant 1 : i32
      %select_n3A_1210 = arith.select %eq3A_1208, %jit3A_1209, %jit3A_1206 : i32
      %rem3A_1211 = arith.remsi %add3A_1091, %select_n3A_1210 : i32
      %ne3A_1212 = arith.constant 0 : i32
      %ne3A_1213 = arith.cmpi ne, %rem3A_1211, %ne3A_1212 : i32
      %lt3A_1214 = arith.constant 0 : i32
      %lt3A_1215 = arith.cmpi slt, %rem3A_1211, %lt3A_1214 : i32
      %lt3A_1216 = arith.constant 0 : i32
      %lt3A_1217 = arith.cmpi slt, %select_n3A_1210, %lt3A_1216 : i32
      %ne3A_1218 = arith.xori %lt3A_1215, %lt3A_1217 : i1
      %and3A_1219 = arith.andi %ne3A_1218, %ne3A_1213 : i1
      %add3A_1220 = arith.addi %rem3A_1211, %select_n3A_1210 : i32
      %select_n3A_1221 = arith.select %and3A_1219, %add3A_1220, %rem3A_1211 : i32
      %eq3A_1222 = arith.constant 5 : i32
      %eq3A_1223 = arith.cmpi eq, %select_n3A_1221, %eq3A_1222 : i32
      %and3A_1224 = arith.andi %lt3A_1205, %eq3A_1223 : i1
      %convert_element_type3A_1225 = arith.extui %and3A_1224 : i1 to i32
      %cond3A_1226 = arith.constant 0 : i32
      %cond3A_1227 = arith.cmpi ne, %convert_element_type3A_1225, %cond3A_1226 : i32
      scf.if %cond3A_1227 {
        %get3A_1444 = arith.index_cast %add3A_1091 : i32 to index
        %get3A_1445 = arith.constant 0 : index
        %get3A_1446 = tpu.vector_load %arg6[%get3A_1444, %get3A_1445] {strides = array<i32>} : memref<80x128xi32, #tpu.memory_space<vmem>>, vector<1x16xi32>,
        %get3A_1447 = vector.shape_cast %get3A_1446 : vector<1x16xi32> to vector<16xi32>
        %and3A_1448 = arith.constant 65535 : i32
        %and3A_1449 = vector.broadcast %and3A_1448 : i32 to vector<16xi32>
        %and3A_1450 = arith.andi %get3A_1447, %and3A_1449 : vector<16xi32>
        %swap3A_1451 = arith.constant 0 : index
        %swap3A_1452 = tpu.vector_load %arg12[%swap3A_1451] {strides = array<i32>} : memref<128xi32, #tpu.memory_space<vmem>>, vector<16xi32>,
        %swap3A_1453 = vector.shape_cast %swap3A_1452 : vector<16xi32> to vector<16xi32>
        %swap3A_1454 = vector.shape_cast %and3A_1450 : vector<16xi32> to vector<16xi32>
        tpu.vector_store %arg12[%swap3A_1451], %swap3A_1454 {strides = array<i32>} : memref<128xi32, #tpu.memory_space<vmem>>, vector<16xi32>,
        %shift_right_logical3A_1455 = arith.constant 16 : i32
        %shift_right_logical3A_1456 = vector.broadcast %shift_right_logical3A_1455 : i32 to vector<16xi32>
        %shift_right_logical3A_1457 = arith.shrui %get3A_1447, %shift_right_logical3A_1456 : vector<16xi32>
        %swap3A_1458 = arith.constant 0 : index
        %swap3A_1459 = tpu.vector_load %arg20[%swap3A_1458] {strides = array<i32>} : memref<128xi32, #tpu.memory_space<vmem>>, vector<16xi32>,
        %swap3A_1460 = vector.shape_cast %swap3A_1459 : vector<16xi32> to vector<16xi32>
        %swap3A_1461 = vector.shape_cast %shift_right_logical3A_1457 : vector<16xi32> to vector<16xi32>
        tpu.vector_store %arg20[%swap3A_1458], %swap3A_1461 {strides = array<i32>} : memref<128xi32, #tpu.memory_space<vmem>>, vector<16xi32>,
        %get3A_1462 = arith.index_cast %add3A_1091 : i32 to index
        %get3A_1463 = arith.constant 16 : index
        %get3A_1464 = tpu.vector_load %arg6[%get3A_1462, %get3A_1463] {strides = array<i32>} : memref<80x128xi32, #tpu.memory_space<vmem>>, vector<1x16xi32>,
        %get3A_1465 = vector.shape_cast %get3A_1464 : vector<1x16xi32> to vector<16xi32>
        %and3A_1466 = arith.constant 65535 : i32
        %and3A_1467 = vector.broadcast %and3A_1466 : i32 to vector<16xi32>
        %and3A_1468 = arith.andi %get3A_1465, %and3A_1467 : vector<16xi32>
        %swap3A_1469 = arith.constant 16 : index
        %swap3A_1470 = tpu.vector_load %arg12[%swap3A_1469] {strides = array<i32>} : memref<128xi32, #tpu.memory_space<vmem>>, vector<16xi32>,
        %swap3A_1471 = vector.shape_cast %swap3A_1470 : vector<16xi32> to vector<16xi32>
        %swap3A_1472 = vector.shape_cast %and3A_1468 : vector<16xi32> to vector<16xi32>
        tpu.vector_store %arg12[%swap3A_1469], %swap3A_1472 {strides = array<i32>} : memref<128xi32, #tpu.memory_space<vmem>>, vector<16xi32>,
        %shift_right_logical3A_1473 = arith.constant 16 : i32
        %shift_right_logical3A_1474 = vector.broadcast %shift_right_logical3A_1473 : i32 to vector<16xi32>
        %shift_right_logical3A_1475 = arith.shrui %get3A_1465, %shift_right_logical3A_1474 : vector<16xi32>
        %swap3A_1476 = arith.constant 16 : index
        %swap3A_1477 = tpu.vector_load %arg20[%swap3A_1476] {strides = array<i32>} : memref<128xi32, #tpu.memory_space<vmem>>, vector<16xi32>,
        %swap3A_1478 = vector.shape_cast %swap3A_1477 : vector<16xi32> to vector<16xi32>
        %swap3A_1479 = vector.shape_cast %shift_right_logical3A_1475 : vector<16xi32> to vector<16xi32>
        tpu.vector_store %arg20[%swap3A_1476], %swap3A_1479 {strides = array<i32>} : memref<128xi32, #tpu.memory_space<vmem>>, vector<16xi32>,
        %get3A_1480 = arith.index_cast %add3A_1091 : i32 to index
        %get3A_1481 = arith.constant 32 : index
        %get3A_1482 = tpu.vector_load %arg6[%get3A_1480, %get3A_1481] {strides = array<i32>} : memref<80x128xi32, #tpu.memory_space<vmem>>, vector<1x16xi32>,
        %get3A_1483 = vector.shape_cast %get3A_1482 : vector<1x16xi32> to vector<16xi32>
        %and3A_1484 = arith.constant 65535 : i32
        %and3A_1485 = vector.broadcast %and3A_1484 : i32 to vector<16xi32>
        %and3A_1486 = arith.andi %get3A_1483, %and3A_1485 : vector<16xi32>
        %swap3A_1487 = arith.constant 32 : index
        %swap3A_1488 = tpu.vector_load %arg12[%swap3A_1487] {strides = array<i32>} : memref<128xi32, #tpu.memory_space<vmem>>, vector<16xi32>,
        %swap3A_1489 = vector.shape_cast %swap3A_1488 : vector<16xi32> to vector<16xi32>
        %swap3A_1490 = vector.shape_cast %and3A_1486 : vector<16xi32> to vector<16xi32>
        tpu.vector_store %arg12[%swap3A_1487], %swap3A_1490 {strides = array<i32>} : memref<128xi32, #tpu.memory_space<vmem>>, vector<16xi32>,
        %shift_right_logical3A_1491 = arith.constant 16 : i32
        %shift_right_logical3A_1492 = vector.broadcast %shift_right_logical3A_1491 : i32 to vector<16xi32>
        %shift_right_logical3A_1493 = arith.shrui %get3A_1483, %shift_right_logical3A_1492 : vector<16xi32>
        %swap3A_1494 = arith.constant 32 : index
        %swap3A_1495 = tpu.vector_load %arg20[%swap3A_1494] {strides = array<i32>} : memref<128xi32, #tpu.memory_space<vmem>>, vector<16xi32>,
        %swap3A_1496 = vector.shape_cast %swap3A_1495 : vector<16xi32> to vector<16xi32>
        %swap3A_1497 = vector.shape_cast %shift_right_logical3A_1493 : vector<16xi32> to vector<16xi32>
        tpu.vector_store %arg20[%swap3A_1494], %swap3A_1497 {strides = array<i32>} : memref<128xi32, #tpu.memory_space<vmem>>, vector<16xi32>,
        %get3A_1498 = arith.index_cast %add3A_1091 : i32 to index
        %get3A_1499 = arith.constant 48 : index
        %get3A_1500 = tpu.vector_load %arg6[%get3A_1498, %get3A_1499] {strides = array<i32>} : memref<80x128xi32, #tpu.memory_space<vmem>>, vector<1x16xi32>,
        %get3A_1501 = vector.shape_cast %get3A_1500 : vector<1x16xi32> to vector<16xi32>
        %and3A_1502 = arith.constant 65535 : i32
        %and3A_1503 = vector.broadcast %and3A_1502 : i32 to vector<16xi32>
        %and3A_1504 = arith.andi %get3A_1501, %and3A_1503 : vector<16xi32>
        %swap3A_1505 = arith.constant 48 : index
        %swap3A_1506 = tpu.vector_load %arg12[%swap3A_1505] {strides = array<i32>} : memref<128xi32, #tpu.memory_space<vmem>>, vector<16xi32>,
        %swap3A_1507 = vector.shape_cast %swap3A_1506 : vector<16xi32> to vector<16xi32>
        %swap3A_1508 = vector.shape_cast %and3A_1504 : vector<16xi32> to vector<16xi32>
        tpu.vector_store %arg12[%swap3A_1505], %swap3A_1508 {strides = array<i32>} : memref<128xi32, #tpu.memory_space<vmem>>, vector<16xi32>,
        %shift_right_logical3A_1509 = arith.constant 16 : i32
        %shift_right_logical3A_1510 = vector.broadcast %shift_right_logical3A_1509 : i32 to vector<16xi32>
        %shift_right_logical3A_1511 = arith.shrui %get3A_1501, %shift_right_logical3A_1510 : vector<16xi32>
        %swap3A_1512 = arith.constant 48 : index
        %swap3A_1513 = tpu.vector_load %arg20[%swap3A_1512] {strides = array<i32>} : memref<128xi32, #tpu.memory_space<vmem>>, vector<16xi32>,
        %swap3A_1514 = vector.shape_cast %swap3A_1513 : vector<16xi32> to vector<16xi32>
        %swap3A_1515 = vector.shape_cast %shift_right_logical3A_1511 : vector<16xi32> to vector<16xi32>
        tpu.vector_store %arg20[%swap3A_1512], %swap3A_1515 {strides = array<i32>} : memref<128xi32, #tpu.memory_space<vmem>>, vector<16xi32>,
        %get3A_1516 = arith.index_cast %add3A_1091 : i32 to index
        %get3A_1517 = arith.constant 64 : index
        %get3A_1518 = tpu.vector_load %arg6[%get3A_1516, %get3A_1517] {strides = array<i32>} : memref<80x128xi32, #tpu.memory_space<vmem>>, vector<1x16xi32>,
        %get3A_1519 = vector.shape_cast %get3A_1518 : vector<1x16xi32> to vector<16xi32>
        %and3A_1520 = arith.constant 65535 : i32
        %and3A_1521 = vector.broadcast %and3A_1520 : i32 to vector<16xi32>
        %and3A_1522 = arith.andi %get3A_1519, %and3A_1521 : vector<16xi32>
        %swap3A_1523 = arith.constant 64 : index
        %swap3A_1524 = tpu.vector_load %arg12[%swap3A_1523] {strides = array<i32>} : memref<128xi32, #tpu.memory_space<vmem>>, vector<16xi32>,
        %swap3A_1525 = vector.shape_cast %swap3A_1524 : vector<16xi32> to vector<16xi32>
        %swap3A_1526 = vector.shape_cast %and3A_1522 : vector<16xi32> to vector<16xi32>
        tpu.vector_store %arg12[%swap3A_1523], %swap3A_1526 {strides = array<i32>} : memref<128xi32, #tpu.memory_space<vmem>>, vector<16xi32>,
        %shift_right_logical3A_1527 = arith.constant 16 : i32
        %shift_right_logical3A_1528 = vector.broadcast %shift_right_logical3A_1527 : i32 to vector<16xi32>
        %shift_right_logical3A_1529 = arith.shrui %get3A_1519, %shift_right_logical3A_1528 : vector<16xi32>
        %swap3A_1530 = arith.constant 64 : index
        %swap3A_1531 = tpu.vector_load %arg20[%swap3A_1530] {strides = array<i32>} : memref<128xi32, #tpu.memory_space<vmem>>, vector<16xi32>,
        %swap3A_1532 = vector.shape_cast %swap3A_1531 : vector<16xi32> to vector<16xi32>
        %swap3A_1533 = vector.shape_cast %shift_right_logical3A_1529 : vector<16xi32> to vector<16xi32>
        tpu.vector_store %arg20[%swap3A_1530], %swap3A_1533 {strides = array<i32>} : memref<128xi32, #tpu.memory_space<vmem>>, vector<16xi32>,
        %get3A_1534 = arith.index_cast %add3A_1091 : i32 to index
        %get3A_1535 = arith.constant 80 : index
        %get3A_1536 = tpu.vector_load %arg6[%get3A_1534, %get3A_1535] {strides = array<i32>} : memref<80x128xi32, #tpu.memory_space<vmem>>, vector<1x16xi32>,
        %get3A_1537 = vector.shape_cast %get3A_1536 : vector<1x16xi32> to vector<16xi32>
        %and3A_1538 = arith.constant 65535 : i32
        %and3A_1539 = vector.broadcast %and3A_1538 : i32 to vector<16xi32>
        %and3A_1540 = arith.andi %get3A_1537, %and3A_1539 : vector<16xi32>
        %swap3A_1541 = arith.constant 80 : index
        %swap3A_1542 = tpu.vector_load %arg12[%swap3A_1541] {strides = array<i32>} : memref<128xi32, #tpu.memory_space<vmem>>, vector<16xi32>,
        %swap3A_1543 = vector.shape_cast %swap3A_1542 : vector<16xi32> to vector<16xi32>
        %swap3A_1544 = vector.shape_cast %and3A_1540 : vector<16xi32> to vector<16xi32>
        tpu.vector_store %arg12[%swap3A_1541], %swap3A_1544 {strides = array<i32>} : memref<128xi32, #tpu.memory_space<vmem>>, vector<16xi32>,
        %shift_right_logical3A_1545 = arith.constant 16 : i32
        %shift_right_logical3A_1546 = vector.broadcast %shift_right_logical3A_1545 : i32 to vector<16xi32>
        %shift_right_logical3A_1547 = arith.shrui %get3A_1537, %shift_right_logical3A_1546 : vector<16xi32>
        %swap3A_1548 = arith.constant 80 : index
        %swap3A_1549 = tpu.vector_load %arg20[%swap3A_1548] {strides = array<i32>} : memref<128xi32, #tpu.memory_space<vmem>>, vector<16xi32>,
        %swap3A_1550 = vector.shape_cast %swap3A_1549 : vector<16xi32> to vector<16xi32>
        %swap3A_1551 = vector.shape_cast %shift_right_logical3A_1547 : vector<16xi32> to vector<16xi32>
        tpu.vector_store %arg20[%swap3A_1548], %swap3A_1551 {strides = array<i32>} : memref<128xi32, #tpu.memory_space<vmem>>, vector<16xi32>,
        %get3A_1552 = arith.index_cast %add3A_1091 : i32 to index
        %get3A_1553 = arith.constant 96 : index
        %get3A_1554 = tpu.vector_load %arg6[%get3A_1552, %get3A_1553] {strides = array<i32>} : memref<80x128xi32, #tpu.memory_space<vmem>>, vector<1x16xi32>,
        %get3A_1555 = vector.shape_cast %get3A_1554 : vector<1x16xi32> to vector<16xi32>
        %and3A_1556 = arith.constant 65535 : i32
        %and3A_1557 = vector.broadcast %and3A_1556 : i32 to vector<16xi32>
        %and3A_1558 = arith.andi %get3A_1555, %and3A_1557 : vector<16xi32>
        %swap3A_1559 = arith.constant 96 : index
        %swap3A_1560 = tpu.vector_load %arg12[%swap3A_1559] {strides = array<i32>} : memref<128xi32, #tpu.memory_space<vmem>>, vector<16xi32>,
        %swap3A_1561 = vector.shape_cast %swap3A_1560 : vector<16xi32> to vector<16xi32>
        %swap3A_1562 = vector.shape_cast %and3A_1558 : vector<16xi32> to vector<16xi32>
        tpu.vector_store %arg12[%swap3A_1559], %swap3A_1562 {strides = array<i32>} : memref<128xi32, #tpu.memory_space<vmem>>, vector<16xi32>,
        %shift_right_logical3A_1563 = arith.constant 16 : i32
        %shift_right_logical3A_1564 = vector.broadcast %shift_right_logical3A_1563 : i32 to vector<16xi32>
        %shift_right_logical3A_1565 = arith.shrui %get3A_1555, %shift_right_logical3A_1564 : vector<16xi32>
        %swap3A_1566 = arith.constant 96 : index
        %swap3A_1567 = tpu.vector_load %arg20[%swap3A_1566] {strides = array<i32>} : memref<128xi32, #tpu.memory_space<vmem>>, vector<16xi32>,
        %swap3A_1568 = vector.shape_cast %swap3A_1567 : vector<16xi32> to vector<16xi32>
        %swap3A_1569 = vector.shape_cast %shift_right_logical3A_1565 : vector<16xi32> to vector<16xi32>
        tpu.vector_store %arg20[%swap3A_1566], %swap3A_1569 {strides = array<i32>} : memref<128xi32, #tpu.memory_space<vmem>>, vector<16xi32>,
        %get3A_1570 = arith.index_cast %add3A_1091 : i32 to index
        %get3A_1571 = arith.constant 112 : index
        %get3A_1572 = tpu.vector_load %arg6[%get3A_1570, %get3A_1571] {strides = array<i32>} : memref<80x128xi32, #tpu.memory_space<vmem>>, vector<1x16xi32>,
        %get3A_1573 = vector.shape_cast %get3A_1572 : vector<1x16xi32> to vector<16xi32>
        %and3A_1574 = arith.constant 65535 : i32
        %and3A_1575 = vector.broadcast %and3A_1574 : i32 to vector<16xi32>
        %and3A_1576 = arith.andi %get3A_1573, %and3A_1575 : vector<16xi32>
        %swap3A_1577 = arith.constant 112 : index
        %swap3A_1578 = tpu.vector_load %arg12[%swap3A_1577] {strides = array<i32>} : memref<128xi32, #tpu.memory_space<vmem>>, vector<16xi32>,
        %swap3A_1579 = vector.shape_cast %swap3A_1578 : vector<16xi32> to vector<16xi32>
        %swap3A_1580 = vector.shape_cast %and3A_1576 : vector<16xi32> to vector<16xi32>
        tpu.vector_store %arg12[%swap3A_1577], %swap3A_1580 {strides = array<i32>} : memref<128xi32, #tpu.memory_space<vmem>>, vector<16xi32>,
        %shift_right_logical3A_1581 = arith.constant 16 : i32
        %shift_right_logical3A_1582 = vector.broadcast %shift_right_logical3A_1581 : i32 to vector<16xi32>
        %shift_right_logical3A_1583 = arith.shrui %get3A_1573, %shift_right_logical3A_1582 : vector<16xi32>
        %swap3A_1584 = arith.constant 112 : index
        %swap3A_1585 = tpu.vector_load %arg20[%swap3A_1584] {strides = array<i32>} : memref<128xi32, #tpu.memory_space<vmem>>, vector<16xi32>,
        %swap3A_1586 = vector.shape_cast %swap3A_1585 : vector<16xi32> to vector<16xi32>
        %swap3A_1587 = vector.shape_cast %shift_right_logical3A_1583 : vector<16xi32> to vector<16xi32>
        tpu.vector_store %arg20[%swap3A_1584], %swap3A_1587 {strides = array<i32>} : memref<128xi32, #tpu.memory_space<vmem>>, vector<16xi32>,
        %dma_start3A_1588 = arith.constant 0 : i32
        %dma_start3A_1589 = arith.constant 0 : i32
        %dma_start3A_1590 = tpu.memref_slice %arg2[%dma_start3A_1588, %dma_start3A_1589] : memref<10000x40xf32, #tpu.memory_space<hbm>> -> memref<10000x40xf32, #tpu.memory_space<hbm>>
        tpu.enqueue_indirect_dma source(%dma_start3A_1590 : memref<10000x40xf32, #tpu.memory_space<hbm>>) target(%arg28 : memref<128x40xf32, #tpu.memory_space<vmem>>) offsets(%arg12 : memref<128xi32, #tpu.memory_space<vmem>>) semaphore(%arg37 : memref<!tpu.dma_semaphore, #tpu.memory_space<semaphore_mem>>)
      } else {
      }
      %lt3A_1228 = arith.constant 80 : i32
      %lt3A_1229 = arith.cmpi slt, %add3A_1091, %lt3A_1228 : i32
      %jit3A_1230 = arith.constant 8 : i32
      %eq3A_1231 = arith.constant 0 : i32
      %eq3A_1232 = arith.cmpi eq, %jit3A_1230, %eq3A_1231 : i32
      %jit3A_1233 = arith.constant 1 : i32
      %select_n3A_1234 = arith.select %eq3A_1232, %jit3A_1233, %jit3A_1230 : i32
      %rem3A_1235 = arith.remsi %add3A_1091, %select_n3A_1234 : i32
      %ne3A_1236 = arith.constant 0 : i32
      %ne3A_1237 = arith.cmpi ne, %rem3A_1235, %ne3A_1236 : i32
      %lt3A_1238 = arith.constant 0 : i32
      %lt3A_1239 = arith.cmpi slt, %rem3A_1235, %lt3A_1238 : i32
      %lt3A_1240 = arith.constant 0 : i32
      %lt3A_1241 = arith.cmpi slt, %select_n3A_1234, %lt3A_1240 : i32
      %ne3A_1242 = arith.xori %lt3A_1239, %lt3A_1241 : i1
      %and3A_1243 = arith.andi %ne3A_1242, %ne3A_1237 : i1
      %add3A_1244 = arith.addi %rem3A_1235, %select_n3A_1234 : i32
      %select_n3A_1245 = arith.select %and3A_1243, %add3A_1244, %rem3A_1235 : i32
      %eq3A_1246 = arith.constant 6 : i32
      %eq3A_1247 = arith.cmpi eq, %select_n3A_1245, %eq3A_1246 : i32
      %and3A_1248 = arith.andi %lt3A_1229, %eq3A_1247 : i1
      %convert_element_type3A_1249 = arith.extui %and3A_1248 : i1 to i32
      %cond3A_1250 = arith.constant 0 : i32
      %cond3A_1251 = arith.cmpi ne, %convert_element_type3A_1249, %cond3A_1250 : i32
      scf.if %cond3A_1251 {
        %get3A_1444 = arith.index_cast %add3A_1091 : i32 to index
        %get3A_1445 = arith.constant 0 : index
        %get3A_1446 = tpu.vector_load %arg6[%get3A_1444, %get3A_1445] {strides = array<i32>} : memref<80x128xi32, #tpu.memory_space<vmem>>, vector<1x16xi32>,
        %get3A_1447 = vector.shape_cast %get3A_1446 : vector<1x16xi32> to vector<16xi32>
        %and3A_1448 = arith.constant 65535 : i32
        %and3A_1449 = vector.broadcast %and3A_1448 : i32 to vector<16xi32>
        %and3A_1450 = arith.andi %get3A_1447, %and3A_1449 : vector<16xi32>
        %swap3A_1451 = arith.constant 0 : index
        %swap3A_1452 = tpu.vector_load %arg13[%swap3A_1451] {strides = array<i32>} : memref<128xi32, #tpu.memory_space<vmem>>, vector<16xi32>,
        %swap3A_1453 = vector.shape_cast %swap3A_1452 : vector<16xi32> to vector<16xi32>
        %swap3A_1454 = vector.shape_cast %and3A_1450 : vector<16xi32> to vector<16xi32>
        tpu.vector_store %arg13[%swap3A_1451], %swap3A_1454 {strides = array<i32>} : memref<128xi32, #tpu.memory_space<vmem>>, vector<16xi32>,
        %shift_right_logical3A_1455 = arith.constant 16 : i32
        %shift_right_logical3A_1456 = vector.broadcast %shift_right_logical3A_1455 : i32 to vector<16xi32>
        %shift_right_logical3A_1457 = arith.shrui %get3A_1447, %shift_right_logical3A_1456 : vector<16xi32>
        %swap3A_1458 = arith.constant 0 : index
        %swap3A_1459 = tpu.vector_load %arg21[%swap3A_1458] {strides = array<i32>} : memref<128xi32, #tpu.memory_space<vmem>>, vector<16xi32>,
        %swap3A_1460 = vector.shape_cast %swap3A_1459 : vector<16xi32> to vector<16xi32>
        %swap3A_1461 = vector.shape_cast %shift_right_logical3A_1457 : vector<16xi32> to vector<16xi32>
        tpu.vector_store %arg21[%swap3A_1458], %swap3A_1461 {strides = array<i32>} : memref<128xi32, #tpu.memory_space<vmem>>, vector<16xi32>,
        %get3A_1462 = arith.index_cast %add3A_1091 : i32 to index
        %get3A_1463 = arith.constant 16 : index
        %get3A_1464 = tpu.vector_load %arg6[%get3A_1462, %get3A_1463] {strides = array<i32>} : memref<80x128xi32, #tpu.memory_space<vmem>>, vector<1x16xi32>,
        %get3A_1465 = vector.shape_cast %get3A_1464 : vector<1x16xi32> to vector<16xi32>
        %and3A_1466 = arith.constant 65535 : i32
        %and3A_1467 = vector.broadcast %and3A_1466 : i32 to vector<16xi32>
        %and3A_1468 = arith.andi %get3A_1465, %and3A_1467 : vector<16xi32>
        %swap3A_1469 = arith.constant 16 : index
        %swap3A_1470 = tpu.vector_load %arg13[%swap3A_1469] {strides = array<i32>} : memref<128xi32, #tpu.memory_space<vmem>>, vector<16xi32>,
        %swap3A_1471 = vector.shape_cast %swap3A_1470 : vector<16xi32> to vector<16xi32>
        %swap3A_1472 = vector.shape_cast %and3A_1468 : vector<16xi32> to vector<16xi32>
        tpu.vector_store %arg13[%swap3A_1469], %swap3A_1472 {strides = array<i32>} : memref<128xi32, #tpu.memory_space<vmem>>, vector<16xi32>,
        %shift_right_logical3A_1473 = arith.constant 16 : i32
        %shift_right_logical3A_1474 = vector.broadcast %shift_right_logical3A_1473 : i32 to vector<16xi32>
        %shift_right_logical3A_1475 = arith.shrui %get3A_1465, %shift_right_logical3A_1474 : vector<16xi32>
        %swap3A_1476 = arith.constant 16 : index
        %swap3A_1477 = tpu.vector_load %arg21[%swap3A_1476] {strides = array<i32>} : memref<128xi32, #tpu.memory_space<vmem>>, vector<16xi32>,
        %swap3A_1478 = vector.shape_cast %swap3A_1477 : vector<16xi32> to vector<16xi32>
        %swap3A_1479 = vector.shape_cast %shift_right_logical3A_1475 : vector<16xi32> to vector<16xi32>
        tpu.vector_store %arg21[%swap3A_1476], %swap3A_1479 {strides = array<i32>} : memref<128xi32, #tpu.memory_space<vmem>>, vector<16xi32>,
        %get3A_1480 = arith.index_cast %add3A_1091 : i32 to index
        %get3A_1481 = arith.constant 32 : index
        %get3A_1482 = tpu.vector_load %arg6[%get3A_1480, %get3A_1481] {strides = array<i32>} : memref<80x128xi32, #tpu.memory_space<vmem>>, vector<1x16xi32>,
        %get3A_1483 = vector.shape_cast %get3A_1482 : vector<1x16xi32> to vector<16xi32>
        %and3A_1484 = arith.constant 65535 : i32
        %and3A_1485 = vector.broadcast %and3A_1484 : i32 to vector<16xi32>
        %and3A_1486 = arith.andi %get3A_1483, %and3A_1485 : vector<16xi32>
        %swap3A_1487 = arith.constant 32 : index
        %swap3A_1488 = tpu.vector_load %arg13[%swap3A_1487] {strides = array<i32>} : memref<128xi32, #tpu.memory_space<vmem>>, vector<16xi32>,
        %swap3A_1489 = vector.shape_cast %swap3A_1488 : vector<16xi32> to vector<16xi32>
        %swap3A_1490 = vector.shape_cast %and3A_1486 : vector<16xi32> to vector<16xi32>
        tpu.vector_store %arg13[%swap3A_1487], %swap3A_1490 {strides = array<i32>} : memref<128xi32, #tpu.memory_space<vmem>>, vector<16xi32>,
        %shift_right_logical3A_1491 = arith.constant 16 : i32
        %shift_right_logical3A_1492 = vector.broadcast %shift_right_logical3A_1491 : i32 to vector<16xi32>
        %shift_right_logical3A_1493 = arith.shrui %get3A_1483, %shift_right_logical3A_1492 : vector<16xi32>
        %swap3A_1494 = arith.constant 32 : index
        %swap3A_1495 = tpu.vector_load %arg21[%swap3A_1494] {strides = array<i32>} : memref<128xi32, #tpu.memory_space<vmem>>, vector<16xi32>,
        %swap3A_1496 = vector.shape_cast %swap3A_1495 : vector<16xi32> to vector<16xi32>
        %swap3A_1497 = vector.shape_cast %shift_right_logical3A_1493 : vector<16xi32> to vector<16xi32>
        tpu.vector_store %arg21[%swap3A_1494], %swap3A_1497 {strides = array<i32>} : memref<128xi32, #tpu.memory_space<vmem>>, vector<16xi32>,
        %get3A_1498 = arith.index_cast %add3A_1091 : i32 to index
        %get3A_1499 = arith.constant 48 : index
        %get3A_1500 = tpu.vector_load %arg6[%get3A_1498, %get3A_1499] {strides = array<i32>} : memref<80x128xi32, #tpu.memory_space<vmem>>, vector<1x16xi32>,
        %get3A_1501 = vector.shape_cast %get3A_1500 : vector<1x16xi32> to vector<16xi32>
        %and3A_1502 = arith.constant 65535 : i32
        %and3A_1503 = vector.broadcast %and3A_1502 : i32 to vector<16xi32>
        %and3A_1504 = arith.andi %get3A_1501, %and3A_1503 : vector<16xi32>
        %swap3A_1505 = arith.constant 48 : index
        %swap3A_1506 = tpu.vector_load %arg13[%swap3A_1505] {strides = array<i32>} : memref<128xi32, #tpu.memory_space<vmem>>, vector<16xi32>,
        %swap3A_1507 = vector.shape_cast %swap3A_1506 : vector<16xi32> to vector<16xi32>
        %swap3A_1508 = vector.shape_cast %and3A_1504 : vector<16xi32> to vector<16xi32>
        tpu.vector_store %arg13[%swap3A_1505], %swap3A_1508 {strides = array<i32>} : memref<128xi32, #tpu.memory_space<vmem>>, vector<16xi32>,
        %shift_right_logical3A_1509 = arith.constant 16 : i32
        %shift_right_logical3A_1510 = vector.broadcast %shift_right_logical3A_1509 : i32 to vector<16xi32>
        %shift_right_logical3A_1511 = arith.shrui %get3A_1501, %shift_right_logical3A_1510 : vector<16xi32>
        %swap3A_1512 = arith.constant 48 : index
        %swap3A_1513 = tpu.vector_load %arg21[%swap3A_1512] {strides = array<i32>} : memref<128xi32, #tpu.memory_space<vmem>>, vector<16xi32>,
        %swap3A_1514 = vector.shape_cast %swap3A_1513 : vector<16xi32> to vector<16xi32>
        %swap3A_1515 = vector.shape_cast %shift_right_logical3A_1511 : vector<16xi32> to vector<16xi32>
        tpu.vector_store %arg21[%swap3A_1512], %swap3A_1515 {strides = array<i32>} : memref<128xi32, #tpu.memory_space<vmem>>, vector<16xi32>,
        %get3A_1516 = arith.index_cast %add3A_1091 : i32 to index
        %get3A_1517 = arith.constant 64 : index
        %get3A_1518 = tpu.vector_load %arg6[%get3A_1516, %get3A_1517] {strides = array<i32>} : memref<80x128xi32, #tpu.memory_space<vmem>>, vector<1x16xi32>,
        %get3A_1519 = vector.shape_cast %get3A_1518 : vector<1x16xi32> to vector<16xi32>
        %and3A_1520 = arith.constant 65535 : i32
        %and3A_1521 = vector.broadcast %and3A_1520 : i32 to vector<16xi32>
        %and3A_1522 = arith.andi %get3A_1519, %and3A_1521 : vector<16xi32>
        %swap3A_1523 = arith.constant 64 : index
        %swap3A_1524 = tpu.vector_load %arg13[%swap3A_1523] {strides = array<i32>} : memref<128xi32, #tpu.memory_space<vmem>>, vector<16xi32>,
        %swap3A_1525 = vector.shape_cast %swap3A_1524 : vector<16xi32> to vector<16xi32>
        %swap3A_1526 = vector.shape_cast %and3A_1522 : vector<16xi32> to vector<16xi32>
        tpu.vector_store %arg13[%swap3A_1523], %swap3A_1526 {strides = array<i32>} : memref<128xi32, #tpu.memory_space<vmem>>, vector<16xi32>,
        %shift_right_logical3A_1527 = arith.constant 16 : i32
        %shift_right_logical3A_1528 = vector.broadcast %shift_right_logical3A_1527 : i32 to vector<16xi32>
        %shift_right_logical3A_1529 = arith.shrui %get3A_1519, %shift_right_logical3A_1528 : vector<16xi32>
        %swap3A_1530 = arith.constant 64 : index
        %swap3A_1531 = tpu.vector_load %arg21[%swap3A_1530] {strides = array<i32>} : memref<128xi32, #tpu.memory_space<vmem>>, vector<16xi32>,
        %swap3A_1532 = vector.shape_cast %swap3A_1531 : vector<16xi32> to vector<16xi32>
        %swap3A_1533 = vector.shape_cast %shift_right_logical3A_1529 : vector<16xi32> to vector<16xi32>
        tpu.vector_store %arg21[%swap3A_1530], %swap3A_1533 {strides = array<i32>} : memref<128xi32, #tpu.memory_space<vmem>>, vector<16xi32>,
        %get3A_1534 = arith.index_cast %add3A_1091 : i32 to index
        %get3A_1535 = arith.constant 80 : index
        %get3A_1536 = tpu.vector_load %arg6[%get3A_1534, %get3A_1535] {strides = array<i32>} : memref<80x128xi32, #tpu.memory_space<vmem>>, vector<1x16xi32>,
        %get3A_1537 = vector.shape_cast %get3A_1536 : vector<1x16xi32> to vector<16xi32>
        %and3A_1538 = arith.constant 65535 : i32
        %and3A_1539 = vector.broadcast %and3A_1538 : i32 to vector<16xi32>
        %and3A_1540 = arith.andi %get3A_1537, %and3A_1539 : vector<16xi32>
        %swap3A_1541 = arith.constant 80 : index
        %swap3A_1542 = tpu.vector_load %arg13[%swap3A_1541] {strides = array<i32>} : memref<128xi32, #tpu.memory_space<vmem>>, vector<16xi32>,
        %swap3A_1543 = vector.shape_cast %swap3A_1542 : vector<16xi32> to vector<16xi32>
        %swap3A_1544 = vector.shape_cast %and3A_1540 : vector<16xi32> to vector<16xi32>
        tpu.vector_store %arg13[%swap3A_1541], %swap3A_1544 {strides = array<i32>} : memref<128xi32, #tpu.memory_space<vmem>>, vector<16xi32>,
        %shift_right_logical3A_1545 = arith.constant 16 : i32
        %shift_right_logical3A_1546 = vector.broadcast %shift_right_logical3A_1545 : i32 to vector<16xi32>
        %shift_right_logical3A_1547 = arith.shrui %get3A_1537, %shift_right_logical3A_1546 : vector<16xi32>
        %swap3A_1548 = arith.constant 80 : index
        %swap3A_1549 = tpu.vector_load %arg21[%swap3A_1548] {strides = array<i32>} : memref<128xi32, #tpu.memory_space<vmem>>, vector<16xi32>,
        %swap3A_1550 = vector.shape_cast %swap3A_1549 : vector<16xi32> to vector<16xi32>
        %swap3A_1551 = vector.shape_cast %shift_right_logical3A_1547 : vector<16xi32> to vector<16xi32>
        tpu.vector_store %arg21[%swap3A_1548], %swap3A_1551 {strides = array<i32>} : memref<128xi32, #tpu.memory_space<vmem>>, vector<16xi32>,
        %get3A_1552 = arith.index_cast %add3A_1091 : i32 to index
        %get3A_1553 = arith.constant 96 : index
        %get3A_1554 = tpu.vector_load %arg6[%get3A_1552, %get3A_1553] {strides = array<i32>} : memref<80x128xi32, #tpu.memory_space<vmem>>, vector<1x16xi32>,
        %get3A_1555 = vector.shape_cast %get3A_1554 : vector<1x16xi32> to vector<16xi32>
        %and3A_1556 = arith.constant 65535 : i32
        %and3A_1557 = vector.broadcast %and3A_1556 : i32 to vector<16xi32>
        %and3A_1558 = arith.andi %get3A_1555, %and3A_1557 : vector<16xi32>
        %swap3A_1559 = arith.constant 96 : index
        %swap3A_1560 = tpu.vector_load %arg13[%swap3A_1559] {strides = array<i32>} : memref<128xi32, #tpu.memory_space<vmem>>, vector<16xi32>,
        %swap3A_1561 = vector.shape_cast %swap3A_1560 : vector<16xi32> to vector<16xi32>
        %swap3A_1562 = vector.shape_cast %and3A_1558 : vector<16xi32> to vector<16xi32>
        tpu.vector_store %arg13[%swap3A_1559], %swap3A_1562 {strides = array<i32>} : memref<128xi32, #tpu.memory_space<vmem>>, vector<16xi32>,
        %shift_right_logical3A_1563 = arith.constant 16 : i32
        %shift_right_logical3A_1564 = vector.broadcast %shift_right_logical3A_1563 : i32 to vector<16xi32>
        %shift_right_logical3A_1565 = arith.shrui %get3A_1555, %shift_right_logical3A_1564 : vector<16xi32>
        %swap3A_1566 = arith.constant 96 : index
        %swap3A_1567 = tpu.vector_load %arg21[%swap3A_1566] {strides = array<i32>} : memref<128xi32, #tpu.memory_space<vmem>>, vector<16xi32>,
        %swap3A_1568 = vector.shape_cast %swap3A_1567 : vector<16xi32> to vector<16xi32>
        %swap3A_1569 = vector.shape_cast %shift_right_logical3A_1565 : vector<16xi32> to vector<16xi32>
        tpu.vector_store %arg21[%swap3A_1566], %swap3A_1569 {strides = array<i32>} : memref<128xi32, #tpu.memory_space<vmem>>, vector<16xi32>,
        %get3A_1570 = arith.index_cast %add3A_1091 : i32 to index
        %get3A_1571 = arith.constant 112 : index
        %get3A_1572 = tpu.vector_load %arg6[%get3A_1570, %get3A_1571] {strides = array<i32>} : memref<80x128xi32, #tpu.memory_space<vmem>>, vector<1x16xi32>,
        %get3A_1573 = vector.shape_cast %get3A_1572 : vector<1x16xi32> to vector<16xi32>
        %and3A_1574 = arith.constant 65535 : i32
        %and3A_1575 = vector.broadcast %and3A_1574 : i32 to vector<16xi32>
        %and3A_1576 = arith.andi %get3A_1573, %and3A_1575 : vector<16xi32>
        %swap3A_1577 = arith.constant 112 : index
        %swap3A_1578 = tpu.vector_load %arg13[%swap3A_1577] {strides = array<i32>} : memref<128xi32, #tpu.memory_space<vmem>>, vector<16xi32>,
        %swap3A_1579 = vector.shape_cast %swap3A_1578 : vector<16xi32> to vector<16xi32>
        %swap3A_1580 = vector.shape_cast %and3A_1576 : vector<16xi32> to vector<16xi32>
        tpu.vector_store %arg13[%swap3A_1577], %swap3A_1580 {strides = array<i32>} : memref<128xi32, #tpu.memory_space<vmem>>, vector<16xi32>,
        %shift_right_logical3A_1581 = arith.constant 16 : i32
        %shift_right_logical3A_1582 = vector.broadcast %shift_right_logical3A_1581 : i32 to vector<16xi32>
        %shift_right_logical3A_1583 = arith.shrui %get3A_1573, %shift_right_logical3A_1582 : vector<16xi32>
        %swap3A_1584 = arith.constant 112 : index
        %swap3A_1585 = tpu.vector_load %arg21[%swap3A_1584] {strides = array<i32>} : memref<128xi32, #tpu.memory_space<vmem>>, vector<16xi32>,
        %swap3A_1586 = vector.shape_cast %swap3A_1585 : vector<16xi32> to vector<16xi32>
        %swap3A_1587 = vector.shape_cast %shift_right_logical3A_1583 : vector<16xi32> to vector<16xi32>
        tpu.vector_store %arg21[%swap3A_1584], %swap3A_1587 {strides = array<i32>} : memref<128xi32, #tpu.memory_space<vmem>>, vector<16xi32>,
        %dma_start3A_1588 = arith.constant 0 : i32
        %dma_start3A_1589 = arith.constant 0 : i32
        %dma_start3A_1590 = tpu.memref_slice %arg2[%dma_start3A_1588, %dma_start3A_1589] : memref<10000x40xf32, #tpu.memory_space<hbm>> -> memref<10000x40xf32, #tpu.memory_space<hbm>>
        tpu.enqueue_indirect_dma source(%dma_start3A_1590 : memref<10000x40xf32, #tpu.memory_space<hbm>>) target(%arg29 : memref<128x40xf32, #tpu.memory_space<vmem>>) offsets(%arg13 : memref<128xi32, #tpu.memory_space<vmem>>) semaphore(%arg38 : memref<!tpu.dma_semaphore, #tpu.memory_space<semaphore_mem>>)
      } else {
      }
      %lt3A_1252 = arith.constant 80 : i32
      %lt3A_1253 = arith.cmpi slt, %add3A_1091, %lt3A_1252 : i32
      %jit3A_1254 = arith.constant 8 : i32
      %eq3A_1255 = arith.constant 0 : i32
      %eq3A_1256 = arith.cmpi eq, %jit3A_1254, %eq3A_1255 : i32
      %jit3A_1257 = arith.constant 1 : i32
      %select_n3A_1258 = arith.select %eq3A_1256, %jit3A_1257, %jit3A_1254 : i32
      %rem3A_1259 = arith.remsi %add3A_1091, %select_n3A_1258 : i32
      %ne3A_1260 = arith.constant 0 : i32
      %ne3A_1261 = arith.cmpi ne, %rem3A_1259, %ne3A_1260 : i32
      %lt3A_1262 = arith.constant 0 : i32
      %lt3A_1263 = arith.cmpi slt, %rem3A_1259, %lt3A_1262 : i32
      %lt3A_1264 = arith.constant 0 : i32
      %lt3A_1265 = arith.cmpi slt, %select_n3A_1258, %lt3A_1264 : i32
      %ne3A_1266 = arith.xori %lt3A_1263, %lt3A_1265 : i1
      %and3A_1267 = arith.andi %ne3A_1266, %ne3A_1261 : i1
      %add3A_1268 = arith.addi %rem3A_1259, %select_n3A_1258 : i32
      %select_n3A_1269 = arith.select %and3A_1267, %add3A_1268, %rem3A_1259 : i32
      %eq3A_1270 = arith.constant 7 : i32
      %eq3A_1271 = arith.cmpi eq, %select_n3A_1269, %eq3A_1270 : i32
      %and3A_1272 = arith.andi %lt3A_1253, %eq3A_1271 : i1
      %convert_element_type3A_1273 = arith.extui %and3A_1272 : i1 to i32
      %cond3A_1274 = arith.constant 0 : i32
      %cond3A_1275 = arith.cmpi ne, %convert_element_type3A_1273, %cond3A_1274 : i32
      scf.if %cond3A_1275 {
        %get3A_1444 = arith.index_cast %add3A_1091 : i32 to index
        %get3A_1445 = arith.constant 0 : index
        %get3A_1446 = tpu.vector_load %arg6[%get3A_1444, %get3A_1445] {strides = array<i32>} : memref<80x128xi32, #tpu.memory_space<vmem>>, vector<1x16xi32>,
        %get3A_1447 = vector.shape_cast %get3A_1446 : vector<1x16xi32> to vector<16xi32>
        %and3A_1448 = arith.constant 65535 : i32
        %and3A_1449 = vector.broadcast %and3A_1448 : i32 to vector<16xi32>
        %and3A_1450 = arith.andi %get3A_1447, %and3A_1449 : vector<16xi32>
        %swap3A_1451 = arith.constant 0 : index
        %swap3A_1452 = tpu.vector_load %arg14[%swap3A_1451] {strides = array<i32>} : memref<128xi32, #tpu.memory_space<vmem>>, vector<16xi32>,
        %swap3A_1453 = vector.shape_cast %swap3A_1452 : vector<16xi32> to vector<16xi32>
        %swap3A_1454 = vector.shape_cast %and3A_1450 : vector<16xi32> to vector<16xi32>
        tpu.vector_store %arg14[%swap3A_1451], %swap3A_1454 {strides = array<i32>} : memref<128xi32, #tpu.memory_space<vmem>>, vector<16xi32>,
        %shift_right_logical3A_1455 = arith.constant 16 : i32
        %shift_right_logical3A_1456 = vector.broadcast %shift_right_logical3A_1455 : i32 to vector<16xi32>
        %shift_right_logical3A_1457 = arith.shrui %get3A_1447, %shift_right_logical3A_1456 : vector<16xi32>
        %swap3A_1458 = arith.constant 0 : index
        %swap3A_1459 = tpu.vector_load %arg22[%swap3A_1458] {strides = array<i32>} : memref<128xi32, #tpu.memory_space<vmem>>, vector<16xi32>,
        %swap3A_1460 = vector.shape_cast %swap3A_1459 : vector<16xi32> to vector<16xi32>
        %swap3A_1461 = vector.shape_cast %shift_right_logical3A_1457 : vector<16xi32> to vector<16xi32>
        tpu.vector_store %arg22[%swap3A_1458], %swap3A_1461 {strides = array<i32>} : memref<128xi32, #tpu.memory_space<vmem>>, vector<16xi32>,
        %get3A_1462 = arith.index_cast %add3A_1091 : i32 to index
        %get3A_1463 = arith.constant 16 : index
        %get3A_1464 = tpu.vector_load %arg6[%get3A_1462, %get3A_1463] {strides = array<i32>} : memref<80x128xi32, #tpu.memory_space<vmem>>, vector<1x16xi32>,
        %get3A_1465 = vector.shape_cast %get3A_1464 : vector<1x16xi32> to vector<16xi32>
        %and3A_1466 = arith.constant 65535 : i32
        %and3A_1467 = vector.broadcast %and3A_1466 : i32 to vector<16xi32>
        %and3A_1468 = arith.andi %get3A_1465, %and3A_1467 : vector<16xi32>
        %swap3A_1469 = arith.constant 16 : index
        %swap3A_1470 = tpu.vector_load %arg14[%swap3A_1469] {strides = array<i32>} : memref<128xi32, #tpu.memory_space<vmem>>, vector<16xi32>,
        %swap3A_1471 = vector.shape_cast %swap3A_1470 : vector<16xi32> to vector<16xi32>
        %swap3A_1472 = vector.shape_cast %and3A_1468 : vector<16xi32> to vector<16xi32>
        tpu.vector_store %arg14[%swap3A_1469], %swap3A_1472 {strides = array<i32>} : memref<128xi32, #tpu.memory_space<vmem>>, vector<16xi32>,
        %shift_right_logical3A_1473 = arith.constant 16 : i32
        %shift_right_logical3A_1474 = vector.broadcast %shift_right_logical3A_1473 : i32 to vector<16xi32>
        %shift_right_logical3A_1475 = arith.shrui %get3A_1465, %shift_right_logical3A_1474 : vector<16xi32>
        %swap3A_1476 = arith.constant 16 : index
        %swap3A_1477 = tpu.vector_load %arg22[%swap3A_1476] {strides = array<i32>} : memref<128xi32, #tpu.memory_space<vmem>>, vector<16xi32>,
        %swap3A_1478 = vector.shape_cast %swap3A_1477 : vector<16xi32> to vector<16xi32>
        %swap3A_1479 = vector.shape_cast %shift_right_logical3A_1475 : vector<16xi32> to vector<16xi32>
        tpu.vector_store %arg22[%swap3A_1476], %swap3A_1479 {strides = array<i32>} : memref<128xi32, #tpu.memory_space<vmem>>, vector<16xi32>,
        %get3A_1480 = arith.index_cast %add3A_1091 : i32 to index
        %get3A_1481 = arith.constant 32 : index
        %get3A_1482 = tpu.vector_load %arg6[%get3A_1480, %get3A_1481] {strides = array<i32>} : memref<80x128xi32, #tpu.memory_space<vmem>>, vector<1x16xi32>,
        %get3A_1483 = vector.shape_cast %get3A_1482 : vector<1x16xi32> to vector<16xi32>
        %and3A_1484 = arith.constant 65535 : i32
        %and3A_1485 = vector.broadcast %and3A_1484 : i32 to vector<16xi32>
        %and3A_1486 = arith.andi %get3A_1483, %and3A_1485 : vector<16xi32>
        %swap3A_1487 = arith.constant 32 : index
        %swap3A_1488 = tpu.vector_load %arg14[%swap3A_1487] {strides = array<i32>} : memref<128xi32, #tpu.memory_space<vmem>>, vector<16xi32>,
        %swap3A_1489 = vector.shape_cast %swap3A_1488 : vector<16xi32> to vector<16xi32>
        %swap3A_1490 = vector.shape_cast %and3A_1486 : vector<16xi32> to vector<16xi32>
        tpu.vector_store %arg14[%swap3A_1487], %swap3A_1490 {strides = array<i32>} : memref<128xi32, #tpu.memory_space<vmem>>, vector<16xi32>,
        %shift_right_logical3A_1491 = arith.constant 16 : i32
        %shift_right_logical3A_1492 = vector.broadcast %shift_right_logical3A_1491 : i32 to vector<16xi32>
        %shift_right_logical3A_1493 = arith.shrui %get3A_1483, %shift_right_logical3A_1492 : vector<16xi32>
        %swap3A_1494 = arith.constant 32 : index
        %swap3A_1495 = tpu.vector_load %arg22[%swap3A_1494] {strides = array<i32>} : memref<128xi32, #tpu.memory_space<vmem>>, vector<16xi32>,
        %swap3A_1496 = vector.shape_cast %swap3A_1495 : vector<16xi32> to vector<16xi32>
        %swap3A_1497 = vector.shape_cast %shift_right_logical3A_1493 : vector<16xi32> to vector<16xi32>
        tpu.vector_store %arg22[%swap3A_1494], %swap3A_1497 {strides = array<i32>} : memref<128xi32, #tpu.memory_space<vmem>>, vector<16xi32>,
        %get3A_1498 = arith.index_cast %add3A_1091 : i32 to index
        %get3A_1499 = arith.constant 48 : index
        %get3A_1500 = tpu.vector_load %arg6[%get3A_1498, %get3A_1499] {strides = array<i32>} : memref<80x128xi32, #tpu.memory_space<vmem>>, vector<1x16xi32>,
        %get3A_1501 = vector.shape_cast %get3A_1500 : vector<1x16xi32> to vector<16xi32>
        %and3A_1502 = arith.constant 65535 : i32
        %and3A_1503 = vector.broadcast %and3A_1502 : i32 to vector<16xi32>
        %and3A_1504 = arith.andi %get3A_1501, %and3A_1503 : vector<16xi32>
        %swap3A_1505 = arith.constant 48 : index
        %swap3A_1506 = tpu.vector_load %arg14[%swap3A_1505] {strides = array<i32>} : memref<128xi32, #tpu.memory_space<vmem>>, vector<16xi32>,
        %swap3A_1507 = vector.shape_cast %swap3A_1506 : vector<16xi32> to vector<16xi32>
        %swap3A_1508 = vector.shape_cast %and3A_1504 : vector<16xi32> to vector<16xi32>
        tpu.vector_store %arg14[%swap3A_1505], %swap3A_1508 {strides = array<i32>} : memref<128xi32, #tpu.memory_space<vmem>>, vector<16xi32>,
        %shift_right_logical3A_1509 = arith.constant 16 : i32
        %shift_right_logical3A_1510 = vector.broadcast %shift_right_logical3A_1509 : i32 to vector<16xi32>
        %shift_right_logical3A_1511 = arith.shrui %get3A_1501, %shift_right_logical3A_1510 : vector<16xi32>
        %swap3A_1512 = arith.constant 48 : index
        %swap3A_1513 = tpu.vector_load %arg22[%swap3A_1512] {strides = array<i32>} : memref<128xi32, #tpu.memory_space<vmem>>, vector<16xi32>,
        %swap3A_1514 = vector.shape_cast %swap3A_1513 : vector<16xi32> to vector<16xi32>
        %swap3A_1515 = vector.shape_cast %shift_right_logical3A_1511 : vector<16xi32> to vector<16xi32>
        tpu.vector_store %arg22[%swap3A_1512], %swap3A_1515 {strides = array<i32>} : memref<128xi32, #tpu.memory_space<vmem>>, vector<16xi32>,
        %get3A_1516 = arith.index_cast %add3A_1091 : i32 to index
        %get3A_1517 = arith.constant 64 : index
        %get3A_1518 = tpu.vector_load %arg6[%get3A_1516, %get3A_1517] {strides = array<i32>} : memref<80x128xi32, #tpu.memory_space<vmem>>, vector<1x16xi32>,
        %get3A_1519 = vector.shape_cast %get3A_1518 : vector<1x16xi32> to vector<16xi32>
        %and3A_1520 = arith.constant 65535 : i32
        %and3A_1521 = vector.broadcast %and3A_1520 : i32 to vector<16xi32>
        %and3A_1522 = arith.andi %get3A_1519, %and3A_1521 : vector<16xi32>
        %swap3A_1523 = arith.constant 64 : index
        %swap3A_1524 = tpu.vector_load %arg14[%swap3A_1523] {strides = array<i32>} : memref<128xi32, #tpu.memory_space<vmem>>, vector<16xi32>,
        %swap3A_1525 = vector.shape_cast %swap3A_1524 : vector<16xi32> to vector<16xi32>
        %swap3A_1526 = vector.shape_cast %and3A_1522 : vector<16xi32> to vector<16xi32>
        tpu.vector_store %arg14[%swap3A_1523], %swap3A_1526 {strides = array<i32>} : memref<128xi32, #tpu.memory_space<vmem>>, vector<16xi32>,
        %shift_right_logical3A_1527 = arith.constant 16 : i32
        %shift_right_logical3A_1528 = vector.broadcast %shift_right_logical3A_1527 : i32 to vector<16xi32>
        %shift_right_logical3A_1529 = arith.shrui %get3A_1519, %shift_right_logical3A_1528 : vector<16xi32>
        %swap3A_1530 = arith.constant 64 : index
        %swap3A_1531 = tpu.vector_load %arg22[%swap3A_1530] {strides = array<i32>} : memref<128xi32, #tpu.memory_space<vmem>>, vector<16xi32>,
        %swap3A_1532 = vector.shape_cast %swap3A_1531 : vector<16xi32> to vector<16xi32>
        %swap3A_1533 = vector.shape_cast %shift_right_logical3A_1529 : vector<16xi32> to vector<16xi32>
        tpu.vector_store %arg22[%swap3A_1530], %swap3A_1533 {strides = array<i32>} : memref<128xi32, #tpu.memory_space<vmem>>, vector<16xi32>,
        %get3A_1534 = arith.index_cast %add3A_1091 : i32 to index
        %get3A_1535 = arith.constant 80 : index
        %get3A_1536 = tpu.vector_load %arg6[%get3A_1534, %get3A_1535] {strides = array<i32>} : memref<80x128xi32, #tpu.memory_space<vmem>>, vector<1x16xi32>,
        %get3A_1537 = vector.shape_cast %get3A_1536 : vector<1x16xi32> to vector<16xi32>
        %and3A_1538 = arith.constant 65535 : i32
        %and3A_1539 = vector.broadcast %and3A_1538 : i32 to vector<16xi32>
        %and3A_1540 = arith.andi %get3A_1537, %and3A_1539 : vector<16xi32>
        %swap3A_1541 = arith.constant 80 : index
        %swap3A_1542 = tpu.vector_load %arg14[%swap3A_1541] {strides = array<i32>} : memref<128xi32, #tpu.memory_space<vmem>>, vector<16xi32>,
        %swap3A_1543 = vector.shape_cast %swap3A_1542 : vector<16xi32> to vector<16xi32>
        %swap3A_1544 = vector.shape_cast %and3A_1540 : vector<16xi32> to vector<16xi32>
        tpu.vector_store %arg14[%swap3A_1541], %swap3A_1544 {strides = array<i32>} : memref<128xi32, #tpu.memory_space<vmem>>, vector<16xi32>,
        %shift_right_logical3A_1545 = arith.constant 16 : i32
        %shift_right_logical3A_1546 = vector.broadcast %shift_right_logical3A_1545 : i32 to vector<16xi32>
        %shift_right_logical3A_1547 = arith.shrui %get3A_1537, %shift_right_logical3A_1546 : vector<16xi32>
        %swap3A_1548 = arith.constant 80 : index
        %swap3A_1549 = tpu.vector_load %arg22[%swap3A_1548] {strides = array<i32>} : memref<128xi32, #tpu.memory_space<vmem>>, vector<16xi32>,
        %swap3A_1550 = vector.shape_cast %swap3A_1549 : vector<16xi32> to vector<16xi32>
        %swap3A_1551 = vector.shape_cast %shift_right_logical3A_1547 : vector<16xi32> to vector<16xi32>
        tpu.vector_store %arg22[%swap3A_1548], %swap3A_1551 {strides = array<i32>} : memref<128xi32, #tpu.memory_space<vmem>>, vector<16xi32>,
        %get3A_1552 = arith.index_cast %add3A_1091 : i32 to index
        %get3A_1553 = arith.constant 96 : index
        %get3A_1554 = tpu.vector_load %arg6[%get3A_1552, %get3A_1553] {strides = array<i32>} : memref<80x128xi32, #tpu.memory_space<vmem>>, vector<1x16xi32>,
        %get3A_1555 = vector.shape_cast %get3A_1554 : vector<1x16xi32> to vector<16xi32>
        %and3A_1556 = arith.constant 65535 : i32
        %and3A_1557 = vector.broadcast %and3A_1556 : i32 to vector<16xi32>
        %and3A_1558 = arith.andi %get3A_1555, %and3A_1557 : vector<16xi32>
        %swap3A_1559 = arith.constant 96 : index
        %swap3A_1560 = tpu.vector_load %arg14[%swap3A_1559] {strides = array<i32>} : memref<128xi32, #tpu.memory_space<vmem>>, vector<16xi32>,
        %swap3A_1561 = vector.shape_cast %swap3A_1560 : vector<16xi32> to vector<16xi32>
        %swap3A_1562 = vector.shape_cast %and3A_1558 : vector<16xi32> to vector<16xi32>
        tpu.vector_store %arg14[%swap3A_1559], %swap3A_1562 {strides = array<i32>} : memref<128xi32, #tpu.memory_space<vmem>>, vector<16xi32>,
        %shift_right_logical3A_1563 = arith.constant 16 : i32
        %shift_right_logical3A_1564 = vector.broadcast %shift_right_logical3A_1563 : i32 to vector<16xi32>
        %shift_right_logical3A_1565 = arith.shrui %get3A_1555, %shift_right_logical3A_1564 : vector<16xi32>
        %swap3A_1566 = arith.constant 96 : index
        %swap3A_1567 = tpu.vector_load %arg22[%swap3A_1566] {strides = array<i32>} : memref<128xi32, #tpu.memory_space<vmem>>, vector<16xi32>,
        %swap3A_1568 = vector.shape_cast %swap3A_1567 : vector<16xi32> to vector<16xi32>
        %swap3A_1569 = vector.shape_cast %shift_right_logical3A_1565 : vector<16xi32> to vector<16xi32>
        tpu.vector_store %arg22[%swap3A_1566], %swap3A_1569 {strides = array<i32>} : memref<128xi32, #tpu.memory_space<vmem>>, vector<16xi32>,
        %get3A_1570 = arith.index_cast %add3A_1091 : i32 to index
        %get3A_1571 = arith.constant 112 : index
        %get3A_1572 = tpu.vector_load %arg6[%get3A_1570, %get3A_1571] {strides = array<i32>} : memref<80x128xi32, #tpu.memory_space<vmem>>, vector<1x16xi32>,
        %get3A_1573 = vector.shape_cast %get3A_1572 : vector<1x16xi32> to vector<16xi32>
        %and3A_1574 = arith.constant 65535 : i32
        %and3A_1575 = vector.broadcast %and3A_1574 : i32 to vector<16xi32>
        %and3A_1576 = arith.andi %get3A_1573, %and3A_1575 : vector<16xi32>
        %swap3A_1577 = arith.constant 112 : index
        %swap3A_1578 = tpu.vector_load %arg14[%swap3A_1577] {strides = array<i32>} : memref<128xi32, #tpu.memory_space<vmem>>, vector<16xi32>,
        %swap3A_1579 = vector.shape_cast %swap3A_1578 : vector<16xi32> to vector<16xi32>
        %swap3A_1580 = vector.shape_cast %and3A_1576 : vector<16xi32> to vector<16xi32>
        tpu.vector_store %arg14[%swap3A_1577], %swap3A_1580 {strides = array<i32>} : memref<128xi32, #tpu.memory_space<vmem>>, vector<16xi32>,
        %shift_right_logical3A_1581 = arith.constant 16 : i32
        %shift_right_logical3A_1582 = vector.broadcast %shift_right_logical3A_1581 : i32 to vector<16xi32>
        %shift_right_logical3A_1583 = arith.shrui %get3A_1573, %shift_right_logical3A_1582 : vector<16xi32>
        %swap3A_1584 = arith.constant 112 : index
        %swap3A_1585 = tpu.vector_load %arg22[%swap3A_1584] {strides = array<i32>} : memref<128xi32, #tpu.memory_space<vmem>>, vector<16xi32>,
        %swap3A_1586 = vector.shape_cast %swap3A_1585 : vector<16xi32> to vector<16xi32>
        %swap3A_1587 = vector.shape_cast %shift_right_logical3A_1583 : vector<16xi32> to vector<16xi32>
        tpu.vector_store %arg22[%swap3A_1584], %swap3A_1587 {strides = array<i32>} : memref<128xi32, #tpu.memory_space<vmem>>, vector<16xi32>,
        %dma_start3A_1588 = arith.constant 0 : i32
        %dma_start3A_1589 = arith.constant 0 : i32
        %dma_start3A_1590 = tpu.memref_slice %arg2[%dma_start3A_1588, %dma_start3A_1589] : memref<10000x40xf32, #tpu.memory_space<hbm>> -> memref<10000x40xf32, #tpu.memory_space<hbm>>
        tpu.enqueue_indirect_dma source(%dma_start3A_1590 : memref<10000x40xf32, #tpu.memory_space<hbm>>) target(%arg30 : memref<128x40xf32, #tpu.memory_space<vmem>>) offsets(%arg14 : memref<128xi32, #tpu.memory_space<vmem>>) semaphore(%arg39 : memref<!tpu.dma_semaphore, #tpu.memory_space<semaphore_mem>>)
      } else {
      }
      %jit3A_1276 = arith.constant 8 : i32
      %eq3A_1277 = arith.constant 0 : i32
      %eq3A_1278 = arith.cmpi eq, %jit3A_1276, %eq3A_1277 : i32
      %jit3A_1279 = arith.constant 1 : i32
      %select_n3A_1280 = arith.select %eq3A_1278, %jit3A_1279, %jit3A_1276 : i32
      %rem3A_1281 = arith.remsi %scan3A_1089, %select_n3A_1280 : i32
      %ne3A_1282 = arith.constant 0 : i32
      %ne3A_1283 = arith.cmpi ne, %rem3A_1281, %ne3A_1282 : i32
      %lt3A_1284 = arith.constant 0 : i32
      %lt3A_1285 = arith.cmpi slt, %rem3A_1281, %lt3A_1284 : i32
      %lt3A_1286 = arith.constant 0 : i32
      %lt3A_1287 = arith.cmpi slt, %select_n3A_1280, %lt3A_1286 : i32
      %ne3A_1288 = arith.xori %lt3A_1285, %lt3A_1287 : i1
      %and3A_1289 = arith.andi %ne3A_1288, %ne3A_1283 : i1
      %add3A_1290 = arith.addi %rem3A_1281, %select_n3A_1280 : i32
      %select_n3A_1291 = arith.select %and3A_1289, %add3A_1290, %rem3A_1281 : i32
      %eq3A_1292 = arith.constant 0 : i32
      %eq3A_1293 = arith.cmpi eq, %select_n3A_1291, %eq3A_1292 : i32
      %convert_element_type3A_1294 = arith.extui %eq3A_1293 : i1 to i32
      %cond3A_1295 = arith.constant 0 : i32
      %cond3A_1296 = arith.cmpi ne, %convert_element_type3A_1294, %cond3A_1295 : i32
      scf.if %cond3A_1296 {
        %dma_wait3A = arith.constant 0 : i32
        %dma_wait3A_1444 = arith.constant 0 : i32
        %dma_wait3A_1445 = tpu.memref_slice %arg2[%dma_wait3A, %dma_wait3A_1444] : memref<10000x40xf32, #tpu.memory_space<hbm>> -> memref<10000x40xf32, #tpu.memory_space<hbm>>
        tpu.wait_indirect_dma semaphore(%arg32 : memref<!tpu.dma_semaphore, #tpu.memory_space<semaphore_mem>>) src(%dma_wait3A_1445 : memref<10000x40xf32, #tpu.memory_space<hbm>>) dst(%arg23 : memref<128x40xf32, #tpu.memory_space<vmem>>)
        "tpu.region"() ({
          %run_scoped3A = tpu.sem_alloc : memref<!tpu.dma_semaphore, #tpu.memory_space<semaphore_mem>>
          %dma_start3A_1446 = arith.constant 0 : i32
          %dma_start3A_1447 = arith.constant 0 : i32
          %dma_start3A_1448 = tpu.memref_slice %arg31[%dma_start3A_1446, %dma_start3A_1447] : memref<10240x40xf32, #tpu.memory_space<vmem_shared>> -> memref<10240x40xf32, #tpu.memory_space<vmem_shared>>
          tpu.enqueue_indirect_dma source(%arg23 : memref<128x40xf32, #tpu.memory_space<vmem>>) target(%dma_start3A_1448 : memref<10240x40xf32, #tpu.memory_space<vmem_shared>>) offsets(%arg15 : memref<128xi32, #tpu.memory_space<vmem>>) semaphore(%run_scoped3A : memref<!tpu.dma_semaphore, #tpu.memory_space<semaphore_mem>>) {add = true}
          %dma_wait3A_1449 = arith.constant 0 : i32
          %dma_wait3A_1450 = arith.constant 0 : i32
          %dma_wait3A_1451 = tpu.memref_slice %arg31[%dma_wait3A_1449, %dma_wait3A_1450] : memref<10240x40xf32, #tpu.memory_space<vmem_shared>> -> memref<10240x40xf32, #tpu.memory_space<vmem_shared>>
          tpu.wait_indirect_dma semaphore(%run_scoped3A : memref<!tpu.dma_semaphore, #tpu.memory_space<semaphore_mem>>) src(%arg23 : memref<128x40xf32, #tpu.memory_space<vmem>>) dst(%dma_wait3A_1451 : memref<10240x40xf32, #tpu.memory_space<vmem_shared>>)
          tpu.yield
        }) : () -> ()
      } else {
      }
      %jit3A_1297 = arith.constant 8 : i32
      %eq3A_1298 = arith.constant 0 : i32
      %eq3A_1299 = arith.cmpi eq, %jit3A_1297, %eq3A_1298 : i32
      %jit3A_1300 = arith.constant 1 : i32
      %select_n3A_1301 = arith.select %eq3A_1299, %jit3A_1300, %jit3A_1297 : i32
      %rem3A_1302 = arith.remsi %scan3A_1089, %select_n3A_1301 : i32
      %ne3A_1303 = arith.constant 0 : i32
      %ne3A_1304 = arith.cmpi ne, %rem3A_1302, %ne3A_1303 : i32
      %lt3A_1305 = arith.constant 0 : i32
      %lt3A_1306 = arith.cmpi slt, %rem3A_1302, %lt3A_1305 : i32
      %lt3A_1307 = arith.constant 0 : i32
      %lt3A_1308 = arith.cmpi slt, %select_n3A_1301, %lt3A_1307 : i32
      %ne3A_1309 = arith.xori %lt3A_1306, %lt3A_1308 : i1
      %and3A_1310 = arith.andi %ne3A_1309, %ne3A_1304 : i1
      %add3A_1311 = arith.addi %rem3A_1302, %select_n3A_1301 : i32
      %select_n3A_1312 = arith.select %and3A_1310, %add3A_1311, %rem3A_1302 : i32
      %eq3A_1313 = arith.constant 1 : i32
      %eq3A_1314 = arith.cmpi eq, %select_n3A_1312, %eq3A_1313 : i32
      %convert_element_type3A_1315 = arith.extui %eq3A_1314 : i1 to i32
      %cond3A_1316 = arith.constant 0 : i32
      %cond3A_1317 = arith.cmpi ne, %convert_element_type3A_1315, %cond3A_1316 : i32
      scf.if %cond3A_1317 {
        %dma_wait3A = arith.constant 0 : i32
        %dma_wait3A_1444 = arith.constant 0 : i32
        %dma_wait3A_1445 = tpu.memref_slice %arg2[%dma_wait3A, %dma_wait3A_1444] : memref<10000x40xf32, #tpu.memory_space<hbm>> -> memref<10000x40xf32, #tpu.memory_space<hbm>>
        tpu.wait_indirect_dma semaphore(%arg33 : memref<!tpu.dma_semaphore, #tpu.memory_space<semaphore_mem>>) src(%dma_wait3A_1445 : memref<10000x40xf32, #tpu.memory_space<hbm>>) dst(%arg24 : memref<128x40xf32, #tpu.memory_space<vmem>>)
        "tpu.region"() ({
          %run_scoped3A = tpu.sem_alloc : memref<!tpu.dma_semaphore, #tpu.memory_space<semaphore_mem>>
          %dma_start3A_1446 = arith.constant 0 : i32
          %dma_start3A_1447 = arith.constant 0 : i32
          %dma_start3A_1448 = tpu.memref_slice %arg31[%dma_start3A_1446, %dma_start3A_1447] : memref<10240x40xf32, #tpu.memory_space<vmem_shared>> -> memref<10240x40xf32, #tpu.memory_space<vmem_shared>>
          tpu.enqueue_indirect_dma source(%arg24 : memref<128x40xf32, #tpu.memory_space<vmem>>) target(%dma_start3A_1448 : memref<10240x40xf32, #tpu.memory_space<vmem_shared>>) offsets(%arg16 : memref<128xi32, #tpu.memory_space<vmem>>) semaphore(%run_scoped3A : memref<!tpu.dma_semaphore, #tpu.memory_space<semaphore_mem>>) {add = true}
          %dma_wait3A_1449 = arith.constant 0 : i32
          %dma_wait3A_1450 = arith.constant 0 : i32
          %dma_wait3A_1451 = tpu.memref_slice %arg31[%dma_wait3A_1449, %dma_wait3A_1450] : memref<10240x40xf32, #tpu.memory_space<vmem_shared>> -> memref<10240x40xf32, #tpu.memory_space<vmem_shared>>
          tpu.wait_indirect_dma semaphore(%run_scoped3A : memref<!tpu.dma_semaphore, #tpu.memory_space<semaphore_mem>>) src(%arg24 : memref<128x40xf32, #tpu.memory_space<vmem>>) dst(%dma_wait3A_1451 : memref<10240x40xf32, #tpu.memory_space<vmem_shared>>)
          tpu.yield
        }) : () -> ()
      } else {
      }
      %jit3A_1318 = arith.constant 8 : i32
      %eq3A_1319 = arith.constant 0 : i32
      %eq3A_1320 = arith.cmpi eq, %jit3A_1318, %eq3A_1319 : i32
      %jit3A_1321 = arith.constant 1 : i32
      %select_n3A_1322 = arith.select %eq3A_1320, %jit3A_1321, %jit3A_1318 : i32
      %rem3A_1323 = arith.remsi %scan3A_1089, %select_n3A_1322 : i32
      %ne3A_1324 = arith.constant 0 : i32
      %ne3A_1325 = arith.cmpi ne, %rem3A_1323, %ne3A_1324 : i32
      %lt3A_1326 = arith.constant 0 : i32
      %lt3A_1327 = arith.cmpi slt, %rem3A_1323, %lt3A_1326 : i32
      %lt3A_1328 = arith.constant 0 : i32
      %lt3A_1329 = arith.cmpi slt, %select_n3A_1322, %lt3A_1328 : i32
      %ne3A_1330 = arith.xori %lt3A_1327, %lt3A_1329 : i1
      %and3A_1331 = arith.andi %ne3A_1330, %ne3A_1325 : i1
      %add3A_1332 = arith.addi %rem3A_1323, %select_n3A_1322 : i32
      %select_n3A_1333 = arith.select %and3A_1331, %add3A_1332, %rem3A_1323 : i32
      %eq3A_1334 = arith.constant 2 : i32
      %eq3A_1335 = arith.cmpi eq, %select_n3A_1333, %eq3A_1334 : i32
      %convert_element_type3A_1336 = arith.extui %eq3A_1335 : i1 to i32
      %cond3A_1337 = arith.constant 0 : i32
      %cond3A_1338 = arith.cmpi ne, %convert_element_type3A_1336, %cond3A_1337 : i32
      scf.if %cond3A_1338 {
        %dma_wait3A = arith.constant 0 : i32
        %dma_wait3A_1444 = arith.constant 0 : i32
        %dma_wait3A_1445 = tpu.memref_slice %arg2[%dma_wait3A, %dma_wait3A_1444] : memref<10000x40xf32, #tpu.memory_space<hbm>> -> memref<10000x40xf32, #tpu.memory_space<hbm>>
        tpu.wait_indirect_dma semaphore(%arg34 : memref<!tpu.dma_semaphore, #tpu.memory_space<semaphore_mem>>) src(%dma_wait3A_1445 : memref<10000x40xf32, #tpu.memory_space<hbm>>) dst(%arg25 : memref<128x40xf32, #tpu.memory_space<vmem>>)
        "tpu.region"() ({
          %run_scoped3A = tpu.sem_alloc : memref<!tpu.dma_semaphore, #tpu.memory_space<semaphore_mem>>
          %dma_start3A_1446 = arith.constant 0 : i32
          %dma_start3A_1447 = arith.constant 0 : i32
          %dma_start3A_1448 = tpu.memref_slice %arg31[%dma_start3A_1446, %dma_start3A_1447] : memref<10240x40xf32, #tpu.memory_space<vmem_shared>> -> memref<10240x40xf32, #tpu.memory_space<vmem_shared>>
          tpu.enqueue_indirect_dma source(%arg25 : memref<128x40xf32, #tpu.memory_space<vmem>>) target(%dma_start3A_1448 : memref<10240x40xf32, #tpu.memory_space<vmem_shared>>) offsets(%arg17 : memref<128xi32, #tpu.memory_space<vmem>>) semaphore(%run_scoped3A : memref<!tpu.dma_semaphore, #tpu.memory_space<semaphore_mem>>) {add = true}
          %dma_wait3A_1449 = arith.constant 0 : i32
          %dma_wait3A_1450 = arith.constant 0 : i32
          %dma_wait3A_1451 = tpu.memref_slice %arg31[%dma_wait3A_1449, %dma_wait3A_1450] : memref<10240x40xf32, #tpu.memory_space<vmem_shared>> -> memref<10240x40xf32, #tpu.memory_space<vmem_shared>>
          tpu.wait_indirect_dma semaphore(%run_scoped3A : memref<!tpu.dma_semaphore, #tpu.memory_space<semaphore_mem>>) src(%arg25 : memref<128x40xf32, #tpu.memory_space<vmem>>) dst(%dma_wait3A_1451 : memref<10240x40xf32, #tpu.memory_space<vmem_shared>>)
          tpu.yield
        }) : () -> ()
      } else {
      }
      %jit3A_1339 = arith.constant 8 : i32
      %eq3A_1340 = arith.constant 0 : i32
      %eq3A_1341 = arith.cmpi eq, %jit3A_1339, %eq3A_1340 : i32
      %jit3A_1342 = arith.constant 1 : i32
      %select_n3A_1343 = arith.select %eq3A_1341, %jit3A_1342, %jit3A_1339 : i32
      %rem3A_1344 = arith.remsi %scan3A_1089, %select_n3A_1343 : i32
      %ne3A_1345 = arith.constant 0 : i32
      %ne3A_1346 = arith.cmpi ne, %rem3A_1344, %ne3A_1345 : i32
      %lt3A_1347 = arith.constant 0 : i32
      %lt3A_1348 = arith.cmpi slt, %rem3A_1344, %lt3A_1347 : i32
      %lt3A_1349 = arith.constant 0 : i32
      %lt3A_1350 = arith.cmpi slt, %select_n3A_1343, %lt3A_1349 : i32
      %ne3A_1351 = arith.xori %lt3A_1348, %lt3A_1350 : i1
      %and3A_1352 = arith.andi %ne3A_1351, %ne3A_1346 : i1
      %add3A_1353 = arith.addi %rem3A_1344, %select_n3A_1343 : i32
      %select_n3A_1354 = arith.select %and3A_1352, %add3A_1353, %rem3A_1344 : i32
      %eq3A_1355 = arith.constant 3 : i32
      %eq3A_1356 = arith.cmpi eq, %select_n3A_1354, %eq3A_1355 : i32
      %convert_element_type3A_1357 = arith.extui %eq3A_1356 : i1 to i32
      %cond3A_1358 = arith.constant 0 : i32
      %cond3A_1359 = arith.cmpi ne, %convert_element_type3A_1357, %cond3A_1358 : i32
      scf.if %cond3A_1359 {
        %dma_wait3A = arith.constant 0 : i32
        %dma_wait3A_1444 = arith.constant 0 : i32
        %dma_wait3A_1445 = tpu.memref_slice %arg2[%dma_wait3A, %dma_wait3A_1444] : memref<10000x40xf32, #tpu.memory_space<hbm>> -> memref<10000x40xf32, #tpu.memory_space<hbm>>
        tpu.wait_indirect_dma semaphore(%arg35 : memref<!tpu.dma_semaphore, #tpu.memory_space<semaphore_mem>>) src(%dma_wait3A_1445 : memref<10000x40xf32, #tpu.memory_space<hbm>>) dst(%arg26 : memref<128x40xf32, #tpu.memory_space<vmem>>)
        "tpu.region"() ({
          %run_scoped3A = tpu.sem_alloc : memref<!tpu.dma_semaphore, #tpu.memory_space<semaphore_mem>>
          %dma_start3A_1446 = arith.constant 0 : i32
          %dma_start3A_1447 = arith.constant 0 : i32
          %dma_start3A_1448 = tpu.memref_slice %arg31[%dma_start3A_1446, %dma_start3A_1447] : memref<10240x40xf32, #tpu.memory_space<vmem_shared>> -> memref<10240x40xf32, #tpu.memory_space<vmem_shared>>
          tpu.enqueue_indirect_dma source(%arg26 : memref<128x40xf32, #tpu.memory_space<vmem>>) target(%dma_start3A_1448 : memref<10240x40xf32, #tpu.memory_space<vmem_shared>>) offsets(%arg18 : memref<128xi32, #tpu.memory_space<vmem>>) semaphore(%run_scoped3A : memref<!tpu.dma_semaphore, #tpu.memory_space<semaphore_mem>>) {add = true}
          %dma_wait3A_1449 = arith.constant 0 : i32
          %dma_wait3A_1450 = arith.constant 0 : i32
          %dma_wait3A_1451 = tpu.memref_slice %arg31[%dma_wait3A_1449, %dma_wait3A_1450] : memref<10240x40xf32, #tpu.memory_space<vmem_shared>> -> memref<10240x40xf32, #tpu.memory_space<vmem_shared>>
          tpu.wait_indirect_dma semaphore(%run_scoped3A : memref<!tpu.dma_semaphore, #tpu.memory_space<semaphore_mem>>) src(%arg26 : memref<128x40xf32, #tpu.memory_space<vmem>>) dst(%dma_wait3A_1451 : memref<10240x40xf32, #tpu.memory_space<vmem_shared>>)
          tpu.yield
        }) : () -> ()
      } else {
      }
      %jit3A_1360 = arith.constant 8 : i32
      %eq3A_1361 = arith.constant 0 : i32
      %eq3A_1362 = arith.cmpi eq, %jit3A_1360, %eq3A_1361 : i32
      %jit3A_1363 = arith.constant 1 : i32
      %select_n3A_1364 = arith.select %eq3A_1362, %jit3A_1363, %jit3A_1360 : i32
      %rem3A_1365 = arith.remsi %scan3A_1089, %select_n3A_1364 : i32
      %ne3A_1366 = arith.constant 0 : i32
      %ne3A_1367 = arith.cmpi ne, %rem3A_1365, %ne3A_1366 : i32
      %lt3A_1368 = arith.constant 0 : i32
      %lt3A_1369 = arith.cmpi slt, %rem3A_1365, %lt3A_1368 : i32
      %lt3A_1370 = arith.constant 0 : i32
      %lt3A_1371 = arith.cmpi slt, %select_n3A_1364, %lt3A_1370 : i32
      %ne3A_1372 = arith.xori %lt3A_1369, %lt3A_1371 : i1
      %and3A_1373 = arith.andi %ne3A_1372, %ne3A_1367 : i1
      %add3A_1374 = arith.addi %rem3A_1365, %select_n3A_1364 : i32
      %select_n3A_1375 = arith.select %and3A_1373, %add3A_1374, %rem3A_1365 : i32
      %eq3A_1376 = arith.constant 4 : i32
      %eq3A_1377 = arith.cmpi eq, %select_n3A_1375, %eq3A_1376 : i32
      %convert_element_type3A_1378 = arith.extui %eq3A_1377 : i1 to i32
      %cond3A_1379 = arith.constant 0 : i32
      %cond3A_1380 = arith.cmpi ne, %convert_element_type3A_1378, %cond3A_1379 : i32
      scf.if %cond3A_1380 {
        %dma_wait3A = arith.constant 0 : i32
        %dma_wait3A_1444 = arith.constant 0 : i32
        %dma_wait3A_1445 = tpu.memref_slice %arg2[%dma_wait3A, %dma_wait3A_1444] : memref<10000x40xf32, #tpu.memory_space<hbm>> -> memref<10000x40xf32, #tpu.memory_space<hbm>>
        tpu.wait_indirect_dma semaphore(%arg36 : memref<!tpu.dma_semaphore, #tpu.memory_space<semaphore_mem>>) src(%dma_wait3A_1445 : memref<10000x40xf32, #tpu.memory_space<hbm>>) dst(%arg27 : memref<128x40xf32, #tpu.memory_space<vmem>>)
        "tpu.region"() ({
          %run_scoped3A = tpu.sem_alloc : memref<!tpu.dma_semaphore, #tpu.memory_space<semaphore_mem>>
          %dma_start3A_1446 = arith.constant 0 : i32
          %dma_start3A_1447 = arith.constant 0 : i32
          %dma_start3A_1448 = tpu.memref_slice %arg31[%dma_start3A_1446, %dma_start3A_1447] : memref<10240x40xf32, #tpu.memory_space<vmem_shared>> -> memref<10240x40xf32, #tpu.memory_space<vmem_shared>>
          tpu.enqueue_indirect_dma source(%arg27 : memref<128x40xf32, #tpu.memory_space<vmem>>) target(%dma_start3A_1448 : memref<10240x40xf32, #tpu.memory_space<vmem_shared>>) offsets(%arg19 : memref<128xi32, #tpu.memory_space<vmem>>) semaphore(%run_scoped3A : memref<!tpu.dma_semaphore, #tpu.memory_space<semaphore_mem>>) {add = true}
          %dma_wait3A_1449 = arith.constant 0 : i32
          %dma_wait3A_1450 = arith.constant 0 : i32
          %dma_wait3A_1451 = tpu.memref_slice %arg31[%dma_wait3A_1449, %dma_wait3A_1450] : memref<10240x40xf32, #tpu.memory_space<vmem_shared>> -> memref<10240x40xf32, #tpu.memory_space<vmem_shared>>
          tpu.wait_indirect_dma semaphore(%run_scoped3A : memref<!tpu.dma_semaphore, #tpu.memory_space<semaphore_mem>>) src(%arg27 : memref<128x40xf32, #tpu.memory_space<vmem>>) dst(%dma_wait3A_1451 : memref<10240x40xf32, #tpu.memory_space<vmem_shared>>)
          tpu.yield
        }) : () -> ()
      } else {
      }
      %jit3A_1381 = arith.constant 8 : i32
      %eq3A_1382 = arith.constant 0 : i32
      %eq3A_1383 = arith.cmpi eq, %jit3A_1381, %eq3A_1382 : i32
      %jit3A_1384 = arith.constant 1 : i32
      %select_n3A_1385 = arith.select %eq3A_1383, %jit3A_1384, %jit3A_1381 : i32
      %rem3A_1386 = arith.remsi %scan3A_1089, %select_n3A_1385 : i32
      %ne3A_1387 = arith.constant 0 : i32
      %ne3A_1388 = arith.cmpi ne, %rem3A_1386, %ne3A_1387 : i32
      %lt3A_1389 = arith.constant 0 : i32
      %lt3A_1390 = arith.cmpi slt, %rem3A_1386, %lt3A_1389 : i32
      %lt3A_1391 = arith.constant 0 : i32
      %lt3A_1392 = arith.cmpi slt, %select_n3A_1385, %lt3A_1391 : i32
      %ne3A_1393 = arith.xori %lt3A_1390, %lt3A_1392 : i1
      %and3A_1394 = arith.andi %ne3A_1393, %ne3A_1388 : i1
      %add3A_1395 = arith.addi %rem3A_1386, %select_n3A_1385 : i32
      %select_n3A_1396 = arith.select %and3A_1394, %add3A_1395, %rem3A_1386 : i32
      %eq3A_1397 = arith.constant 5 : i32
      %eq3A_1398 = arith.cmpi eq, %select_n3A_1396, %eq3A_1397 : i32
      %convert_element_type3A_1399 = arith.extui %eq3A_1398 : i1 to i32
      %cond3A_1400 = arith.constant 0 : i32
      %cond3A_1401 = arith.cmpi ne, %convert_element_type3A_1399, %cond3A_1400 : i32
      scf.if %cond3A_1401 {
        %dma_wait3A = arith.constant 0 : i32
        %dma_wait3A_1444 = arith.constant 0 : i32
        %dma_wait3A_1445 = tpu.memref_slice %arg2[%dma_wait3A, %dma_wait3A_1444] : memref<10000x40xf32, #tpu.memory_space<hbm>> -> memref<10000x40xf32, #tpu.memory_space<hbm>>
        tpu.wait_indirect_dma semaphore(%arg37 : memref<!tpu.dma_semaphore, #tpu.memory_space<semaphore_mem>>) src(%dma_wait3A_1445 : memref<10000x40xf32, #tpu.memory_space<hbm>>) dst(%arg28 : memref<128x40xf32, #tpu.memory_space<vmem>>)
        "tpu.region"() ({
          %run_scoped3A = tpu.sem_alloc : memref<!tpu.dma_semaphore, #tpu.memory_space<semaphore_mem>>
          %dma_start3A_1446 = arith.constant 0 : i32
          %dma_start3A_1447 = arith.constant 0 : i32
          %dma_start3A_1448 = tpu.memref_slice %arg31[%dma_start3A_1446, %dma_start3A_1447] : memref<10240x40xf32, #tpu.memory_space<vmem_shared>> -> memref<10240x40xf32, #tpu.memory_space<vmem_shared>>
          tpu.enqueue_indirect_dma source(%arg28 : memref<128x40xf32, #tpu.memory_space<vmem>>) target(%dma_start3A_1448 : memref<10240x40xf32, #tpu.memory_space<vmem_shared>>) offsets(%arg20 : memref<128xi32, #tpu.memory_space<vmem>>) semaphore(%run_scoped3A : memref<!tpu.dma_semaphore, #tpu.memory_space<semaphore_mem>>) {add = true}
          %dma_wait3A_1449 = arith.constant 0 : i32
          %dma_wait3A_1450 = arith.constant 0 : i32
          %dma_wait3A_1451 = tpu.memref_slice %arg31[%dma_wait3A_1449, %dma_wait3A_1450] : memref<10240x40xf32, #tpu.memory_space<vmem_shared>> -> memref<10240x40xf32, #tpu.memory_space<vmem_shared>>
          tpu.wait_indirect_dma semaphore(%run_scoped3A : memref<!tpu.dma_semaphore, #tpu.memory_space<semaphore_mem>>) src(%arg28 : memref<128x40xf32, #tpu.memory_space<vmem>>) dst(%dma_wait3A_1451 : memref<10240x40xf32, #tpu.memory_space<vmem_shared>>)
          tpu.yield
        }) : () -> ()
      } else {
      }
      %jit3A_1402 = arith.constant 8 : i32
      %eq3A_1403 = arith.constant 0 : i32
      %eq3A_1404 = arith.cmpi eq, %jit3A_1402, %eq3A_1403 : i32
      %jit3A_1405 = arith.constant 1 : i32
      %select_n3A_1406 = arith.select %eq3A_1404, %jit3A_1405, %jit3A_1402 : i32
      %rem3A_1407 = arith.remsi %scan3A_1089, %select_n3A_1406 : i32
      %ne3A_1408 = arith.constant 0 : i32
      %ne3A_1409 = arith.cmpi ne, %rem3A_1407, %ne3A_1408 : i32
      %lt3A_1410 = arith.constant 0 : i32
      %lt3A_1411 = arith.cmpi slt, %rem3A_1407, %lt3A_1410 : i32
      %lt3A_1412 = arith.constant 0 : i32
      %lt3A_1413 = arith.cmpi slt, %select_n3A_1406, %lt3A_1412 : i32
      %ne3A_1414 = arith.xori %lt3A_1411, %lt3A_1413 : i1
      %and3A_1415 = arith.andi %ne3A_1414, %ne3A_1409 : i1
      %add3A_1416 = arith.addi %rem3A_1407, %select_n3A_1406 : i32
      %select_n3A_1417 = arith.select %and3A_1415, %add3A_1416, %rem3A_1407 : i32
      %eq3A_1418 = arith.constant 6 : i32
      %eq3A_1419 = arith.cmpi eq, %select_n3A_1417, %eq3A_1418 : i32
      %convert_element_type3A_1420 = arith.extui %eq3A_1419 : i1 to i32
      %cond3A_1421 = arith.constant 0 : i32
      %cond3A_1422 = arith.cmpi ne, %convert_element_type3A_1420, %cond3A_1421 : i32
      scf.if %cond3A_1422 {
        %dma_wait3A = arith.constant 0 : i32
        %dma_wait3A_1444 = arith.constant 0 : i32
        %dma_wait3A_1445 = tpu.memref_slice %arg2[%dma_wait3A, %dma_wait3A_1444] : memref<10000x40xf32, #tpu.memory_space<hbm>> -> memref<10000x40xf32, #tpu.memory_space<hbm>>
        tpu.wait_indirect_dma semaphore(%arg38 : memref<!tpu.dma_semaphore, #tpu.memory_space<semaphore_mem>>) src(%dma_wait3A_1445 : memref<10000x40xf32, #tpu.memory_space<hbm>>) dst(%arg29 : memref<128x40xf32, #tpu.memory_space<vmem>>)
        "tpu.region"() ({
          %run_scoped3A = tpu.sem_alloc : memref<!tpu.dma_semaphore, #tpu.memory_space<semaphore_mem>>
          %dma_start3A_1446 = arith.constant 0 : i32
          %dma_start3A_1447 = arith.constant 0 : i32
          %dma_start3A_1448 = tpu.memref_slice %arg31[%dma_start3A_1446, %dma_start3A_1447] : memref<10240x40xf32, #tpu.memory_space<vmem_shared>> -> memref<10240x40xf32, #tpu.memory_space<vmem_shared>>
          tpu.enqueue_indirect_dma source(%arg29 : memref<128x40xf32, #tpu.memory_space<vmem>>) target(%dma_start3A_1448 : memref<10240x40xf32, #tpu.memory_space<vmem_shared>>) offsets(%arg21 : memref<128xi32, #tpu.memory_space<vmem>>) semaphore(%run_scoped3A : memref<!tpu.dma_semaphore, #tpu.memory_space<semaphore_mem>>) {add = true}
          %dma_wait3A_1449 = arith.constant 0 : i32
          %dma_wait3A_1450 = arith.constant 0 : i32
          %dma_wait3A_1451 = tpu.memref_slice %arg31[%dma_wait3A_1449, %dma_wait3A_1450] : memref<10240x40xf32, #tpu.memory_space<vmem_shared>> -> memref<10240x40xf32, #tpu.memory_space<vmem_shared>>
          tpu.wait_indirect_dma semaphore(%run_scoped3A : memref<!tpu.dma_semaphore, #tpu.memory_space<semaphore_mem>>) src(%arg29 : memref<128x40xf32, #tpu.memory_space<vmem>>) dst(%dma_wait3A_1451 : memref<10240x40xf32, #tpu.memory_space<vmem_shared>>)
          tpu.yield
        }) : () -> ()
      } else {
      }
      %jit3A_1423 = arith.constant 8 : i32
      %eq3A_1424 = arith.constant 0 : i32
      %eq3A_1425 = arith.cmpi eq, %jit3A_1423, %eq3A_1424 : i32
      %jit3A_1426 = arith.constant 1 : i32
      %select_n3A_1427 = arith.select %eq3A_1425, %jit3A_1426, %jit3A_1423 : i32
      %rem3A_1428 = arith.remsi %scan3A_1089, %select_n3A_1427 : i32
      %ne3A_1429 = arith.constant 0 : i32
      %ne3A_1430 = arith.cmpi ne, %rem3A_1428, %ne3A_1429 : i32
      %lt3A_1431 = arith.constant 0 : i32
      %lt3A_1432 = arith.cmpi slt, %rem3A_1428, %lt3A_1431 : i32
      %lt3A_1433 = arith.constant 0 : i32
      %lt3A_1434 = arith.cmpi slt, %select_n3A_1427, %lt3A_1433 : i32
      %ne3A_1435 = arith.xori %lt3A_1432, %lt3A_1434 : i1
      %and3A_1436 = arith.andi %ne3A_1435, %ne3A_1430 : i1
      %add3A_1437 = arith.addi %rem3A_1428, %select_n3A_1427 : i32
      %select_n3A_1438 = arith.select %and3A_1436, %add3A_1437, %rem3A_1428 : i32
      %eq3A_1439 = arith.constant 7 : i32
      %eq3A_1440 = arith.cmpi eq, %select_n3A_1438, %eq3A_1439 : i32
      %convert_element_type3A_1441 = arith.extui %eq3A_1440 : i1 to i32
      %cond3A_1442 = arith.constant 0 : i32
      %cond3A_1443 = arith.cmpi ne, %convert_element_type3A_1441, %cond3A_1442 : i32
      scf.if %cond3A_1443 {
        %dma_wait3A = arith.constant 0 : i32
        %dma_wait3A_1444 = arith.constant 0 : i32
        %dma_wait3A_1445 = tpu.memref_slice %arg2[%dma_wait3A, %dma_wait3A_1444] : memref<10000x40xf32, #tpu.memory_space<hbm>> -> memref<10000x40xf32, #tpu.memory_space<hbm>>
        tpu.wait_indirect_dma semaphore(%arg39 : memref<!tpu.dma_semaphore, #tpu.memory_space<semaphore_mem>>) src(%dma_wait3A_1445 : memref<10000x40xf32, #tpu.memory_space<hbm>>) dst(%arg30 : memref<128x40xf32, #tpu.memory_space<vmem>>)
        "tpu.region"() ({
          %run_scoped3A = tpu.sem_alloc : memref<!tpu.dma_semaphore, #tpu.memory_space<semaphore_mem>>
          %dma_start3A_1446 = arith.constant 0 : i32
          %dma_start3A_1447 = arith.constant 0 : i32
          %dma_start3A_1448 = tpu.memref_slice %arg31[%dma_start3A_1446, %dma_start3A_1447] : memref<10240x40xf32, #tpu.memory_space<vmem_shared>> -> memref<10240x40xf32, #tpu.memory_space<vmem_shared>>
          tpu.enqueue_indirect_dma source(%arg30 : memref<128x40xf32, #tpu.memory_space<vmem>>) target(%dma_start3A_1448 : memref<10240x40xf32, #tpu.memory_space<vmem_shared>>) offsets(%arg22 : memref<128xi32, #tpu.memory_space<vmem>>) semaphore(%run_scoped3A : memref<!tpu.dma_semaphore, #tpu.memory_space<semaphore_mem>>) {add = true}
          %dma_wait3A_1449 = arith.constant 0 : i32
          %dma_wait3A_1450 = arith.constant 0 : i32
          %dma_wait3A_1451 = tpu.memref_slice %arg31[%dma_wait3A_1449, %dma_wait3A_1450] : memref<10240x40xf32, #tpu.memory_space<vmem_shared>> -> memref<10240x40xf32, #tpu.memory_space<vmem_shared>>
          tpu.wait_indirect_dma semaphore(%run_scoped3A : memref<!tpu.dma_semaphore, #tpu.memory_space<semaphore_mem>>) src(%arg30 : memref<128x40xf32, #tpu.memory_space<vmem>>) dst(%dma_wait3A_1451 : memref<10240x40xf32, #tpu.memory_space<vmem_shared>>)
          tpu.yield
        }) : () -> ()
      } else {
      }
    }
    %scan3A_1087 = arith.constant 80 : i32
    %barrier3A_1088 = arith.constant 0 : index
    tpu.barrier barrier_id(%barrier3A_1088)
    "tpu.region"() ({
      %run_scoped3A = tpu.sem_alloc : memref<!tpu.dma_semaphore, #tpu.memory_space<semaphore_mem>>
      %dma_start3A_1089 = arith.constant 0 : i32
      %dma_start3A_1090 = tpu.memref_slice %arg5[%arg0, %mul3A_2, %dma_start3A_1089] : memref<2x10240x40xf32, #tpu.memory_space<hbm>> -> memref<1x640x40xf32, #tpu.memory_space<hbm>>
      %dma_start3A_1091 = tpu.memref_squeeze %dma_start3A_1090 : memref<1x640x40xf32, #tpu.memory_space<hbm>> -> memref<640x40xf32, #tpu.memory_space<hbm>>
      %dma_start3A_1092 = arith.constant 0 : i32
      %dma_start3A_1093 = tpu.memref_slice %arg31[%mul3A_2, %dma_start3A_1092] : memref<10240x40xf32, #tpu.memory_space<vmem_shared>> -> memref<640x40xf32, #tpu.memory_space<vmem_shared>>
      tpu.enqueue_dma source(%dma_start3A_1093 : memref<640x40xf32, #tpu.memory_space<vmem_shared>>) target(%dma_start3A_1091 : memref<640x40xf32, #tpu.memory_space<hbm>>) target_semaphore(%run_scoped3A : memref<!tpu.dma_semaphore, #tpu.memory_space<semaphore_mem>>)
      %dma_wait3A = arith.constant 0 : i32
      %dma_wait3A_1094 = tpu.memref_slice %arg5[%arg0, %mul3A_2, %dma_wait3A] : memref<2x10240x40xf32, #tpu.memory_space<hbm>> -> memref<1x640x40xf32, #tpu.memory_space<hbm>>
      %dma_wait3A_1095 = tpu.memref_squeeze %dma_wait3A_1094 : memref<1x640x40xf32, #tpu.memory_space<hbm>> -> memref<640x40xf32, #tpu.memory_space<hbm>>
      %dma_wait3A_1096 = arith.constant 0 : i32
      %dma_wait3A_1097 = tpu.memref_slice %arg31[%mul3A_2, %dma_wait3A_1096] : memref<10240x40xf32, #tpu.memory_space<vmem_shared>> -> memref<640x40xf32, #tpu.memory_space<vmem_shared>>
      tpu.wait_dma2 semaphore(%run_scoped3A : memref<!tpu.dma_semaphore, #tpu.memory_space<semaphore_mem>>) src(%dma_wait3A_1097 : memref<640x40xf32, #tpu.memory_space<vmem_shared>>) dst(%dma_wait3A_1095 : memref<640x40xf32, #tpu.memory_space<hbm>>)
      tpu.yield
    }) : () -> ()
    return
  }
}

#map = affine_map<(d0, d1) -> (0, 0)>
#map1 = affine_map<(d0, d1) -> (0)>
module attributes {stable_mosaic.version = 14 : i64} {
  func.func @linearize(%arg0: i32, %arg1: i32, %arg2: memref<2x320000xi32, #tpu.memory_space<hbm>>, %arg3: memref<327680xi32, #tpu.memory_space<hbm>>, %arg4: memref<2x10368xi32, #tpu.memory_space<vmem>>, %arg5: memref<10240xi32, #tpu.memory_space<vmem>>) attributes {dimension_semantics = [#tpu.dimension_semantics<core_parallel>, #tpu.dimension_semantics<subcore_parallel>], iteration_bounds = array<i64: 2, 16>, scalar_prefetch = 0 : i64, scratch_operands = 2 : i64, tpu.core_type = #tpu.core_type<sc_vector_subcore>, window_params = [{transform_indices = #map}, {transform_indices = #map1}]} {
    %mul3A = arith.constant 2 : i32
    %mul3A_0 = arith.muli %arg1, %mul3A : i32
    %add3A = arith.addi %mul3A_0, %arg0 : i32
    %mul3A_1 = arith.constant 10000 : i32
    %mul3A_2 = arith.muli %add3A, %mul3A_1 : i32
    %jit3A = arith.constant 128 : i32
    %eq3A = arith.constant 0 : i32
    %eq3A_3 = arith.cmpi eq, %jit3A, %eq3A : i32
    %jit3A_4 = arith.constant 1 : i32
    %select_n3A = arith.select %eq3A_3, %jit3A_4, %jit3A : i32
    %rem3A = arith.remsi %mul3A_2, %select_n3A : i32
    %ne3A = arith.constant 0 : i32
    %ne3A_5 = arith.cmpi ne, %rem3A, %ne3A : i32
    %lt3A = arith.constant 0 : i32
    %lt3A_6 = arith.cmpi slt, %rem3A, %lt3A : i32
    %lt3A_7 = arith.constant 0 : i32
    %lt3A_8 = arith.cmpi slt, %select_n3A, %lt3A_7 : i32
    %ne3A_9 = arith.xori %lt3A_6, %lt3A_8 : i1
    %and3A = arith.andi %ne3A_9, %ne3A_5 : i1
    %add3A_10 = arith.addi %rem3A, %select_n3A : i32
    %select_n3A_11 = arith.select %and3A, %add3A_10, %rem3A : i32
    %mul3A_12 = arith.constant 10000 : i32
    %mul3A_13 = arith.muli %add3A, %mul3A_12 : i32
    %sub3A = arith.subi %mul3A_13, %select_n3A_11 : i32
    %multiple_of3A = tpu.assume_multiple %sub3A, 128 : i32
    "tpu.region"() ({
      %run_scoped3A = tpu.sem_alloc : memref<!tpu.dma_semaphore, #tpu.memory_space<semaphore_mem>>
      %dma_start3A = arith.constant 0 : i32
      %dma_start3A_633 = arith.constant 0 : i32
      %dma_start3A_634 = tpu.memref_slice %arg4[%dma_start3A, %dma_start3A_633] : memref<2x10368xi32, #tpu.memory_space<vmem>> -> memref<2x10112xi32, #tpu.memory_space<vmem>>
      %dma_start3A_635 = arith.constant 0 : i32
      %dma_start3A_636 = tpu.memref_slice %arg2[%dma_start3A_635, %multiple_of3A] : memref<2x320000xi32, #tpu.memory_space<hbm>> -> memref<2x10112xi32, #tpu.memory_space<hbm>>
      %dma_start3A_637 = arith.constant 0 : i32
      %dma_start3A_638 = arith.constant 0 : i32
      %dma_start3A_639 = tpu.memref_slice %arg4[%dma_start3A_637, %dma_start3A_638] : memref<2x10368xi32, #tpu.memory_space<vmem>> -> memref<2x10112xi32, #tpu.memory_space<vmem>>
      %dma_start3A_640 = arith.constant 0 : i32
      %dma_start3A_641 = tpu.memref_slice %arg2[%dma_start3A_640, %multiple_of3A] : memref<2x320000xi32, #tpu.memory_space<hbm>> -> memref<2x10112xi32, #tpu.memory_space<hbm>>
      tpu.enqueue_dma source(%dma_start3A_641 : memref<2x10112xi32, #tpu.memory_space<hbm>>) target(%dma_start3A_639 : memref<2x10112xi32, #tpu.memory_space<vmem>>) target_semaphore(%run_scoped3A : memref<!tpu.dma_semaphore, #tpu.memory_space<semaphore_mem>>)
      %dma_wait3A = arith.constant 0 : i32
      %dma_wait3A_642 = arith.constant 0 : i32
      %dma_wait3A_643 = tpu.memref_slice %arg4[%dma_wait3A, %dma_wait3A_642] : memref<2x10368xi32, #tpu.memory_space<vmem>> -> memref<2x10112xi32, #tpu.memory_space<vmem>>
      %dma_wait3A_644 = arith.constant 0 : i32
      %dma_wait3A_645 = tpu.memref_slice %arg2[%dma_wait3A_644, %multiple_of3A] : memref<2x320000xi32, #tpu.memory_space<hbm>> -> memref<2x10112xi32, #tpu.memory_space<hbm>>
      %dma_wait3A_646 = arith.constant 0 : i32
      %dma_wait3A_647 = arith.constant 0 : i32
      %dma_wait3A_648 = tpu.memref_slice %arg4[%dma_wait3A_646, %dma_wait3A_647] : memref<2x10368xi32, #tpu.memory_space<vmem>> -> memref<2x10112xi32, #tpu.memory_space<vmem>>
      %dma_wait3A_649 = arith.constant 0 : i32
      %dma_wait3A_650 = tpu.memref_slice %arg2[%dma_wait3A_649, %multiple_of3A] : memref<2x320000xi32, #tpu.memory_space<hbm>> -> memref<2x10112xi32, #tpu.memory_space<hbm>>
      tpu.wait_dma2 semaphore(%run_scoped3A : memref<!tpu.dma_semaphore, #tpu.memory_space<semaphore_mem>>) src(%dma_wait3A_650 : memref<2x10112xi32, #tpu.memory_space<hbm>>) dst(%dma_wait3A_648 : memref<2x10112xi32, #tpu.memory_space<vmem>>)
      tpu.yield
    }) : () -> ()
    %scan3A = arith.constant 0 : i32
    %scan3A_14 = arith.constant 0 : i32
    %scan3A_15 = arith.constant 640 : i32
    %scan3A_16 = arith.addi %scan3A_14, %scan3A_15 : i32
    %scan3A_17 = arith.constant 1 : i32
    scf.for %scan3A_633 = %scan3A_14 to %scan3A_16 step %scan3A_17  : i32 {
      %mul3A_634 = arith.constant 16 : i32
      %mul3A_635 = arith.muli %scan3A_633, %mul3A_634 : i32
      %add3A_636 = arith.addi %select_n3A_11, %mul3A_635 : i32
      %get3A = arith.constant 0 : i32
      %get3A_637 = arith.index_cast %get3A : i32 to index
      %get3A_638 = arith.index_cast %add3A_636 : i32 to index
      %get3A_639 = tpu.vector_load %arg4[%get3A_637, %get3A_638] {strides = array<i32>} : memref<2x10368xi32, #tpu.memory_space<vmem>>, vector<1x16xi32>,
      %get3A_640 = vector.shape_cast %get3A_639 : vector<1x16xi32> to vector<16xi32>
      %get3A_641 = arith.constant 1 : i32
      %get3A_642 = arith.index_cast %get3A_641 : i32 to index
      %get3A_643 = arith.index_cast %add3A_636 : i32 to index
      %get3A_644 = tpu.vector_load %arg4[%get3A_642, %get3A_643] {strides = array<i32>} : memref<2x10368xi32, #tpu.memory_space<vmem>>, vector<1x16xi32>,
      %get3A_645 = vector.shape_cast %get3A_644 : vector<1x16xi32> to vector<16xi32>
      %shift_left3A_646 = arith.constant 16 : i32
      %shift_left3A_647 = vector.broadcast %shift_left3A_646 : i32 to vector<16xi32>
      %shift_left3A_648 = arith.shli %get3A_645, %shift_left3A_647 : vector<16xi32>
      %or3A_649 = arith.ori %get3A_640, %shift_left3A_648 : vector<16xi32>
      %mul3A_650 = arith.constant 16 : i32
      %mul3A_651 = arith.muli %scan3A_633, %mul3A_650 : i32
      %swap3A_652 = arith.index_cast %mul3A_651 : i32 to index
      %swap3A_653 = tpu.vector_load %arg5[%swap3A_652] {strides = array<i32>} : memref<10240xi32, #tpu.memory_space<vmem>>, vector<16xi32>,
      %swap3A_654 = vector.shape_cast %swap3A_653 : vector<16xi32> to vector<16xi32>
      %swap3A_655 = vector.shape_cast %or3A_649 : vector<16xi32> to vector<16xi32>
      tpu.vector_store %arg5[%swap3A_652], %swap3A_655 {strides = array<i32>} : memref<10240xi32, #tpu.memory_space<vmem>>, vector<16xi32>,
    }
    %scan3A_18 = arith.constant 640 : i32
    %iota3A = tpu.iota {dimensions = array<i32: 0>} : vector<16xi32>
    %mul3A_19 = arith.constant 16 : i32
    %mul3A_20 = arith.muli %add3A, %mul3A_19 : i32
    %add3A_21 = vector.broadcast %mul3A_20 : i32 to vector<16xi32>
    %add3A_22 = arith.addi %add3A_21, %iota3A : vector<16xi32>
    %mul3A_23 = arith.constant 16 : i32
    %mul3A_24 = arith.muli %add3A, %mul3A_23 : i32
    %add3A_25 = vector.broadcast %mul3A_24 : i32 to vector<16xi32>
    %add3A_26 = arith.addi %add3A_25, %iota3A : vector<16xi32>
    %jit3A_27 = arith.constant 112 : i32
    %eq3A_28 = arith.constant 0 : i32
    %eq3A_29 = arith.cmpi eq, %jit3A_27, %eq3A_28 : i32
    %jit3A_30 = arith.constant 1 : i32
    %select_n3A_31 = arith.select %eq3A_29, %jit3A_30, %jit3A_27 : i32
    %rem3A_32 = vector.broadcast %select_n3A_31 : i32 to vector<16xi32>
    %rem3A_33 = arith.remsi %add3A_26, %rem3A_32 : vector<16xi32>
    %ne3A_34 = arith.constant 0 : i32
    %ne3A_35 = vector.broadcast %ne3A_34 : i32 to vector<16xi32>
    %ne3A_36 = arith.cmpi ne, %rem3A_33, %ne3A_35 : vector<16xi32>
    %lt3A_37 = arith.constant 0 : i32
    %lt3A_38 = vector.broadcast %lt3A_37 : i32 to vector<16xi32>
    %lt3A_39 = arith.cmpi slt, %rem3A_33, %lt3A_38 : vector<16xi32>
    %lt3A_40 = arith.constant 0 : i32
    %lt3A_41 = arith.cmpi slt, %select_n3A_31, %lt3A_40 : i32
    %ne3A_42 = vector.broadcast %lt3A_41 : i1 to vector<16xi1>
    %ne3A_43 = vector.broadcast %ne3A_42 : vector<16xi1> to vector<16xi1>
    %ne3A_44 = arith.xori %lt3A_39, %ne3A_43 : vector<16xi1>
    %and3A_45 = arith.andi %ne3A_44, %ne3A_36 : vector<16xi1>
    %add3A_46 = vector.broadcast %select_n3A_31 : i32 to vector<16xi32>
    %add3A_47 = arith.addi %rem3A_33, %add3A_46 : vector<16xi32>
    %select_n3A_48 = arith.select %and3A_45, %add3A_47, %rem3A_33 : vector<16xi1>, vector<16xi32>
    %add3A_49 = arith.constant 10000 : i32
    %add3A_50 = vector.broadcast %add3A_49 : i32 to vector<16xi32>
    %add3A_51 = arith.addi %add3A_50, %select_n3A_48 : vector<16xi32>
    %shift_left3A = arith.constant 16 : i32
    %shift_left3A_52 = vector.broadcast %shift_left3A : i32 to vector<16xi32>
    %shift_left3A_53 = arith.shli %add3A_51, %shift_left3A_52 : vector<16xi32>
    %or3A = arith.ori %add3A_22, %shift_left3A_53 : vector<16xi32>
    %swap3A = arith.constant 10000 : index
    %swap3A_54 = tpu.vector_load %arg5[%swap3A] {strides = array<i32>} : memref<10240xi32, #tpu.memory_space<vmem>>, vector<16xi32>,
    %swap3A_55 = vector.shape_cast %swap3A_54 : vector<16xi32> to vector<16xi32>
    %swap3A_56 = vector.shape_cast %or3A : vector<16xi32> to vector<16xi32>
    tpu.vector_store %arg5[%swap3A], %swap3A_56 {strides = array<i32>} : memref<10240xi32, #tpu.memory_space<vmem>>, vector<16xi32>,
    %mul3A_57 = arith.constant 16 : i32
    %mul3A_58 = arith.muli %add3A, %mul3A_57 : i32
    %add3A_59 = vector.broadcast %mul3A_58 : i32 to vector<16xi32>
    %add3A_60 = arith.addi %add3A_59, %iota3A : vector<16xi32>
    %mul3A_61 = arith.constant 16 : i32
    %mul3A_62 = arith.muli %add3A, %mul3A_61 : i32
    %add3A_63 = vector.broadcast %mul3A_62 : i32 to vector<16xi32>
    %add3A_64 = arith.addi %add3A_63, %iota3A : vector<16xi32>
    %jit3A_65 = arith.constant 112 : i32
    %eq3A_66 = arith.constant 0 : i32
    %eq3A_67 = arith.cmpi eq, %jit3A_65, %eq3A_66 : i32
    %jit3A_68 = arith.constant 1 : i32
    %select_n3A_69 = arith.select %eq3A_67, %jit3A_68, %jit3A_65 : i32
    %rem3A_70 = vector.broadcast %select_n3A_69 : i32 to vector<16xi32>
    %rem3A_71 = arith.remsi %add3A_64, %rem3A_70 : vector<16xi32>
    %ne3A_72 = arith.constant 0 : i32
    %ne3A_73 = vector.broadcast %ne3A_72 : i32 to vector<16xi32>
    %ne3A_74 = arith.cmpi ne, %rem3A_71, %ne3A_73 : vector<16xi32>
    %lt3A_75 = arith.constant 0 : i32
    %lt3A_76 = vector.broadcast %lt3A_75 : i32 to vector<16xi32>
    %lt3A_77 = arith.cmpi slt, %rem3A_71, %lt3A_76 : vector<16xi32>
    %lt3A_78 = arith.constant 0 : i32
    %lt3A_79 = arith.cmpi slt, %select_n3A_69, %lt3A_78 : i32
    %ne3A_80 = vector.broadcast %lt3A_79 : i1 to vector<16xi1>
    %ne3A_81 = vector.broadcast %ne3A_80 : vector<16xi1> to vector<16xi1>
    %ne3A_82 = arith.xori %lt3A_77, %ne3A_81 : vector<16xi1>
    %and3A_83 = arith.andi %ne3A_82, %ne3A_74 : vector<16xi1>
    %add3A_84 = vector.broadcast %select_n3A_69 : i32 to vector<16xi32>
    %add3A_85 = arith.addi %rem3A_71, %add3A_84 : vector<16xi32>
    %select_n3A_86 = arith.select %and3A_83, %add3A_85, %rem3A_71 : vector<16xi1>, vector<16xi32>
    %add3A_87 = arith.constant 10000 : i32
    %add3A_88 = vector.broadcast %add3A_87 : i32 to vector<16xi32>
    %add3A_89 = arith.addi %add3A_88, %select_n3A_86 : vector<16xi32>
    %shift_left3A_90 = arith.constant 16 : i32
    %shift_left3A_91 = vector.broadcast %shift_left3A_90 : i32 to vector<16xi32>
    %shift_left3A_92 = arith.shli %add3A_89, %shift_left3A_91 : vector<16xi32>
    %or3A_93 = arith.ori %add3A_60, %shift_left3A_92 : vector<16xi32>
    %swap3A_94 = arith.constant 10016 : index
    %swap3A_95 = tpu.vector_load %arg5[%swap3A_94] {strides = array<i32>} : memref<10240xi32, #tpu.memory_space<vmem>>, vector<16xi32>,
    %swap3A_96 = vector.shape_cast %swap3A_95 : vector<16xi32> to vector<16xi32>
    %swap3A_97 = vector.shape_cast %or3A_93 : vector<16xi32> to vector<16xi32>
    tpu.vector_store %arg5[%swap3A_94], %swap3A_97 {strides = array<i32>} : memref<10240xi32, #tpu.memory_space<vmem>>, vector<16xi32>,
    %mul3A_98 = arith.constant 16 : i32
    %mul3A_99 = arith.muli %add3A, %mul3A_98 : i32
    %add3A_100 = vector.broadcast %mul3A_99 : i32 to vector<16xi32>
    %add3A_101 = arith.addi %add3A_100, %iota3A : vector<16xi32>
    %mul3A_102 = arith.constant 16 : i32
    %mul3A_103 = arith.muli %add3A, %mul3A_102 : i32
    %add3A_104 = vector.broadcast %mul3A_103 : i32 to vector<16xi32>
    %add3A_105 = arith.addi %add3A_104, %iota3A : vector<16xi32>
    %jit3A_106 = arith.constant 112 : i32
    %eq3A_107 = arith.constant 0 : i32
    %eq3A_108 = arith.cmpi eq, %jit3A_106, %eq3A_107 : i32
    %jit3A_109 = arith.constant 1 : i32
    %select_n3A_110 = arith.select %eq3A_108, %jit3A_109, %jit3A_106 : i32
    %rem3A_111 = vector.broadcast %select_n3A_110 : i32 to vector<16xi32>
    %rem3A_112 = arith.remsi %add3A_105, %rem3A_111 : vector<16xi32>
    %ne3A_113 = arith.constant 0 : i32
    %ne3A_114 = vector.broadcast %ne3A_113 : i32 to vector<16xi32>
    %ne3A_115 = arith.cmpi ne, %rem3A_112, %ne3A_114 : vector<16xi32>
    %lt3A_116 = arith.constant 0 : i32
    %lt3A_117 = vector.broadcast %lt3A_116 : i32 to vector<16xi32>
    %lt3A_118 = arith.cmpi slt, %rem3A_112, %lt3A_117 : vector<16xi32>
    %lt3A_119 = arith.constant 0 : i32
    %lt3A_120 = arith.cmpi slt, %select_n3A_110, %lt3A_119 : i32
    %ne3A_121 = vector.broadcast %lt3A_120 : i1 to vector<16xi1>
    %ne3A_122 = vector.broadcast %ne3A_121 : vector<16xi1> to vector<16xi1>
    %ne3A_123 = arith.xori %lt3A_118, %ne3A_122 : vector<16xi1>
    %and3A_124 = arith.andi %ne3A_123, %ne3A_115 : vector<16xi1>
    %add3A_125 = vector.broadcast %select_n3A_110 : i32 to vector<16xi32>
    %add3A_126 = arith.addi %rem3A_112, %add3A_125 : vector<16xi32>
    %select_n3A_127 = arith.select %and3A_124, %add3A_126, %rem3A_112 : vector<16xi1>, vector<16xi32>
    %add3A_128 = arith.constant 10000 : i32
    %add3A_129 = vector.broadcast %add3A_128 : i32 to vector<16xi32>
    %add3A_130 = arith.addi %add3A_129, %select_n3A_127 : vector<16xi32>
    %shift_left3A_131 = arith.constant 16 : i32
    %shift_left3A_132 = vector.broadcast %shift_left3A_131 : i32 to vector<16xi32>
    %shift_left3A_133 = arith.shli %add3A_130, %shift_left3A_132 : vector<16xi32>
    %or3A_134 = arith.ori %add3A_101, %shift_left3A_133 : vector<16xi32>
    %swap3A_135 = arith.constant 10032 : index
    %swap3A_136 = tpu.vector_load %arg5[%swap3A_135] {strides = array<i32>} : memref<10240xi32, #tpu.memory_space<vmem>>, vector<16xi32>,
    %swap3A_137 = vector.shape_cast %swap3A_136 : vector<16xi32> to vector<16xi32>
    %swap3A_138 = vector.shape_cast %or3A_134 : vector<16xi32> to vector<16xi32>
    tpu.vector_store %arg5[%swap3A_135], %swap3A_138 {strides = array<i32>} : memref<10240xi32, #tpu.memory_space<vmem>>, vector<16xi32>,
    %mul3A_139 = arith.constant 16 : i32
    %mul3A_140 = arith.muli %add3A, %mul3A_139 : i32
    %add3A_141 = vector.broadcast %mul3A_140 : i32 to vector<16xi32>
    %add3A_142 = arith.addi %add3A_141, %iota3A : vector<16xi32>
    %mul3A_143 = arith.constant 16 : i32
    %mul3A_144 = arith.muli %add3A, %mul3A_143 : i32
    %add3A_145 = vector.broadcast %mul3A_144 : i32 to vector<16xi32>
    %add3A_146 = arith.addi %add3A_145, %iota3A : vector<16xi32>
    %jit3A_147 = arith.constant 112 : i32
    %eq3A_148 = arith.constant 0 : i32
    %eq3A_149 = arith.cmpi eq, %jit3A_147, %eq3A_148 : i32
    %jit3A_150 = arith.constant 1 : i32
    %select_n3A_151 = arith.select %eq3A_149, %jit3A_150, %jit3A_147 : i32
    %rem3A_152 = vector.broadcast %select_n3A_151 : i32 to vector<16xi32>
    %rem3A_153 = arith.remsi %add3A_146, %rem3A_152 : vector<16xi32>
    %ne3A_154 = arith.constant 0 : i32
    %ne3A_155 = vector.broadcast %ne3A_154 : i32 to vector<16xi32>
    %ne3A_156 = arith.cmpi ne, %rem3A_153, %ne3A_155 : vector<16xi32>
    %lt3A_157 = arith.constant 0 : i32
    %lt3A_158 = vector.broadcast %lt3A_157 : i32 to vector<16xi32>
    %lt3A_159 = arith.cmpi slt, %rem3A_153, %lt3A_158 : vector<16xi32>
    %lt3A_160 = arith.constant 0 : i32
    %lt3A_161 = arith.cmpi slt, %select_n3A_151, %lt3A_160 : i32
    %ne3A_162 = vector.broadcast %lt3A_161 : i1 to vector<16xi1>
    %ne3A_163 = vector.broadcast %ne3A_162 : vector<16xi1> to vector<16xi1>
    %ne3A_164 = arith.xori %lt3A_159, %ne3A_163 : vector<16xi1>
    %and3A_165 = arith.andi %ne3A_164, %ne3A_156 : vector<16xi1>
    %add3A_166 = vector.broadcast %select_n3A_151 : i32 to vector<16xi32>
    %add3A_167 = arith.addi %rem3A_153, %add3A_166 : vector<16xi32>
    %select_n3A_168 = arith.select %and3A_165, %add3A_167, %rem3A_153 : vector<16xi1>, vector<16xi32>
    %add3A_169 = arith.constant 10000 : i32
    %add3A_170 = vector.broadcast %add3A_169 : i32 to vector<16xi32>
    %add3A_171 = arith.addi %add3A_170, %select_n3A_168 : vector<16xi32>
    %shift_left3A_172 = arith.constant 16 : i32
    %shift_left3A_173 = vector.broadcast %shift_left3A_172 : i32 to vector<16xi32>
    %shift_left3A_174 = arith.shli %add3A_171, %shift_left3A_173 : vector<16xi32>
    %or3A_175 = arith.ori %add3A_142, %shift_left3A_174 : vector<16xi32>
    %swap3A_176 = arith.constant 10048 : index
    %swap3A_177 = tpu.vector_load %arg5[%swap3A_176] {strides = array<i32>} : memref<10240xi32, #tpu.memory_space<vmem>>, vector<16xi32>,
    %swap3A_178 = vector.shape_cast %swap3A_177 : vector<16xi32> to vector<16xi32>
    %swap3A_179 = vector.shape_cast %or3A_175 : vector<16xi32> to vector<16xi32>
    tpu.vector_store %arg5[%swap3A_176], %swap3A_179 {strides = array<i32>} : memref<10240xi32, #tpu.memory_space<vmem>>, vector<16xi32>,
    %mul3A_180 = arith.constant 16 : i32
    %mul3A_181 = arith.muli %add3A, %mul3A_180 : i32
    %add3A_182 = vector.broadcast %mul3A_181 : i32 to vector<16xi32>
    %add3A_183 = arith.addi %add3A_182, %iota3A : vector<16xi32>
    %mul3A_184 = arith.constant 16 : i32
    %mul3A_185 = arith.muli %add3A, %mul3A_184 : i32
    %add3A_186 = vector.broadcast %mul3A_185 : i32 to vector<16xi32>
    %add3A_187 = arith.addi %add3A_186, %iota3A : vector<16xi32>
    %jit3A_188 = arith.constant 112 : i32
    %eq3A_189 = arith.constant 0 : i32
    %eq3A_190 = arith.cmpi eq, %jit3A_188, %eq3A_189 : i32
    %jit3A_191 = arith.constant 1 : i32
    %select_n3A_192 = arith.select %eq3A_190, %jit3A_191, %jit3A_188 : i32
    %rem3A_193 = vector.broadcast %select_n3A_192 : i32 to vector<16xi32>
    %rem3A_194 = arith.remsi %add3A_187, %rem3A_193 : vector<16xi32>
    %ne3A_195 = arith.constant 0 : i32
    %ne3A_196 = vector.broadcast %ne3A_195 : i32 to vector<16xi32>
    %ne3A_197 = arith.cmpi ne, %rem3A_194, %ne3A_196 : vector<16xi32>
    %lt3A_198 = arith.constant 0 : i32
    %lt3A_199 = vector.broadcast %lt3A_198 : i32 to vector<16xi32>
    %lt3A_200 = arith.cmpi slt, %rem3A_194, %lt3A_199 : vector<16xi32>
    %lt3A_201 = arith.constant 0 : i32
    %lt3A_202 = arith.cmpi slt, %select_n3A_192, %lt3A_201 : i32
    %ne3A_203 = vector.broadcast %lt3A_202 : i1 to vector<16xi1>
    %ne3A_204 = vector.broadcast %ne3A_203 : vector<16xi1> to vector<16xi1>
    %ne3A_205 = arith.xori %lt3A_200, %ne3A_204 : vector<16xi1>
    %and3A_206 = arith.andi %ne3A_205, %ne3A_197 : vector<16xi1>
    %add3A_207 = vector.broadcast %select_n3A_192 : i32 to vector<16xi32>
    %add3A_208 = arith.addi %rem3A_194, %add3A_207 : vector<16xi32>
    %select_n3A_209 = arith.select %and3A_206, %add3A_208, %rem3A_194 : vector<16xi1>, vector<16xi32>
    %add3A_210 = arith.constant 10000 : i32
    %add3A_211 = vector.broadcast %add3A_210 : i32 to vector<16xi32>
    %add3A_212 = arith.addi %add3A_211, %select_n3A_209 : vector<16xi32>
    %shift_left3A_213 = arith.constant 16 : i32
    %shift_left3A_214 = vector.broadcast %shift_left3A_213 : i32 to vector<16xi32>
    %shift_left3A_215 = arith.shli %add3A_212, %shift_left3A_214 : vector<16xi32>
    %or3A_216 = arith.ori %add3A_183, %shift_left3A_215 : vector<16xi32>
    %swap3A_217 = arith.constant 10064 : index
    %swap3A_218 = tpu.vector_load %arg5[%swap3A_217] {strides = array<i32>} : memref<10240xi32, #tpu.memory_space<vmem>>, vector<16xi32>,
    %swap3A_219 = vector.shape_cast %swap3A_218 : vector<16xi32> to vector<16xi32>
    %swap3A_220 = vector.shape_cast %or3A_216 : vector<16xi32> to vector<16xi32>
    tpu.vector_store %arg5[%swap3A_217], %swap3A_220 {strides = array<i32>} : memref<10240xi32, #tpu.memory_space<vmem>>, vector<16xi32>,
    %mul3A_221 = arith.constant 16 : i32
    %mul3A_222 = arith.muli %add3A, %mul3A_221 : i32
    %add3A_223 = vector.broadcast %mul3A_222 : i32 to vector<16xi32>
    %add3A_224 = arith.addi %add3A_223, %iota3A : vector<16xi32>
    %mul3A_225 = arith.constant 16 : i32
    %mul3A_226 = arith.muli %add3A, %mul3A_225 : i32
    %add3A_227 = vector.broadcast %mul3A_226 : i32 to vector<16xi32>
    %add3A_228 = arith.addi %add3A_227, %iota3A : vector<16xi32>
    %jit3A_229 = arith.constant 112 : i32
    %eq3A_230 = arith.constant 0 : i32
    %eq3A_231 = arith.cmpi eq, %jit3A_229, %eq3A_230 : i32
    %jit3A_232 = arith.constant 1 : i32
    %select_n3A_233 = arith.select %eq3A_231, %jit3A_232, %jit3A_229 : i32
    %rem3A_234 = vector.broadcast %select_n3A_233 : i32 to vector<16xi32>
    %rem3A_235 = arith.remsi %add3A_228, %rem3A_234 : vector<16xi32>
    %ne3A_236 = arith.constant 0 : i32
    %ne3A_237 = vector.broadcast %ne3A_236 : i32 to vector<16xi32>
    %ne3A_238 = arith.cmpi ne, %rem3A_235, %ne3A_237 : vector<16xi32>
    %lt3A_239 = arith.constant 0 : i32
    %lt3A_240 = vector.broadcast %lt3A_239 : i32 to vector<16xi32>
    %lt3A_241 = arith.cmpi slt, %rem3A_235, %lt3A_240 : vector<16xi32>
    %lt3A_242 = arith.constant 0 : i32
    %lt3A_243 = arith.cmpi slt, %select_n3A_233, %lt3A_242 : i32
    %ne3A_244 = vector.broadcast %lt3A_243 : i1 to vector<16xi1>
    %ne3A_245 = vector.broadcast %ne3A_244 : vector<16xi1> to vector<16xi1>
    %ne3A_246 = arith.xori %lt3A_241, %ne3A_245 : vector<16xi1>
    %and3A_247 = arith.andi %ne3A_246, %ne3A_238 : vector<16xi1>
    %add3A_248 = vector.broadcast %select_n3A_233 : i32 to vector<16xi32>
    %add3A_249 = arith.addi %rem3A_235, %add3A_248 : vector<16xi32>
    %select_n3A_250 = arith.select %and3A_247, %add3A_249, %rem3A_235 : vector<16xi1>, vector<16xi32>
    %add3A_251 = arith.constant 10000 : i32
    %add3A_252 = vector.broadcast %add3A_251 : i32 to vector<16xi32>
    %add3A_253 = arith.addi %add3A_252, %select_n3A_250 : vector<16xi32>
    %shift_left3A_254 = arith.constant 16 : i32
    %shift_left3A_255 = vector.broadcast %shift_left3A_254 : i32 to vector<16xi32>
    %shift_left3A_256 = arith.shli %add3A_253, %shift_left3A_255 : vector<16xi32>
    %or3A_257 = arith.ori %add3A_224, %shift_left3A_256 : vector<16xi32>
    %swap3A_258 = arith.constant 10080 : index
    %swap3A_259 = tpu.vector_load %arg5[%swap3A_258] {strides = array<i32>} : memref<10240xi32, #tpu.memory_space<vmem>>, vector<16xi32>,
    %swap3A_260 = vector.shape_cast %swap3A_259 : vector<16xi32> to vector<16xi32>
    %swap3A_261 = vector.shape_cast %or3A_257 : vector<16xi32> to vector<16xi32>
    tpu.vector_store %arg5[%swap3A_258], %swap3A_261 {strides = array<i32>} : memref<10240xi32, #tpu.memory_space<vmem>>, vector<16xi32>,
    %mul3A_262 = arith.constant 16 : i32
    %mul3A_263 = arith.muli %add3A, %mul3A_262 : i32
    %add3A_264 = vector.broadcast %mul3A_263 : i32 to vector<16xi32>
    %add3A_265 = arith.addi %add3A_264, %iota3A : vector<16xi32>
    %mul3A_266 = arith.constant 16 : i32
    %mul3A_267 = arith.muli %add3A, %mul3A_266 : i32
    %add3A_268 = vector.broadcast %mul3A_267 : i32 to vector<16xi32>
    %add3A_269 = arith.addi %add3A_268, %iota3A : vector<16xi32>
    %jit3A_270 = arith.constant 112 : i32
    %eq3A_271 = arith.constant 0 : i32
    %eq3A_272 = arith.cmpi eq, %jit3A_270, %eq3A_271 : i32
    %jit3A_273 = arith.constant 1 : i32
    %select_n3A_274 = arith.select %eq3A_272, %jit3A_273, %jit3A_270 : i32
    %rem3A_275 = vector.broadcast %select_n3A_274 : i32 to vector<16xi32>
    %rem3A_276 = arith.remsi %add3A_269, %rem3A_275 : vector<16xi32>
    %ne3A_277 = arith.constant 0 : i32
    %ne3A_278 = vector.broadcast %ne3A_277 : i32 to vector<16xi32>
    %ne3A_279 = arith.cmpi ne, %rem3A_276, %ne3A_278 : vector<16xi32>
    %lt3A_280 = arith.constant 0 : i32
    %lt3A_281 = vector.broadcast %lt3A_280 : i32 to vector<16xi32>
    %lt3A_282 = arith.cmpi slt, %rem3A_276, %lt3A_281 : vector<16xi32>
    %lt3A_283 = arith.constant 0 : i32
    %lt3A_284 = arith.cmpi slt, %select_n3A_274, %lt3A_283 : i32
    %ne3A_285 = vector.broadcast %lt3A_284 : i1 to vector<16xi1>
    %ne3A_286 = vector.broadcast %ne3A_285 : vector<16xi1> to vector<16xi1>
    %ne3A_287 = arith.xori %lt3A_282, %ne3A_286 : vector<16xi1>
    %and3A_288 = arith.andi %ne3A_287, %ne3A_279 : vector<16xi1>
    %add3A_289 = vector.broadcast %select_n3A_274 : i32 to vector<16xi32>
    %add3A_290 = arith.addi %rem3A_276, %add3A_289 : vector<16xi32>
    %select_n3A_291 = arith.select %and3A_288, %add3A_290, %rem3A_276 : vector<16xi1>, vector<16xi32>
    %add3A_292 = arith.constant 10000 : i32
    %add3A_293 = vector.broadcast %add3A_292 : i32 to vector<16xi32>
    %add3A_294 = arith.addi %add3A_293, %select_n3A_291 : vector<16xi32>
    %shift_left3A_295 = arith.constant 16 : i32
    %shift_left3A_296 = vector.broadcast %shift_left3A_295 : i32 to vector<16xi32>
    %shift_left3A_297 = arith.shli %add3A_294, %shift_left3A_296 : vector<16xi32>
    %or3A_298 = arith.ori %add3A_265, %shift_left3A_297 : vector<16xi32>
    %swap3A_299 = arith.constant 10096 : index
    %swap3A_300 = tpu.vector_load %arg5[%swap3A_299] {strides = array<i32>} : memref<10240xi32, #tpu.memory_space<vmem>>, vector<16xi32>,
    %swap3A_301 = vector.shape_cast %swap3A_300 : vector<16xi32> to vector<16xi32>
    %swap3A_302 = vector.shape_cast %or3A_298 : vector<16xi32> to vector<16xi32>
    tpu.vector_store %arg5[%swap3A_299], %swap3A_302 {strides = array<i32>} : memref<10240xi32, #tpu.memory_space<vmem>>, vector<16xi32>,
    %mul3A_303 = arith.constant 16 : i32
    %mul3A_304 = arith.muli %add3A, %mul3A_303 : i32
    %add3A_305 = vector.broadcast %mul3A_304 : i32 to vector<16xi32>
    %add3A_306 = arith.addi %add3A_305, %iota3A : vector<16xi32>
    %mul3A_307 = arith.constant 16 : i32
    %mul3A_308 = arith.muli %add3A, %mul3A_307 : i32
    %add3A_309 = vector.broadcast %mul3A_308 : i32 to vector<16xi32>
    %add3A_310 = arith.addi %add3A_309, %iota3A : vector<16xi32>
    %jit3A_311 = arith.constant 112 : i32
    %eq3A_312 = arith.constant 0 : i32
    %eq3A_313 = arith.cmpi eq, %jit3A_311, %eq3A_312 : i32
    %jit3A_314 = arith.constant 1 : i32
    %select_n3A_315 = arith.select %eq3A_313, %jit3A_314, %jit3A_311 : i32
    %rem3A_316 = vector.broadcast %select_n3A_315 : i32 to vector<16xi32>
    %rem3A_317 = arith.remsi %add3A_310, %rem3A_316 : vector<16xi32>
    %ne3A_318 = arith.constant 0 : i32
    %ne3A_319 = vector.broadcast %ne3A_318 : i32 to vector<16xi32>
    %ne3A_320 = arith.cmpi ne, %rem3A_317, %ne3A_319 : vector<16xi32>
    %lt3A_321 = arith.constant 0 : i32
    %lt3A_322 = vector.broadcast %lt3A_321 : i32 to vector<16xi32>
    %lt3A_323 = arith.cmpi slt, %rem3A_317, %lt3A_322 : vector<16xi32>
    %lt3A_324 = arith.constant 0 : i32
    %lt3A_325 = arith.cmpi slt, %select_n3A_315, %lt3A_324 : i32
    %ne3A_326 = vector.broadcast %lt3A_325 : i1 to vector<16xi1>
    %ne3A_327 = vector.broadcast %ne3A_326 : vector<16xi1> to vector<16xi1>
    %ne3A_328 = arith.xori %lt3A_323, %ne3A_327 : vector<16xi1>
    %and3A_329 = arith.andi %ne3A_328, %ne3A_320 : vector<16xi1>
    %add3A_330 = vector.broadcast %select_n3A_315 : i32 to vector<16xi32>
    %add3A_331 = arith.addi %rem3A_317, %add3A_330 : vector<16xi32>
    %select_n3A_332 = arith.select %and3A_329, %add3A_331, %rem3A_317 : vector<16xi1>, vector<16xi32>
    %add3A_333 = arith.constant 10000 : i32
    %add3A_334 = vector.broadcast %add3A_333 : i32 to vector<16xi32>
    %add3A_335 = arith.addi %add3A_334, %select_n3A_332 : vector<16xi32>
    %shift_left3A_336 = arith.constant 16 : i32
    %shift_left3A_337 = vector.broadcast %shift_left3A_336 : i32 to vector<16xi32>
    %shift_left3A_338 = arith.shli %add3A_335, %shift_left3A_337 : vector<16xi32>
    %or3A_339 = arith.ori %add3A_306, %shift_left3A_338 : vector<16xi32>
    %swap3A_340 = arith.constant 10112 : index
    %swap3A_341 = tpu.vector_load %arg5[%swap3A_340] {strides = array<i32>} : memref<10240xi32, #tpu.memory_space<vmem>>, vector<16xi32>,
    %swap3A_342 = vector.shape_cast %swap3A_341 : vector<16xi32> to vector<16xi32>
    %swap3A_343 = vector.shape_cast %or3A_339 : vector<16xi32> to vector<16xi32>
    tpu.vector_store %arg5[%swap3A_340], %swap3A_343 {strides = array<i32>} : memref<10240xi32, #tpu.memory_space<vmem>>, vector<16xi32>,
    %mul3A_344 = arith.constant 16 : i32
    %mul3A_345 = arith.muli %add3A, %mul3A_344 : i32
    %add3A_346 = vector.broadcast %mul3A_345 : i32 to vector<16xi32>
    %add3A_347 = arith.addi %add3A_346, %iota3A : vector<16xi32>
    %mul3A_348 = arith.constant 16 : i32
    %mul3A_349 = arith.muli %add3A, %mul3A_348 : i32
    %add3A_350 = vector.broadcast %mul3A_349 : i32 to vector<16xi32>
    %add3A_351 = arith.addi %add3A_350, %iota3A : vector<16xi32>
    %jit3A_352 = arith.constant 112 : i32
    %eq3A_353 = arith.constant 0 : i32
    %eq3A_354 = arith.cmpi eq, %jit3A_352, %eq3A_353 : i32
    %jit3A_355 = arith.constant 1 : i32
    %select_n3A_356 = arith.select %eq3A_354, %jit3A_355, %jit3A_352 : i32
    %rem3A_357 = vector.broadcast %select_n3A_356 : i32 to vector<16xi32>
    %rem3A_358 = arith.remsi %add3A_351, %rem3A_357 : vector<16xi32>
    %ne3A_359 = arith.constant 0 : i32
    %ne3A_360 = vector.broadcast %ne3A_359 : i32 to vector<16xi32>
    %ne3A_361 = arith.cmpi ne, %rem3A_358, %ne3A_360 : vector<16xi32>
    %lt3A_362 = arith.constant 0 : i32
    %lt3A_363 = vector.broadcast %lt3A_362 : i32 to vector<16xi32>
    %lt3A_364 = arith.cmpi slt, %rem3A_358, %lt3A_363 : vector<16xi32>
    %lt3A_365 = arith.constant 0 : i32
    %lt3A_366 = arith.cmpi slt, %select_n3A_356, %lt3A_365 : i32
    %ne3A_367 = vector.broadcast %lt3A_366 : i1 to vector<16xi1>
    %ne3A_368 = vector.broadcast %ne3A_367 : vector<16xi1> to vector<16xi1>
    %ne3A_369 = arith.xori %lt3A_364, %ne3A_368 : vector<16xi1>
    %and3A_370 = arith.andi %ne3A_369, %ne3A_361 : vector<16xi1>
    %add3A_371 = vector.broadcast %select_n3A_356 : i32 to vector<16xi32>
    %add3A_372 = arith.addi %rem3A_358, %add3A_371 : vector<16xi32>
    %select_n3A_373 = arith.select %and3A_370, %add3A_372, %rem3A_358 : vector<16xi1>, vector<16xi32>
    %add3A_374 = arith.constant 10000 : i32
    %add3A_375 = vector.broadcast %add3A_374 : i32 to vector<16xi32>
    %add3A_376 = arith.addi %add3A_375, %select_n3A_373 : vector<16xi32>
    %shift_left3A_377 = arith.constant 16 : i32
    %shift_left3A_378 = vector.broadcast %shift_left3A_377 : i32 to vector<16xi32>
    %shift_left3A_379 = arith.shli %add3A_376, %shift_left3A_378 : vector<16xi32>
    %or3A_380 = arith.ori %add3A_347, %shift_left3A_379 : vector<16xi32>
    %swap3A_381 = arith.constant 10128 : index
    %swap3A_382 = tpu.vector_load %arg5[%swap3A_381] {strides = array<i32>} : memref<10240xi32, #tpu.memory_space<vmem>>, vector<16xi32>,
    %swap3A_383 = vector.shape_cast %swap3A_382 : vector<16xi32> to vector<16xi32>
    %swap3A_384 = vector.shape_cast %or3A_380 : vector<16xi32> to vector<16xi32>
    tpu.vector_store %arg5[%swap3A_381], %swap3A_384 {strides = array<i32>} : memref<10240xi32, #tpu.memory_space<vmem>>, vector<16xi32>,
    %mul3A_385 = arith.constant 16 : i32
    %mul3A_386 = arith.muli %add3A, %mul3A_385 : i32
    %add3A_387 = vector.broadcast %mul3A_386 : i32 to vector<16xi32>
    %add3A_388 = arith.addi %add3A_387, %iota3A : vector<16xi32>
    %mul3A_389 = arith.constant 16 : i32
    %mul3A_390 = arith.muli %add3A, %mul3A_389 : i32
    %add3A_391 = vector.broadcast %mul3A_390 : i32 to vector<16xi32>
    %add3A_392 = arith.addi %add3A_391, %iota3A : vector<16xi32>
    %jit3A_393 = arith.constant 112 : i32
    %eq3A_394 = arith.constant 0 : i32
    %eq3A_395 = arith.cmpi eq, %jit3A_393, %eq3A_394 : i32
    %jit3A_396 = arith.constant 1 : i32
    %select_n3A_397 = arith.select %eq3A_395, %jit3A_396, %jit3A_393 : i32
    %rem3A_398 = vector.broadcast %select_n3A_397 : i32 to vector<16xi32>
    %rem3A_399 = arith.remsi %add3A_392, %rem3A_398 : vector<16xi32>
    %ne3A_400 = arith.constant 0 : i32
    %ne3A_401 = vector.broadcast %ne3A_400 : i32 to vector<16xi32>
    %ne3A_402 = arith.cmpi ne, %rem3A_399, %ne3A_401 : vector<16xi32>
    %lt3A_403 = arith.constant 0 : i32
    %lt3A_404 = vector.broadcast %lt3A_403 : i32 to vector<16xi32>
    %lt3A_405 = arith.cmpi slt, %rem3A_399, %lt3A_404 : vector<16xi32>
    %lt3A_406 = arith.constant 0 : i32
    %lt3A_407 = arith.cmpi slt, %select_n3A_397, %lt3A_406 : i32
    %ne3A_408 = vector.broadcast %lt3A_407 : i1 to vector<16xi1>
    %ne3A_409 = vector.broadcast %ne3A_408 : vector<16xi1> to vector<16xi1>
    %ne3A_410 = arith.xori %lt3A_405, %ne3A_409 : vector<16xi1>
    %and3A_411 = arith.andi %ne3A_410, %ne3A_402 : vector<16xi1>
    %add3A_412 = vector.broadcast %select_n3A_397 : i32 to vector<16xi32>
    %add3A_413 = arith.addi %rem3A_399, %add3A_412 : vector<16xi32>
    %select_n3A_414 = arith.select %and3A_411, %add3A_413, %rem3A_399 : vector<16xi1>, vector<16xi32>
    %add3A_415 = arith.constant 10000 : i32
    %add3A_416 = vector.broadcast %add3A_415 : i32 to vector<16xi32>
    %add3A_417 = arith.addi %add3A_416, %select_n3A_414 : vector<16xi32>
    %shift_left3A_418 = arith.constant 16 : i32
    %shift_left3A_419 = vector.broadcast %shift_left3A_418 : i32 to vector<16xi32>
    %shift_left3A_420 = arith.shli %add3A_417, %shift_left3A_419 : vector<16xi32>
    %or3A_421 = arith.ori %add3A_388, %shift_left3A_420 : vector<16xi32>
    %swap3A_422 = arith.constant 10144 : index
    %swap3A_423 = tpu.vector_load %arg5[%swap3A_422] {strides = array<i32>} : memref<10240xi32, #tpu.memory_space<vmem>>, vector<16xi32>,
    %swap3A_424 = vector.shape_cast %swap3A_423 : vector<16xi32> to vector<16xi32>
    %swap3A_425 = vector.shape_cast %or3A_421 : vector<16xi32> to vector<16xi32>
    tpu.vector_store %arg5[%swap3A_422], %swap3A_425 {strides = array<i32>} : memref<10240xi32, #tpu.memory_space<vmem>>, vector<16xi32>,
    %mul3A_426 = arith.constant 16 : i32
    %mul3A_427 = arith.muli %add3A, %mul3A_426 : i32
    %add3A_428 = vector.broadcast %mul3A_427 : i32 to vector<16xi32>
    %add3A_429 = arith.addi %add3A_428, %iota3A : vector<16xi32>
    %mul3A_430 = arith.constant 16 : i32
    %mul3A_431 = arith.muli %add3A, %mul3A_430 : i32
    %add3A_432 = vector.broadcast %mul3A_431 : i32 to vector<16xi32>
    %add3A_433 = arith.addi %add3A_432, %iota3A : vector<16xi32>
    %jit3A_434 = arith.constant 112 : i32
    %eq3A_435 = arith.constant 0 : i32
    %eq3A_436 = arith.cmpi eq, %jit3A_434, %eq3A_435 : i32
    %jit3A_437 = arith.constant 1 : i32
    %select_n3A_438 = arith.select %eq3A_436, %jit3A_437, %jit3A_434 : i32
    %rem3A_439 = vector.broadcast %select_n3A_438 : i32 to vector<16xi32>
    %rem3A_440 = arith.remsi %add3A_433, %rem3A_439 : vector<16xi32>
    %ne3A_441 = arith.constant 0 : i32
    %ne3A_442 = vector.broadcast %ne3A_441 : i32 to vector<16xi32>
    %ne3A_443 = arith.cmpi ne, %rem3A_440, %ne3A_442 : vector<16xi32>
    %lt3A_444 = arith.constant 0 : i32
    %lt3A_445 = vector.broadcast %lt3A_444 : i32 to vector<16xi32>
    %lt3A_446 = arith.cmpi slt, %rem3A_440, %lt3A_445 : vector<16xi32>
    %lt3A_447 = arith.constant 0 : i32
    %lt3A_448 = arith.cmpi slt, %select_n3A_438, %lt3A_447 : i32
    %ne3A_449 = vector.broadcast %lt3A_448 : i1 to vector<16xi1>
    %ne3A_450 = vector.broadcast %ne3A_449 : vector<16xi1> to vector<16xi1>
    %ne3A_451 = arith.xori %lt3A_446, %ne3A_450 : vector<16xi1>
    %and3A_452 = arith.andi %ne3A_451, %ne3A_443 : vector<16xi1>
    %add3A_453 = vector.broadcast %select_n3A_438 : i32 to vector<16xi32>
    %add3A_454 = arith.addi %rem3A_440, %add3A_453 : vector<16xi32>
    %select_n3A_455 = arith.select %and3A_452, %add3A_454, %rem3A_440 : vector<16xi1>, vector<16xi32>
    %add3A_456 = arith.constant 10000 : i32
    %add3A_457 = vector.broadcast %add3A_456 : i32 to vector<16xi32>
    %add3A_458 = arith.addi %add3A_457, %select_n3A_455 : vector<16xi32>
    %shift_left3A_459 = arith.constant 16 : i32
    %shift_left3A_460 = vector.broadcast %shift_left3A_459 : i32 to vector<16xi32>
    %shift_left3A_461 = arith.shli %add3A_458, %shift_left3A_460 : vector<16xi32>
    %or3A_462 = arith.ori %add3A_429, %shift_left3A_461 : vector<16xi32>
    %swap3A_463 = arith.constant 10160 : index
    %swap3A_464 = tpu.vector_load %arg5[%swap3A_463] {strides = array<i32>} : memref<10240xi32, #tpu.memory_space<vmem>>, vector<16xi32>,
    %swap3A_465 = vector.shape_cast %swap3A_464 : vector<16xi32> to vector<16xi32>
    %swap3A_466 = vector.shape_cast %or3A_462 : vector<16xi32> to vector<16xi32>
    tpu.vector_store %arg5[%swap3A_463], %swap3A_466 {strides = array<i32>} : memref<10240xi32, #tpu.memory_space<vmem>>, vector<16xi32>,
    %mul3A_467 = arith.constant 16 : i32
    %mul3A_468 = arith.muli %add3A, %mul3A_467 : i32
    %add3A_469 = vector.broadcast %mul3A_468 : i32 to vector<16xi32>
    %add3A_470 = arith.addi %add3A_469, %iota3A : vector<16xi32>
    %mul3A_471 = arith.constant 16 : i32
    %mul3A_472 = arith.muli %add3A, %mul3A_471 : i32
    %add3A_473 = vector.broadcast %mul3A_472 : i32 to vector<16xi32>
    %add3A_474 = arith.addi %add3A_473, %iota3A : vector<16xi32>
    %jit3A_475 = arith.constant 112 : i32
    %eq3A_476 = arith.constant 0 : i32
    %eq3A_477 = arith.cmpi eq, %jit3A_475, %eq3A_476 : i32
    %jit3A_478 = arith.constant 1 : i32
    %select_n3A_479 = arith.select %eq3A_477, %jit3A_478, %jit3A_475 : i32
    %rem3A_480 = vector.broadcast %select_n3A_479 : i32 to vector<16xi32>
    %rem3A_481 = arith.remsi %add3A_474, %rem3A_480 : vector<16xi32>
    %ne3A_482 = arith.constant 0 : i32
    %ne3A_483 = vector.broadcast %ne3A_482 : i32 to vector<16xi32>
    %ne3A_484 = arith.cmpi ne, %rem3A_481, %ne3A_483 : vector<16xi32>
    %lt3A_485 = arith.constant 0 : i32
    %lt3A_486 = vector.broadcast %lt3A_485 : i32 to vector<16xi32>
    %lt3A_487 = arith.cmpi slt, %rem3A_481, %lt3A_486 : vector<16xi32>
    %lt3A_488 = arith.constant 0 : i32
    %lt3A_489 = arith.cmpi slt, %select_n3A_479, %lt3A_488 : i32
    %ne3A_490 = vector.broadcast %lt3A_489 : i1 to vector<16xi1>
    %ne3A_491 = vector.broadcast %ne3A_490 : vector<16xi1> to vector<16xi1>
    %ne3A_492 = arith.xori %lt3A_487, %ne3A_491 : vector<16xi1>
    %and3A_493 = arith.andi %ne3A_492, %ne3A_484 : vector<16xi1>
    %add3A_494 = vector.broadcast %select_n3A_479 : i32 to vector<16xi32>
    %add3A_495 = arith.addi %rem3A_481, %add3A_494 : vector<16xi32>
    %select_n3A_496 = arith.select %and3A_493, %add3A_495, %rem3A_481 : vector<16xi1>, vector<16xi32>
    %add3A_497 = arith.constant 10000 : i32
    %add3A_498 = vector.broadcast %add3A_497 : i32 to vector<16xi32>
    %add3A_499 = arith.addi %add3A_498, %select_n3A_496 : vector<16xi32>
    %shift_left3A_500 = arith.constant 16 : i32
    %shift_left3A_501 = vector.broadcast %shift_left3A_500 : i32 to vector<16xi32>
    %shift_left3A_502 = arith.shli %add3A_499, %shift_left3A_501 : vector<16xi32>
    %or3A_503 = arith.ori %add3A_470, %shift_left3A_502 : vector<16xi32>
    %swap3A_504 = arith.constant 10176 : index
    %swap3A_505 = tpu.vector_load %arg5[%swap3A_504] {strides = array<i32>} : memref<10240xi32, #tpu.memory_space<vmem>>, vector<16xi32>,
    %swap3A_506 = vector.shape_cast %swap3A_505 : vector<16xi32> to vector<16xi32>
    %swap3A_507 = vector.shape_cast %or3A_503 : vector<16xi32> to vector<16xi32>
    tpu.vector_store %arg5[%swap3A_504], %swap3A_507 {strides = array<i32>} : memref<10240xi32, #tpu.memory_space<vmem>>, vector<16xi32>,
    %mul3A_508 = arith.constant 16 : i32
    %mul3A_509 = arith.muli %add3A, %mul3A_508 : i32
    %add3A_510 = vector.broadcast %mul3A_509 : i32 to vector<16xi32>
    %add3A_511 = arith.addi %add3A_510, %iota3A : vector<16xi32>
    %mul3A_512 = arith.constant 16 : i32
    %mul3A_513 = arith.muli %add3A, %mul3A_512 : i32
    %add3A_514 = vector.broadcast %mul3A_513 : i32 to vector<16xi32>
    %add3A_515 = arith.addi %add3A_514, %iota3A : vector<16xi32>
    %jit3A_516 = arith.constant 112 : i32
    %eq3A_517 = arith.constant 0 : i32
    %eq3A_518 = arith.cmpi eq, %jit3A_516, %eq3A_517 : i32
    %jit3A_519 = arith.constant 1 : i32
    %select_n3A_520 = arith.select %eq3A_518, %jit3A_519, %jit3A_516 : i32
    %rem3A_521 = vector.broadcast %select_n3A_520 : i32 to vector<16xi32>
    %rem3A_522 = arith.remsi %add3A_515, %rem3A_521 : vector<16xi32>
    %ne3A_523 = arith.constant 0 : i32
    %ne3A_524 = vector.broadcast %ne3A_523 : i32 to vector<16xi32>
    %ne3A_525 = arith.cmpi ne, %rem3A_522, %ne3A_524 : vector<16xi32>
    %lt3A_526 = arith.constant 0 : i32
    %lt3A_527 = vector.broadcast %lt3A_526 : i32 to vector<16xi32>
    %lt3A_528 = arith.cmpi slt, %rem3A_522, %lt3A_527 : vector<16xi32>
    %lt3A_529 = arith.constant 0 : i32
    %lt3A_530 = arith.cmpi slt, %select_n3A_520, %lt3A_529 : i32
    %ne3A_531 = vector.broadcast %lt3A_530 : i1 to vector<16xi1>
    %ne3A_532 = vector.broadcast %ne3A_531 : vector<16xi1> to vector<16xi1>
    %ne3A_533 = arith.xori %lt3A_528, %ne3A_532 : vector<16xi1>
    %and3A_534 = arith.andi %ne3A_533, %ne3A_525 : vector<16xi1>
    %add3A_535 = vector.broadcast %select_n3A_520 : i32 to vector<16xi32>
    %add3A_536 = arith.addi %rem3A_522, %add3A_535 : vector<16xi32>
    %select_n3A_537 = arith.select %and3A_534, %add3A_536, %rem3A_522 : vector<16xi1>, vector<16xi32>
    %add3A_538 = arith.constant 10000 : i32
    %add3A_539 = vector.broadcast %add3A_538 : i32 to vector<16xi32>
    %add3A_540 = arith.addi %add3A_539, %select_n3A_537 : vector<16xi32>
    %shift_left3A_541 = arith.constant 16 : i32
    %shift_left3A_542 = vector.broadcast %shift_left3A_541 : i32 to vector<16xi32>
    %shift_left3A_543 = arith.shli %add3A_540, %shift_left3A_542 : vector<16xi32>
    %or3A_544 = arith.ori %add3A_511, %shift_left3A_543 : vector<16xi32>
    %swap3A_545 = arith.constant 10192 : index
    %swap3A_546 = tpu.vector_load %arg5[%swap3A_545] {strides = array<i32>} : memref<10240xi32, #tpu.memory_space<vmem>>, vector<16xi32>,
    %swap3A_547 = vector.shape_cast %swap3A_546 : vector<16xi32> to vector<16xi32>
    %swap3A_548 = vector.shape_cast %or3A_544 : vector<16xi32> to vector<16xi32>
    tpu.vector_store %arg5[%swap3A_545], %swap3A_548 {strides = array<i32>} : memref<10240xi32, #tpu.memory_space<vmem>>, vector<16xi32>,
    %mul3A_549 = arith.constant 16 : i32
    %mul3A_550 = arith.muli %add3A, %mul3A_549 : i32
    %add3A_551 = vector.broadcast %mul3A_550 : i32 to vector<16xi32>
    %add3A_552 = arith.addi %add3A_551, %iota3A : vector<16xi32>
    %mul3A_553 = arith.constant 16 : i32
    %mul3A_554 = arith.muli %add3A, %mul3A_553 : i32
    %add3A_555 = vector.broadcast %mul3A_554 : i32 to vector<16xi32>
    %add3A_556 = arith.addi %add3A_555, %iota3A : vector<16xi32>
    %jit3A_557 = arith.constant 112 : i32
    %eq3A_558 = arith.constant 0 : i32
    %eq3A_559 = arith.cmpi eq, %jit3A_557, %eq3A_558 : i32
    %jit3A_560 = arith.constant 1 : i32
    %select_n3A_561 = arith.select %eq3A_559, %jit3A_560, %jit3A_557 : i32
    %rem3A_562 = vector.broadcast %select_n3A_561 : i32 to vector<16xi32>
    %rem3A_563 = arith.remsi %add3A_556, %rem3A_562 : vector<16xi32>
    %ne3A_564 = arith.constant 0 : i32
    %ne3A_565 = vector.broadcast %ne3A_564 : i32 to vector<16xi32>
    %ne3A_566 = arith.cmpi ne, %rem3A_563, %ne3A_565 : vector<16xi32>
    %lt3A_567 = arith.constant 0 : i32
    %lt3A_568 = vector.broadcast %lt3A_567 : i32 to vector<16xi32>
    %lt3A_569 = arith.cmpi slt, %rem3A_563, %lt3A_568 : vector<16xi32>
    %lt3A_570 = arith.constant 0 : i32
    %lt3A_571 = arith.cmpi slt, %select_n3A_561, %lt3A_570 : i32
    %ne3A_572 = vector.broadcast %lt3A_571 : i1 to vector<16xi1>
    %ne3A_573 = vector.broadcast %ne3A_572 : vector<16xi1> to vector<16xi1>
    %ne3A_574 = arith.xori %lt3A_569, %ne3A_573 : vector<16xi1>
    %and3A_575 = arith.andi %ne3A_574, %ne3A_566 : vector<16xi1>
    %add3A_576 = vector.broadcast %select_n3A_561 : i32 to vector<16xi32>
    %add3A_577 = arith.addi %rem3A_563, %add3A_576 : vector<16xi32>
    %select_n3A_578 = arith.select %and3A_575, %add3A_577, %rem3A_563 : vector<16xi1>, vector<16xi32>
    %add3A_579 = arith.constant 10000 : i32
    %add3A_580 = vector.broadcast %add3A_579 : i32 to vector<16xi32>
    %add3A_581 = arith.addi %add3A_580, %select_n3A_578 : vector<16xi32>
    %shift_left3A_582 = arith.constant 16 : i32
    %shift_left3A_583 = vector.broadcast %shift_left3A_582 : i32 to vector<16xi32>
    %shift_left3A_584 = arith.shli %add3A_581, %shift_left3A_583 : vector<16xi32>
    %or3A_585 = arith.ori %add3A_552, %shift_left3A_584 : vector<16xi32>
    %swap3A_586 = arith.constant 10208 : index
    %swap3A_587 = tpu.vector_load %arg5[%swap3A_586] {strides = array<i32>} : memref<10240xi32, #tpu.memory_space<vmem>>, vector<16xi32>,
    %swap3A_588 = vector.shape_cast %swap3A_587 : vector<16xi32> to vector<16xi32>
    %swap3A_589 = vector.shape_cast %or3A_585 : vector<16xi32> to vector<16xi32>
    tpu.vector_store %arg5[%swap3A_586], %swap3A_589 {strides = array<i32>} : memref<10240xi32, #tpu.memory_space<vmem>>, vector<16xi32>,
    %mul3A_590 = arith.constant 16 : i32
    %mul3A_591 = arith.muli %add3A, %mul3A_590 : i32
    %add3A_592 = vector.broadcast %mul3A_591 : i32 to vector<16xi32>
    %add3A_593 = arith.addi %add3A_592, %iota3A : vector<16xi32>
    %mul3A_594 = arith.constant 16 : i32
    %mul3A_595 = arith.muli %add3A, %mul3A_594 : i32
    %add3A_596 = vector.broadcast %mul3A_595 : i32 to vector<16xi32>
    %add3A_597 = arith.addi %add3A_596, %iota3A : vector<16xi32>
    %jit3A_598 = arith.constant 112 : i32
    %eq3A_599 = arith.constant 0 : i32
    %eq3A_600 = arith.cmpi eq, %jit3A_598, %eq3A_599 : i32
    %jit3A_601 = arith.constant 1 : i32
    %select_n3A_602 = arith.select %eq3A_600, %jit3A_601, %jit3A_598 : i32
    %rem3A_603 = vector.broadcast %select_n3A_602 : i32 to vector<16xi32>
    %rem3A_604 = arith.remsi %add3A_597, %rem3A_603 : vector<16xi32>
    %ne3A_605 = arith.constant 0 : i32
    %ne3A_606 = vector.broadcast %ne3A_605 : i32 to vector<16xi32>
    %ne3A_607 = arith.cmpi ne, %rem3A_604, %ne3A_606 : vector<16xi32>
    %lt3A_608 = arith.constant 0 : i32
    %lt3A_609 = vector.broadcast %lt3A_608 : i32 to vector<16xi32>
    %lt3A_610 = arith.cmpi slt, %rem3A_604, %lt3A_609 : vector<16xi32>
    %lt3A_611 = arith.constant 0 : i32
    %lt3A_612 = arith.cmpi slt, %select_n3A_602, %lt3A_611 : i32
    %ne3A_613 = vector.broadcast %lt3A_612 : i1 to vector<16xi1>
    %ne3A_614 = vector.broadcast %ne3A_613 : vector<16xi1> to vector<16xi1>
    %ne3A_615 = arith.xori %lt3A_610, %ne3A_614 : vector<16xi1>
    %and3A_616 = arith.andi %ne3A_615, %ne3A_607 : vector<16xi1>
    %add3A_617 = vector.broadcast %select_n3A_602 : i32 to vector<16xi32>
    %add3A_618 = arith.addi %rem3A_604, %add3A_617 : vector<16xi32>
    %select_n3A_619 = arith.select %and3A_616, %add3A_618, %rem3A_604 : vector<16xi1>, vector<16xi32>
    %add3A_620 = arith.constant 10000 : i32
    %add3A_621 = vector.broadcast %add3A_620 : i32 to vector<16xi32>
    %add3A_622 = arith.addi %add3A_621, %select_n3A_619 : vector<16xi32>
    %shift_left3A_623 = arith.constant 16 : i32
    %shift_left3A_624 = vector.broadcast %shift_left3A_623 : i32 to vector<16xi32>
    %shift_left3A_625 = arith.shli %add3A_622, %shift_left3A_624 : vector<16xi32>
    %or3A_626 = arith.ori %add3A_593, %shift_left3A_625 : vector<16xi32>
    %swap3A_627 = arith.constant 10224 : index
    %swap3A_628 = tpu.vector_load %arg5[%swap3A_627] {strides = array<i32>} : memref<10240xi32, #tpu.memory_space<vmem>>, vector<16xi32>,
    %swap3A_629 = vector.shape_cast %swap3A_628 : vector<16xi32> to vector<16xi32>
    %swap3A_630 = vector.shape_cast %or3A_626 : vector<16xi32> to vector<16xi32>
    tpu.vector_store %arg5[%swap3A_627], %swap3A_630 {strides = array<i32>} : memref<10240xi32, #tpu.memory_space<vmem>>, vector<16xi32>,
    %mul3A_631 = arith.constant 10240 : i32
    %mul3A_632 = arith.muli %add3A, %mul3A_631 : i32
    "tpu.region"() ({
      %run_scoped3A = tpu.sem_alloc : memref<!tpu.dma_semaphore, #tpu.memory_space<semaphore_mem>>
      %dma_start3A = tpu.memref_slice %arg3[%mul3A_632] : memref<327680xi32, #tpu.memory_space<hbm>> -> memref<10240xi32, #tpu.memory_space<hbm>>
      %dma_start3A_633 = tpu.memref_slice %arg3[%mul3A_632] : memref<327680xi32, #tpu.memory_space<hbm>> -> memref<10240xi32, #tpu.memory_space<hbm>>
      tpu.enqueue_dma source(%arg5 : memref<10240xi32, #tpu.memory_space<vmem>>) target(%dma_start3A_633 : memref<10240xi32, #tpu.memory_space<hbm>>) target_semaphore(%run_scoped3A : memref<!tpu.dma_semaphore, #tpu.memory_space<semaphore_mem>>)
      %dma_wait3A = tpu.memref_slice %arg3[%mul3A_632] : memref<327680xi32, #tpu.memory_space<hbm>> -> memref<10240xi32, #tpu.memory_space<hbm>>
      %dma_wait3A_634 = tpu.memref_slice %arg3[%mul3A_632] : memref<327680xi32, #tpu.memory_space<hbm>> -> memref<10240xi32, #tpu.memory_space<hbm>>
      tpu.wait_dma2 semaphore(%run_scoped3A : memref<!tpu.dma_semaphore, #tpu.memory_space<semaphore_mem>>) src(%arg5 : memref<10240xi32, #tpu.memory_space<vmem>>) dst(%dma_wait3A_634 : memref<10240xi32, #tpu.memory_space<hbm>>)
      tpu.yield
    }) : () -> ()
    return
  }
}

#map = affine_map<(d0, d1) -> (0, 0)>
#map1 = affine_map<(d0, d1) -> (0, 0, 0)>
module attributes {stable_mosaic.version = 14 : i64} {
  func.func @edge_pass(%arg0: i32, %arg1: i32, %arg2: memref<10000x128xf32, #tpu.memory_space<hbm>>, %arg3: memref<32x160x64xi32, #tpu.memory_space<hbm>>, %arg4: memref<632x128xf32, #tpu.memory_space<hbm>>, %arg5: memref<2x10112x128xf32, #tpu.memory_space<hbm>>, %arg6: memref<160x64xi32, #tpu.memory_space<vmem>>, %arg7: memref<64xi32, #tpu.memory_space<vmem>>, %arg8: memref<64xi32, #tpu.memory_space<vmem>>, %arg9: memref<64xi32, #tpu.memory_space<vmem>>, %arg10: memref<64xi32, #tpu.memory_space<vmem>>, %arg11: memref<64xi32, #tpu.memory_space<vmem>>, %arg12: memref<64xi32, #tpu.memory_space<vmem>>, %arg13: memref<64xi32, #tpu.memory_space<vmem>>, %arg14: memref<64xi32, #tpu.memory_space<vmem>>, %arg15: memref<64x128xf32, #tpu.memory_space<vmem>>, %arg16: memref<64x128xf32, #tpu.memory_space<vmem>>, %arg17: memref<64x128xf32, #tpu.memory_space<vmem>>, %arg18: memref<64x128xf32, #tpu.memory_space<vmem>>, %arg19: memref<10112x128xf32, #tpu.memory_space<vmem_shared>>, %arg20: memref<!tpu.dma_semaphore, #tpu.memory_space<semaphore_mem>>, %arg21: memref<!tpu.dma_semaphore, #tpu.memory_space<semaphore_mem>>, %arg22: memref<!tpu.dma_semaphore, #tpu.memory_space<semaphore_mem>>, %arg23: memref<!tpu.dma_semaphore, #tpu.memory_space<semaphore_mem>>) attributes {dimension_semantics = [#tpu.dimension_semantics<core_parallel>, #tpu.dimension_semantics<subcore_parallel>], iteration_bounds = array<i64: 2, 16>, scalar_prefetch = 0 : i64, scratch_operands = 18 : i64, tpu.core_type = #tpu.core_type<sc_vector_subcore>, window_params = [{transform_indices = #map}, {transform_indices = #map1}, {transform_indices = #map}, {transform_indices = #map1}]} {
    %mul3A = arith.constant 2 : i32
    %mul3A_0 = arith.muli %arg1, %mul3A : i32
    %add3A = arith.addi %mul3A_0, %arg0 : i32
    %mul3A_1 = arith.constant 632 : i32
    %mul3A_2 = arith.muli %arg1, %mul3A_1 : i32
    "tpu.region"() ({
      %run_scoped3A = tpu.sem_alloc : memref<!tpu.dma_semaphore, #tpu.memory_space<semaphore_mem>>
      %dma_start3A_241 = arith.constant 0 : i32
      %dma_start3A_242 = arith.constant 0 : i32
      %dma_start3A_243 = tpu.memref_slice %arg3[%add3A, %dma_start3A_241, %dma_start3A_242] : memref<32x160x64xi32, #tpu.memory_space<hbm>> -> memref<1x160x64xi32, #tpu.memory_space<hbm>>
      %dma_start3A_244 = tpu.memref_squeeze %dma_start3A_243 : memref<1x160x64xi32, #tpu.memory_space<hbm>> -> memref<160x64xi32, #tpu.memory_space<hbm>>
      %dma_start3A_245 = arith.constant 0 : i32
      %dma_start3A_246 = arith.constant 0 : i32
      %dma_start3A_247 = tpu.memref_slice %arg3[%add3A, %dma_start3A_245, %dma_start3A_246] : memref<32x160x64xi32, #tpu.memory_space<hbm>> -> memref<1x160x64xi32, #tpu.memory_space<hbm>>
      %dma_start3A_248 = tpu.memref_squeeze %dma_start3A_247 : memref<1x160x64xi32, #tpu.memory_space<hbm>> -> memref<160x64xi32, #tpu.memory_space<hbm>>
      tpu.enqueue_dma source(%dma_start3A_248 : memref<160x64xi32, #tpu.memory_space<hbm>>) target(%arg6 : memref<160x64xi32, #tpu.memory_space<vmem>>) target_semaphore(%run_scoped3A : memref<!tpu.dma_semaphore, #tpu.memory_space<semaphore_mem>>)
      %dma_wait3A = arith.constant 0 : i32
      %dma_wait3A_249 = arith.constant 0 : i32
      %dma_wait3A_250 = tpu.memref_slice %arg3[%add3A, %dma_wait3A, %dma_wait3A_249] : memref<32x160x64xi32, #tpu.memory_space<hbm>> -> memref<1x160x64xi32, #tpu.memory_space<hbm>>
      %dma_wait3A_251 = tpu.memref_squeeze %dma_wait3A_250 : memref<1x160x64xi32, #tpu.memory_space<hbm>> -> memref<160x64xi32, #tpu.memory_space<hbm>>
      %dma_wait3A_252 = arith.constant 0 : i32
      %dma_wait3A_253 = arith.constant 0 : i32
      %dma_wait3A_254 = tpu.memref_slice %arg3[%add3A, %dma_wait3A_252, %dma_wait3A_253] : memref<32x160x64xi32, #tpu.memory_space<hbm>> -> memref<1x160x64xi32, #tpu.memory_space<hbm>>
      %dma_wait3A_255 = tpu.memref_squeeze %dma_wait3A_254 : memref<1x160x64xi32, #tpu.memory_space<hbm>> -> memref<160x64xi32, #tpu.memory_space<hbm>>
      tpu.wait_dma2 semaphore(%run_scoped3A : memref<!tpu.dma_semaphore, #tpu.memory_space<semaphore_mem>>) src(%dma_wait3A_255 : memref<160x64xi32, #tpu.memory_space<hbm>>) dst(%arg6 : memref<160x64xi32, #tpu.memory_space<vmem>>)
      tpu.yield
    }) : () -> ()
    %get3A = arith.constant 0 : i32
    %get3A_3 = arith.index_cast %get3A : i32 to index
    %get3A_4 = arith.constant 0 : index
    %get3A_5 = tpu.vector_load %arg6[%get3A_3, %get3A_4] {strides = array<i32>} : memref<160x64xi32, #tpu.memory_space<vmem>>, vector<1x16xi32>,
    %get3A_6 = vector.shape_cast %get3A_5 : vector<1x16xi32> to vector<16xi32>
    %and3A = arith.constant 65535 : i32
    %and3A_7 = vector.broadcast %and3A : i32 to vector<16xi32>
    %and3A_8 = arith.andi %get3A_6, %and3A_7 : vector<16xi32>
    %swap3A = arith.constant 0 : index
    %swap3A_9 = tpu.vector_load %arg7[%swap3A] {strides = array<i32>} : memref<64xi32, #tpu.memory_space<vmem>>, vector<16xi32>,
    %swap3A_10 = vector.shape_cast %swap3A_9 : vector<16xi32> to vector<16xi32>
    %swap3A_11 = vector.shape_cast %and3A_8 : vector<16xi32> to vector<16xi32>
    tpu.vector_store %arg7[%swap3A], %swap3A_11 {strides = array<i32>} : memref<64xi32, #tpu.memory_space<vmem>>, vector<16xi32>,
    %shift_right_logical3A = arith.constant 16 : i32
    %shift_right_logical3A_12 = vector.broadcast %shift_right_logical3A : i32 to vector<16xi32>
    %shift_right_logical3A_13 = arith.shrui %get3A_6, %shift_right_logical3A_12 : vector<16xi32>
    %swap3A_14 = arith.constant 0 : index
    %swap3A_15 = tpu.vector_load %arg11[%swap3A_14] {strides = array<i32>} : memref<64xi32, #tpu.memory_space<vmem>>, vector<16xi32>,
    %swap3A_16 = vector.shape_cast %swap3A_15 : vector<16xi32> to vector<16xi32>
    %swap3A_17 = vector.shape_cast %shift_right_logical3A_13 : vector<16xi32> to vector<16xi32>
    tpu.vector_store %arg11[%swap3A_14], %swap3A_17 {strides = array<i32>} : memref<64xi32, #tpu.memory_space<vmem>>, vector<16xi32>,
    %get3A_18 = arith.constant 0 : i32
    %get3A_19 = arith.index_cast %get3A_18 : i32 to index
    %get3A_20 = arith.constant 16 : index
    %get3A_21 = tpu.vector_load %arg6[%get3A_19, %get3A_20] {strides = array<i32>} : memref<160x64xi32, #tpu.memory_space<vmem>>, vector<1x16xi32>,
    %get3A_22 = vector.shape_cast %get3A_21 : vector<1x16xi32> to vector<16xi32>
    %and3A_23 = arith.constant 65535 : i32
    %and3A_24 = vector.broadcast %and3A_23 : i32 to vector<16xi32>
    %and3A_25 = arith.andi %get3A_22, %and3A_24 : vector<16xi32>
    %swap3A_26 = arith.constant 16 : index
    %swap3A_27 = tpu.vector_load %arg7[%swap3A_26] {strides = array<i32>} : memref<64xi32, #tpu.memory_space<vmem>>, vector<16xi32>,
    %swap3A_28 = vector.shape_cast %swap3A_27 : vector<16xi32> to vector<16xi32>
    %swap3A_29 = vector.shape_cast %and3A_25 : vector<16xi32> to vector<16xi32>
    tpu.vector_store %arg7[%swap3A_26], %swap3A_29 {strides = array<i32>} : memref<64xi32, #tpu.memory_space<vmem>>, vector<16xi32>,
    %shift_right_logical3A_30 = arith.constant 16 : i32
    %shift_right_logical3A_31 = vector.broadcast %shift_right_logical3A_30 : i32 to vector<16xi32>
    %shift_right_logical3A_32 = arith.shrui %get3A_22, %shift_right_logical3A_31 : vector<16xi32>
    %swap3A_33 = arith.constant 16 : index
    %swap3A_34 = tpu.vector_load %arg11[%swap3A_33] {strides = array<i32>} : memref<64xi32, #tpu.memory_space<vmem>>, vector<16xi32>,
    %swap3A_35 = vector.shape_cast %swap3A_34 : vector<16xi32> to vector<16xi32>
    %swap3A_36 = vector.shape_cast %shift_right_logical3A_32 : vector<16xi32> to vector<16xi32>
    tpu.vector_store %arg11[%swap3A_33], %swap3A_36 {strides = array<i32>} : memref<64xi32, #tpu.memory_space<vmem>>, vector<16xi32>,
    %get3A_37 = arith.constant 0 : i32
    %get3A_38 = arith.index_cast %get3A_37 : i32 to index
    %get3A_39 = arith.constant 32 : index
    %get3A_40 = tpu.vector_load %arg6[%get3A_38, %get3A_39] {strides = array<i32>} : memref<160x64xi32, #tpu.memory_space<vmem>>, vector<1x16xi32>,
    %get3A_41 = vector.shape_cast %get3A_40 : vector<1x16xi32> to vector<16xi32>
    %and3A_42 = arith.constant 65535 : i32
    %and3A_43 = vector.broadcast %and3A_42 : i32 to vector<16xi32>
    %and3A_44 = arith.andi %get3A_41, %and3A_43 : vector<16xi32>
    %swap3A_45 = arith.constant 32 : index
    %swap3A_46 = tpu.vector_load %arg7[%swap3A_45] {strides = array<i32>} : memref<64xi32, #tpu.memory_space<vmem>>, vector<16xi32>,
    %swap3A_47 = vector.shape_cast %swap3A_46 : vector<16xi32> to vector<16xi32>
    %swap3A_48 = vector.shape_cast %and3A_44 : vector<16xi32> to vector<16xi32>
    tpu.vector_store %arg7[%swap3A_45], %swap3A_48 {strides = array<i32>} : memref<64xi32, #tpu.memory_space<vmem>>, vector<16xi32>,
    %shift_right_logical3A_49 = arith.constant 16 : i32
    %shift_right_logical3A_50 = vector.broadcast %shift_right_logical3A_49 : i32 to vector<16xi32>
    %shift_right_logical3A_51 = arith.shrui %get3A_41, %shift_right_logical3A_50 : vector<16xi32>
    %swap3A_52 = arith.constant 32 : index
    %swap3A_53 = tpu.vector_load %arg11[%swap3A_52] {strides = array<i32>} : memref<64xi32, #tpu.memory_space<vmem>>, vector<16xi32>,
    %swap3A_54 = vector.shape_cast %swap3A_53 : vector<16xi32> to vector<16xi32>
    %swap3A_55 = vector.shape_cast %shift_right_logical3A_51 : vector<16xi32> to vector<16xi32>
    tpu.vector_store %arg11[%swap3A_52], %swap3A_55 {strides = array<i32>} : memref<64xi32, #tpu.memory_space<vmem>>, vector<16xi32>,
    %get3A_56 = arith.constant 0 : i32
    %get3A_57 = arith.index_cast %get3A_56 : i32 to index
    %get3A_58 = arith.constant 48 : index
    %get3A_59 = tpu.vector_load %arg6[%get3A_57, %get3A_58] {strides = array<i32>} : memref<160x64xi32, #tpu.memory_space<vmem>>, vector<1x16xi32>,
    %get3A_60 = vector.shape_cast %get3A_59 : vector<1x16xi32> to vector<16xi32>
    %and3A_61 = arith.constant 65535 : i32
    %and3A_62 = vector.broadcast %and3A_61 : i32 to vector<16xi32>
    %and3A_63 = arith.andi %get3A_60, %and3A_62 : vector<16xi32>
    %swap3A_64 = arith.constant 48 : index
    %swap3A_65 = tpu.vector_load %arg7[%swap3A_64] {strides = array<i32>} : memref<64xi32, #tpu.memory_space<vmem>>, vector<16xi32>,
    %swap3A_66 = vector.shape_cast %swap3A_65 : vector<16xi32> to vector<16xi32>
    %swap3A_67 = vector.shape_cast %and3A_63 : vector<16xi32> to vector<16xi32>
    tpu.vector_store %arg7[%swap3A_64], %swap3A_67 {strides = array<i32>} : memref<64xi32, #tpu.memory_space<vmem>>, vector<16xi32>,
    %shift_right_logical3A_68 = arith.constant 16 : i32
    %shift_right_logical3A_69 = vector.broadcast %shift_right_logical3A_68 : i32 to vector<16xi32>
    %shift_right_logical3A_70 = arith.shrui %get3A_60, %shift_right_logical3A_69 : vector<16xi32>
    %swap3A_71 = arith.constant 48 : index
    %swap3A_72 = tpu.vector_load %arg11[%swap3A_71] {strides = array<i32>} : memref<64xi32, #tpu.memory_space<vmem>>, vector<16xi32>,
    %swap3A_73 = vector.shape_cast %swap3A_72 : vector<16xi32> to vector<16xi32>
    %swap3A_74 = vector.shape_cast %shift_right_logical3A_70 : vector<16xi32> to vector<16xi32>
    tpu.vector_store %arg11[%swap3A_71], %swap3A_74 {strides = array<i32>} : memref<64xi32, #tpu.memory_space<vmem>>, vector<16xi32>,
    %dma_start3A = arith.constant 0 : i32
    %dma_start3A_75 = arith.constant 0 : i32
    %dma_start3A_76 = tpu.memref_slice %arg2[%dma_start3A, %dma_start3A_75] : memref<10000x128xf32, #tpu.memory_space<hbm>> -> memref<10000x128xf32, #tpu.memory_space<hbm>>
    tpu.enqueue_indirect_dma source(%dma_start3A_76 : memref<10000x128xf32, #tpu.memory_space<hbm>>) target(%arg15 : memref<64x128xf32, #tpu.memory_space<vmem>>) offsets(%arg7 : memref<64xi32, #tpu.memory_space<vmem>>) semaphore(%arg20 : memref<!tpu.dma_semaphore, #tpu.memory_space<semaphore_mem>>)
    %get3A_77 = arith.constant 1 : i32
    %get3A_78 = arith.index_cast %get3A_77 : i32 to index
    %get3A_79 = arith.constant 0 : index
    %get3A_80 = tpu.vector_load %arg6[%get3A_78, %get3A_79] {strides = array<i32>} : memref<160x64xi32, #tpu.memory_space<vmem>>, vector<1x16xi32>,
    %get3A_81 = vector.shape_cast %get3A_80 : vector<1x16xi32> to vector<16xi32>
    %and3A_82 = arith.constant 65535 : i32
    %and3A_83 = vector.broadcast %and3A_82 : i32 to vector<16xi32>
    %and3A_84 = arith.andi %get3A_81, %and3A_83 : vector<16xi32>
    %swap3A_85 = arith.constant 0 : index
    %swap3A_86 = tpu.vector_load %arg8[%swap3A_85] {strides = array<i32>} : memref<64xi32, #tpu.memory_space<vmem>>, vector<16xi32>,
    %swap3A_87 = vector.shape_cast %swap3A_86 : vector<16xi32> to vector<16xi32>
    %swap3A_88 = vector.shape_cast %and3A_84 : vector<16xi32> to vector<16xi32>
    tpu.vector_store %arg8[%swap3A_85], %swap3A_88 {strides = array<i32>} : memref<64xi32, #tpu.memory_space<vmem>>, vector<16xi32>,
    %shift_right_logical3A_89 = arith.constant 16 : i32
    %shift_right_logical3A_90 = vector.broadcast %shift_right_logical3A_89 : i32 to vector<16xi32>
    %shift_right_logical3A_91 = arith.shrui %get3A_81, %shift_right_logical3A_90 : vector<16xi32>
    %swap3A_92 = arith.constant 0 : index
    %swap3A_93 = tpu.vector_load %arg12[%swap3A_92] {strides = array<i32>} : memref<64xi32, #tpu.memory_space<vmem>>, vector<16xi32>,
    %swap3A_94 = vector.shape_cast %swap3A_93 : vector<16xi32> to vector<16xi32>
    %swap3A_95 = vector.shape_cast %shift_right_logical3A_91 : vector<16xi32> to vector<16xi32>
    tpu.vector_store %arg12[%swap3A_92], %swap3A_95 {strides = array<i32>} : memref<64xi32, #tpu.memory_space<vmem>>, vector<16xi32>,
    %get3A_96 = arith.constant 1 : i32
    %get3A_97 = arith.index_cast %get3A_96 : i32 to index
    %get3A_98 = arith.constant 16 : index
    %get3A_99 = tpu.vector_load %arg6[%get3A_97, %get3A_98] {strides = array<i32>} : memref<160x64xi32, #tpu.memory_space<vmem>>, vector<1x16xi32>,
    %get3A_100 = vector.shape_cast %get3A_99 : vector<1x16xi32> to vector<16xi32>
    %and3A_101 = arith.constant 65535 : i32
    %and3A_102 = vector.broadcast %and3A_101 : i32 to vector<16xi32>
    %and3A_103 = arith.andi %get3A_100, %and3A_102 : vector<16xi32>
    %swap3A_104 = arith.constant 16 : index
    %swap3A_105 = tpu.vector_load %arg8[%swap3A_104] {strides = array<i32>} : memref<64xi32, #tpu.memory_space<vmem>>, vector<16xi32>,
    %swap3A_106 = vector.shape_cast %swap3A_105 : vector<16xi32> to vector<16xi32>
    %swap3A_107 = vector.shape_cast %and3A_103 : vector<16xi32> to vector<16xi32>
    tpu.vector_store %arg8[%swap3A_104], %swap3A_107 {strides = array<i32>} : memref<64xi32, #tpu.memory_space<vmem>>, vector<16xi32>,
    %shift_right_logical3A_108 = arith.constant 16 : i32
    %shift_right_logical3A_109 = vector.broadcast %shift_right_logical3A_108 : i32 to vector<16xi32>
    %shift_right_logical3A_110 = arith.shrui %get3A_100, %shift_right_logical3A_109 : vector<16xi32>
    %swap3A_111 = arith.constant 16 : index
    %swap3A_112 = tpu.vector_load %arg12[%swap3A_111] {strides = array<i32>} : memref<64xi32, #tpu.memory_space<vmem>>, vector<16xi32>,
    %swap3A_113 = vector.shape_cast %swap3A_112 : vector<16xi32> to vector<16xi32>
    %swap3A_114 = vector.shape_cast %shift_right_logical3A_110 : vector<16xi32> to vector<16xi32>
    tpu.vector_store %arg12[%swap3A_111], %swap3A_114 {strides = array<i32>} : memref<64xi32, #tpu.memory_space<vmem>>, vector<16xi32>,
    %get3A_115 = arith.constant 1 : i32
    %get3A_116 = arith.index_cast %get3A_115 : i32 to index
    %get3A_117 = arith.constant 32 : index
    %get3A_118 = tpu.vector_load %arg6[%get3A_116, %get3A_117] {strides = array<i32>} : memref<160x64xi32, #tpu.memory_space<vmem>>, vector<1x16xi32>,
    %get3A_119 = vector.shape_cast %get3A_118 : vector<1x16xi32> to vector<16xi32>
    %and3A_120 = arith.constant 65535 : i32
    %and3A_121 = vector.broadcast %and3A_120 : i32 to vector<16xi32>
    %and3A_122 = arith.andi %get3A_119, %and3A_121 : vector<16xi32>
    %swap3A_123 = arith.constant 32 : index
    %swap3A_124 = tpu.vector_load %arg8[%swap3A_123] {strides = array<i32>} : memref<64xi32, #tpu.memory_space<vmem>>, vector<16xi32>,
    %swap3A_125 = vector.shape_cast %swap3A_124 : vector<16xi32> to vector<16xi32>
    %swap3A_126 = vector.shape_cast %and3A_122 : vector<16xi32> to vector<16xi32>
    tpu.vector_store %arg8[%swap3A_123], %swap3A_126 {strides = array<i32>} : memref<64xi32, #tpu.memory_space<vmem>>, vector<16xi32>,
    %shift_right_logical3A_127 = arith.constant 16 : i32
    %shift_right_logical3A_128 = vector.broadcast %shift_right_logical3A_127 : i32 to vector<16xi32>
    %shift_right_logical3A_129 = arith.shrui %get3A_119, %shift_right_logical3A_128 : vector<16xi32>
    %swap3A_130 = arith.constant 32 : index
    %swap3A_131 = tpu.vector_load %arg12[%swap3A_130] {strides = array<i32>} : memref<64xi32, #tpu.memory_space<vmem>>, vector<16xi32>,
    %swap3A_132 = vector.shape_cast %swap3A_131 : vector<16xi32> to vector<16xi32>
    %swap3A_133 = vector.shape_cast %shift_right_logical3A_129 : vector<16xi32> to vector<16xi32>
    tpu.vector_store %arg12[%swap3A_130], %swap3A_133 {strides = array<i32>} : memref<64xi32, #tpu.memory_space<vmem>>, vector<16xi32>,
    %get3A_134 = arith.constant 1 : i32
    %get3A_135 = arith.index_cast %get3A_134 : i32 to index
    %get3A_136 = arith.constant 48 : index
    %get3A_137 = tpu.vector_load %arg6[%get3A_135, %get3A_136] {strides = array<i32>} : memref<160x64xi32, #tpu.memory_space<vmem>>, vector<1x16xi32>,
    %get3A_138 = vector.shape_cast %get3A_137 : vector<1x16xi32> to vector<16xi32>
    %and3A_139 = arith.constant 65535 : i32
    %and3A_140 = vector.broadcast %and3A_139 : i32 to vector<16xi32>
    %and3A_141 = arith.andi %get3A_138, %and3A_140 : vector<16xi32>
    %swap3A_142 = arith.constant 48 : index
    %swap3A_143 = tpu.vector_load %arg8[%swap3A_142] {strides = array<i32>} : memref<64xi32, #tpu.memory_space<vmem>>, vector<16xi32>,
    %swap3A_144 = vector.shape_cast %swap3A_143 : vector<16xi32> to vector<16xi32>
    %swap3A_145 = vector.shape_cast %and3A_141 : vector<16xi32> to vector<16xi32>
    tpu.vector_store %arg8[%swap3A_142], %swap3A_145 {strides = array<i32>} : memref<64xi32, #tpu.memory_space<vmem>>, vector<16xi32>,
    %shift_right_logical3A_146 = arith.constant 16 : i32
    %shift_right_logical3A_147 = vector.broadcast %shift_right_logical3A_146 : i32 to vector<16xi32>
    %shift_right_logical3A_148 = arith.shrui %get3A_138, %shift_right_logical3A_147 : vector<16xi32>
    %swap3A_149 = arith.constant 48 : index
    %swap3A_150 = tpu.vector_load %arg12[%swap3A_149] {strides = array<i32>} : memref<64xi32, #tpu.memory_space<vmem>>, vector<16xi32>,
    %swap3A_151 = vector.shape_cast %swap3A_150 : vector<16xi32> to vector<16xi32>
    %swap3A_152 = vector.shape_cast %shift_right_logical3A_148 : vector<16xi32> to vector<16xi32>
    tpu.vector_store %arg12[%swap3A_149], %swap3A_152 {strides = array<i32>} : memref<64xi32, #tpu.memory_space<vmem>>, vector<16xi32>,
    %dma_start3A_153 = arith.constant 0 : i32
    %dma_start3A_154 = arith.constant 0 : i32
    %dma_start3A_155 = tpu.memref_slice %arg2[%dma_start3A_153, %dma_start3A_154] : memref<10000x128xf32, #tpu.memory_space<hbm>> -> memref<10000x128xf32, #tpu.memory_space<hbm>>
    tpu.enqueue_indirect_dma source(%dma_start3A_155 : memref<10000x128xf32, #tpu.memory_space<hbm>>) target(%arg16 : memref<64x128xf32, #tpu.memory_space<vmem>>) offsets(%arg8 : memref<64xi32, #tpu.memory_space<vmem>>) semaphore(%arg21 : memref<!tpu.dma_semaphore, #tpu.memory_space<semaphore_mem>>)
    %get3A_156 = arith.constant 2 : i32
    %get3A_157 = arith.index_cast %get3A_156 : i32 to index
    %get3A_158 = arith.constant 0 : index
    %get3A_159 = tpu.vector_load %arg6[%get3A_157, %get3A_158] {strides = array<i32>} : memref<160x64xi32, #tpu.memory_space<vmem>>, vector<1x16xi32>,
    %get3A_160 = vector.shape_cast %get3A_159 : vector<1x16xi32> to vector<16xi32>
    %and3A_161 = arith.constant 65535 : i32
    %and3A_162 = vector.broadcast %and3A_161 : i32 to vector<16xi32>
    %and3A_163 = arith.andi %get3A_160, %and3A_162 : vector<16xi32>
    %swap3A_164 = arith.constant 0 : index
    %swap3A_165 = tpu.vector_load %arg9[%swap3A_164] {strides = array<i32>} : memref<64xi32, #tpu.memory_space<vmem>>, vector<16xi32>,
    %swap3A_166 = vector.shape_cast %swap3A_165 : vector<16xi32> to vector<16xi32>
    %swap3A_167 = vector.shape_cast %and3A_163 : vector<16xi32> to vector<16xi32>
    tpu.vector_store %arg9[%swap3A_164], %swap3A_167 {strides = array<i32>} : memref<64xi32, #tpu.memory_space<vmem>>, vector<16xi32>,
    %shift_right_logical3A_168 = arith.constant 16 : i32
    %shift_right_logical3A_169 = vector.broadcast %shift_right_logical3A_168 : i32 to vector<16xi32>
    %shift_right_logical3A_170 = arith.shrui %get3A_160, %shift_right_logical3A_169 : vector<16xi32>
    %swap3A_171 = arith.constant 0 : index
    %swap3A_172 = tpu.vector_load %arg13[%swap3A_171] {strides = array<i32>} : memref<64xi32, #tpu.memory_space<vmem>>, vector<16xi32>,
    %swap3A_173 = vector.shape_cast %swap3A_172 : vector<16xi32> to vector<16xi32>
    %swap3A_174 = vector.shape_cast %shift_right_logical3A_170 : vector<16xi32> to vector<16xi32>
    tpu.vector_store %arg13[%swap3A_171], %swap3A_174 {strides = array<i32>} : memref<64xi32, #tpu.memory_space<vmem>>, vector<16xi32>,
    %get3A_175 = arith.constant 2 : i32
    %get3A_176 = arith.index_cast %get3A_175 : i32 to index
    %get3A_177 = arith.constant 16 : index
    %get3A_178 = tpu.vector_load %arg6[%get3A_176, %get3A_177] {strides = array<i32>} : memref<160x64xi32, #tpu.memory_space<vmem>>, vector<1x16xi32>,
    %get3A_179 = vector.shape_cast %get3A_178 : vector<1x16xi32> to vector<16xi32>
    %and3A_180 = arith.constant 65535 : i32
    %and3A_181 = vector.broadcast %and3A_180 : i32 to vector<16xi32>
    %and3A_182 = arith.andi %get3A_179, %and3A_181 : vector<16xi32>
    %swap3A_183 = arith.constant 16 : index
    %swap3A_184 = tpu.vector_load %arg9[%swap3A_183] {strides = array<i32>} : memref<64xi32, #tpu.memory_space<vmem>>, vector<16xi32>,
    %swap3A_185 = vector.shape_cast %swap3A_184 : vector<16xi32> to vector<16xi32>
    %swap3A_186 = vector.shape_cast %and3A_182 : vector<16xi32> to vector<16xi32>
    tpu.vector_store %arg9[%swap3A_183], %swap3A_186 {strides = array<i32>} : memref<64xi32, #tpu.memory_space<vmem>>, vector<16xi32>,
    %shift_right_logical3A_187 = arith.constant 16 : i32
    %shift_right_logical3A_188 = vector.broadcast %shift_right_logical3A_187 : i32 to vector<16xi32>
    %shift_right_logical3A_189 = arith.shrui %get3A_179, %shift_right_logical3A_188 : vector<16xi32>
    %swap3A_190 = arith.constant 16 : index
    %swap3A_191 = tpu.vector_load %arg13[%swap3A_190] {strides = array<i32>} : memref<64xi32, #tpu.memory_space<vmem>>, vector<16xi32>,
    %swap3A_192 = vector.shape_cast %swap3A_191 : vector<16xi32> to vector<16xi32>
    %swap3A_193 = vector.shape_cast %shift_right_logical3A_189 : vector<16xi32> to vector<16xi32>
    tpu.vector_store %arg13[%swap3A_190], %swap3A_193 {strides = array<i32>} : memref<64xi32, #tpu.memory_space<vmem>>, vector<16xi32>,
    %get3A_194 = arith.constant 2 : i32
    %get3A_195 = arith.index_cast %get3A_194 : i32 to index
    %get3A_196 = arith.constant 32 : index
    %get3A_197 = tpu.vector_load %arg6[%get3A_195, %get3A_196] {strides = array<i32>} : memref<160x64xi32, #tpu.memory_space<vmem>>, vector<1x16xi32>,
    %get3A_198 = vector.shape_cast %get3A_197 : vector<1x16xi32> to vector<16xi32>
    %and3A_199 = arith.constant 65535 : i32
    %and3A_200 = vector.broadcast %and3A_199 : i32 to vector<16xi32>
    %and3A_201 = arith.andi %get3A_198, %and3A_200 : vector<16xi32>
    %swap3A_202 = arith.constant 32 : index
    %swap3A_203 = tpu.vector_load %arg9[%swap3A_202] {strides = array<i32>} : memref<64xi32, #tpu.memory_space<vmem>>, vector<16xi32>,
    %swap3A_204 = vector.shape_cast %swap3A_203 : vector<16xi32> to vector<16xi32>
    %swap3A_205 = vector.shape_cast %and3A_201 : vector<16xi32> to vector<16xi32>
    tpu.vector_store %arg9[%swap3A_202], %swap3A_205 {strides = array<i32>} : memref<64xi32, #tpu.memory_space<vmem>>, vector<16xi32>,
    %shift_right_logical3A_206 = arith.constant 16 : i32
    %shift_right_logical3A_207 = vector.broadcast %shift_right_logical3A_206 : i32 to vector<16xi32>
    %shift_right_logical3A_208 = arith.shrui %get3A_198, %shift_right_logical3A_207 : vector<16xi32>
    %swap3A_209 = arith.constant 32 : index
    %swap3A_210 = tpu.vector_load %arg13[%swap3A_209] {strides = array<i32>} : memref<64xi32, #tpu.memory_space<vmem>>, vector<16xi32>,
    %swap3A_211 = vector.shape_cast %swap3A_210 : vector<16xi32> to vector<16xi32>
    %swap3A_212 = vector.shape_cast %shift_right_logical3A_208 : vector<16xi32> to vector<16xi32>
    tpu.vector_store %arg13[%swap3A_209], %swap3A_212 {strides = array<i32>} : memref<64xi32, #tpu.memory_space<vmem>>, vector<16xi32>,
    %get3A_213 = arith.constant 2 : i32
    %get3A_214 = arith.index_cast %get3A_213 : i32 to index
    %get3A_215 = arith.constant 48 : index
    %get3A_216 = tpu.vector_load %arg6[%get3A_214, %get3A_215] {strides = array<i32>} : memref<160x64xi32, #tpu.memory_space<vmem>>, vector<1x16xi32>,
    %get3A_217 = vector.shape_cast %get3A_216 : vector<1x16xi32> to vector<16xi32>
    %and3A_218 = arith.constant 65535 : i32
    %and3A_219 = vector.broadcast %and3A_218 : i32 to vector<16xi32>
    %and3A_220 = arith.andi %get3A_217, %and3A_219 : vector<16xi32>
    %swap3A_221 = arith.constant 48 : index
    %swap3A_222 = tpu.vector_load %arg9[%swap3A_221] {strides = array<i32>} : memref<64xi32, #tpu.memory_space<vmem>>, vector<16xi32>,
    %swap3A_223 = vector.shape_cast %swap3A_222 : vector<16xi32> to vector<16xi32>
    %swap3A_224 = vector.shape_cast %and3A_220 : vector<16xi32> to vector<16xi32>
    tpu.vector_store %arg9[%swap3A_221], %swap3A_224 {strides = array<i32>} : memref<64xi32, #tpu.memory_space<vmem>>, vector<16xi32>,
    %shift_right_logical3A_225 = arith.constant 16 : i32
    %shift_right_logical3A_226 = vector.broadcast %shift_right_logical3A_225 : i32 to vector<16xi32>
    %shift_right_logical3A_227 = arith.shrui %get3A_217, %shift_right_logical3A_226 : vector<16xi32>
    %swap3A_228 = arith.constant 48 : index
    %swap3A_229 = tpu.vector_load %arg13[%swap3A_228] {strides = array<i32>} : memref<64xi32, #tpu.memory_space<vmem>>, vector<16xi32>,
    %swap3A_230 = vector.shape_cast %swap3A_229 : vector<16xi32> to vector<16xi32>
    %swap3A_231 = vector.shape_cast %shift_right_logical3A_227 : vector<16xi32> to vector<16xi32>
    tpu.vector_store %arg13[%swap3A_228], %swap3A_231 {strides = array<i32>} : memref<64xi32, #tpu.memory_space<vmem>>, vector<16xi32>,
    %dma_start3A_232 = arith.constant 0 : i32
    %dma_start3A_233 = arith.constant 0 : i32
    %dma_start3A_234 = tpu.memref_slice %arg2[%dma_start3A_232, %dma_start3A_233] : memref<10000x128xf32, #tpu.memory_space<hbm>> -> memref<10000x128xf32, #tpu.memory_space<hbm>>
    tpu.enqueue_indirect_dma source(%dma_start3A_234 : memref<10000x128xf32, #tpu.memory_space<hbm>>) target(%arg17 : memref<64x128xf32, #tpu.memory_space<vmem>>) offsets(%arg9 : memref<64xi32, #tpu.memory_space<vmem>>) semaphore(%arg22 : memref<!tpu.dma_semaphore, #tpu.memory_space<semaphore_mem>>)
    "tpu.region"() ({
      %run_scoped3A = tpu.sem_alloc : memref<!tpu.dma_semaphore, #tpu.memory_space<semaphore_mem>>
      %dma_start3A_241 = arith.constant 0 : i32
      %dma_start3A_242 = tpu.memref_slice %arg19[%mul3A_2, %dma_start3A_241] : memref<10112x128xf32, #tpu.memory_space<vmem_shared>> -> memref<632x128xf32, #tpu.memory_space<vmem_shared>>
      tpu.enqueue_dma source(%arg4 : memref<632x128xf32, #tpu.memory_space<hbm>>) target(%dma_start3A_242 : memref<632x128xf32, #tpu.memory_space<vmem_shared>>) target_semaphore(%run_scoped3A : memref<!tpu.dma_semaphore, #tpu.memory_space<semaphore_mem>>)
      %dma_wait3A = arith.constant 0 : i32
      %dma_wait3A_243 = tpu.memref_slice %arg19[%mul3A_2, %dma_wait3A] : memref<10112x128xf32, #tpu.memory_space<vmem_shared>> -> memref<632x128xf32, #tpu.memory_space<vmem_shared>>
      tpu.wait_dma2 semaphore(%run_scoped3A : memref<!tpu.dma_semaphore, #tpu.memory_space<semaphore_mem>>) src(%arg4 : memref<632x128xf32, #tpu.memory_space<hbm>>) dst(%dma_wait3A_243 : memref<632x128xf32, #tpu.memory_space<vmem_shared>>)
      tpu.yield
    }) : () -> ()
    %barrier3A = arith.constant 0 : index
    tpu.barrier barrier_id(%barrier3A)
    %scan3A = arith.constant 0 : i32
    %scan3A_235 = arith.constant 0 : i32
    %scan3A_236 = arith.constant 160 : i32
    %scan3A_237 = arith.addi %scan3A_235, %scan3A_236 : i32
    %scan3A_238 = arith.constant 1 : i32
    scf.for %scan3A_241 = %scan3A_235 to %scan3A_237 step %scan3A_238  : i32 {
      %add3A_242 = arith.constant 3 : i32
      %add3A_243 = arith.addi %scan3A_241, %add3A_242 : i32
      %lt3A = arith.constant 160 : i32
      %lt3A_244 = arith.cmpi slt, %add3A_243, %lt3A : i32
      %jit3A = arith.constant 4 : i32
      %eq3A = arith.constant 0 : i32
      %eq3A_245 = arith.cmpi eq, %jit3A, %eq3A : i32
      %jit3A_246 = arith.constant 1 : i32
      %select_n3A = arith.select %eq3A_245, %jit3A_246, %jit3A : i32
      %rem3A = arith.remsi %add3A_243, %select_n3A : i32
      %ne3A = arith.constant 0 : i32
      %ne3A_247 = arith.cmpi ne, %rem3A, %ne3A : i32
      %lt3A_248 = arith.constant 0 : i32
      %lt3A_249 = arith.cmpi slt, %rem3A, %lt3A_248 : i32
      %lt3A_250 = arith.constant 0 : i32
      %lt3A_251 = arith.cmpi slt, %select_n3A, %lt3A_250 : i32
      %ne3A_252 = arith.xori %lt3A_249, %lt3A_251 : i1
      %and3A_253 = arith.andi %ne3A_252, %ne3A_247 : i1
      %add3A_254 = arith.addi %rem3A, %select_n3A : i32
      %select_n3A_255 = arith.select %and3A_253, %add3A_254, %rem3A : i32
      %eq3A_256 = arith.constant 0 : i32
      %eq3A_257 = arith.cmpi eq, %select_n3A_255, %eq3A_256 : i32
      %and3A_258 = arith.andi %lt3A_244, %eq3A_257 : i1
      %convert_element_type3A = arith.extui %and3A_258 : i1 to i32
      %cond3A = arith.constant 0 : i32
      %cond3A_259 = arith.cmpi ne, %convert_element_type3A, %cond3A : i32
      scf.if %cond3A_259 {
        %get3A_416 = arith.index_cast %add3A_243 : i32 to index
        %get3A_417 = arith.constant 0 : index
        %get3A_418 = tpu.vector_load %arg6[%get3A_416, %get3A_417] {strides = array<i32>} : memref<160x64xi32, #tpu.memory_space<vmem>>, vector<1x16xi32>,
        %get3A_419 = vector.shape_cast %get3A_418 : vector<1x16xi32> to vector<16xi32>
        %and3A_420 = arith.constant 65535 : i32
        %and3A_421 = vector.broadcast %and3A_420 : i32 to vector<16xi32>
        %and3A_422 = arith.andi %get3A_419, %and3A_421 : vector<16xi32>
        %swap3A_423 = arith.constant 0 : index
        %swap3A_424 = tpu.vector_load %arg7[%swap3A_423] {strides = array<i32>} : memref<64xi32, #tpu.memory_space<vmem>>, vector<16xi32>,
        %swap3A_425 = vector.shape_cast %swap3A_424 : vector<16xi32> to vector<16xi32>
        %swap3A_426 = vector.shape_cast %and3A_422 : vector<16xi32> to vector<16xi32>
        tpu.vector_store %arg7[%swap3A_423], %swap3A_426 {strides = array<i32>} : memref<64xi32, #tpu.memory_space<vmem>>, vector<16xi32>,
        %shift_right_logical3A_427 = arith.constant 16 : i32
        %shift_right_logical3A_428 = vector.broadcast %shift_right_logical3A_427 : i32 to vector<16xi32>
        %shift_right_logical3A_429 = arith.shrui %get3A_419, %shift_right_logical3A_428 : vector<16xi32>
        %swap3A_430 = arith.constant 0 : index
        %swap3A_431 = tpu.vector_load %arg11[%swap3A_430] {strides = array<i32>} : memref<64xi32, #tpu.memory_space<vmem>>, vector<16xi32>,
        %swap3A_432 = vector.shape_cast %swap3A_431 : vector<16xi32> to vector<16xi32>
        %swap3A_433 = vector.shape_cast %shift_right_logical3A_429 : vector<16xi32> to vector<16xi32>
        tpu.vector_store %arg11[%swap3A_430], %swap3A_433 {strides = array<i32>} : memref<64xi32, #tpu.memory_space<vmem>>, vector<16xi32>,
        %get3A_434 = arith.index_cast %add3A_243 : i32 to index
        %get3A_435 = arith.constant 16 : index
        %get3A_436 = tpu.vector_load %arg6[%get3A_434, %get3A_435] {strides = array<i32>} : memref<160x64xi32, #tpu.memory_space<vmem>>, vector<1x16xi32>,
        %get3A_437 = vector.shape_cast %get3A_436 : vector<1x16xi32> to vector<16xi32>
        %and3A_438 = arith.constant 65535 : i32
        %and3A_439 = vector.broadcast %and3A_438 : i32 to vector<16xi32>
        %and3A_440 = arith.andi %get3A_437, %and3A_439 : vector<16xi32>
        %swap3A_441 = arith.constant 16 : index
        %swap3A_442 = tpu.vector_load %arg7[%swap3A_441] {strides = array<i32>} : memref<64xi32, #tpu.memory_space<vmem>>, vector<16xi32>,
        %swap3A_443 = vector.shape_cast %swap3A_442 : vector<16xi32> to vector<16xi32>
        %swap3A_444 = vector.shape_cast %and3A_440 : vector<16xi32> to vector<16xi32>
        tpu.vector_store %arg7[%swap3A_441], %swap3A_444 {strides = array<i32>} : memref<64xi32, #tpu.memory_space<vmem>>, vector<16xi32>,
        %shift_right_logical3A_445 = arith.constant 16 : i32
        %shift_right_logical3A_446 = vector.broadcast %shift_right_logical3A_445 : i32 to vector<16xi32>
        %shift_right_logical3A_447 = arith.shrui %get3A_437, %shift_right_logical3A_446 : vector<16xi32>
        %swap3A_448 = arith.constant 16 : index
        %swap3A_449 = tpu.vector_load %arg11[%swap3A_448] {strides = array<i32>} : memref<64xi32, #tpu.memory_space<vmem>>, vector<16xi32>,
        %swap3A_450 = vector.shape_cast %swap3A_449 : vector<16xi32> to vector<16xi32>
        %swap3A_451 = vector.shape_cast %shift_right_logical3A_447 : vector<16xi32> to vector<16xi32>
        tpu.vector_store %arg11[%swap3A_448], %swap3A_451 {strides = array<i32>} : memref<64xi32, #tpu.memory_space<vmem>>, vector<16xi32>,
        %get3A_452 = arith.index_cast %add3A_243 : i32 to index
        %get3A_453 = arith.constant 32 : index
        %get3A_454 = tpu.vector_load %arg6[%get3A_452, %get3A_453] {strides = array<i32>} : memref<160x64xi32, #tpu.memory_space<vmem>>, vector<1x16xi32>,
        %get3A_455 = vector.shape_cast %get3A_454 : vector<1x16xi32> to vector<16xi32>
        %and3A_456 = arith.constant 65535 : i32
        %and3A_457 = vector.broadcast %and3A_456 : i32 to vector<16xi32>
        %and3A_458 = arith.andi %get3A_455, %and3A_457 : vector<16xi32>
        %swap3A_459 = arith.constant 32 : index
        %swap3A_460 = tpu.vector_load %arg7[%swap3A_459] {strides = array<i32>} : memref<64xi32, #tpu.memory_space<vmem>>, vector<16xi32>,
        %swap3A_461 = vector.shape_cast %swap3A_460 : vector<16xi32> to vector<16xi32>
        %swap3A_462 = vector.shape_cast %and3A_458 : vector<16xi32> to vector<16xi32>
        tpu.vector_store %arg7[%swap3A_459], %swap3A_462 {strides = array<i32>} : memref<64xi32, #tpu.memory_space<vmem>>, vector<16xi32>,
        %shift_right_logical3A_463 = arith.constant 16 : i32
        %shift_right_logical3A_464 = vector.broadcast %shift_right_logical3A_463 : i32 to vector<16xi32>
        %shift_right_logical3A_465 = arith.shrui %get3A_455, %shift_right_logical3A_464 : vector<16xi32>
        %swap3A_466 = arith.constant 32 : index
        %swap3A_467 = tpu.vector_load %arg11[%swap3A_466] {strides = array<i32>} : memref<64xi32, #tpu.memory_space<vmem>>, vector<16xi32>,
        %swap3A_468 = vector.shape_cast %swap3A_467 : vector<16xi32> to vector<16xi32>
        %swap3A_469 = vector.shape_cast %shift_right_logical3A_465 : vector<16xi32> to vector<16xi32>
        tpu.vector_store %arg11[%swap3A_466], %swap3A_469 {strides = array<i32>} : memref<64xi32, #tpu.memory_space<vmem>>, vector<16xi32>,
        %get3A_470 = arith.index_cast %add3A_243 : i32 to index
        %get3A_471 = arith.constant 48 : index
        %get3A_472 = tpu.vector_load %arg6[%get3A_470, %get3A_471] {strides = array<i32>} : memref<160x64xi32, #tpu.memory_space<vmem>>, vector<1x16xi32>,
        %get3A_473 = vector.shape_cast %get3A_472 : vector<1x16xi32> to vector<16xi32>
        %and3A_474 = arith.constant 65535 : i32
        %and3A_475 = vector.broadcast %and3A_474 : i32 to vector<16xi32>
        %and3A_476 = arith.andi %get3A_473, %and3A_475 : vector<16xi32>
        %swap3A_477 = arith.constant 48 : index
        %swap3A_478 = tpu.vector_load %arg7[%swap3A_477] {strides = array<i32>} : memref<64xi32, #tpu.memory_space<vmem>>, vector<16xi32>,
        %swap3A_479 = vector.shape_cast %swap3A_478 : vector<16xi32> to vector<16xi32>
        %swap3A_480 = vector.shape_cast %and3A_476 : vector<16xi32> to vector<16xi32>
        tpu.vector_store %arg7[%swap3A_477], %swap3A_480 {strides = array<i32>} : memref<64xi32, #tpu.memory_space<vmem>>, vector<16xi32>,
        %shift_right_logical3A_481 = arith.constant 16 : i32
        %shift_right_logical3A_482 = vector.broadcast %shift_right_logical3A_481 : i32 to vector<16xi32>
        %shift_right_logical3A_483 = arith.shrui %get3A_473, %shift_right_logical3A_482 : vector<16xi32>
        %swap3A_484 = arith.constant 48 : index
        %swap3A_485 = tpu.vector_load %arg11[%swap3A_484] {strides = array<i32>} : memref<64xi32, #tpu.memory_space<vmem>>, vector<16xi32>,
        %swap3A_486 = vector.shape_cast %swap3A_485 : vector<16xi32> to vector<16xi32>
        %swap3A_487 = vector.shape_cast %shift_right_logical3A_483 : vector<16xi32> to vector<16xi32>
        tpu.vector_store %arg11[%swap3A_484], %swap3A_487 {strides = array<i32>} : memref<64xi32, #tpu.memory_space<vmem>>, vector<16xi32>,
        %dma_start3A_488 = arith.constant 0 : i32
        %dma_start3A_489 = arith.constant 0 : i32
        %dma_start3A_490 = tpu.memref_slice %arg2[%dma_start3A_488, %dma_start3A_489] : memref<10000x128xf32, #tpu.memory_space<hbm>> -> memref<10000x128xf32, #tpu.memory_space<hbm>>
        tpu.enqueue_indirect_dma source(%dma_start3A_490 : memref<10000x128xf32, #tpu.memory_space<hbm>>) target(%arg15 : memref<64x128xf32, #tpu.memory_space<vmem>>) offsets(%arg7 : memref<64xi32, #tpu.memory_space<vmem>>) semaphore(%arg20 : memref<!tpu.dma_semaphore, #tpu.memory_space<semaphore_mem>>)
      } else {
      }
      %lt3A_260 = arith.constant 160 : i32
      %lt3A_261 = arith.cmpi slt, %add3A_243, %lt3A_260 : i32
      %jit3A_262 = arith.constant 4 : i32
      %eq3A_263 = arith.constant 0 : i32
      %eq3A_264 = arith.cmpi eq, %jit3A_262, %eq3A_263 : i32
      %jit3A_265 = arith.constant 1 : i32
      %select_n3A_266 = arith.select %eq3A_264, %jit3A_265, %jit3A_262 : i32
      %rem3A_267 = arith.remsi %add3A_243, %select_n3A_266 : i32
      %ne3A_268 = arith.constant 0 : i32
      %ne3A_269 = arith.cmpi ne, %rem3A_267, %ne3A_268 : i32
      %lt3A_270 = arith.constant 0 : i32
      %lt3A_271 = arith.cmpi slt, %rem3A_267, %lt3A_270 : i32
      %lt3A_272 = arith.constant 0 : i32
      %lt3A_273 = arith.cmpi slt, %select_n3A_266, %lt3A_272 : i32
      %ne3A_274 = arith.xori %lt3A_271, %lt3A_273 : i1
      %and3A_275 = arith.andi %ne3A_274, %ne3A_269 : i1
      %add3A_276 = arith.addi %rem3A_267, %select_n3A_266 : i32
      %select_n3A_277 = arith.select %and3A_275, %add3A_276, %rem3A_267 : i32
      %eq3A_278 = arith.constant 1 : i32
      %eq3A_279 = arith.cmpi eq, %select_n3A_277, %eq3A_278 : i32
      %and3A_280 = arith.andi %lt3A_261, %eq3A_279 : i1
      %convert_element_type3A_281 = arith.extui %and3A_280 : i1 to i32
      %cond3A_282 = arith.constant 0 : i32
      %cond3A_283 = arith.cmpi ne, %convert_element_type3A_281, %cond3A_282 : i32
      scf.if %cond3A_283 {
        %get3A_416 = arith.index_cast %add3A_243 : i32 to index
        %get3A_417 = arith.constant 0 : index
        %get3A_418 = tpu.vector_load %arg6[%get3A_416, %get3A_417] {strides = array<i32>} : memref<160x64xi32, #tpu.memory_space<vmem>>, vector<1x16xi32>,
        %get3A_419 = vector.shape_cast %get3A_418 : vector<1x16xi32> to vector<16xi32>
        %and3A_420 = arith.constant 65535 : i32
        %and3A_421 = vector.broadcast %and3A_420 : i32 to vector<16xi32>
        %and3A_422 = arith.andi %get3A_419, %and3A_421 : vector<16xi32>
        %swap3A_423 = arith.constant 0 : index
        %swap3A_424 = tpu.vector_load %arg8[%swap3A_423] {strides = array<i32>} : memref<64xi32, #tpu.memory_space<vmem>>, vector<16xi32>,
        %swap3A_425 = vector.shape_cast %swap3A_424 : vector<16xi32> to vector<16xi32>
        %swap3A_426 = vector.shape_cast %and3A_422 : vector<16xi32> to vector<16xi32>
        tpu.vector_store %arg8[%swap3A_423], %swap3A_426 {strides = array<i32>} : memref<64xi32, #tpu.memory_space<vmem>>, vector<16xi32>,
        %shift_right_logical3A_427 = arith.constant 16 : i32
        %shift_right_logical3A_428 = vector.broadcast %shift_right_logical3A_427 : i32 to vector<16xi32>
        %shift_right_logical3A_429 = arith.shrui %get3A_419, %shift_right_logical3A_428 : vector<16xi32>
        %swap3A_430 = arith.constant 0 : index
        %swap3A_431 = tpu.vector_load %arg12[%swap3A_430] {strides = array<i32>} : memref<64xi32, #tpu.memory_space<vmem>>, vector<16xi32>,
        %swap3A_432 = vector.shape_cast %swap3A_431 : vector<16xi32> to vector<16xi32>
        %swap3A_433 = vector.shape_cast %shift_right_logical3A_429 : vector<16xi32> to vector<16xi32>
        tpu.vector_store %arg12[%swap3A_430], %swap3A_433 {strides = array<i32>} : memref<64xi32, #tpu.memory_space<vmem>>, vector<16xi32>,
        %get3A_434 = arith.index_cast %add3A_243 : i32 to index
        %get3A_435 = arith.constant 16 : index
        %get3A_436 = tpu.vector_load %arg6[%get3A_434, %get3A_435] {strides = array<i32>} : memref<160x64xi32, #tpu.memory_space<vmem>>, vector<1x16xi32>,
        %get3A_437 = vector.shape_cast %get3A_436 : vector<1x16xi32> to vector<16xi32>
        %and3A_438 = arith.constant 65535 : i32
        %and3A_439 = vector.broadcast %and3A_438 : i32 to vector<16xi32>
        %and3A_440 = arith.andi %get3A_437, %and3A_439 : vector<16xi32>
        %swap3A_441 = arith.constant 16 : index
        %swap3A_442 = tpu.vector_load %arg8[%swap3A_441] {strides = array<i32>} : memref<64xi32, #tpu.memory_space<vmem>>, vector<16xi32>,
        %swap3A_443 = vector.shape_cast %swap3A_442 : vector<16xi32> to vector<16xi32>
        %swap3A_444 = vector.shape_cast %and3A_440 : vector<16xi32> to vector<16xi32>
        tpu.vector_store %arg8[%swap3A_441], %swap3A_444 {strides = array<i32>} : memref<64xi32, #tpu.memory_space<vmem>>, vector<16xi32>,
        %shift_right_logical3A_445 = arith.constant 16 : i32
        %shift_right_logical3A_446 = vector.broadcast %shift_right_logical3A_445 : i32 to vector<16xi32>
        %shift_right_logical3A_447 = arith.shrui %get3A_437, %shift_right_logical3A_446 : vector<16xi32>
        %swap3A_448 = arith.constant 16 : index
        %swap3A_449 = tpu.vector_load %arg12[%swap3A_448] {strides = array<i32>} : memref<64xi32, #tpu.memory_space<vmem>>, vector<16xi32>,
        %swap3A_450 = vector.shape_cast %swap3A_449 : vector<16xi32> to vector<16xi32>
        %swap3A_451 = vector.shape_cast %shift_right_logical3A_447 : vector<16xi32> to vector<16xi32>
        tpu.vector_store %arg12[%swap3A_448], %swap3A_451 {strides = array<i32>} : memref<64xi32, #tpu.memory_space<vmem>>, vector<16xi32>,
        %get3A_452 = arith.index_cast %add3A_243 : i32 to index
        %get3A_453 = arith.constant 32 : index
        %get3A_454 = tpu.vector_load %arg6[%get3A_452, %get3A_453] {strides = array<i32>} : memref<160x64xi32, #tpu.memory_space<vmem>>, vector<1x16xi32>,
        %get3A_455 = vector.shape_cast %get3A_454 : vector<1x16xi32> to vector<16xi32>
        %and3A_456 = arith.constant 65535 : i32
        %and3A_457 = vector.broadcast %and3A_456 : i32 to vector<16xi32>
        %and3A_458 = arith.andi %get3A_455, %and3A_457 : vector<16xi32>
        %swap3A_459 = arith.constant 32 : index
        %swap3A_460 = tpu.vector_load %arg8[%swap3A_459] {strides = array<i32>} : memref<64xi32, #tpu.memory_space<vmem>>, vector<16xi32>,
        %swap3A_461 = vector.shape_cast %swap3A_460 : vector<16xi32> to vector<16xi32>
        %swap3A_462 = vector.shape_cast %and3A_458 : vector<16xi32> to vector<16xi32>
        tpu.vector_store %arg8[%swap3A_459], %swap3A_462 {strides = array<i32>} : memref<64xi32, #tpu.memory_space<vmem>>, vector<16xi32>,
        %shift_right_logical3A_463 = arith.constant 16 : i32
        %shift_right_logical3A_464 = vector.broadcast %shift_right_logical3A_463 : i32 to vector<16xi32>
        %shift_right_logical3A_465 = arith.shrui %get3A_455, %shift_right_logical3A_464 : vector<16xi32>
        %swap3A_466 = arith.constant 32 : index
        %swap3A_467 = tpu.vector_load %arg12[%swap3A_466] {strides = array<i32>} : memref<64xi32, #tpu.memory_space<vmem>>, vector<16xi32>,
        %swap3A_468 = vector.shape_cast %swap3A_467 : vector<16xi32> to vector<16xi32>
        %swap3A_469 = vector.shape_cast %shift_right_logical3A_465 : vector<16xi32> to vector<16xi32>
        tpu.vector_store %arg12[%swap3A_466], %swap3A_469 {strides = array<i32>} : memref<64xi32, #tpu.memory_space<vmem>>, vector<16xi32>,
        %get3A_470 = arith.index_cast %add3A_243 : i32 to index
        %get3A_471 = arith.constant 48 : index
        %get3A_472 = tpu.vector_load %arg6[%get3A_470, %get3A_471] {strides = array<i32>} : memref<160x64xi32, #tpu.memory_space<vmem>>, vector<1x16xi32>,
        %get3A_473 = vector.shape_cast %get3A_472 : vector<1x16xi32> to vector<16xi32>
        %and3A_474 = arith.constant 65535 : i32
        %and3A_475 = vector.broadcast %and3A_474 : i32 to vector<16xi32>
        %and3A_476 = arith.andi %get3A_473, %and3A_475 : vector<16xi32>
        %swap3A_477 = arith.constant 48 : index
        %swap3A_478 = tpu.vector_load %arg8[%swap3A_477] {strides = array<i32>} : memref<64xi32, #tpu.memory_space<vmem>>, vector<16xi32>,
        %swap3A_479 = vector.shape_cast %swap3A_478 : vector<16xi32> to vector<16xi32>
        %swap3A_480 = vector.shape_cast %and3A_476 : vector<16xi32> to vector<16xi32>
        tpu.vector_store %arg8[%swap3A_477], %swap3A_480 {strides = array<i32>} : memref<64xi32, #tpu.memory_space<vmem>>, vector<16xi32>,
        %shift_right_logical3A_481 = arith.constant 16 : i32
        %shift_right_logical3A_482 = vector.broadcast %shift_right_logical3A_481 : i32 to vector<16xi32>
        %shift_right_logical3A_483 = arith.shrui %get3A_473, %shift_right_logical3A_482 : vector<16xi32>
        %swap3A_484 = arith.constant 48 : index
        %swap3A_485 = tpu.vector_load %arg12[%swap3A_484] {strides = array<i32>} : memref<64xi32, #tpu.memory_space<vmem>>, vector<16xi32>,
        %swap3A_486 = vector.shape_cast %swap3A_485 : vector<16xi32> to vector<16xi32>
        %swap3A_487 = vector.shape_cast %shift_right_logical3A_483 : vector<16xi32> to vector<16xi32>
        tpu.vector_store %arg12[%swap3A_484], %swap3A_487 {strides = array<i32>} : memref<64xi32, #tpu.memory_space<vmem>>, vector<16xi32>,
        %dma_start3A_488 = arith.constant 0 : i32
        %dma_start3A_489 = arith.constant 0 : i32
        %dma_start3A_490 = tpu.memref_slice %arg2[%dma_start3A_488, %dma_start3A_489] : memref<10000x128xf32, #tpu.memory_space<hbm>> -> memref<10000x128xf32, #tpu.memory_space<hbm>>
        tpu.enqueue_indirect_dma source(%dma_start3A_490 : memref<10000x128xf32, #tpu.memory_space<hbm>>) target(%arg16 : memref<64x128xf32, #tpu.memory_space<vmem>>) offsets(%arg8 : memref<64xi32, #tpu.memory_space<vmem>>) semaphore(%arg21 : memref<!tpu.dma_semaphore, #tpu.memory_space<semaphore_mem>>)
      } else {
      }
      %lt3A_284 = arith.constant 160 : i32
      %lt3A_285 = arith.cmpi slt, %add3A_243, %lt3A_284 : i32
      %jit3A_286 = arith.constant 4 : i32
      %eq3A_287 = arith.constant 0 : i32
      %eq3A_288 = arith.cmpi eq, %jit3A_286, %eq3A_287 : i32
      %jit3A_289 = arith.constant 1 : i32
      %select_n3A_290 = arith.select %eq3A_288, %jit3A_289, %jit3A_286 : i32
      %rem3A_291 = arith.remsi %add3A_243, %select_n3A_290 : i32
      %ne3A_292 = arith.constant 0 : i32
      %ne3A_293 = arith.cmpi ne, %rem3A_291, %ne3A_292 : i32
      %lt3A_294 = arith.constant 0 : i32
      %lt3A_295 = arith.cmpi slt, %rem3A_291, %lt3A_294 : i32
      %lt3A_296 = arith.constant 0 : i32
      %lt3A_297 = arith.cmpi slt, %select_n3A_290, %lt3A_296 : i32
      %ne3A_298 = arith.xori %lt3A_295, %lt3A_297 : i1
      %and3A_299 = arith.andi %ne3A_298, %ne3A_293 : i1
      %add3A_300 = arith.addi %rem3A_291, %select_n3A_290 : i32
      %select_n3A_301 = arith.select %and3A_299, %add3A_300, %rem3A_291 : i32
      %eq3A_302 = arith.constant 2 : i32
      %eq3A_303 = arith.cmpi eq, %select_n3A_301, %eq3A_302 : i32
      %and3A_304 = arith.andi %lt3A_285, %eq3A_303 : i1
      %convert_element_type3A_305 = arith.extui %and3A_304 : i1 to i32
      %cond3A_306 = arith.constant 0 : i32
      %cond3A_307 = arith.cmpi ne, %convert_element_type3A_305, %cond3A_306 : i32
      scf.if %cond3A_307 {
        %get3A_416 = arith.index_cast %add3A_243 : i32 to index
        %get3A_417 = arith.constant 0 : index
        %get3A_418 = tpu.vector_load %arg6[%get3A_416, %get3A_417] {strides = array<i32>} : memref<160x64xi32, #tpu.memory_space<vmem>>, vector<1x16xi32>,
        %get3A_419 = vector.shape_cast %get3A_418 : vector<1x16xi32> to vector<16xi32>
        %and3A_420 = arith.constant 65535 : i32
        %and3A_421 = vector.broadcast %and3A_420 : i32 to vector<16xi32>
        %and3A_422 = arith.andi %get3A_419, %and3A_421 : vector<16xi32>
        %swap3A_423 = arith.constant 0 : index
        %swap3A_424 = tpu.vector_load %arg9[%swap3A_423] {strides = array<i32>} : memref<64xi32, #tpu.memory_space<vmem>>, vector<16xi32>,
        %swap3A_425 = vector.shape_cast %swap3A_424 : vector<16xi32> to vector<16xi32>
        %swap3A_426 = vector.shape_cast %and3A_422 : vector<16xi32> to vector<16xi32>
        tpu.vector_store %arg9[%swap3A_423], %swap3A_426 {strides = array<i32>} : memref<64xi32, #tpu.memory_space<vmem>>, vector<16xi32>,
        %shift_right_logical3A_427 = arith.constant 16 : i32
        %shift_right_logical3A_428 = vector.broadcast %shift_right_logical3A_427 : i32 to vector<16xi32>
        %shift_right_logical3A_429 = arith.shrui %get3A_419, %shift_right_logical3A_428 : vector<16xi32>
        %swap3A_430 = arith.constant 0 : index
        %swap3A_431 = tpu.vector_load %arg13[%swap3A_430] {strides = array<i32>} : memref<64xi32, #tpu.memory_space<vmem>>, vector<16xi32>,
        %swap3A_432 = vector.shape_cast %swap3A_431 : vector<16xi32> to vector<16xi32>
        %swap3A_433 = vector.shape_cast %shift_right_logical3A_429 : vector<16xi32> to vector<16xi32>
        tpu.vector_store %arg13[%swap3A_430], %swap3A_433 {strides = array<i32>} : memref<64xi32, #tpu.memory_space<vmem>>, vector<16xi32>,
        %get3A_434 = arith.index_cast %add3A_243 : i32 to index
        %get3A_435 = arith.constant 16 : index
        %get3A_436 = tpu.vector_load %arg6[%get3A_434, %get3A_435] {strides = array<i32>} : memref<160x64xi32, #tpu.memory_space<vmem>>, vector<1x16xi32>,
        %get3A_437 = vector.shape_cast %get3A_436 : vector<1x16xi32> to vector<16xi32>
        %and3A_438 = arith.constant 65535 : i32
        %and3A_439 = vector.broadcast %and3A_438 : i32 to vector<16xi32>
        %and3A_440 = arith.andi %get3A_437, %and3A_439 : vector<16xi32>
        %swap3A_441 = arith.constant 16 : index
        %swap3A_442 = tpu.vector_load %arg9[%swap3A_441] {strides = array<i32>} : memref<64xi32, #tpu.memory_space<vmem>>, vector<16xi32>,
        %swap3A_443 = vector.shape_cast %swap3A_442 : vector<16xi32> to vector<16xi32>
        %swap3A_444 = vector.shape_cast %and3A_440 : vector<16xi32> to vector<16xi32>
        tpu.vector_store %arg9[%swap3A_441], %swap3A_444 {strides = array<i32>} : memref<64xi32, #tpu.memory_space<vmem>>, vector<16xi32>,
        %shift_right_logical3A_445 = arith.constant 16 : i32
        %shift_right_logical3A_446 = vector.broadcast %shift_right_logical3A_445 : i32 to vector<16xi32>
        %shift_right_logical3A_447 = arith.shrui %get3A_437, %shift_right_logical3A_446 : vector<16xi32>
        %swap3A_448 = arith.constant 16 : index
        %swap3A_449 = tpu.vector_load %arg13[%swap3A_448] {strides = array<i32>} : memref<64xi32, #tpu.memory_space<vmem>>, vector<16xi32>,
        %swap3A_450 = vector.shape_cast %swap3A_449 : vector<16xi32> to vector<16xi32>
        %swap3A_451 = vector.shape_cast %shift_right_logical3A_447 : vector<16xi32> to vector<16xi32>
        tpu.vector_store %arg13[%swap3A_448], %swap3A_451 {strides = array<i32>} : memref<64xi32, #tpu.memory_space<vmem>>, vector<16xi32>,
        %get3A_452 = arith.index_cast %add3A_243 : i32 to index
        %get3A_453 = arith.constant 32 : index
        %get3A_454 = tpu.vector_load %arg6[%get3A_452, %get3A_453] {strides = array<i32>} : memref<160x64xi32, #tpu.memory_space<vmem>>, vector<1x16xi32>,
        %get3A_455 = vector.shape_cast %get3A_454 : vector<1x16xi32> to vector<16xi32>
        %and3A_456 = arith.constant 65535 : i32
        %and3A_457 = vector.broadcast %and3A_456 : i32 to vector<16xi32>
        %and3A_458 = arith.andi %get3A_455, %and3A_457 : vector<16xi32>
        %swap3A_459 = arith.constant 32 : index
        %swap3A_460 = tpu.vector_load %arg9[%swap3A_459] {strides = array<i32>} : memref<64xi32, #tpu.memory_space<vmem>>, vector<16xi32>,
        %swap3A_461 = vector.shape_cast %swap3A_460 : vector<16xi32> to vector<16xi32>
        %swap3A_462 = vector.shape_cast %and3A_458 : vector<16xi32> to vector<16xi32>
        tpu.vector_store %arg9[%swap3A_459], %swap3A_462 {strides = array<i32>} : memref<64xi32, #tpu.memory_space<vmem>>, vector<16xi32>,
        %shift_right_logical3A_463 = arith.constant 16 : i32
        %shift_right_logical3A_464 = vector.broadcast %shift_right_logical3A_463 : i32 to vector<16xi32>
        %shift_right_logical3A_465 = arith.shrui %get3A_455, %shift_right_logical3A_464 : vector<16xi32>
        %swap3A_466 = arith.constant 32 : index
        %swap3A_467 = tpu.vector_load %arg13[%swap3A_466] {strides = array<i32>} : memref<64xi32, #tpu.memory_space<vmem>>, vector<16xi32>,
        %swap3A_468 = vector.shape_cast %swap3A_467 : vector<16xi32> to vector<16xi32>
        %swap3A_469 = vector.shape_cast %shift_right_logical3A_465 : vector<16xi32> to vector<16xi32>
        tpu.vector_store %arg13[%swap3A_466], %swap3A_469 {strides = array<i32>} : memref<64xi32, #tpu.memory_space<vmem>>, vector<16xi32>,
        %get3A_470 = arith.index_cast %add3A_243 : i32 to index
        %get3A_471 = arith.constant 48 : index
        %get3A_472 = tpu.vector_load %arg6[%get3A_470, %get3A_471] {strides = array<i32>} : memref<160x64xi32, #tpu.memory_space<vmem>>, vector<1x16xi32>,
        %get3A_473 = vector.shape_cast %get3A_472 : vector<1x16xi32> to vector<16xi32>
        %and3A_474 = arith.constant 65535 : i32
        %and3A_475 = vector.broadcast %and3A_474 : i32 to vector<16xi32>
        %and3A_476 = arith.andi %get3A_473, %and3A_475 : vector<16xi32>
        %swap3A_477 = arith.constant 48 : index
        %swap3A_478 = tpu.vector_load %arg9[%swap3A_477] {strides = array<i32>} : memref<64xi32, #tpu.memory_space<vmem>>, vector<16xi32>,
        %swap3A_479 = vector.shape_cast %swap3A_478 : vector<16xi32> to vector<16xi32>
        %swap3A_480 = vector.shape_cast %and3A_476 : vector<16xi32> to vector<16xi32>
        tpu.vector_store %arg9[%swap3A_477], %swap3A_480 {strides = array<i32>} : memref<64xi32, #tpu.memory_space<vmem>>, vector<16xi32>,
        %shift_right_logical3A_481 = arith.constant 16 : i32
        %shift_right_logical3A_482 = vector.broadcast %shift_right_logical3A_481 : i32 to vector<16xi32>
        %shift_right_logical3A_483 = arith.shrui %get3A_473, %shift_right_logical3A_482 : vector<16xi32>
        %swap3A_484 = arith.constant 48 : index
        %swap3A_485 = tpu.vector_load %arg13[%swap3A_484] {strides = array<i32>} : memref<64xi32, #tpu.memory_space<vmem>>, vector<16xi32>,
        %swap3A_486 = vector.shape_cast %swap3A_485 : vector<16xi32> to vector<16xi32>
        %swap3A_487 = vector.shape_cast %shift_right_logical3A_483 : vector<16xi32> to vector<16xi32>
        tpu.vector_store %arg13[%swap3A_484], %swap3A_487 {strides = array<i32>} : memref<64xi32, #tpu.memory_space<vmem>>, vector<16xi32>,
        %dma_start3A_488 = arith.constant 0 : i32
        %dma_start3A_489 = arith.constant 0 : i32
        %dma_start3A_490 = tpu.memref_slice %arg2[%dma_start3A_488, %dma_start3A_489] : memref<10000x128xf32, #tpu.memory_space<hbm>> -> memref<10000x128xf32, #tpu.memory_space<hbm>>
        tpu.enqueue_indirect_dma source(%dma_start3A_490 : memref<10000x128xf32, #tpu.memory_space<hbm>>) target(%arg17 : memref<64x128xf32, #tpu.memory_space<vmem>>) offsets(%arg9 : memref<64xi32, #tpu.memory_space<vmem>>) semaphore(%arg22 : memref<!tpu.dma_semaphore, #tpu.memory_space<semaphore_mem>>)
      } else {
      }
      %lt3A_308 = arith.constant 160 : i32
      %lt3A_309 = arith.cmpi slt, %add3A_243, %lt3A_308 : i32
      %jit3A_310 = arith.constant 4 : i32
      %eq3A_311 = arith.constant 0 : i32
      %eq3A_312 = arith.cmpi eq, %jit3A_310, %eq3A_311 : i32
      %jit3A_313 = arith.constant 1 : i32
      %select_n3A_314 = arith.select %eq3A_312, %jit3A_313, %jit3A_310 : i32
      %rem3A_315 = arith.remsi %add3A_243, %select_n3A_314 : i32
      %ne3A_316 = arith.constant 0 : i32
      %ne3A_317 = arith.cmpi ne, %rem3A_315, %ne3A_316 : i32
      %lt3A_318 = arith.constant 0 : i32
      %lt3A_319 = arith.cmpi slt, %rem3A_315, %lt3A_318 : i32
      %lt3A_320 = arith.constant 0 : i32
      %lt3A_321 = arith.cmpi slt, %select_n3A_314, %lt3A_320 : i32
      %ne3A_322 = arith.xori %lt3A_319, %lt3A_321 : i1
      %and3A_323 = arith.andi %ne3A_322, %ne3A_317 : i1
      %add3A_324 = arith.addi %rem3A_315, %select_n3A_314 : i32
      %select_n3A_325 = arith.select %and3A_323, %add3A_324, %rem3A_315 : i32
      %eq3A_326 = arith.constant 3 : i32
      %eq3A_327 = arith.cmpi eq, %select_n3A_325, %eq3A_326 : i32
      %and3A_328 = arith.andi %lt3A_309, %eq3A_327 : i1
      %convert_element_type3A_329 = arith.extui %and3A_328 : i1 to i32
      %cond3A_330 = arith.constant 0 : i32
      %cond3A_331 = arith.cmpi ne, %convert_element_type3A_329, %cond3A_330 : i32
      scf.if %cond3A_331 {
        %get3A_416 = arith.index_cast %add3A_243 : i32 to index
        %get3A_417 = arith.constant 0 : index
        %get3A_418 = tpu.vector_load %arg6[%get3A_416, %get3A_417] {strides = array<i32>} : memref<160x64xi32, #tpu.memory_space<vmem>>, vector<1x16xi32>,
        %get3A_419 = vector.shape_cast %get3A_418 : vector<1x16xi32> to vector<16xi32>
        %and3A_420 = arith.constant 65535 : i32
        %and3A_421 = vector.broadcast %and3A_420 : i32 to vector<16xi32>
        %and3A_422 = arith.andi %get3A_419, %and3A_421 : vector<16xi32>
        %swap3A_423 = arith.constant 0 : index
        %swap3A_424 = tpu.vector_load %arg10[%swap3A_423] {strides = array<i32>} : memref<64xi32, #tpu.memory_space<vmem>>, vector<16xi32>,
        %swap3A_425 = vector.shape_cast %swap3A_424 : vector<16xi32> to vector<16xi32>
        %swap3A_426 = vector.shape_cast %and3A_422 : vector<16xi32> to vector<16xi32>
        tpu.vector_store %arg10[%swap3A_423], %swap3A_426 {strides = array<i32>} : memref<64xi32, #tpu.memory_space<vmem>>, vector<16xi32>,
        %shift_right_logical3A_427 = arith.constant 16 : i32
        %shift_right_logical3A_428 = vector.broadcast %shift_right_logical3A_427 : i32 to vector<16xi32>
        %shift_right_logical3A_429 = arith.shrui %get3A_419, %shift_right_logical3A_428 : vector<16xi32>
        %swap3A_430 = arith.constant 0 : index
        %swap3A_431 = tpu.vector_load %arg14[%swap3A_430] {strides = array<i32>} : memref<64xi32, #tpu.memory_space<vmem>>, vector<16xi32>,
        %swap3A_432 = vector.shape_cast %swap3A_431 : vector<16xi32> to vector<16xi32>
        %swap3A_433 = vector.shape_cast %shift_right_logical3A_429 : vector<16xi32> to vector<16xi32>
        tpu.vector_store %arg14[%swap3A_430], %swap3A_433 {strides = array<i32>} : memref<64xi32, #tpu.memory_space<vmem>>, vector<16xi32>,
        %get3A_434 = arith.index_cast %add3A_243 : i32 to index
        %get3A_435 = arith.constant 16 : index
        %get3A_436 = tpu.vector_load %arg6[%get3A_434, %get3A_435] {strides = array<i32>} : memref<160x64xi32, #tpu.memory_space<vmem>>, vector<1x16xi32>,
        %get3A_437 = vector.shape_cast %get3A_436 : vector<1x16xi32> to vector<16xi32>
        %and3A_438 = arith.constant 65535 : i32
        %and3A_439 = vector.broadcast %and3A_438 : i32 to vector<16xi32>
        %and3A_440 = arith.andi %get3A_437, %and3A_439 : vector<16xi32>
        %swap3A_441 = arith.constant 16 : index
        %swap3A_442 = tpu.vector_load %arg10[%swap3A_441] {strides = array<i32>} : memref<64xi32, #tpu.memory_space<vmem>>, vector<16xi32>,
        %swap3A_443 = vector.shape_cast %swap3A_442 : vector<16xi32> to vector<16xi32>
        %swap3A_444 = vector.shape_cast %and3A_440 : vector<16xi32> to vector<16xi32>
        tpu.vector_store %arg10[%swap3A_441], %swap3A_444 {strides = array<i32>} : memref<64xi32, #tpu.memory_space<vmem>>, vector<16xi32>,
        %shift_right_logical3A_445 = arith.constant 16 : i32
        %shift_right_logical3A_446 = vector.broadcast %shift_right_logical3A_445 : i32 to vector<16xi32>
        %shift_right_logical3A_447 = arith.shrui %get3A_437, %shift_right_logical3A_446 : vector<16xi32>
        %swap3A_448 = arith.constant 16 : index
        %swap3A_449 = tpu.vector_load %arg14[%swap3A_448] {strides = array<i32>} : memref<64xi32, #tpu.memory_space<vmem>>, vector<16xi32>,
        %swap3A_450 = vector.shape_cast %swap3A_449 : vector<16xi32> to vector<16xi32>
        %swap3A_451 = vector.shape_cast %shift_right_logical3A_447 : vector<16xi32> to vector<16xi32>
        tpu.vector_store %arg14[%swap3A_448], %swap3A_451 {strides = array<i32>} : memref<64xi32, #tpu.memory_space<vmem>>, vector<16xi32>,
        %get3A_452 = arith.index_cast %add3A_243 : i32 to index
        %get3A_453 = arith.constant 32 : index
        %get3A_454 = tpu.vector_load %arg6[%get3A_452, %get3A_453] {strides = array<i32>} : memref<160x64xi32, #tpu.memory_space<vmem>>, vector<1x16xi32>,
        %get3A_455 = vector.shape_cast %get3A_454 : vector<1x16xi32> to vector<16xi32>
        %and3A_456 = arith.constant 65535 : i32
        %and3A_457 = vector.broadcast %and3A_456 : i32 to vector<16xi32>
        %and3A_458 = arith.andi %get3A_455, %and3A_457 : vector<16xi32>
        %swap3A_459 = arith.constant 32 : index
        %swap3A_460 = tpu.vector_load %arg10[%swap3A_459] {strides = array<i32>} : memref<64xi32, #tpu.memory_space<vmem>>, vector<16xi32>,
        %swap3A_461 = vector.shape_cast %swap3A_460 : vector<16xi32> to vector<16xi32>
        %swap3A_462 = vector.shape_cast %and3A_458 : vector<16xi32> to vector<16xi32>
        tpu.vector_store %arg10[%swap3A_459], %swap3A_462 {strides = array<i32>} : memref<64xi32, #tpu.memory_space<vmem>>, vector<16xi32>,
        %shift_right_logical3A_463 = arith.constant 16 : i32
        %shift_right_logical3A_464 = vector.broadcast %shift_right_logical3A_463 : i32 to vector<16xi32>
        %shift_right_logical3A_465 = arith.shrui %get3A_455, %shift_right_logical3A_464 : vector<16xi32>
        %swap3A_466 = arith.constant 32 : index
        %swap3A_467 = tpu.vector_load %arg14[%swap3A_466] {strides = array<i32>} : memref<64xi32, #tpu.memory_space<vmem>>, vector<16xi32>,
        %swap3A_468 = vector.shape_cast %swap3A_467 : vector<16xi32> to vector<16xi32>
        %swap3A_469 = vector.shape_cast %shift_right_logical3A_465 : vector<16xi32> to vector<16xi32>
        tpu.vector_store %arg14[%swap3A_466], %swap3A_469 {strides = array<i32>} : memref<64xi32, #tpu.memory_space<vmem>>, vector<16xi32>,
        %get3A_470 = arith.index_cast %add3A_243 : i32 to index
        %get3A_471 = arith.constant 48 : index
        %get3A_472 = tpu.vector_load %arg6[%get3A_470, %get3A_471] {strides = array<i32>} : memref<160x64xi32, #tpu.memory_space<vmem>>, vector<1x16xi32>,
        %get3A_473 = vector.shape_cast %get3A_472 : vector<1x16xi32> to vector<16xi32>
        %and3A_474 = arith.constant 65535 : i32
        %and3A_475 = vector.broadcast %and3A_474 : i32 to vector<16xi32>
        %and3A_476 = arith.andi %get3A_473, %and3A_475 : vector<16xi32>
        %swap3A_477 = arith.constant 48 : index
        %swap3A_478 = tpu.vector_load %arg10[%swap3A_477] {strides = array<i32>} : memref<64xi32, #tpu.memory_space<vmem>>, vector<16xi32>,
        %swap3A_479 = vector.shape_cast %swap3A_478 : vector<16xi32> to vector<16xi32>
        %swap3A_480 = vector.shape_cast %and3A_476 : vector<16xi32> to vector<16xi32>
        tpu.vector_store %arg10[%swap3A_477], %swap3A_480 {strides = array<i32>} : memref<64xi32, #tpu.memory_space<vmem>>, vector<16xi32>,
        %shift_right_logical3A_481 = arith.constant 16 : i32
        %shift_right_logical3A_482 = vector.broadcast %shift_right_logical3A_481 : i32 to vector<16xi32>
        %shift_right_logical3A_483 = arith.shrui %get3A_473, %shift_right_logical3A_482 : vector<16xi32>
        %swap3A_484 = arith.constant 48 : index
        %swap3A_485 = tpu.vector_load %arg14[%swap3A_484] {strides = array<i32>} : memref<64xi32, #tpu.memory_space<vmem>>, vector<16xi32>,
        %swap3A_486 = vector.shape_cast %swap3A_485 : vector<16xi32> to vector<16xi32>
        %swap3A_487 = vector.shape_cast %shift_right_logical3A_483 : vector<16xi32> to vector<16xi32>
        tpu.vector_store %arg14[%swap3A_484], %swap3A_487 {strides = array<i32>} : memref<64xi32, #tpu.memory_space<vmem>>, vector<16xi32>,
        %dma_start3A_488 = arith.constant 0 : i32
        %dma_start3A_489 = arith.constant 0 : i32
        %dma_start3A_490 = tpu.memref_slice %arg2[%dma_start3A_488, %dma_start3A_489] : memref<10000x128xf32, #tpu.memory_space<hbm>> -> memref<10000x128xf32, #tpu.memory_space<hbm>>
        tpu.enqueue_indirect_dma source(%dma_start3A_490 : memref<10000x128xf32, #tpu.memory_space<hbm>>) target(%arg18 : memref<64x128xf32, #tpu.memory_space<vmem>>) offsets(%arg10 : memref<64xi32, #tpu.memory_space<vmem>>) semaphore(%arg23 : memref<!tpu.dma_semaphore, #tpu.memory_space<semaphore_mem>>)
      } else {
      }
      %jit3A_332 = arith.constant 4 : i32
      %eq3A_333 = arith.constant 0 : i32
      %eq3A_334 = arith.cmpi eq, %jit3A_332, %eq3A_333 : i32
      %jit3A_335 = arith.constant 1 : i32
      %select_n3A_336 = arith.select %eq3A_334, %jit3A_335, %jit3A_332 : i32
      %rem3A_337 = arith.remsi %scan3A_241, %select_n3A_336 : i32
      %ne3A_338 = arith.constant 0 : i32
      %ne3A_339 = arith.cmpi ne, %rem3A_337, %ne3A_338 : i32
      %lt3A_340 = arith.constant 0 : i32
      %lt3A_341 = arith.cmpi slt, %rem3A_337, %lt3A_340 : i32
      %lt3A_342 = arith.constant 0 : i32
      %lt3A_343 = arith.cmpi slt, %select_n3A_336, %lt3A_342 : i32
      %ne3A_344 = arith.xori %lt3A_341, %lt3A_343 : i1
      %and3A_345 = arith.andi %ne3A_344, %ne3A_339 : i1
      %add3A_346 = arith.addi %rem3A_337, %select_n3A_336 : i32
      %select_n3A_347 = arith.select %and3A_345, %add3A_346, %rem3A_337 : i32
      %eq3A_348 = arith.constant 0 : i32
      %eq3A_349 = arith.cmpi eq, %select_n3A_347, %eq3A_348 : i32
      %convert_element_type3A_350 = arith.extui %eq3A_349 : i1 to i32
      %cond3A_351 = arith.constant 0 : i32
      %cond3A_352 = arith.cmpi ne, %convert_element_type3A_350, %cond3A_351 : i32
      scf.if %cond3A_352 {
        %dma_wait3A = arith.constant 0 : i32
        %dma_wait3A_416 = arith.constant 0 : i32
        %dma_wait3A_417 = tpu.memref_slice %arg2[%dma_wait3A, %dma_wait3A_416] : memref<10000x128xf32, #tpu.memory_space<hbm>> -> memref<10000x128xf32, #tpu.memory_space<hbm>>
        tpu.wait_indirect_dma semaphore(%arg20 : memref<!tpu.dma_semaphore, #tpu.memory_space<semaphore_mem>>) src(%dma_wait3A_417 : memref<10000x128xf32, #tpu.memory_space<hbm>>) dst(%arg15 : memref<64x128xf32, #tpu.memory_space<vmem>>)
        "tpu.region"() ({
          %run_scoped3A = tpu.sem_alloc : memref<!tpu.dma_semaphore, #tpu.memory_space<semaphore_mem>>
          %dma_start3A_418 = arith.constant 0 : i32
          %dma_start3A_419 = arith.constant 0 : i32
          %dma_start3A_420 = tpu.memref_slice %arg19[%dma_start3A_418, %dma_start3A_419] : memref<10112x128xf32, #tpu.memory_space<vmem_shared>> -> memref<10112x128xf32, #tpu.memory_space<vmem_shared>>
          tpu.enqueue_indirect_dma source(%arg15 : memref<64x128xf32, #tpu.memory_space<vmem>>) target(%dma_start3A_420 : memref<10112x128xf32, #tpu.memory_space<vmem_shared>>) offsets(%arg11 : memref<64xi32, #tpu.memory_space<vmem>>) semaphore(%run_scoped3A : memref<!tpu.dma_semaphore, #tpu.memory_space<semaphore_mem>>) {add = true}
          %dma_wait3A_421 = arith.constant 0 : i32
          %dma_wait3A_422 = arith.constant 0 : i32
          %dma_wait3A_423 = tpu.memref_slice %arg19[%dma_wait3A_421, %dma_wait3A_422] : memref<10112x128xf32, #tpu.memory_space<vmem_shared>> -> memref<10112x128xf32, #tpu.memory_space<vmem_shared>>
          tpu.wait_indirect_dma semaphore(%run_scoped3A : memref<!tpu.dma_semaphore, #tpu.memory_space<semaphore_mem>>) src(%arg15 : memref<64x128xf32, #tpu.memory_space<vmem>>) dst(%dma_wait3A_423 : memref<10112x128xf32, #tpu.memory_space<vmem_shared>>)
          tpu.yield
        }) : () -> ()
      } else {
      }
      %jit3A_353 = arith.constant 4 : i32
      %eq3A_354 = arith.constant 0 : i32
      %eq3A_355 = arith.cmpi eq, %jit3A_353, %eq3A_354 : i32
      %jit3A_356 = arith.constant 1 : i32
      %select_n3A_357 = arith.select %eq3A_355, %jit3A_356, %jit3A_353 : i32
      %rem3A_358 = arith.remsi %scan3A_241, %select_n3A_357 : i32
      %ne3A_359 = arith.constant 0 : i32
      %ne3A_360 = arith.cmpi ne, %rem3A_358, %ne3A_359 : i32
      %lt3A_361 = arith.constant 0 : i32
      %lt3A_362 = arith.cmpi slt, %rem3A_358, %lt3A_361 : i32
      %lt3A_363 = arith.constant 0 : i32
      %lt3A_364 = arith.cmpi slt, %select_n3A_357, %lt3A_363 : i32
      %ne3A_365 = arith.xori %lt3A_362, %lt3A_364 : i1
      %and3A_366 = arith.andi %ne3A_365, %ne3A_360 : i1
      %add3A_367 = arith.addi %rem3A_358, %select_n3A_357 : i32
      %select_n3A_368 = arith.select %and3A_366, %add3A_367, %rem3A_358 : i32
      %eq3A_369 = arith.constant 1 : i32
      %eq3A_370 = arith.cmpi eq, %select_n3A_368, %eq3A_369 : i32
      %convert_element_type3A_371 = arith.extui %eq3A_370 : i1 to i32
      %cond3A_372 = arith.constant 0 : i32
      %cond3A_373 = arith.cmpi ne, %convert_element_type3A_371, %cond3A_372 : i32
      scf.if %cond3A_373 {
        %dma_wait3A = arith.constant 0 : i32
        %dma_wait3A_416 = arith.constant 0 : i32
        %dma_wait3A_417 = tpu.memref_slice %arg2[%dma_wait3A, %dma_wait3A_416] : memref<10000x128xf32, #tpu.memory_space<hbm>> -> memref<10000x128xf32, #tpu.memory_space<hbm>>
        tpu.wait_indirect_dma semaphore(%arg21 : memref<!tpu.dma_semaphore, #tpu.memory_space<semaphore_mem>>) src(%dma_wait3A_417 : memref<10000x128xf32, #tpu.memory_space<hbm>>) dst(%arg16 : memref<64x128xf32, #tpu.memory_space<vmem>>)
        "tpu.region"() ({
          %run_scoped3A = tpu.sem_alloc : memref<!tpu.dma_semaphore, #tpu.memory_space<semaphore_mem>>
          %dma_start3A_418 = arith.constant 0 : i32
          %dma_start3A_419 = arith.constant 0 : i32
          %dma_start3A_420 = tpu.memref_slice %arg19[%dma_start3A_418, %dma_start3A_419] : memref<10112x128xf32, #tpu.memory_space<vmem_shared>> -> memref<10112x128xf32, #tpu.memory_space<vmem_shared>>
          tpu.enqueue_indirect_dma source(%arg16 : memref<64x128xf32, #tpu.memory_space<vmem>>) target(%dma_start3A_420 : memref<10112x128xf32, #tpu.memory_space<vmem_shared>>) offsets(%arg12 : memref<64xi32, #tpu.memory_space<vmem>>) semaphore(%run_scoped3A : memref<!tpu.dma_semaphore, #tpu.memory_space<semaphore_mem>>) {add = true}
          %dma_wait3A_421 = arith.constant 0 : i32
          %dma_wait3A_422 = arith.constant 0 : i32
          %dma_wait3A_423 = tpu.memref_slice %arg19[%dma_wait3A_421, %dma_wait3A_422] : memref<10112x128xf32, #tpu.memory_space<vmem_shared>> -> memref<10112x128xf32, #tpu.memory_space<vmem_shared>>
          tpu.wait_indirect_dma semaphore(%run_scoped3A : memref<!tpu.dma_semaphore, #tpu.memory_space<semaphore_mem>>) src(%arg16 : memref<64x128xf32, #tpu.memory_space<vmem>>) dst(%dma_wait3A_423 : memref<10112x128xf32, #tpu.memory_space<vmem_shared>>)
          tpu.yield
        }) : () -> ()
      } else {
      }
      %jit3A_374 = arith.constant 4 : i32
      %eq3A_375 = arith.constant 0 : i32
      %eq3A_376 = arith.cmpi eq, %jit3A_374, %eq3A_375 : i32
      %jit3A_377 = arith.constant 1 : i32
      %select_n3A_378 = arith.select %eq3A_376, %jit3A_377, %jit3A_374 : i32
      %rem3A_379 = arith.remsi %scan3A_241, %select_n3A_378 : i32
      %ne3A_380 = arith.constant 0 : i32
      %ne3A_381 = arith.cmpi ne, %rem3A_379, %ne3A_380 : i32
      %lt3A_382 = arith.constant 0 : i32
      %lt3A_383 = arith.cmpi slt, %rem3A_379, %lt3A_382 : i32
      %lt3A_384 = arith.constant 0 : i32
      %lt3A_385 = arith.cmpi slt, %select_n3A_378, %lt3A_384 : i32
      %ne3A_386 = arith.xori %lt3A_383, %lt3A_385 : i1
      %and3A_387 = arith.andi %ne3A_386, %ne3A_381 : i1
      %add3A_388 = arith.addi %rem3A_379, %select_n3A_378 : i32
      %select_n3A_389 = arith.select %and3A_387, %add3A_388, %rem3A_379 : i32
      %eq3A_390 = arith.constant 2 : i32
      %eq3A_391 = arith.cmpi eq, %select_n3A_389, %eq3A_390 : i32
      %convert_element_type3A_392 = arith.extui %eq3A_391 : i1 to i32
      %cond3A_393 = arith.constant 0 : i32
      %cond3A_394 = arith.cmpi ne, %convert_element_type3A_392, %cond3A_393 : i32
      scf.if %cond3A_394 {
        %dma_wait3A = arith.constant 0 : i32
        %dma_wait3A_416 = arith.constant 0 : i32
        %dma_wait3A_417 = tpu.memref_slice %arg2[%dma_wait3A, %dma_wait3A_416] : memref<10000x128xf32, #tpu.memory_space<hbm>> -> memref<10000x128xf32, #tpu.memory_space<hbm>>
        tpu.wait_indirect_dma semaphore(%arg22 : memref<!tpu.dma_semaphore, #tpu.memory_space<semaphore_mem>>) src(%dma_wait3A_417 : memref<10000x128xf32, #tpu.memory_space<hbm>>) dst(%arg17 : memref<64x128xf32, #tpu.memory_space<vmem>>)
        "tpu.region"() ({
          %run_scoped3A = tpu.sem_alloc : memref<!tpu.dma_semaphore, #tpu.memory_space<semaphore_mem>>
          %dma_start3A_418 = arith.constant 0 : i32
          %dma_start3A_419 = arith.constant 0 : i32
          %dma_start3A_420 = tpu.memref_slice %arg19[%dma_start3A_418, %dma_start3A_419] : memref<10112x128xf32, #tpu.memory_space<vmem_shared>> -> memref<10112x128xf32, #tpu.memory_space<vmem_shared>>
          tpu.enqueue_indirect_dma source(%arg17 : memref<64x128xf32, #tpu.memory_space<vmem>>) target(%dma_start3A_420 : memref<10112x128xf32, #tpu.memory_space<vmem_shared>>) offsets(%arg13 : memref<64xi32, #tpu.memory_space<vmem>>) semaphore(%run_scoped3A : memref<!tpu.dma_semaphore, #tpu.memory_space<semaphore_mem>>) {add = true}
          %dma_wait3A_421 = arith.constant 0 : i32
          %dma_wait3A_422 = arith.constant 0 : i32
          %dma_wait3A_423 = tpu.memref_slice %arg19[%dma_wait3A_421, %dma_wait3A_422] : memref<10112x128xf32, #tpu.memory_space<vmem_shared>> -> memref<10112x128xf32, #tpu.memory_space<vmem_shared>>
          tpu.wait_indirect_dma semaphore(%run_scoped3A : memref<!tpu.dma_semaphore, #tpu.memory_space<semaphore_mem>>) src(%arg17 : memref<64x128xf32, #tpu.memory_space<vmem>>) dst(%dma_wait3A_423 : memref<10112x128xf32, #tpu.memory_space<vmem_shared>>)
          tpu.yield
        }) : () -> ()
      } else {
      }
      %jit3A_395 = arith.constant 4 : i32
      %eq3A_396 = arith.constant 0 : i32
      %eq3A_397 = arith.cmpi eq, %jit3A_395, %eq3A_396 : i32
      %jit3A_398 = arith.constant 1 : i32
      %select_n3A_399 = arith.select %eq3A_397, %jit3A_398, %jit3A_395 : i32
      %rem3A_400 = arith.remsi %scan3A_241, %select_n3A_399 : i32
      %ne3A_401 = arith.constant 0 : i32
      %ne3A_402 = arith.cmpi ne, %rem3A_400, %ne3A_401 : i32
      %lt3A_403 = arith.constant 0 : i32
      %lt3A_404 = arith.cmpi slt, %rem3A_400, %lt3A_403 : i32
      %lt3A_405 = arith.constant 0 : i32
      %lt3A_406 = arith.cmpi slt, %select_n3A_399, %lt3A_405 : i32
      %ne3A_407 = arith.xori %lt3A_404, %lt3A_406 : i1
      %and3A_408 = arith.andi %ne3A_407, %ne3A_402 : i1
      %add3A_409 = arith.addi %rem3A_400, %select_n3A_399 : i32
      %select_n3A_410 = arith.select %and3A_408, %add3A_409, %rem3A_400 : i32
      %eq3A_411 = arith.constant 3 : i32
      %eq3A_412 = arith.cmpi eq, %select_n3A_410, %eq3A_411 : i32
      %convert_element_type3A_413 = arith.extui %eq3A_412 : i1 to i32
      %cond3A_414 = arith.constant 0 : i32
      %cond3A_415 = arith.cmpi ne, %convert_element_type3A_413, %cond3A_414 : i32
      scf.if %cond3A_415 {
        %dma_wait3A = arith.constant 0 : i32
        %dma_wait3A_416 = arith.constant 0 : i32
        %dma_wait3A_417 = tpu.memref_slice %arg2[%dma_wait3A, %dma_wait3A_416] : memref<10000x128xf32, #tpu.memory_space<hbm>> -> memref<10000x128xf32, #tpu.memory_space<hbm>>
        tpu.wait_indirect_dma semaphore(%arg23 : memref<!tpu.dma_semaphore, #tpu.memory_space<semaphore_mem>>) src(%dma_wait3A_417 : memref<10000x128xf32, #tpu.memory_space<hbm>>) dst(%arg18 : memref<64x128xf32, #tpu.memory_space<vmem>>)
        "tpu.region"() ({
          %run_scoped3A = tpu.sem_alloc : memref<!tpu.dma_semaphore, #tpu.memory_space<semaphore_mem>>
          %dma_start3A_418 = arith.constant 0 : i32
          %dma_start3A_419 = arith.constant 0 : i32
          %dma_start3A_420 = tpu.memref_slice %arg19[%dma_start3A_418, %dma_start3A_419] : memref<10112x128xf32, #tpu.memory_space<vmem_shared>> -> memref<10112x128xf32, #tpu.memory_space<vmem_shared>>
          tpu.enqueue_indirect_dma source(%arg18 : memref<64x128xf32, #tpu.memory_space<vmem>>) target(%dma_start3A_420 : memref<10112x128xf32, #tpu.memory_space<vmem_shared>>) offsets(%arg14 : memref<64xi32, #tpu.memory_space<vmem>>) semaphore(%run_scoped3A : memref<!tpu.dma_semaphore, #tpu.memory_space<semaphore_mem>>) {add = true}
          %dma_wait3A_421 = arith.constant 0 : i32
          %dma_wait3A_422 = arith.constant 0 : i32
          %dma_wait3A_423 = tpu.memref_slice %arg19[%dma_wait3A_421, %dma_wait3A_422] : memref<10112x128xf32, #tpu.memory_space<vmem_shared>> -> memref<10112x128xf32, #tpu.memory_space<vmem_shared>>
          tpu.wait_indirect_dma semaphore(%run_scoped3A : memref<!tpu.dma_semaphore, #tpu.memory_space<semaphore_mem>>) src(%arg18 : memref<64x128xf32, #tpu.memory_space<vmem>>) dst(%dma_wait3A_423 : memref<10112x128xf32, #tpu.memory_space<vmem_shared>>)
          tpu.yield
        }) : () -> ()
      } else {
      }
    }
    %scan3A_239 = arith.constant 160 : i32
    %barrier3A_240 = arith.constant 0 : index
    tpu.barrier barrier_id(%barrier3A_240)
    "tpu.region"() ({
      %run_scoped3A = tpu.sem_alloc : memref<!tpu.dma_semaphore, #tpu.memory_space<semaphore_mem>>
      %dma_start3A_241 = arith.constant 0 : i32
      %dma_start3A_242 = tpu.memref_slice %arg5[%arg0, %mul3A_2, %dma_start3A_241] : memref<2x10112x128xf32, #tpu.memory_space<hbm>> -> memref<1x632x128xf32, #tpu.memory_space<hbm>>
      %dma_start3A_243 = tpu.memref_squeeze %dma_start3A_242 : memref<1x632x128xf32, #tpu.memory_space<hbm>> -> memref<632x128xf32, #tpu.memory_space<hbm>>
      %dma_start3A_244 = arith.constant 0 : i32
      %dma_start3A_245 = tpu.memref_slice %arg19[%mul3A_2, %dma_start3A_244] : memref<10112x128xf32, #tpu.memory_space<vmem_shared>> -> memref<632x128xf32, #tpu.memory_space<vmem_shared>>
      tpu.enqueue_dma source(%dma_start3A_245 : memref<632x128xf32, #tpu.memory_space<vmem_shared>>) target(%dma_start3A_243 : memref<632x128xf32, #tpu.memory_space<hbm>>) target_semaphore(%run_scoped3A : memref<!tpu.dma_semaphore, #tpu.memory_space<semaphore_mem>>)
      %dma_wait3A = arith.constant 0 : i32
      %dma_wait3A_246 = tpu.memref_slice %arg5[%arg0, %mul3A_2, %dma_wait3A] : memref<2x10112x128xf32, #tpu.memory_space<hbm>> -> memref<1x632x128xf32, #tpu.memory_space<hbm>>
      %dma_wait3A_247 = tpu.memref_squeeze %dma_wait3A_246 : memref<1x632x128xf32, #tpu.memory_space<hbm>> -> memref<632x128xf32, #tpu.memory_space<hbm>>
      %dma_wait3A_248 = arith.constant 0 : i32
      %dma_wait3A_249 = tpu.memref_slice %arg19[%mul3A_2, %dma_wait3A_248] : memref<10112x128xf32, #tpu.memory_space<vmem_shared>> -> memref<632x128xf32, #tpu.memory_space<vmem_shared>>
      tpu.wait_dma2 semaphore(%run_scoped3A : memref<!tpu.dma_semaphore, #tpu.memory_space<semaphore_mem>>) src(%dma_wait3A_249 : memref<632x128xf32, #tpu.memory_space<vmem_shared>>) dst(%dma_wait3A_247 : memref<632x128xf32, #tpu.memory_space<hbm>>)
      tpu.yield
    }) : () -> ()
    return
  }
}

module attributes {stable_mosaic.version = 14 : i64} {
  func.func @_mm_block(%arg0: i32, %arg1: memref<10000x128xf32, #tpu.memory_space<vmem>>, %arg2: memref<128x128xf32, #tpu.memory_space<vmem>>, %arg3: memref<10000x128xf32, #tpu.memory_space<vmem>>) attributes {dimension_semantics = [#tpu.dimension_semantics<arbitrary>], iteration_bounds = array<i64: 1>, scalar_prefetch = 0 : i64, scratch_operands = 0 : i64, tpu.core_type = #tpu.core_type<tc>, window_params = [{transform_indices = @transform_0, window_bounds = array<i64: 10000, 128>}, {pipeline_mode = #tpu.pipeline_mode<synchronous>, transform_indices = @transform_1, window_bounds = array<i64: 128, 128>}, {transform_indices = @transform_2, window_bounds = array<i64: 10000, 128>}]} {
    %get3A = arith.constant 0 : index
    %get3A_0 = arith.constant 0 : index
    %get3A_1 = vector.load %arg1[%get3A, %get3A_0] : memref<10000x128xf32, #tpu.memory_space<vmem>>, vector<10000x128xf32>
    %get3A_2 = arith.constant 0 : index
    %get3A_3 = arith.constant 0 : index
    %get3A_4 = vector.load %arg2[%get3A_2, %get3A_3] : memref<128x128xf32, #tpu.memory_space<vmem>>, vector<128x128xf32>
    %dot_general3A = arith.constant dense<0.000000e+00> : vector<10000x128xf32>
    %dot_general3A_5 = tpu.matmul %get3A_1, %get3A_4, %dot_general3A {dimension_numbers = #tpu.dot_dimension_numbers<[1], [0], [0], [1], [0, 0, 1, 1], [], []>, transpose_lhs_hint = false} : vector<10000x128xf32>, vector<128x128xf32>, vector<10000x128xf32> -> vector<10000x128xf32>
    %swap3A = arith.constant 0 : index
    %swap3A_6 = arith.constant 0 : index
    %swap3A_7 = vector.load %arg3[%swap3A, %swap3A_6] : memref<10000x128xf32, #tpu.memory_space<vmem>>, vector<10000x128xf32>
    tpu.vector_store %arg3[%swap3A, %swap3A_6], %dot_general3A_5 {strides = array<i32>} : memref<10000x128xf32, #tpu.memory_space<vmem>>, vector<10000x128xf32>,
    return
  }
  func.func @transform_0(%arg0: i32) -> (i32, i32) {
    %c0_i32 = arith.constant 0 : i32
    %c0_i32_0 = arith.constant 0 : i32
    return %arg0, %c0_i32 : i32, i32
  }
  func.func @transform_1(%arg0: i32) -> (i32, i32) {
    %c0_i32 = arith.constant 0 : i32
    %c0_i32_0 = arith.constant 0 : i32
    %c0_i32_1 = arith.constant 0 : i32
    return %c0_i32, %c0_i32_0 : i32, i32
  }
  func.func @transform_2(%arg0: i32) -> (i32, i32) {
    %c0_i32 = arith.constant 0 : i32
    %c0_i32_0 = arith.constant 0 : i32
    return %arg0, %c0_i32 : i32, i32
  }
}

module attributes {stable_mosaic.version = 14 : i64} {
  func.func @_addmm_block(%arg0: i32, %arg1: memref<2x10000x128xf32, #tpu.memory_space<vmem>>, %arg2: memref<128x40xf32, #tpu.memory_space<vmem>>, %arg3: memref<10000x40xf32, #tpu.memory_space<vmem>>) attributes {dimension_semantics = [#tpu.dimension_semantics<arbitrary>], iteration_bounds = array<i64: 1>, scalar_prefetch = 0 : i64, scratch_operands = 0 : i64, tpu.core_type = #tpu.core_type<tc>, window_params = [{transform_indices = @transform_0, window_bounds = array<i64: 2, 10000, 128>}, {pipeline_mode = #tpu.pipeline_mode<synchronous>, transform_indices = @transform_1, window_bounds = array<i64: 128, 40>}, {transform_indices = @transform_2, window_bounds = array<i64: 10000, 40>}]} {
    %get3A = arith.constant 0 : index
    %get3A_0 = arith.constant 0 : index
    %get3A_1 = arith.constant 0 : index
    %get3A_2 = vector.load %arg1[%get3A, %get3A_0, %get3A_1] : memref<2x10000x128xf32, #tpu.memory_space<vmem>>, vector<1x10000x128xf32>
    %get3A_3 = vector.shape_cast %get3A_2 : vector<1x10000x128xf32> to vector<10000x128xf32>
    %get3A_4 = arith.constant 1 : index
    %get3A_5 = arith.constant 0 : index
    %get3A_6 = arith.constant 0 : index
    %get3A_7 = vector.load %arg1[%get3A_4, %get3A_5, %get3A_6] : memref<2x10000x128xf32, #tpu.memory_space<vmem>>, vector<1x10000x128xf32>
    %get3A_8 = vector.shape_cast %get3A_7 : vector<1x10000x128xf32> to vector<10000x128xf32>
    %add3A = arith.addf %get3A_3, %get3A_8 : vector<10000x128xf32>
    %get3A_9 = arith.constant 0 : index
    %get3A_10 = arith.constant 0 : index
    %get3A_11 = vector.load %arg2[%get3A_9, %get3A_10] : memref<128x40xf32, #tpu.memory_space<vmem>>, vector<128x40xf32>
    %dot_general3A = arith.constant dense<0.000000e+00> : vector<10000x40xf32>
    %dot_general3A_12 = tpu.matmul %add3A, %get3A_11, %dot_general3A {dimension_numbers = #tpu.dot_dimension_numbers<[1], [0], [0], [1], [0, 0, 1, 1], [], []>, transpose_lhs_hint = false} : vector<10000x128xf32>, vector<128x40xf32>, vector<10000x40xf32> -> vector<10000x40xf32>
    %swap3A = arith.constant 0 : index
    %swap3A_13 = arith.constant 0 : index
    %swap3A_14 = vector.load %arg3[%swap3A, %swap3A_13] : memref<10000x40xf32, #tpu.memory_space<vmem>>, vector<10000x40xf32>
    tpu.vector_store %arg3[%swap3A, %swap3A_13], %dot_general3A_12 {strides = array<i32>} : memref<10000x40xf32, #tpu.memory_space<vmem>>, vector<10000x40xf32>,
    return
  }
  func.func @transform_0(%arg0: i32) -> (i32, i32, i32) {
    %c0_i32 = arith.constant 0 : i32
    %c0_i32_0 = arith.constant 0 : i32
    %c0_i32_1 = arith.constant 0 : i32
    return %c0_i32, %arg0, %c0_i32_0 : i32, i32, i32
  }
  func.func @transform_1(%arg0: i32) -> (i32, i32) {
    %c0_i32 = arith.constant 0 : i32
    %c0_i32_0 = arith.constant 0 : i32
    %c0_i32_1 = arith.constant 0 : i32
    return %c0_i32, %c0_i32_0 : i32, i32
  }
  func.func @transform_2(%arg0: i32) -> (i32, i32) {
    %c0_i32 = arith.constant 0 : i32
    %c0_i32_0 = arith.constant 0 : i32
    return %arg0, %c0_i32 : i32, i32
  }
}

module attributes {stable_mosaic.version = 14 : i64} {
  func.func @body(%arg0: memref<2x3200x128xf32, #tpu.memory_space<vmem>>, %arg1: memref<3200x128xf32, #tpu.memory_space<vmem>>) attributes {dimension_semantics = [], scalar_prefetch = 0 : i64, scratch_operands = 0 : i64, tpu.core_type = #tpu.core_type<tc>} {
    %get3A = arith.constant 0 : index
    %get3A_0 = arith.constant 0 : index
    %get3A_1 = arith.constant 0 : index
    %get3A_2 = vector.load %arg0[%get3A, %get3A_0, %get3A_1] : memref<2x3200x128xf32, #tpu.memory_space<vmem>>, vector<1x3200x128xf32>
    %get3A_3 = vector.shape_cast %get3A_2 : vector<1x3200x128xf32> to vector<3200x128xf32>
    %get3A_4 = arith.constant 1 : index
    %get3A_5 = arith.constant 0 : index
    %get3A_6 = arith.constant 0 : index
    %get3A_7 = vector.load %arg0[%get3A_4, %get3A_5, %get3A_6] : memref<2x3200x128xf32, #tpu.memory_space<vmem>>, vector<1x3200x128xf32>
    %get3A_8 = vector.shape_cast %get3A_7 : vector<1x3200x128xf32> to vector<3200x128xf32>
    %add3A = arith.addf %get3A_3, %get3A_8 : vector<3200x128xf32>
    %swap3A = arith.constant 0 : index
    %swap3A_9 = arith.constant 0 : index
    %swap3A_10 = vector.load %arg1[%swap3A, %swap3A_9] : memref<3200x128xf32, #tpu.memory_space<vmem>>, vector<3200x128xf32>
    tpu.vector_store %arg1[%swap3A, %swap3A_9], %add3A {strides = array<i32>} : memref<3200x128xf32, #tpu.memory_space<vmem>>, vector<3200x128xf32>,
    return
  }
}

</mosaic_0001>

<sc_bundles>
// kernel: kernel.11.cloned.1.call-start
scs
__scs_entry_jumppad:
0x0: {  	(pc) =	sbr.rel $0x88, $3  }
0x1: {  	(tag) =	ssettag $0x0;
	lr =	simm.s32 $0x1  }
0x2: {  	[smem:$0x3F9D] =	sst lr;
	_ =	strace $0xD0000000  }
0x3: {  	_ = 	snop  }
0x4: {  	_ = 	snop  }
0x5: {  	_ = 	snop  }
0x6: {  	_ = 	snop  }
0x7: {  	_ = 	snop  }
__scs_overlays_trampoline_lowered:
0x8: {  	[smem:$0x3FAC] =	sst s0  }
0x9: {  	[smem:$0x3FAD] =	sst s1  }
0xa: {  	[smem:$0x3FAE] =	sst s2  }
0xb: {  	[smem:$0x3FAF] =	sst s3  }
0xc: {  	[smem:$0x3FB0] =	sst s4  }
0xd: {  	[smem:$0x3FB1] =	sst s5  }
0xe: {  	[smem:$0x3FB2] =	sst s6  }
0xf: {  	[smem:$0x3FB3] =	sst s7  }
0x10: {  	[smem:$0x3FB4] =	sst s8  }
0x11: {  	[smem:$0x3FB5] =	sst s9;
	s0 =	simm.s32 @!p0 $0x0  }
0x12: {  	s1 =	sld [smem:$0x3F9B];
	s0 =	simm.s32 @p0 $0x1  }
0x13: {  	[smem:$0x3FB6] =	sst s0;
	s0 =	simm.s32 @!p1 $0x0  }
0x14: {  	s2 =	sld [smem:$0x3F9A];
	s0 =	simm.s32 @p1 $0x1  }
0x15: {  	[smem:$0x3FB7] =	sst s0;
	s0 =	simm.s32 @!p2 $0x0  }
0x16: {  	s3 =	sld [smem:$0x3FDB];
	s0 =	simm.s32 @p2 $0x1  }
0x17: {  	s4 =	simm.s32 $0x1BF5;
	[smem:$0x3FB9] =	sst s0  }
0x18: {  	s0 =	sld [smem:$0x3F9C];
	_ =	swait.ge [sflag:s4], $0x0  }
0x19: {  	s7 =	sld [smem:$0x3F9D]  }
0x1a: {  	s8 =	sadd.s32 $0xFFFFE003, lr  }
0x1b: {  	s9 =	sadd.s32 $0xFFFFFEF7, lr;
	s5 =	simm.s32 $0xFFFFFFFF;
	p2 =	slt.u32 s8, $0xFFFFF086  }
0x1c: {  	p1 =	slt.u32 s9, $0xF7A;
	s5 =	simm.s32 @!p2 $0x0  }
0x1d: {  	s5 =	simm.s32 @p1 $0x1;
	p0 =	seq.s32 s7, s2  }
0x1e: {  	s7 =	smul.u32 @!p0 $0xF7A, s2;
	p2 =	seq.s32 @!p0 s5, $0x0  }
0x1f: {  	s9 =	smul.u32 $0xF7A, s1;
	s8 =	simm.s32 @!p0 $0x1BF5;
	p2 =	por !p2, p0  }
0x20: {  	[sflag:s8] =	ssyncset.s32 @!p0 $0xFFFFF086;
	s6 =	sadd.s32 @!p0 s3, s7;
	s7 =	simm.s32 @!p0 $0x108  }
0x21: {  	s3 =	sadd.s32 s3, s9;
	s6 =	sadd.s32 @!p0 $0x88, s6;
	s7 =	simm.s32 @p2 $0x1082  }
0x22: {  	[simem:s7], [sflag:s8] =	dma.local @!p0 [hbm:s6], $0xF7A  }
0x23: {  	s9 =	sor.u32 $0xD0000000, s2;
	s6 =	simm.s32 $0x108;
	_ =	swait.ge @!p0 [sflag:s8], $0x0  }
0x24: {  	s3 =	sadd.s32 $0x88, s3;
	s6 =	simm.s32 @!p1 $0x1082;
	[sflag:s4] =	ssyncset.s32 $0xFFFFF086  }
0x25: {  	[simem:s6], [sflag:s4] =	dma.local [hbm:s3], $0xF7A  }
0x26: {  	[smem:$0x3F9D] =	sst s1;
	(tag) =	ssettag s2;
	_ =	strace s9  }
0x27: {  	s1 =	sld [smem:$0x3FAD]  }
0x28: {  	s2 =	sld [smem:$0x3FAE]  }
0x29: {  	s4 =	sld [smem:$0x3FB0]  }
0x2a: {  	p0 =	seq.s32 s5, $0x0;
	s5 =	sld [smem:$0x3FB1]  }
0x2b: {  	s6 =	sld [smem:$0x3FB2]  }
0x2c: {  	s7 =	sld [smem:$0x3FB3]  }
0x2d: {  	s3 =	simm.s32 $0x108;
	s8 =	sld [smem:$0x3FB4]  }
0x2e: {  	s3 =	simm.s32 @!p0 $0x1082;
	s9 =	sld [smem:$0x3FB5]  }
0x2f: {  	lr =	sadd.s32 s0, s3;
	s0 =	sld [smem:$0x3FAC]  }
0x30: {  	s3 =	sld [smem:$0x3FAF]  }
0x31: {  	[smem:$0x3FB8] =	sst s10  }
0x32: {  	s10 =	sld [smem:$0x3FB6];
	_ =	sdelay $0x3  }
0x33: {  	p0 =	seq.s32 s10, $0x1;
	s10 =	sld [smem:$0x3FB8];
	_ =	sdelay $0x3  }
0x34: {  	[smem:$0x3FB8] =	sst s10  }
0x35: {  	s10 =	sld [smem:$0x3FB7];
	_ =	sdelay $0x3  }
0x36: {  	p1 =	seq.s32 s10, $0x1;
	s10 =	sld [smem:$0x3FB8];
	_ =	sdelay $0x3  }
0x37: {  	[smem:$0x3FB8] =	sst s10  }
0x38: {  	s10 =	sld [smem:$0x3FB9]  }
0x39: {  	_ = 	snop;
	(pc) =	sbr.ind lr, $3  }
0x3a: {  	_ = 	snop  }
0x3b: {  	_ = 	snop  }
0x3c: {  	p2 =	seq.s32 s10, $0x1;
	s10 =	sld [smem:$0x3FB8]  }
0x3d: {  	_ =	shalt  }
0x3e: {  	_ =	shalt  }
0x3f: {  	_ =	shalt  }
0x40: {  	_ =	shalt  }
0x41: {  	_ =	shalt  }
0x42: {  	_ =	shalt  }
0x43: {  	_ =	shalt  }
0x44: {  	_ =	shalt  }
0x45: {  	_ =	shalt  }
0x46: {  	_ =	shalt  }
0x47: {  	_ =	shalt  }
0x48: {  	_ =	shalt  }
0x49: {  	_ =	shalt  }
0x4a: {  	_ =	shalt  }
0x4b: {  	_ =	shalt  }
0x4c: {  	_ =	shalt  }
0x4d: {  	_ =	shalt  }
0x4e: {  	_ =	shalt  }
0x4f: {  	_ =	shalt  }
0x50: {  	_ =	shalt  }
0x51: {  	_ =	shalt  }
0x52: {  	_ =	shalt  }
0x53: {  	_ =	shalt  }
0x54: {  	_ =	shalt  }
0x55: {  	_ =	shalt  }
0x56: {  	_ =	shalt  }
0x57: {  	_ =	shalt  }
0x58: {  	_ =	shalt  }
0x59: {  	_ =	shalt  }
0x5a: {  	_ =	shalt  }
0x5b: {  	_ =	shalt  }
0x5c: {  	_ =	shalt  }
0x5d: {  	_ =	shalt  }
0x5e: {  	_ =	shalt  }
0x5f: {  	_ =	shalt  }
0x60: {  	_ =	shalt  }
0x61: {  	_ =	shalt  }
0x62: {  	_ =	shalt  }
0x63: {  	_ =	shalt  }
0x64: {  	_ =	shalt  }
0x65: {  	_ =	shalt  }
0x66: {  	_ =	shalt  }
0x67: {  	_ =	shalt  }
0x68: {  	_ =	shalt  }
0x69: {  	_ =	shalt  }
0x6a: {  	_ =	shalt  }
0x6b: {  	_ =	shalt  }
0x6c: {  	_ =	shalt  }
0x6d: {  	_ =	shalt  }
0x6e: {  	_ =	shalt  }
0x6f: {  	_ =	shalt  }
0x70: {  	_ =	shalt  }
0x71: {  	_ =	shalt  }
0x72: {  	_ =	shalt  }
0x73: {  	_ =	shalt  }
0x74: {  	_ =	shalt  }
0x75: {  	_ =	shalt  }
0x76: {  	_ =	shalt  }
0x77: {  	_ =	shalt  }
0x78: {  	_ =	shalt  }
0x79: {  	_ =	shalt  }
0x7a: {  	_ =	shalt  }
0x7b: {  	_ =	shalt  }
0x7c: {  	_ =	shalt  }
0x7d: {  	_ =	shalt  }
0x7e: {  	_ =	shalt  }
0x7f: {  	_ =	shalt  }
0x80: {  	_ =	shalt  }
0x81: {  	_ =	shalt  }
0x82: {  	_ =	shalt  }
0x83: {  	_ =	shalt  }
0x84: {  	_ =	shalt  }
0x85: {  	_ =	shalt  }
0x86: {  	_ =	shalt  }
0x87: {  	_ =	shalt  }
.Lfunc_end0:
.L_simem_size_0:
called_computation.1_lowered:
.L_overlay_start_0:
0x88: {  	s2 =	sld [smem:$0x3FD9]  }
0x89: {  	s3 =	sld [smem:$0x3FFE];
	_ =	sdelay $0x1  }
0x8a: {  	s1 =	srdreg.scid  }
0x8b: {  	s0 =	sand.u32 $0x1, s1  }
0x8c: {  	s17 =	sshll.u32 s0, $0xA;
	s2 =	sadd.s32 s3, s2  }
0x8d: {  	s2 =	sadd.s32 s2, s17  }
0x8e: {  	[smem:$0x3FC4] =	sst s2  }
0x8f: {  	_ = 	snop  }
0x90: {  	s2 =	sld [smem:$0x3FD0];
	(tm) =	ssettm $0x1  }
0x91: {  	s18 =	sld [smem:$0x3FFB];
	_ =	sdelay $0x3  }
0x92: {  	_ =	strace s18  }
0x93: {  	s3 =	sld [smem:$0x3FFC];
	_ =	sdelay $0x3  }
0x94: {  	_ =	strace s3  }
0x95: {  	s3 =	sld [smem:$0x3FFD];
	_ =	sdelay $0x3  }
0x96: {  	_ =	strace s3  }
0x97: {  	_ =	strace $0x8FFFFFFF  }
0x98: {  	s19 =	sld [smem:$0x3FDB];
	_ =	sdelay $0x1  }
0x99: {  	s4 =	simm.s32 $_scs_section_size  }
0x9a: {  	s5 =	simm.s32 $_size__tile_overlayer_lowered;
	s6 =	simm.s32 $_tile_overlayer_lowered  }
0x9b: {  	s22 =	simm.s32 $0x1BFF;
	s21 =	sshll.u32 s6, $0x1;
	s3 =	sadd.s32 s4, s19  }
0x9c: {  	s7 =	simm.s32 $0x0;
	s20 =	sshll.u32 s5, $0x1;
	s5 =	sadd.s32 s21, s3  }
0x9d: {  	[timem:s7], [sflag:s22] =	dma.local [hbm:s5], s20  }
0x9e: {  	_ =	swait.ge [sflag:s22], s20  }
0x9f: {  	s4 =	ssub.s32 $0x0, s20;
	[sflag:s22] =	ssyncset.done $0x0  }
0xa0: {  	[sflag:s22] =	ssyncadd.s32 s4;
	_ =	sdelay $0x1  }
0xa1: {  	s23 =	simm.s32 $0x1B8B  }
0xa2: {  	_ =	swait.ge [sflag:s23], $0x1  }
0xa3: {  	[sflag:s23] =	ssyncset.done $0x0  }
0xa4: {  	s25 =	simm.s32 $0x1B8E;
	s24 =	sld [smem:$0x3FFE];
	[sflag:s23] =	ssyncadd.s32 $0xFFFFFFFF  }
0xa5: {  	s26 =	simm.s32 $execute0_lowered;
	[smem:$0x3FD2] =	sst s25  }
0xa6: {  	s5 =	sshll.u32 s26, $0x1;
	_ =	strace $0x80000049;
	[dreg:$0x1] =	wrdreg $0xFFFFFFFF  }
0xa7: {  	s28 =	simm.s32 $_size_execute0_lowered;
	s3 =	sadd.s32 s3, s5;
	[dreg:$0x0] =	wrdreg $0x0  }
0xa8: {  	s5 =	sshll.u32 s28, $0x1;
	[dreg:$0x2] =	wrdreg s3  }
0xa9: {  	[dreg:$0x3] =	wrdreg s5  }
0xaa: {  	[dreg:$0x4] =	wrdreg $0xC0  }
0xab: {  	_ =	task [dreg:s7], $0x5FFFF  }
0xac: {  	[dreg:$0x1] =	wrdreg $0xFFFFFFFF  }
0xad: {  	[dreg:$0x0] =	wrdreg $0x60  }
0xae: {  	[dreg:$0x2] =	wrdreg s24  }
0xaf: {  	[dreg:$0x3] =	wrdreg s2  }
0xb0: {  	[dreg:$0x4] =	wrdreg $0xAA000  }
0xb1: {  	[dreg:$0x5] =	wrdreg $0x9  }
0xb2: {  	_ =	task.clear_ibuf [dreg:s7], $0x6FFFF;
	_ =	strace $0x90000049  }
0xb3: {  	s29 =	simm.s32 $0x9;
	_ =	strace $0x8000004B  }
0xb4: {  	_ =	swait.ge [sflag:s29], $0x1  }
0xb5: {  	[sflag:s29] =	ssyncadd.s32 $0xFFFFFFFF  }
0xb6: {  	_ =	strace $0x9000004B  }
0xb7: {  	_ =	sfence  }
0xb8: {  	s30 =	sld [smem:$0x0];
	_ =	sdelay $0x2  }
0xb9: {  	s31 =	sshll.u32 s1, $0xD;
	s1 =	sshrl.u32 s1, $0x2  }
0xba: {  	s3 =	sand.u32 $0x4000, s31;
	s1 =	sadd.s32 s1, s30  }
0xbb: {  	s0 =	sor.u32 s3, s0;
	s1 =	sshll.u32 s1, $0x11  }
0xbc: {  	s0 =	sor.u32 s1, s0  }
0xbd: {  	s0 =	sadd.s32 $0x8F2B, s0  }
0xbe: {  	[sflag:s0] =	ssyncadd.remote.s32 $0x1  }
0xbf: {  	_ =	sfence.sel $0xFFFF  }
0xc0: {  	[dreg:$0x0] =	wrdreg $0xFFFFFFFF;
	(pc) =	sbr.abs _section_cstart, $3  }
0xc1: {  	[dreg:$0x1] =	wrdreg $0xFFFFFFFF  }
0xc2: {  	_ =	task.clear_ibuf [dreg:s7], $0x2FFFF;
	_ =	strace $0x9FFFFFFF  }
0xc3: {  	(tm) =	ssettm $0x7FFFFFFF  }
tec
execute0_lowered:
.L_overlay_start_1:
0x0: {  	(tag) =	ssettag $0x1  }
0x1: {  	s6 =	rddreg [dreg:$0x0]  }
0x2: {  	s1 =	rddreg [dreg:$0x1]  }
0x3: {  	s3 =	rddreg [dreg:$0x2]  }
0x4: {  	s0 =	rddreg [dreg:$0x3]  }
0x5: {  	s4 =	simm.s32 $0x0;
	s5 =	srdreg.scid;
	s2 =	stileid.u32  }
0x6: {  	s12 =	simm.s32 $0x2A00;
	s13 =	simm.s32 $0x2840;
	s14 =	simm.s32 $0x4A00  }
0x7: {  	s15 =	simm.s32 $0x2880;
	s16 =	simm.s32 $0x6A00;
	s19 =	simm.s32 $0x0  }
0x8: {  	s7 =	sand.u32 $0x1, s5;
	s31 =	sshll.u32 s2, $0x1;
	s8 =	smul.u32 $0x13C00, s2  }
0x9: {  	[smem:$0x7FF] =	sst s4;
	s17 =	sshll.u32 s2, $0x6;
	s5 =	sor.u32 s7, s31  }
0xa: {  	s9 =	smul.u32 $0x13C000, s7;
	_ =	strace $0x8000004A;
	s7 =	ssub.s32 $0x2, s7  }
0xb: {  	s17 =	sor.u32 $0x1C05, s17;
	s10 =	smul.u32 $0x500, s5;
	s5 =	sadd.s32 $0xBE00, s6  }
.Ltmp0:
0xc: {  	s11 =	sshrl.u32 s7, $0x1;
	s18 =	sadd.s32 s8, s3;
	(pc) =	sbr.rel .LBB2_1-.Ltmp0, $4  }
0xd: {  	s9 =	sadd.s32 s8, s9;
	s11 =	ssub.s32 s7, s11;
	s18 =	sshrl.u32 s18, $0x3  }
0xe: {  	s10 =	sadd.s32 s10, s6;
	s9 =	sshrl.u32 s9, $0x3;
	s8 =	smax.u32 s11, $0x1  }
0xf: {  	s11 =	simm.s32 $0x2800;
	s9 =	sadd.s32 s9, s6;
	s6 =	sadd.s32 $0x1E00, s10  }
0x10: {  	s10 =	simm.s32 $0x40;
	s7 =	sadd.s32 $0x33000, s9;
	s9 =	simm.s32 $0x5  }
.LBB2_10:
0x11: {  	s19 =	sadd.s32 $0x1, s19  }
0x12: {  	p0 =	sne.s32 s19, s8  }
.Ltmp1:
0x13: {  	[bflag:$0x0] =	sbarrier.arrive $0xFFFF;
	(pc) =	sbr.rel @!p0 .LBB2_11-.Ltmp1, $4  }
0x14: {  	[hbm:s7], [sflag:s17] =	dma.local [spmem:s18], $0x2780  }
0x15: {  	_ =	swait.ge [sflag:s9], $0x2780  }
0x16: {  	[sflag:s9] =	ssyncset.done $0x0  }
0x17: {  	[sflag:s9] =	ssyncadd.s32 $0xFFFFD880  }
.LBB2_1:
0x18: {  	[tilespmem:s4], [sflag:$0x5] =	stream.linear.gather [hbm4b:s6+s4], $0x2800, $0x38;
	[tilespmem:$0x1E600] =	vst v63  }
0x19: {  	_ =	swait.ge [sflag:s9], $0x2800  }
0x1a: {  	[sflag:s9] =	ssyncset.done $0x0  }
0x1b: {  	[sflag:s9] =	ssyncadd.s32 $0xFFFFD800  }
0x1c: {  	v0 =	vld [tilespmem:$0x0];
	_ =	sdelay $0x1  }
0x1d: {  	v1 =	vld [tilespmem:$0x10];
	_ =	sdelay $0x1  }
0x1e: {  	v2 =	vld [tilespmem:$0x20]  }
0x1f: {  	v3 =	vand.u32 $0xFFFF, v0  }
0x20: {  	v35 =	vld [tilespmem:$0x30];
	v0 =	vshrl.u32 v0, $0x10;
	[tilespmem:$0x2800] =	vst v3  }
0x21: {  	v36 =	vand.u32 $0xFFFF, v1;
	[tilespmem:$0x2900] =	vst v0  }
0x22: {  	v37 =	vshrl.u32 v1, $0x10;
	[tilespmem:$0x2810] =	vst v36  }
0x23: {  	v38 =	vand.u32 $0xFFFF, v2;
	[tilespmem:$0x2910] =	vst v37  }
0x24: {  	v39 =	vshrl.u32 v2, $0x10;
	[tilespmem:$0x2820] =	vst v38  }
0x25: {  	v40 =	vand.u32 $0xFFFF, v35;
	[tilespmem:$0x2920] =	vst v39  }
0x26: {  	v41 =	vshrl.u32 v35, $0x10;
	[tilespmem:$0x2830] =	vst v40  }
0x27: {  	[tilespmem:$0x2930] =	vst v41  }
0x28: {  	[tilespmem:s12], [sflag:$0x1] =	stream.indirect.gather [hbm4b:s5+s10], $0x80, s11, s10, $0xb8;
	[tilespmem:$0x1E600] =	vst v63  }
0x29: {  	v42 =	vld [tilespmem:$0x40];
	_ =	sdelay $0x1  }
0x2a: {  	v43 =	vld [tilespmem:$0x50];
	_ =	sdelay $0x1  }
0x2b: {  	v44 =	vld [tilespmem:$0x60]  }
0x2c: {  	v45 =	vand.u32 $0xFFFF, v42  }
0x2d: {  	v46 =	vld [tilespmem:$0x70];
	v0 =	vshrl.u32 v42, $0x10;
	[tilespmem:$0x2840] =	vst v45  }
0x2e: {  	v47 =	vand.u32 $0xFFFF, v43;
	[tilespmem:$0x2940] =	vst v0  }
0x2f: {  	v48 =	vshrl.u32 v43, $0x10;
	[tilespmem:$0x2850] =	vst v47  }
0x30: {  	v49 =	vand.u32 $0xFFFF, v44;
	[tilespmem:$0x2950] =	vst v48  }
0x31: {  	v50 =	vshrl.u32 v44, $0x10;
	[tilespmem:$0x2860] =	vst v49  }
0x32: {  	v51 =	vand.u32 $0xFFFF, v46;
	[tilespmem:$0x2960] =	vst v50  }
0x33: {  	v52 =	vshrl.u32 v46, $0x10;
	[tilespmem:$0x2870] =	vst v51  }
0x34: {  	[tilespmem:$0x2970] =	vst v52  }
0x35: {  	[tilespmem:s14], [sflag:$0x2] =	stream.indirect.gather [hbm4b:s5+s10], $0x80, s13, s10, $0xb8;
	[tilespmem:$0x1E600] =	vst v63  }
0x36: {  	v53 =	vld [tilespmem:$0x80];
	_ =	sdelay $0x1  }
0x37: {  	v54 =	vld [tilespmem:$0x90];
	_ =	sdelay $0x1  }
0x38: {  	v55 =	vld [tilespmem:$0xA0]  }
0x39: {  	v56 =	vand.u32 $0xFFFF, v53  }
0x3a: {  	v57 =	vld [tilespmem:$0xB0];
	v0 =	vshrl.u32 v53, $0x10;
	[tilespmem:$0x2880] =	vst v56  }
0x3b: {  	v58 =	vand.u32 $0xFFFF, v54;
	[tilespmem:$0x2980] =	vst v0  }
0x3c: {  	v59 =	vshrl.u32 v54, $0x10;
	[tilespmem:$0x2890] =	vst v58  }
0x3d: {  	v60 =	vand.u32 $0xFFFF, v55;
	[tilespmem:$0x2990] =	vst v59  }
0x3e: {  	v61 =	vshrl.u32 v55, $0x10;
	[tilespmem:$0x28A0] =	vst v60  }
0x3f: {  	v62 =	vand.u32 $0xFFFF, v57;
	[tilespmem:$0x29A0] =	vst v61  }
0x40: {  	v63 =	vshrl.u32 v57, $0x10;
	[tilespmem:$0x28B0] =	vst v62  }
0x41: {  	[tilespmem:$0x29B0] =	vst v63  }
0x42: {  	[tilespmem:s16], [sflag:$0x3] =	stream.indirect.gather [hbm4b:s5+s10], $0x80, s15, s10, $0xb8;
	[tilespmem:$0x1E600] =	vst v63  }
0x43: {  	[spmem:s18], [sflag:s17] =	dma.local [hbm:s1], $0x2780  }
.Ltmp2:
0x44: {  	_ =	swait.ge [sflag:s9], $0x2780;
	(pc) =	sbr.rel .LBB2_2-.Ltmp2, $4  }
0x45: {  	[sflag:s9] =	ssyncset.done $0x0  }
0x46: {  	[sflag:s9] =	ssyncadd.s32 $0xFFFFD880  }
0x47: {  	[bflag:$0x0] =	sbarrier.arrive $0xFFFF  }
0x48: {  	s20 =	simm.s32 $0x3;
	s21 =	simm.s32 $0xF0  }
.LBB2_3:
0x49: {  	v0 =	vld [tilespmem:s21+$0xFFFFFFD0];
	_ =	sdelay $0x4  }
0x4a: {  	v1 =	vand.u32 $0xFFFF, v0  }
0x4b: {  	v0 =	vshrl.u32 v0, $0x10;
	[tilespmem:$0x2800] =	vst v1  }
0x4c: {  	[tilespmem:$0x2900] =	vst v0  }
0x4d: {  	v0 =	vld [tilespmem:s21+$0xFFFFFFE0];
	_ =	sdelay $0x4  }
0x4e: {  	v61 =	vand.u32 $0xFFFF, v0  }
0x4f: {  	v0 =	vshrl.u32 v0, $0x10;
	[tilespmem:$0x2810] =	vst v61  }
0x50: {  	[tilespmem:$0x2910] =	vst v0  }
0x51: {  	v0 =	vld [tilespmem:s21+$0xFFFFFFF0];
	_ =	sdelay $0x4  }
0x52: {  	v62 =	vand.u32 $0xFFFF, v0  }
0x53: {  	v0 =	vshrl.u32 v0, $0x10;
	[tilespmem:$0x2820] =	vst v62  }
0x54: {  	[tilespmem:$0x2920] =	vst v0  }
0x55: {  	v0 =	vld [tilespmem:s21+$0x0];
	_ =	sdelay $0x4  }
0x56: {  	v63 =	vand.u32 $0xFFFF, v0  }
0x57: {  	v0 =	vshrl.u32 v0, $0x10;
	[tilespmem:$0x2830] =	vst v63  }
0x58: {  	[tilespmem:$0x2930] =	vst v0  }
0x59: {  	[tilespmem:s12], [sflag:$0x1] =	stream.indirect.gather [hbm4b:s5+s10], $0x80, s11, s10, $0xb8;
	[tilespmem:$0x1E600] =	vst v63  }
.LBB2_9:
0x5a: {  	s22 =	sand.u32 $0x3, s22  }
0x5b: {  	p0 =	sgt.s32 s22, $0x1  }
0x5c: {  	p2 =	seq.s32 @p0 s22, $0x2  }
0x5d: {  	p1 =	por !p2, !p0  }
0x5e: {  	s23 =	simm.s32 @!p1 $0x3  }
0x5f: {  	_ =	swait.ge @!p1 [sflag:s23], $0x2000  }
0x60: {  	p2 =	por p2, !p0;
	s24 =	simm.s32 @!p1 $0x2980;
	[sflag:s23] =	ssyncset.done @!p1 $0x0  }
0x61: {  	s25 =	simm.s32 @!p1 $0x6A00;
	[sflag:s23] =	ssyncadd.s32 @!p1 $0xFFFFE000;
	s23 =	simm.s32 @!p1 $0x40  }
0x62: {  	[spmem:s3] =	stream.indirect.scatter.add.f32 @!p1 [tilespmem:s25], [sflag:$0x6], $0x80, s24, s23, $0xb8;
	[tilespmem:$0x1E600] =	vst v63  }
0x63: {  	s23 =	simm.s32 @!p2 $0x4  }
0x64: {  	_ =	swait.ge @!p2 [sflag:s23], $0x2000  }
0x65: {  	p3 =	seq.s32 @!p0 s22, $0x0;
	s24 =	simm.s32 @!p2 $0x29C0;
	[sflag:s23] =	ssyncset.done @!p2 $0x0  }
0x66: {  	s25 =	simm.s32 @!p2 $0x8A00;
	[sflag:s23] =	ssyncadd.s32 @!p2 $0xFFFFE000;
	s23 =	simm.s32 @!p2 $0x40  }
0x67: {  	[spmem:s3] =	stream.indirect.scatter.add.f32 @!p2 [tilespmem:s25], [sflag:$0x5], $0x80, s24, s23, $0xb8;
	[tilespmem:$0x1E600] =	vst v63  }
0x68: {  	p2 =	por !p3, p0  }
0x69: {  	s22 =	simm.s32 @!p2 $0x1  }
0x6a: {  	_ =	swait.ge @!p2 [sflag:s22], $0x2000  }
0x6b: {  	p3 =	por p3, p0;
	s23 =	simm.s32 @!p2 $0x2900;
	[sflag:s22] =	ssyncset.done @!p2 $0x0  }
0x6c: {  	s24 =	simm.s32 @!p2 $0x2A00;
	[sflag:s22] =	ssyncadd.s32 @!p2 $0xFFFFE000;
	s22 =	simm.s32 @!p2 $0x40  }
0x6d: {  	[spmem:s3] =	stream.indirect.scatter.add.f32 @!p2 [tilespmem:s24], [sflag:$0x6], $0x80, s23, s22, $0xb8;
	[tilespmem:$0x1E600] =	vst v63  }
0x6e: {  	s22 =	simm.s32 @!p3 $0x2  }
0x6f: {  	_ =	swait.ge @!p3 [sflag:s22], $0x2000  }
0x70: {  	s23 =	simm.s32 @!p3 $0x2940;
	[sflag:s22] =	ssyncset.done @!p3 $0x0  }
0x71: {  	s24 =	simm.s32 @!p3 $0x4A00;
	[sflag:s22] =	ssyncadd.s32 @!p3 $0xFFFFE000;
	s22 =	simm.s32 @!p3 $0x40  }
0x72: {  	[spmem:s3] =	stream.indirect.scatter.add.f32 @!p3 [tilespmem:s24], [sflag:$0x6], $0x80, s23, s22, $0xb8;
	[tilespmem:$0x1E600] =	vst v63  }
0x73: {  	s23 =	simm.s32 @!p1 $0x6;
	s22 =	simm.s32 @!p2 $0x6  }
0x74: {  	s20 =	sadd.s32 $0x1, s20;
	s23 =	simm.s32 @p1 $0x5;
	s22 =	simm.s32 @p2 $0x6  }
0x75: {  	s22 =	smov.u32 @p0 s23;
	p0 =	sne.s32 s20, $0xA3  }
.Ltmp3:
0x76: {  	_ = 	snop;
	(pc) =	sbr.rel @!p0 .LBB2_10-.Ltmp3, $4  }
0x77: {  	_ = 	snop  }
0x78: {  	_ =	swait.ge [sflag:s22], $0x2000  }
0x79: {  	[sflag:s22] =	ssyncset.done $0x0  }
0x7a: {  	s21 =	sadd.s32 $0x40, s21;
	[sflag:s22] =	ssyncadd.s32 $0xFFFFE000  }
.LBB2_2:
0x7b: {  	s22 =	sadd.s32 $0xFFFFFFFD, s20  }
0x7c: {  	s23 =	sand.u32 $0x3, s20;
	p0 =	sgt.u32 s22, $0x9C  }
0x7d: {  	p1 =	sne.s32 @!p0 s23, $0x0  }
0x7e: {  	p1 =	por p0, p1  }
.Ltmp4:
0x7f: {  	_ = 	snop;
	(pc) =	sbr.rel @!p1 .LBB2_3-.Ltmp4, $1  }
0x80: {  	_ =	sdelay $0x3  }
0x81: {  	p1 =	sne.s32 @!p0 s23, $0x1  }
0x82: {  	p1 =	por p0, p1  }
.Ltmp5:
0x83: {  	_ = 	snop;
	(pc) =	sbr.rel @p1 .LBB2_6-.Ltmp5, $1  }
0x84: {  	_ =	sdelay $0x3  }
0x85: {  	v0 =	vld [tilespmem:s21+$0xFFFFFFD0];
	_ =	sdelay $0x4  }
0x86: {  	v1 =	vand.u32 $0xFFFF, v0  }
0x87: {  	v0 =	vshrl.u32 v0, $0x10;
	[tilespmem:$0x2840] =	vst v1  }
0x88: {  	[tilespmem:$0x2940] =	vst v0  }
0x89: {  	v0 =	vld [tilespmem:s21+$0xFFFFFFE0];
	_ =	sdelay $0x4  }
0x8a: {  	v61 =	vand.u32 $0xFFFF, v0  }
0x8b: {  	v0 =	vshrl.u32 v0, $0x10;
	[tilespmem:$0x2850] =	vst v61  }
0x8c: {  	[tilespmem:$0x2950] =	vst v0  }
0x8d: {  	v0 =	vld [tilespmem:s21+$0xFFFFFFF0];
	_ =	sdelay $0x4  }
0x8e: {  	v62 =	vand.u32 $0xFFFF, v0  }
0x8f: {  	v0 =	vshrl.u32 v0, $0x10;
	[tilespmem:$0x2860] =	vst v62  }
0x90: {  	[tilespmem:$0x2960] =	vst v0  }
0x91: {  	v0 =	vld [tilespmem:s21+$0x0];
	_ =	sdelay $0x3  }
.Ltmp6:
0x92: {  	_ = 	snop;
	(pc) =	sbr.rel .LBB2_9-.Ltmp6, $4  }
0x93: {  	v63 =	vand.u32 $0xFFFF, v0  }
0x94: {  	v0 =	vshrl.u32 v0, $0x10;
	[tilespmem:$0x2870] =	vst v63  }
0x95: {  	[tilespmem:$0x2970] =	vst v0  }
0x96: {  	[tilespmem:s14], [sflag:$0x2] =	stream.indirect.gather [hbm4b:s5+s10], $0x80, s13, s10, $0xb8;
	[tilespmem:$0x1E600] =	vst v63  }
.LBB2_6:
0x97: {  	p1 =	sne.s32 @!p0 s23, $0x2  }
0x98: {  	p1 =	por p0, p1  }
.Ltmp7:
0x99: {  	_ = 	snop;
	(pc) =	sbr.rel @p1 .LBB2_8-.Ltmp7, $1  }
0x9a: {  	_ =	sdelay $0x3  }
0x9b: {  	v0 =	vld [tilespmem:s21+$0xFFFFFFD0];
	_ =	sdelay $0x4  }
0x9c: {  	v1 =	vand.u32 $0xFFFF, v0  }
0x9d: {  	v0 =	vshrl.u32 v0, $0x10;
	[tilespmem:$0x2880] =	vst v1  }
0x9e: {  	[tilespmem:$0x2980] =	vst v0  }
0x9f: {  	v0 =	vld [tilespmem:s21+$0xFFFFFFE0];
	_ =	sdelay $0x4  }
0xa0: {  	v61 =	vand.u32 $0xFFFF, v0  }
0xa1: {  	v0 =	vshrl.u32 v0, $0x10;
	[tilespmem:$0x2890] =	vst v61  }
0xa2: {  	[tilespmem:$0x2990] =	vst v0  }
0xa3: {  	v0 =	vld [tilespmem:s21+$0xFFFFFFF0];
	_ =	sdelay $0x4  }
0xa4: {  	v62 =	vand.u32 $0xFFFF, v0  }
0xa5: {  	v0 =	vshrl.u32 v0, $0x10;
	[tilespmem:$0x28A0] =	vst v62  }
0xa6: {  	[tilespmem:$0x29A0] =	vst v0  }
0xa7: {  	v0 =	vld [tilespmem:s21+$0x0];
	_ =	sdelay $0x3  }
.Ltmp8:
0xa8: {  	_ = 	snop;
	(pc) =	sbr.rel .LBB2_9-.Ltmp8, $4  }
0xa9: {  	v63 =	vand.u32 $0xFFFF, v0  }
0xaa: {  	v0 =	vshrl.u32 v0, $0x10;
	[tilespmem:$0x28B0] =	vst v63  }
0xab: {  	[tilespmem:$0x29B0] =	vst v0  }
0xac: {  	[tilespmem:s16], [sflag:$0x3] =	stream.indirect.gather [hbm4b:s5+s10], $0x80, s15, s10, $0xb8;
	[tilespmem:$0x1E600] =	vst v63  }
.LBB2_8:
0xad: {  	p1 =	sne.s32 @!p0 s23, $0x3  }
0xae: {  	p0 =	por p1, p0  }
0xaf: {  	v0 =	vld @!p0 [tilespmem:s21+$0xFFFFFFD0];
	_ =	sdelay $0x4  }
0xb0: {  	v1 =	vand.u32 @!p0 $0xFFFF, v0  }
0xb1: {  	v0 =	vshrl.u32 @!p0 v0, $0x10;
	[tilespmem:$0x28C0] =	vst @!p0 v1  }
0xb2: {  	[tilespmem:$0x29C0] =	vst @!p0 v0  }
0xb3: {  	v0 =	vld @!p0 [tilespmem:s21+$0xFFFFFFE0];
	_ =	sdelay $0x4  }
0xb4: {  	v1 =	vand.u32 @!p0 $0xFFFF, v0  }
0xb5: {  	v0 =	vshrl.u32 @!p0 v0, $0x10;
	[tilespmem:$0x28D0] =	vst @!p0 v1  }
0xb6: {  	[tilespmem:$0x29D0] =	vst @!p0 v0  }
0xb7: {  	v0 =	vld @!p0 [tilespmem:s21+$0xFFFFFFF0];
	_ =	sdelay $0x4  }
0xb8: {  	v1 =	vand.u32 @!p0 $0xFFFF, v0  }
0xb9: {  	v0 =	vshrl.u32 @!p0 v0, $0x10;
	[tilespmem:$0x28E0] =	vst @!p0 v1  }
0xba: {  	[tilespmem:$0x29E0] =	vst @!p0 v0  }
0xbb: {  	v0 =	vld @!p0 [tilespmem:s21+$0x0];
	_ =	sdelay $0x3  }
.Ltmp9:
0xbc: {  	_ = 	snop;
	(pc) =	sbr.rel .LBB2_9-.Ltmp9, $4  }
0xbd: {  	v1 =	vand.u32 @!p0 $0xFFFF, v0  }
0xbe: {  	v0 =	vshrl.u32 @!p0 v0, $0x10;
	[tilespmem:$0x28F0] =	vst @!p0 v1  }
0xbf: {  	s23 =	simm.s32 @!p0 $0x40;
	s24 =	simm.s32 @!p0 $0x28C0;
	s25 =	simm.s32 @!p0 $0x8A00;
	[tilespmem:$0x29F0] =	vst @!p0 v0  }
0xc0: {  	[tilespmem:s25], [sflag:$0x4] =	stream.indirect.gather @!p0 [hbm4b:s5+s23], $0x80, s24, s23, $0xb8;
	[tilespmem:$0x1E600] =	vst v63  }
.LBB2_11:
0xc1: {  	_ =	sfence.sel $0x180000  }
0xc2: {  	[bflag:$0x0] =	sbarrier.arrive $0xFFFF  }
0xc3: {  	p0 =	sne.s32 s2, $0x0;
	_ =	strace $0x9000004A  }
0xc4: {  	s0 =	sadd.s32 @!p0 $0x100000, s0;
	[bflag:$0x2] =	sbarrier.arrive $0xFFFF  }
0xc5: {  	[sflag:s0] =	ssyncadd.tile.s32 @!p0 $0x1;
	_ =	shalt  }
.Lfunc_end2:
_tile_overlayer_lowered:
.L_overlay_start_2:
0xc6: {  	(tag) =	ssettag $0x2  }
0xc7: {  	s0 =	rddreg [dreg:$0x0];
	s2 =	stileid.u32  }
0xc8: {  	s1 =	rddreg [dreg:$0x1];
	p0 =	sne.s32 s2, $0x0  }
0xc9: {  	s3 =	rddreg [dreg:$0x2];
	[bflag:$0x3] =	sbarrier.arrive $0xFFFF;
	s2 =	simm.s32 @!p0 $0x1C05  }
0xca: {  	[timem:s3], [sflag:s2] =	dma.local @!p0 [hbm:s0], s1  }
0xcb: {  	s0 =	simm.s32 @!p0 $0x5  }
0xcc: {  	_ =	swait.ge @!p0 [sflag:s0], s1  }
0xcd: {  	s1 =	ssub.s32 @!p0 $0x0, s1;
	[sflag:s0] =	ssyncset.done @!p0 $0x0  }
0xce: {  	[sflag:s0] =	ssyncadd.s32 @!p0 s1  }
0xcf: {  	[bflag:$0x3] =	sbarrier.arrive $0xFFFF  }
0xd0: {  	_ =	shalt  }

// kernel: kernel.14.cloned.1.call-start
scs
__scs_entry_jumppad:
0x0: {  	(pc) =	sbr.rel $0x88, $3  }
0x1: {  	(tag) =	ssettag $0x0;
	lr =	simm.s32 $0x1  }
0x2: {  	[smem:$0x3F9D] =	sst lr;
	_ =	strace $0xD0000000  }
0x3: {  	_ = 	snop  }
0x4: {  	_ = 	snop  }
0x5: {  	_ = 	snop  }
0x6: {  	_ = 	snop  }
0x7: {  	_ = 	snop  }
__scs_overlays_trampoline_lowered:
0x8: {  	[smem:$0x3FAC] =	sst s0  }
0x9: {  	[smem:$0x3FAD] =	sst s1  }
0xa: {  	[smem:$0x3FAE] =	sst s2  }
0xb: {  	[smem:$0x3FAF] =	sst s3  }
0xc: {  	[smem:$0x3FB0] =	sst s4  }
0xd: {  	[smem:$0x3FB1] =	sst s5  }
0xe: {  	[smem:$0x3FB2] =	sst s6  }
0xf: {  	[smem:$0x3FB3] =	sst s7  }
0x10: {  	[smem:$0x3FB4] =	sst s8  }
0x11: {  	[smem:$0x3FB5] =	sst s9;
	s0 =	simm.s32 @!p0 $0x0  }
0x12: {  	s1 =	sld [smem:$0x3F9B];
	s0 =	simm.s32 @p0 $0x1  }
0x13: {  	[smem:$0x3FB6] =	sst s0;
	s0 =	simm.s32 @!p1 $0x0  }
0x14: {  	s2 =	sld [smem:$0x3F9A];
	s0 =	simm.s32 @p1 $0x1  }
0x15: {  	[smem:$0x3FB7] =	sst s0;
	s0 =	simm.s32 @!p2 $0x0  }
0x16: {  	s3 =	sld [smem:$0x3FDB];
	s0 =	simm.s32 @p2 $0x1  }
0x17: {  	s4 =	simm.s32 $0x1BF5;
	[smem:$0x3FB9] =	sst s0  }
0x18: {  	s0 =	sld [smem:$0x3F9C];
	_ =	swait.ge [sflag:s4], $0x0  }
0x19: {  	s7 =	sld [smem:$0x3F9D]  }
0x1a: {  	s8 =	sadd.s32 $0xFFFFE003, lr  }
0x1b: {  	s9 =	sadd.s32 $0xFFFFFEF7, lr;
	s5 =	simm.s32 $0xFFFFFFFF;
	p2 =	slt.u32 s8, $0xFFFFF086  }
0x1c: {  	p1 =	slt.u32 s9, $0xF7A;
	s5 =	simm.s32 @!p2 $0x0  }
0x1d: {  	s5 =	simm.s32 @p1 $0x1;
	p0 =	seq.s32 s7, s2  }
0x1e: {  	s7 =	smul.u32 @!p0 $0xF7A, s2;
	p2 =	seq.s32 @!p0 s5, $0x0  }
0x1f: {  	s9 =	smul.u32 $0xF7A, s1;
	s8 =	simm.s32 @!p0 $0x1BF5;
	p2 =	por !p2, p0  }
0x20: {  	[sflag:s8] =	ssyncset.s32 @!p0 $0xFFFFF086;
	s6 =	sadd.s32 @!p0 s3, s7;
	s7 =	simm.s32 @!p0 $0x108  }
0x21: {  	s3 =	sadd.s32 s3, s9;
	s6 =	sadd.s32 @!p0 $0x88, s6;
	s7 =	simm.s32 @p2 $0x1082  }
0x22: {  	[simem:s7], [sflag:s8] =	dma.local @!p0 [hbm:s6], $0xF7A  }
0x23: {  	s9 =	sor.u32 $0xD0000000, s2;
	s6 =	simm.s32 $0x108;
	_ =	swait.ge @!p0 [sflag:s8], $0x0  }
0x24: {  	s3 =	sadd.s32 $0x88, s3;
	s6 =	simm.s32 @!p1 $0x1082;
	[sflag:s4] =	ssyncset.s32 $0xFFFFF086  }
0x25: {  	[simem:s6], [sflag:s4] =	dma.local [hbm:s3], $0xF7A  }
0x26: {  	[smem:$0x3F9D] =	sst s1;
	(tag) =	ssettag s2;
	_ =	strace s9  }
0x27: {  	s1 =	sld [smem:$0x3FAD]  }
0x28: {  	s2 =	sld [smem:$0x3FAE]  }
0x29: {  	s4 =	sld [smem:$0x3FB0]  }
0x2a: {  	p0 =	seq.s32 s5, $0x0;
	s5 =	sld [smem:$0x3FB1]  }
0x2b: {  	s6 =	sld [smem:$0x3FB2]  }
0x2c: {  	s7 =	sld [smem:$0x3FB3]  }
0x2d: {  	s3 =	simm.s32 $0x108;
	s8 =	sld [smem:$0x3FB4]  }
0x2e: {  	s3 =	simm.s32 @!p0 $0x1082;
	s9 =	sld [smem:$0x3FB5]  }
0x2f: {  	lr =	sadd.s32 s0, s3;
	s0 =	sld [smem:$0x3FAC]  }
0x30: {  	s3 =	sld [smem:$0x3FAF]  }
0x31: {  	[smem:$0x3FB8] =	sst s10  }
0x32: {  	s10 =	sld [smem:$0x3FB6];
	_ =	sdelay $0x3  }
0x33: {  	p0 =	seq.s32 s10, $0x1;
	s10 =	sld [smem:$0x3FB8];
	_ =	sdelay $0x3  }
0x34: {  	[smem:$0x3FB8] =	sst s10  }
0x35: {  	s10 =	sld [smem:$0x3FB7];
	_ =	sdelay $0x3  }
0x36: {  	p1 =	seq.s32 s10, $0x1;
	s10 =	sld [smem:$0x3FB8];
	_ =	sdelay $0x3  }
0x37: {  	[smem:$0x3FB8] =	sst s10  }
0x38: {  	s10 =	sld [smem:$0x3FB9]  }
0x39: {  	_ = 	snop;
	(pc) =	sbr.ind lr, $3  }
0x3a: {  	_ = 	snop  }
0x3b: {  	_ = 	snop  }
0x3c: {  	p2 =	seq.s32 s10, $0x1;
	s10 =	sld [smem:$0x3FB8]  }
0x3d: {  	_ =	shalt  }
0x3e: {  	_ =	shalt  }
0x3f: {  	_ =	shalt  }
0x40: {  	_ =	shalt  }
0x41: {  	_ =	shalt  }
0x42: {  	_ =	shalt  }
0x43: {  	_ =	shalt  }
0x44: {  	_ =	shalt  }
0x45: {  	_ =	shalt  }
0x46: {  	_ =	shalt  }
0x47: {  	_ =	shalt  }
0x48: {  	_ =	shalt  }
0x49: {  	_ =	shalt  }
0x4a: {  	_ =	shalt  }
0x4b: {  	_ =	shalt  }
0x4c: {  	_ =	shalt  }
0x4d: {  	_ =	shalt  }
0x4e: {  	_ =	shalt  }
0x4f: {  	_ =	shalt  }
0x50: {  	_ =	shalt  }
0x51: {  	_ =	shalt  }
0x52: {  	_ =	shalt  }
0x53: {  	_ =	shalt  }
0x54: {  	_ =	shalt  }
0x55: {  	_ =	shalt  }
0x56: {  	_ =	shalt  }
0x57: {  	_ =	shalt  }
0x58: {  	_ =	shalt  }
0x59: {  	_ =	shalt  }
0x5a: {  	_ =	shalt  }
0x5b: {  	_ =	shalt  }
0x5c: {  	_ =	shalt  }
0x5d: {  	_ =	shalt  }
0x5e: {  	_ =	shalt  }
0x5f: {  	_ =	shalt  }
0x60: {  	_ =	shalt  }
0x61: {  	_ =	shalt  }
0x62: {  	_ =	shalt  }
0x63: {  	_ =	shalt  }
0x64: {  	_ =	shalt  }
0x65: {  	_ =	shalt  }
0x66: {  	_ =	shalt  }
0x67: {  	_ =	shalt  }
0x68: {  	_ =	shalt  }
0x69: {  	_ =	shalt  }
0x6a: {  	_ =	shalt  }
0x6b: {  	_ =	shalt  }
0x6c: {  	_ =	shalt  }
0x6d: {  	_ =	shalt  }
0x6e: {  	_ =	shalt  }
0x6f: {  	_ =	shalt  }
0x70: {  	_ =	shalt  }
0x71: {  	_ =	shalt  }
0x72: {  	_ =	shalt  }
0x73: {  	_ =	shalt  }
0x74: {  	_ =	shalt  }
0x75: {  	_ =	shalt  }
0x76: {  	_ =	shalt  }
0x77: {  	_ =	shalt  }
0x78: {  	_ =	shalt  }
0x79: {  	_ =	shalt  }
0x7a: {  	_ =	shalt  }
0x7b: {  	_ =	shalt  }
0x7c: {  	_ =	shalt  }
0x7d: {  	_ =	shalt  }
0x7e: {  	_ =	shalt  }
0x7f: {  	_ =	shalt  }
0x80: {  	_ =	shalt  }
0x81: {  	_ =	shalt  }
0x82: {  	_ =	shalt  }
0x83: {  	_ =	shalt  }
0x84: {  	_ =	shalt  }
0x85: {  	_ =	shalt  }
0x86: {  	_ =	shalt  }
0x87: {  	_ =	shalt  }
.Lfunc_end0:
.L_simem_size_0:
called_computation.2_lowered:
.L_overlay_start_0:
0x88: {  	s2 =	sld [smem:$0x3FD9]  }
0x89: {  	s3 =	sld [smem:$0x3FFE];
	_ =	sdelay $0x1  }
0x8a: {  	s1 =	srdreg.scid  }
0x8b: {  	s0 =	sand.u32 $0x1, s1  }
0x8c: {  	s17 =	sshll.u32 s0, $0xA;
	s2 =	sadd.s32 s3, s2  }
0x8d: {  	s2 =	sadd.s32 s2, s17  }
0x8e: {  	[smem:$0x3FC4] =	sst s2  }
0x8f: {  	_ = 	snop  }
0x90: {  	s2 =	sld [smem:$0x3FD0];
	(tm) =	ssettm $0x1  }
0x91: {  	s18 =	sld [smem:$0x3FFB];
	_ =	sdelay $0x3  }
0x92: {  	_ =	strace s18  }
0x93: {  	s3 =	sld [smem:$0x3FFC];
	_ =	sdelay $0x3  }
0x94: {  	_ =	strace s3  }
0x95: {  	s3 =	sld [smem:$0x3FFD];
	_ =	sdelay $0x3  }
0x96: {  	_ =	strace s3  }
0x97: {  	_ =	strace $0x8FFFFFFF  }
0x98: {  	s19 =	sld [smem:$0x3FDB];
	_ =	sdelay $0x1  }
0x99: {  	s4 =	simm.s32 $_scs_section_size  }
0x9a: {  	s5 =	simm.s32 $_size__tile_overlayer_lowered;
	s6 =	simm.s32 $_tile_overlayer_lowered  }
0x9b: {  	s22 =	simm.s32 $0x1BFF;
	s21 =	sshll.u32 s6, $0x1;
	s3 =	sadd.s32 s4, s19  }
0x9c: {  	s7 =	simm.s32 $0x0;
	s20 =	sshll.u32 s5, $0x1;
	s5 =	sadd.s32 s21, s3  }
0x9d: {  	[timem:s7], [sflag:s22] =	dma.local [hbm:s5], s20  }
0x9e: {  	_ =	swait.ge [sflag:s22], s20  }
0x9f: {  	s4 =	ssub.s32 $0x0, s20;
	[sflag:s22] =	ssyncset.done $0x0  }
0xa0: {  	[sflag:s22] =	ssyncadd.s32 s4;
	_ =	sdelay $0x1  }
0xa1: {  	s23 =	simm.s32 $0x1B8B  }
0xa2: {  	_ =	swait.ge [sflag:s23], $0x1  }
0xa3: {  	[sflag:s23] =	ssyncset.done $0x0  }
0xa4: {  	s25 =	simm.s32 $0x1B8E;
	s24 =	sld [smem:$0x3FFE];
	[sflag:s23] =	ssyncadd.s32 $0xFFFFFFFF  }
0xa5: {  	s26 =	simm.s32 $execute0_lowered;
	[smem:$0x3FD2] =	sst s25  }
0xa6: {  	s5 =	sshll.u32 s26, $0x1;
	_ =	strace $0x8000004C;
	[dreg:$0x1] =	wrdreg $0xFFFFFFFF  }
0xa7: {  	s28 =	simm.s32 $_size_execute0_lowered;
	s3 =	sadd.s32 s3, s5;
	[dreg:$0x0] =	wrdreg $0x0  }
0xa8: {  	s5 =	sshll.u32 s28, $0x1;
	[dreg:$0x2] =	wrdreg s3  }
0xa9: {  	[dreg:$0x3] =	wrdreg s5  }
0xaa: {  	[dreg:$0x4] =	wrdreg $0xC0  }
0xab: {  	_ =	task [dreg:s7], $0x5FFFF  }
0xac: {  	[dreg:$0x1] =	wrdreg $0xFFFFFFFF  }
0xad: {  	[dreg:$0x0] =	wrdreg $0x60  }
0xae: {  	[dreg:$0x2] =	wrdreg s2  }
0xaf: {  	[dreg:$0x3] =	wrdreg s24  }
0xb0: {  	[dreg:$0x4] =	wrdreg $0xD0000  }
0xb1: {  	[dreg:$0x5] =	wrdreg $0x9  }
0xb2: {  	_ =	task.clear_ibuf [dreg:s7], $0x6FFFF;
	_ =	strace $0x9000004C  }
0xb3: {  	s29 =	simm.s32 $0x9;
	_ =	strace $0x8000004E  }
0xb4: {  	_ =	swait.ge [sflag:s29], $0x1  }
0xb5: {  	[sflag:s29] =	ssyncadd.s32 $0xFFFFFFFF  }
0xb6: {  	_ =	strace $0x9000004E  }
0xb7: {  	_ =	sfence  }
0xb8: {  	s30 =	sld [smem:$0x0];
	_ =	sdelay $0x2  }
0xb9: {  	s31 =	sshll.u32 s1, $0xD;
	s1 =	sshrl.u32 s1, $0x2  }
0xba: {  	s3 =	sand.u32 $0x4000, s31;
	s1 =	sadd.s32 s1, s30  }
0xbb: {  	s0 =	sor.u32 s3, s0;
	s1 =	sshll.u32 s1, $0x11  }
0xbc: {  	s0 =	sor.u32 s1, s0  }
0xbd: {  	s0 =	sadd.s32 $0x8F2B, s0  }
0xbe: {  	[sflag:s0] =	ssyncadd.remote.s32 $0x1  }
0xbf: {  	_ =	sfence.sel $0xFFFF  }
0xc0: {  	[dreg:$0x0] =	wrdreg $0xFFFFFFFF;
	(pc) =	sbr.abs _section_cstart, $3  }
0xc1: {  	[dreg:$0x1] =	wrdreg $0xFFFFFFFF  }
0xc2: {  	_ =	task.clear_ibuf [dreg:s7], $0x2FFFF;
	_ =	strace $0x9FFFFFFF  }
0xc3: {  	(tm) =	ssettm $0x7FFFFFFF  }
tec
execute0_lowered:
.L_overlay_start_1:
0x0: {  	(tag) =	ssettag $0x1  }
0x1: {  	s1 =	rddreg [dreg:$0x0]  }
0x2: {  	s0 =	rddreg [dreg:$0x1]  }
0x3: {  	s3 =	rddreg [dreg:$0x2]  }
0x4: {  	s2 =	srdreg.scid;
	s4 =	stileid.u32;
	s8 =	simm.s32 $0x0  }
0x5: {  	s10 =	simm.s32 $0x9;
	s11 =	simm.s32 $0x80;
	s12 =	simm.s32 $0x2800  }
0x6: {  	s13 =	simm.s32 $0x3000;
	s14 =	simm.s32 $0x2880;
	s15 =	simm.s32 $0x4400  }
0x7: {  	s16 =	simm.s32 $0x2900;
	s17 =	simm.s32 $0x5800;
	s18 =	simm.s32 $0x2980  }
0x8: {  	s19 =	simm.s32 $0x6C00;
	s20 =	simm.s32 $0x2A00;
	s21 =	simm.s32 $0x8000  }
0x9: {  	s22 =	simm.s32 $0x2A80;
	s23 =	simm.s32 $0x9400;
	s26 =	simm.s32 $0xA800  }
0xa: {  	s28 =	simm.s32 $0x0;
	s2 =	sand.u32 $0x1, s2;
	s5 =	sshll.u32 s4, $0x1  }
0xb: {  	s7 =	smul.u32 $0x6400, s4;
	[smem:$0x7FF] =	sst s8;
	s31 =	sshll.u32 s4, $0x6  }
0xc: {  	s5 =	sor.u32 s2, s5;
	s6 =	smul.u32 $0x64000, s2;
	_ =	strace $0x8000004D  }
.Ltmp0:
0xd: {  	s2 =	ssub.s32 $0x2, s2;
	s25 =	sor.u32 $0x1C09, s31;
	(pc) =	sbr.rel .LBB2_1-.Ltmp0, $4  }
0xe: {  	s5 =	smul.u32 $0x500, s5;
	s30 =	sshrl.u32 s2, $0x1;
	s6 =	sadd.s32 s7, s6  }
0xf: {  	s2 =	ssub.s32 s2, s30;
	s7 =	sadd.s32 s7, s3;
	s6 =	sshrl.u32 s6, $0x3  }
0x10: {  	s29 =	sadd.s32 s5, s0;
	s5 =	sadd.s32 $0xBE00, s0;
	s0 =	sadd.s32 s6, s0  }
0x11: {  	s9 =	smax.u32 s2, $0x1;
	s6 =	sadd.s32 $0x1E00, s29;
	s8 =	sadd.s32 $0xCC00, s0  }
.LBB2_21:
0x12: {  	s28 =	sadd.s32 $0x1, s28  }
0x13: {  	p0 =	sne.s32 s28, s9  }
.Ltmp1:
0x14: {  	[bflag:$0x0] =	sbarrier.arrive $0xFFFF;
	(pc) =	sbr.rel @!p0 .LBB2_22-.Ltmp1, $4  }
0x15: {  	[hbm:s8], [sflag:s25] =	dma.local [spmem:s29], $0xC80  }
0x16: {  	_ =	swait.ge [sflag:s10], $0xC80  }
0x17: {  	[sflag:s10] =	ssyncset.done $0x0  }
0x18: {  	[sflag:s10] =	ssyncadd.s32 $0xFFFFF380  }
.LBB2_1:
0x19: {  	s0 =	simm.s32 $0x0  }
0x1a: {  	[tilespmem:s0], [sflag:$0x9] =	stream.linear.gather [hbm4b:s6+s0], $0x2800, $0x38;
	[tilespmem:$0x13400] =	vst v63  }
0x1b: {  	_ =	swait.ge [sflag:s10], $0x2800  }
0x1c: {  	[sflag:s10] =	ssyncset.done $0x0  }
0x1d: {  	[sflag:s10] =	ssyncadd.s32 $0xFFFFD800  }
0x1e: {  	v0 =	vld [tilespmem:$0x0];
	_ =	sdelay $0x1  }
0x1f: {  	v1 =	vld [tilespmem:$0x10];
	_ =	sdelay $0x1  }
0x20: {  	v2 =	vld [tilespmem:$0x20]  }
0x21: {  	v3 =	vand.u32 $0xFFFF, v0  }
0x22: {  	v25 =	vld [tilespmem:$0x30];
	v0 =	vshrl.u32 v0, $0x10;
	[tilespmem:$0x2800] =	vst v3  }
0x23: {  	v26 =	vand.u32 $0xFFFF, v1;
	[tilespmem:$0x2C00] =	vst v0  }
0x24: {  	v28 =	vld [tilespmem:$0x40];
	v27 =	vshrl.u32 v1, $0x10;
	[tilespmem:$0x2810] =	vst v26  }
0x25: {  	v29 =	vand.u32 $0xFFFF, v2;
	[tilespmem:$0x2C10] =	vst v27  }
0x26: {  	v31 =	vld [tilespmem:$0x50];
	v30 =	vshrl.u32 v2, $0x10;
	[tilespmem:$0x2820] =	vst v29  }
0x27: {  	v32 =	vand.u32 $0xFFFF, v25;
	[tilespmem:$0x2C20] =	vst v30  }
0x28: {  	v34 =	vld [tilespmem:$0x60];
	v33 =	vshrl.u32 v25, $0x10;
	[tilespmem:$0x2830] =	vst v32  }
0x29: {  	v35 =	vand.u32 $0xFFFF, v28;
	[tilespmem:$0x2C30] =	vst v33  }
0x2a: {  	v37 =	vld [tilespmem:$0x70];
	v36 =	vshrl.u32 v28, $0x10;
	[tilespmem:$0x2840] =	vst v35  }
0x2b: {  	v38 =	vand.u32 $0xFFFF, v31;
	[tilespmem:$0x2C40] =	vst v36  }
0x2c: {  	v39 =	vshrl.u32 v31, $0x10;
	[tilespmem:$0x2850] =	vst v38  }
0x2d: {  	v40 =	vand.u32 $0xFFFF, v34;
	[tilespmem:$0x2C50] =	vst v39  }
0x2e: {  	v41 =	vshrl.u32 v34, $0x10;
	[tilespmem:$0x2860] =	vst v40  }
0x2f: {  	v42 =	vand.u32 $0xFFFF, v37;
	[tilespmem:$0x2C60] =	vst v41  }
0x30: {  	v43 =	vshrl.u32 v37, $0x10;
	[tilespmem:$0x2870] =	vst v42  }
0x31: {  	[tilespmem:$0x2C70] =	vst v43  }
0x32: {  	[tilespmem:s13], [sflag:$0x1] =	stream.indirect.gather [hbm4b:s1+s11], $0x28, s12, s11, $0xb8;
	[tilespmem:$0x13400] =	vst v63  }
0x33: {  	v44 =	vld [tilespmem:$0x80];
	_ =	sdelay $0x1  }
0x34: {  	v45 =	vld [tilespmem:$0x90];
	_ =	sdelay $0x1  }
0x35: {  	v46 =	vld [tilespmem:$0xA0]  }
0x36: {  	v47 =	vand.u32 $0xFFFF, v44  }
0x37: {  	v48 =	vld [tilespmem:$0xB0];
	v0 =	vshrl.u32 v44, $0x10;
	[tilespmem:$0x2880] =	vst v47  }
0x38: {  	v49 =	vand.u32 $0xFFFF, v45;
	[tilespmem:$0x2C80] =	vst v0  }
0x39: {  	v51 =	vld [tilespmem:$0xC0];
	v50 =	vshrl.u32 v45, $0x10;
	[tilespmem:$0x2890] =	vst v49  }
0x3a: {  	v52 =	vand.u32 $0xFFFF, v46;
	[tilespmem:$0x2C90] =	vst v50  }
0x3b: {  	v54 =	vld [tilespmem:$0xD0];
	v53 =	vshrl.u32 v46, $0x10;
	[tilespmem:$0x28A0] =	vst v52  }
0x3c: {  	v55 =	vand.u32 $0xFFFF, v48;
	[tilespmem:$0x2CA0] =	vst v53  }
0x3d: {  	v57 =	vld [tilespmem:$0xE0];
	v56 =	vshrl.u32 v48, $0x10;
	[tilespmem:$0x28B0] =	vst v55  }
0x3e: {  	v58 =	vand.u32 $0xFFFF, v51;
	[tilespmem:$0x2CB0] =	vst v56  }
0x3f: {  	v60 =	vld [tilespmem:$0xF0];
	v59 =	vshrl.u32 v51, $0x10;
	[tilespmem:$0x28C0] =	vst v58  }
0x40: {  	v61 =	vand.u32 $0xFFFF, v54;
	[tilespmem:$0x2CC0] =	vst v59  }
0x41: {  	v62 =	vshrl.u32 v54, $0x10;
	[tilespmem:$0x28D0] =	vst v61  }
0x42: {  	v63 =	vand.u32 $0xFFFF, v57;
	[tilespmem:$0x2CD0] =	vst v62  }
0x43: {  	v4 =	vshrl.u32 v57, $0x10;
	[tilespmem:$0x28E0] =	vst v63  }
0x44: {  	v5 =	vand.u32 $0xFFFF, v60;
	[tilespmem:$0x2CE0] =	vst v4  }
0x45: {  	v6 =	vshrl.u32 v60, $0x10;
	[tilespmem:$0x28F0] =	vst v5  }
0x46: {  	[tilespmem:$0x2CF0] =	vst v6  }
0x47: {  	[tilespmem:s15], [sflag:$0x2] =	stream.indirect.gather [hbm4b:s1+s11], $0x28, s14, s11, $0xb8;
	[tilespmem:$0x13400] =	vst v63  }
0x48: {  	v7 =	vld [tilespmem:$0x100];
	_ =	sdelay $0x1  }
0x49: {  	v8 =	vld [tilespmem:$0x110];
	_ =	sdelay $0x1  }
0x4a: {  	v9 =	vld [tilespmem:$0x120]  }
0x4b: {  	v10 =	vand.u32 $0xFFFF, v7  }
0x4c: {  	v11 =	vld [tilespmem:$0x130];
	v0 =	vshrl.u32 v7, $0x10;
	[tilespmem:$0x2900] =	vst v10  }
0x4d: {  	v12 =	vand.u32 $0xFFFF, v8;
	[tilespmem:$0x2D00] =	vst v0  }
0x4e: {  	v14 =	vld [tilespmem:$0x140];
	v13 =	vshrl.u32 v8, $0x10;
	[tilespmem:$0x2910] =	vst v12  }
0x4f: {  	v15 =	vand.u32 $0xFFFF, v9;
	[tilespmem:$0x2D10] =	vst v13  }
0x50: {  	v17 =	vld [tilespmem:$0x150];
	v16 =	vshrl.u32 v9, $0x10;
	[tilespmem:$0x2920] =	vst v15  }
0x51: {  	v18 =	vand.u32 $0xFFFF, v11;
	[tilespmem:$0x2D20] =	vst v16  }
0x52: {  	v20 =	vld [tilespmem:$0x160];
	v19 =	vshrl.u32 v11, $0x10;
	[tilespmem:$0x2930] =	vst v18  }
0x53: {  	v21 =	vand.u32 $0xFFFF, v14;
	[tilespmem:$0x2D30] =	vst v19  }
0x54: {  	v23 =	vld [tilespmem:$0x170];
	v22 =	vshrl.u32 v14, $0x10;
	[tilespmem:$0x2940] =	vst v21  }
0x55: {  	v24 =	vand.u32 $0xFFFF, v17;
	[tilespmem:$0x2D40] =	vst v22  }
0x56: {  	v25 =	vshrl.u32 v17, $0x10;
	[tilespmem:$0x2950] =	vst v24  }
0x57: {  	v26 =	vand.u32 $0xFFFF, v20;
	[tilespmem:$0x2D50] =	vst v25  }
0x58: {  	v27 =	vshrl.u32 v20, $0x10;
	[tilespmem:$0x2960] =	vst v26  }
0x59: {  	v28 =	vand.u32 $0xFFFF, v23;
	[tilespmem:$0x2D60] =	vst v27  }
0x5a: {  	v29 =	vshrl.u32 v23, $0x10;
	[tilespmem:$0x2970] =	vst v28  }
0x5b: {  	[tilespmem:$0x2D70] =	vst v29  }
0x5c: {  	[tilespmem:s17], [sflag:$0x3] =	stream.indirect.gather [hbm4b:s1+s11], $0x28, s16, s11, $0xb8;
	[tilespmem:$0x13400] =	vst v63  }
0x5d: {  	v30 =	vld [tilespmem:$0x180];
	_ =	sdelay $0x1  }
0x5e: {  	v31 =	vld [tilespmem:$0x190];
	_ =	sdelay $0x1  }
0x5f: {  	v32 =	vld [tilespmem:$0x1A0]  }
0x60: {  	v33 =	vand.u32 $0xFFFF, v30  }
0x61: {  	v34 =	vld [tilespmem:$0x1B0];
	v0 =	vshrl.u32 v30, $0x10;
	[tilespmem:$0x2980] =	vst v33  }
0x62: {  	v35 =	vand.u32 $0xFFFF, v31;
	[tilespmem:$0x2D80] =	vst v0  }
0x63: {  	v37 =	vld [tilespmem:$0x1C0];
	v36 =	vshrl.u32 v31, $0x10;
	[tilespmem:$0x2990] =	vst v35  }
0x64: {  	v38 =	vand.u32 $0xFFFF, v32;
	[tilespmem:$0x2D90] =	vst v36  }
0x65: {  	v40 =	vld [tilespmem:$0x1D0];
	v39 =	vshrl.u32 v32, $0x10;
	[tilespmem:$0x29A0] =	vst v38  }
0x66: {  	v41 =	vand.u32 $0xFFFF, v34;
	[tilespmem:$0x2DA0] =	vst v39  }
0x67: {  	v43 =	vld [tilespmem:$0x1E0];
	v42 =	vshrl.u32 v34, $0x10;
	[tilespmem:$0x29B0] =	vst v41  }
0x68: {  	v44 =	vand.u32 $0xFFFF, v37;
	[tilespmem:$0x2DB0] =	vst v42  }
0x69: {  	v46 =	vld [tilespmem:$0x1F0];
	v45 =	vshrl.u32 v37, $0x10;
	[tilespmem:$0x29C0] =	vst v44  }
0x6a: {  	v47 =	vand.u32 $0xFFFF, v40;
	[tilespmem:$0x2DC0] =	vst v45  }
0x6b: {  	v48 =	vshrl.u32 v40, $0x10;
	[tilespmem:$0x29D0] =	vst v47  }
0x6c: {  	v49 =	vand.u32 $0xFFFF, v43;
	[tilespmem:$0x2DD0] =	vst v48  }
0x6d: {  	v50 =	vshrl.u32 v43, $0x10;
	[tilespmem:$0x29E0] =	vst v49  }
0x6e: {  	v51 =	vand.u32 $0xFFFF, v46;
	[tilespmem:$0x2DE0] =	vst v50  }
0x6f: {  	v52 =	vshrl.u32 v46, $0x10;
	[tilespmem:$0x29F0] =	vst v51  }
0x70: {  	[tilespmem:$0x2DF0] =	vst v52  }
0x71: {  	[tilespmem:s19], [sflag:$0x4] =	stream.indirect.gather [hbm4b:s1+s11], $0x28, s18, s11, $0xb8;
	[tilespmem:$0x13400] =	vst v63  }
0x72: {  	v53 =	vld [tilespmem:$0x200];
	_ =	sdelay $0x1  }
0x73: {  	v54 =	vld [tilespmem:$0x210];
	_ =	sdelay $0x1  }
0x74: {  	v55 =	vld [tilespmem:$0x220]  }
0x75: {  	v56 =	vand.u32 $0xFFFF, v53  }
0x76: {  	v57 =	vld [tilespmem:$0x230];
	v0 =	vshrl.u32 v53, $0x10;
	[tilespmem:$0x2A00] =	vst v56  }
0x77: {  	v58 =	vand.u32 $0xFFFF, v54;
	[tilespmem:$0x2E00] =	vst v0  }
0x78: {  	v60 =	vld [tilespmem:$0x240];
	v59 =	vshrl.u32 v54, $0x10;
	[tilespmem:$0x2A10] =	vst v58  }
0x79: {  	v61 =	vand.u32 $0xFFFF, v55;
	[tilespmem:$0x2E10] =	vst v59  }
0x7a: {  	v63 =	vld [tilespmem:$0x250];
	v62 =	vshrl.u32 v55, $0x10;
	[tilespmem:$0x2A20] =	vst v61  }
0x7b: {  	v6 =	vand.u32 $0xFFFF, v57;
	[tilespmem:$0x2E20] =	vst v62  }
0x7c: {  	v8 =	vld [tilespmem:$0x260];
	v7 =	vshrl.u32 v57, $0x10;
	[tilespmem:$0x2A30] =	vst v6  }
0x7d: {  	v9 =	vand.u32 $0xFFFF, v60;
	[tilespmem:$0x2E30] =	vst v7  }
0x7e: {  	v11 =	vld [tilespmem:$0x270];
	v10 =	vshrl.u32 v60, $0x10;
	[tilespmem:$0x2A40] =	vst v9  }
0x7f: {  	v12 =	vand.u32 $0xFFFF, v63;
	[tilespmem:$0x2E40] =	vst v10  }
0x80: {  	v13 =	vshrl.u32 v63, $0x10;
	[tilespmem:$0x2A50] =	vst v12  }
0x81: {  	v14 =	vand.u32 $0xFFFF, v8;
	[tilespmem:$0x2E50] =	vst v13  }
0x82: {  	v15 =	vshrl.u32 v8, $0x10;
	[tilespmem:$0x2A60] =	vst v14  }
0x83: {  	v16 =	vand.u32 $0xFFFF, v11;
	[tilespmem:$0x2E60] =	vst v15  }
0x84: {  	v17 =	vshrl.u32 v11, $0x10;
	[tilespmem:$0x2A70] =	vst v16  }
0x85: {  	[tilespmem:$0x2E70] =	vst v17  }
0x86: {  	[tilespmem:s21], [sflag:$0x5] =	stream.indirect.gather [hbm4b:s1+s11], $0x28, s20, s11, $0xb8;
	[tilespmem:$0x13400] =	vst v63  }
0x87: {  	v18 =	vld [tilespmem:$0x280];
	_ =	sdelay $0x1  }
0x88: {  	v19 =	vld [tilespmem:$0x290];
	_ =	sdelay $0x1  }
0x89: {  	v20 =	vld [tilespmem:$0x2A0]  }
0x8a: {  	v21 =	vand.u32 $0xFFFF, v18  }
0x8b: {  	v22 =	vld [tilespmem:$0x2B0];
	v0 =	vshrl.u32 v18, $0x10;
	[tilespmem:$0x2A80] =	vst v21  }
0x8c: {  	v23 =	vand.u32 $0xFFFF, v19;
	[tilespmem:$0x2E80] =	vst v0  }
0x8d: {  	v25 =	vld [tilespmem:$0x2C0];
	v24 =	vshrl.u32 v19, $0x10;
	[tilespmem:$0x2A90] =	vst v23  }
0x8e: {  	v26 =	vand.u32 $0xFFFF, v20;
	[tilespmem:$0x2E90] =	vst v24  }
0x8f: {  	v28 =	vld [tilespmem:$0x2D0];
	v27 =	vshrl.u32 v20, $0x10;
	[tilespmem:$0x2AA0] =	vst v26  }
0x90: {  	v29 =	vand.u32 $0xFFFF, v22;
	[tilespmem:$0x2EA0] =	vst v27  }
0x91: {  	v31 =	vld [tilespmem:$0x2E0];
	v30 =	vshrl.u32 v22, $0x10;
	[tilespmem:$0x2AB0] =	vst v29  }
0x92: {  	v32 =	vand.u32 $0xFFFF, v25;
	[tilespmem:$0x2EB0] =	vst v30  }
0x93: {  	v34 =	vld [tilespmem:$0x2F0];
	v33 =	vshrl.u32 v25, $0x10;
	[tilespmem:$0x2AC0] =	vst v32  }
0x94: {  	v35 =	vand.u32 $0xFFFF, v28;
	[tilespmem:$0x2EC0] =	vst v33  }
0x95: {  	v36 =	vshrl.u32 v28, $0x10;
	[tilespmem:$0x2AD0] =	vst v35  }
0x96: {  	v37 =	vand.u32 $0xFFFF, v31;
	[tilespmem:$0x2ED0] =	vst v36  }
0x97: {  	v38 =	vshrl.u32 v31, $0x10;
	[tilespmem:$0x2AE0] =	vst v37  }
0x98: {  	v39 =	vand.u32 $0xFFFF, v34;
	[tilespmem:$0x2EE0] =	vst v38  }
0x99: {  	v40 =	vshrl.u32 v34, $0x10;
	[tilespmem:$0x2AF0] =	vst v39  }
0x9a: {  	[tilespmem:$0x2EF0] =	vst v40  }
0x9b: {  	[tilespmem:s23], [sflag:$0x6] =	stream.indirect.gather [hbm4b:s1+s11], $0x28, s22, s11, $0xb8;
	[tilespmem:$0x13400] =	vst v63  }
0x9c: {  	v41 =	vld [tilespmem:$0x300];
	_ =	sdelay $0x1  }
0x9d: {  	v42 =	vld [tilespmem:$0x310];
	_ =	sdelay $0x1  }
0x9e: {  	v43 =	vld [tilespmem:$0x320]  }
0x9f: {  	v44 =	vand.u32 $0xFFFF, v41  }
0xa0: {  	v45 =	vld [tilespmem:$0x330];
	v0 =	vshrl.u32 v41, $0x10;
	[tilespmem:$0x2B00] =	vst v44  }
0xa1: {  	v46 =	vand.u32 $0xFFFF, v42;
	[tilespmem:$0x2F00] =	vst v0  }
0xa2: {  	v48 =	vld [tilespmem:$0x340];
	v47 =	vshrl.u32 v42, $0x10;
	[tilespmem:$0x2B10] =	vst v46  }
0xa3: {  	v49 =	vand.u32 $0xFFFF, v43;
	[tilespmem:$0x2F10] =	vst v47  }
0xa4: {  	v51 =	vld [tilespmem:$0x350];
	v50 =	vshrl.u32 v43, $0x10;
	[tilespmem:$0x2B20] =	vst v49  }
0xa5: {  	v52 =	vand.u32 $0xFFFF, v45;
	[tilespmem:$0x2F20] =	vst v50  }
0xa6: {  	v54 =	vld [tilespmem:$0x360];
	v53 =	vshrl.u32 v45, $0x10;
	[tilespmem:$0x2B30] =	vst v52  }
0xa7: {  	v55 =	vand.u32 $0xFFFF, v48;
	[tilespmem:$0x2F30] =	vst v53  }
0xa8: {  	v57 =	vld [tilespmem:$0x370];
	v56 =	vshrl.u32 v48, $0x10;
	[tilespmem:$0x2B40] =	vst v55  }
0xa9: {  	v58 =	vand.u32 $0xFFFF, v51;
	[tilespmem:$0x2F40] =	vst v56  }
0xaa: {  	v59 =	vshrl.u32 v51, $0x10;
	[tilespmem:$0x2B50] =	vst v58  }
0xab: {  	v60 =	vand.u32 $0xFFFF, v54;
	[tilespmem:$0x2F50] =	vst v59  }
0xac: {  	v61 =	vshrl.u32 v54, $0x10;
	[tilespmem:$0x2B60] =	vst v60  }
0xad: {  	v62 =	vand.u32 $0xFFFF, v57;
	[tilespmem:$0x2F60] =	vst v61  }
0xae: {  	v63 =	vshrl.u32 v57, $0x10;
	[tilespmem:$0x2B70] =	vst v62  }
0xaf: {  	s24 =	simm.s32 $0x2B00;
	s29 =	sshrl.u32 s7, $0x3;
	[tilespmem:$0x2F70] =	vst v63  }
0xb0: {  	[tilespmem:s26], [sflag:$0x7] =	stream.indirect.gather [hbm4b:s1+s11], $0x28, s24, s11, $0xb8;
	[tilespmem:$0x13400] =	vst v63  }
0xb1: {  	[spmem:s29], [sflag:s25] =	dma.local [hbm:s5], $0xC80  }
.Ltmp2:
0xb2: {  	_ =	swait.ge [sflag:s10], $0xC80;
	(pc) =	sbr.rel .LBB2_2-.Ltmp2, $4  }
0xb3: {  	[sflag:s10] =	ssyncset.done $0x0  }
0xb4: {  	[sflag:s10] =	ssyncadd.s32 $0xFFFFF380  }
0xb5: {  	[bflag:$0x0] =	sbarrier.arrive $0xFFFF  }
0xb6: {  	s30 =	simm.s32 $0x7;
	s31 =	simm.s32 $0x3F0  }
.LBB2_19:
0xb7: {  	p0 =	sgt.s32 s0, $0x5  }
0xb8: {  	p2 =	seq.s32 @p0 s0, $0x6  }
0xb9: {  	p1 =	por !p2, !p0  }
0xba: {  	s2 =	simm.s32 @!p1 $0x7  }
0xbb: {  	_ =	swait.ge @!p1 [sflag:s2], $0x1400  }
0xbc: {  	p2 =	por p2, !p0;
	s4 =	simm.s32 @!p1 $0x2F00;
	[sflag:s2] =	ssyncset.done @!p1 $0x0  }
0xbd: {  	s24 =	simm.s32 @!p1 $0xA800;
	[sflag:s2] =	ssyncadd.s32 @!p1 $0xFFFFEC00;
	s2 =	simm.s32 @!p1 $0x80  }
0xbe: {  	[spmem:s3] =	stream.indirect.scatter.add.f32 @!p1 [tilespmem:s24], [sflag:$0xA], $0x28, s4, s2, $0xb8;
	[tilespmem:$0x13400] =	vst v63  }
0xbf: {  	s2 =	simm.s32 @!p2 $0x8  }
0xc0: {  	_ =	swait.ge @!p2 [sflag:s2], $0x1400  }
0xc1: {  	p3 =	seq.s32 @!p0 s0, $0x4;
	s4 =	simm.s32 @!p2 $0x2F80;
	[sflag:s2] =	ssyncset.done @!p2 $0x0  }
0xc2: {  	s24 =	simm.s32 @!p2 $0xBC00;
	[sflag:s2] =	ssyncadd.s32 @!p2 $0xFFFFEC00;
	s2 =	simm.s32 @!p2 $0x80  }
0xc3: {  	[spmem:s3] =	stream.indirect.scatter.add.f32 @!p2 [tilespmem:s24], [sflag:$0x9], $0x28, s4, s2, $0xb8;
	[tilespmem:$0x13400] =	vst v63  }
0xc4: {  	p2 =	por !p3, p0  }
0xc5: {  	s0 =	simm.s32 @!p2 $0x5  }
0xc6: {  	_ =	swait.ge @!p2 [sflag:s0], $0x1400  }
0xc7: {  	p3 =	por p3, p0;
	s2 =	simm.s32 @!p2 $0x2E00;
	[sflag:s0] =	ssyncset.done @!p2 $0x0  }
0xc8: {  	s4 =	simm.s32 @!p2 $0x8000;
	[sflag:s0] =	ssyncadd.s32 @!p2 $0xFFFFEC00;
	s0 =	simm.s32 @!p2 $0x80  }
0xc9: {  	[spmem:s3] =	stream.indirect.scatter.add.f32 @!p2 [tilespmem:s4], [sflag:$0xA], $0x28, s2, s0, $0xb8;
	[tilespmem:$0x13400] =	vst v63  }
0xca: {  	s0 =	simm.s32 @!p3 $0x6  }
0xcb: {  	_ =	swait.ge @!p3 [sflag:s0], $0x1400  }
0xcc: {  	s2 =	simm.s32 @!p3 $0x2E80;
	[sflag:s0] =	ssyncset.done @!p3 $0x0  }
0xcd: {  	s4 =	simm.s32 @!p3 $0x9400;
	[sflag:s0] =	ssyncadd.s32 @!p3 $0xFFFFEC00;
	s0 =	simm.s32 @!p3 $0x80  }
0xce: {  	[spmem:s3] =	stream.indirect.scatter.add.f32 @!p3 [tilespmem:s4], [sflag:$0xA], $0x28, s2, s0, $0xb8;
	[tilespmem:$0x13400] =	vst v63  }
0xcf: {  	s2 =	simm.s32 @!p1 $0xA;
	s0 =	simm.s32 @!p2 $0xA  }
0xd0: {  	s2 =	simm.s32 @p1 $0x9;
	s0 =	simm.s32 @p2 $0xA  }
0xd1: {  	s0 =	smov.u32 @p0 s2  }
.LBB2_20:
0xd2: {  	s30 =	sadd.s32 $0x1, s30  }
0xd3: {  	p0 =	sne.s32 s30, $0x57  }
.Ltmp3:
0xd4: {  	_ = 	snop;
	(pc) =	sbr.rel @!p0 .LBB2_21-.Ltmp3, $4  }
0xd5: {  	_ = 	snop  }
0xd6: {  	_ =	swait.ge [sflag:s0], $0x1400  }
0xd7: {  	[sflag:s0] =	ssyncset.done $0x0  }
0xd8: {  	s31 =	sadd.s32 $0x80, s31;
	[sflag:s0] =	ssyncadd.s32 $0xFFFFEC00  }
.LBB2_2:
0xd9: {  	s0 =	sadd.s32 $0xFFFFFFF9, s30  }
0xda: {  	s2 =	sand.u32 $0x7, s30;
	p0 =	sgt.u32 s0, $0x48  }
0xdb: {  	p1 =	sne.s32 @!p0 s2, $0x0  }
0xdc: {  	p1 =	por p0, p1  }
.Ltmp4:
0xdd: {  	_ = 	snop;
	(pc) =	sbr.rel @p1 .LBB2_4-.Ltmp4, $1  }
0xde: {  	_ =	sdelay $0x3  }
0xdf: {  	v0 =	vld [tilespmem:s31+$0xFFFFFF90];
	_ =	sdelay $0x4  }
0xe0: {  	v1 =	vand.u32 $0xFFFF, v0  }
0xe1: {  	v0 =	vshrl.u32 v0, $0x10;
	[tilespmem:$0x2800] =	vst v1  }
0xe2: {  	[tilespmem:$0x2C00] =	vst v0  }
0xe3: {  	v0 =	vld [tilespmem:s31+$0xFFFFFFA0];
	_ =	sdelay $0x4  }
0xe4: {  	v57 =	vand.u32 $0xFFFF, v0  }
0xe5: {  	v0 =	vshrl.u32 v0, $0x10;
	[tilespmem:$0x2810] =	vst v57  }
0xe6: {  	[tilespmem:$0x2C10] =	vst v0  }
0xe7: {  	v0 =	vld [tilespmem:s31+$0xFFFFFFB0];
	_ =	sdelay $0x4  }
0xe8: {  	v58 =	vand.u32 $0xFFFF, v0  }
0xe9: {  	v0 =	vshrl.u32 v0, $0x10;
	[tilespmem:$0x2820] =	vst v58  }
0xea: {  	[tilespmem:$0x2C20] =	vst v0  }
0xeb: {  	v0 =	vld [tilespmem:s31+$0xFFFFFFC0];
	_ =	sdelay $0x4  }
0xec: {  	v59 =	vand.u32 $0xFFFF, v0  }
0xed: {  	v0 =	vshrl.u32 v0, $0x10;
	[tilespmem:$0x2830] =	vst v59  }
0xee: {  	[tilespmem:$0x2C30] =	vst v0  }
0xef: {  	v0 =	vld [tilespmem:s31+$0xFFFFFFD0];
	_ =	sdelay $0x4  }
0xf0: {  	v60 =	vand.u32 $0xFFFF, v0  }
0xf1: {  	v0 =	vshrl.u32 v0, $0x10;
	[tilespmem:$0x2840] =	vst v60  }
0xf2: {  	[tilespmem:$0x2C40] =	vst v0  }
0xf3: {  	v0 =	vld [tilespmem:s31+$0xFFFFFFE0];
	_ =	sdelay $0x4  }
0xf4: {  	v61 =	vand.u32 $0xFFFF, v0  }
0xf5: {  	v0 =	vshrl.u32 v0, $0x10;
	[tilespmem:$0x2850] =	vst v61  }
0xf6: {  	[tilespmem:$0x2C50] =	vst v0  }
0xf7: {  	v0 =	vld [tilespmem:s31+$0xFFFFFFF0];
	_ =	sdelay $0x4  }
0xf8: {  	v62 =	vand.u32 $0xFFFF, v0  }
0xf9: {  	v0 =	vshrl.u32 v0, $0x10;
	[tilespmem:$0x2860] =	vst v62  }
0xfa: {  	[tilespmem:$0x2C60] =	vst v0  }
0xfb: {  	v0 =	vld [tilespmem:s31+$0x0];
	_ =	sdelay $0x3  }
.Ltmp5:
0xfc: {  	_ = 	snop;
	(pc) =	sbr.rel .LBB2_17-.Ltmp5, $4  }
0xfd: {  	v63 =	vand.u32 $0xFFFF, v0  }
0xfe: {  	v0 =	vshrl.u32 v0, $0x10;
	[tilespmem:$0x2870] =	vst v63  }
0xff: {  	[tilespmem:$0x2C70] =	vst v0  }
0x100: {  	[tilespmem:s13], [sflag:$0x1] =	stream.indirect.gather [hbm4b:s1+s11], $0x28, s12, s11, $0xb8;
	[tilespmem:$0x13400] =	vst v63  }
.LBB2_4:
0x101: {  	p1 =	sne.s32 @!p0 s2, $0x1  }
0x102: {  	p1 =	por p0, p1  }
.Ltmp6:
0x103: {  	_ = 	snop;
	(pc) =	sbr.rel @p1 .LBB2_6-.Ltmp6, $1  }
0x104: {  	_ =	sdelay $0x3  }
0x105: {  	v0 =	vld [tilespmem:s31+$0xFFFFFF90];
	_ =	sdelay $0x4  }
0x106: {  	v1 =	vand.u32 $0xFFFF, v0  }
0x107: {  	v0 =	vshrl.u32 v0, $0x10;
	[tilespmem:$0x2880] =	vst v1  }
0x108: {  	[tilespmem:$0x2C80] =	vst v0  }
0x109: {  	v0 =	vld [tilespmem:s31+$0xFFFFFFA0];
	_ =	sdelay $0x4  }
0x10a: {  	v57 =	vand.u32 $0xFFFF, v0  }
0x10b: {  	v0 =	vshrl.u32 v0, $0x10;
	[tilespmem:$0x2890] =	vst v57  }
0x10c: {  	[tilespmem:$0x2C90] =	vst v0  }
0x10d: {  	v0 =	vld [tilespmem:s31+$0xFFFFFFB0];
	_ =	sdelay $0x4  }
0x10e: {  	v58 =	vand.u32 $0xFFFF, v0  }
0x10f: {  	v0 =	vshrl.u32 v0, $0x10;
	[tilespmem:$0x28A0] =	vst v58  }
0x110: {  	[tilespmem:$0x2CA0] =	vst v0  }
0x111: {  	v0 =	vld [tilespmem:s31+$0xFFFFFFC0];
	_ =	sdelay $0x4  }
0x112: {  	v59 =	vand.u32 $0xFFFF, v0  }
0x113: {  	v0 =	vshrl.u32 v0, $0x10;
	[tilespmem:$0x28B0] =	vst v59  }
0x114: {  	[tilespmem:$0x2CB0] =	vst v0  }
0x115: {  	v0 =	vld [tilespmem:s31+$0xFFFFFFD0];
	_ =	sdelay $0x4  }
0x116: {  	v60 =	vand.u32 $0xFFFF, v0  }
0x117: {  	v0 =	vshrl.u32 v0, $0x10;
	[tilespmem:$0x28C0] =	vst v60  }
0x118: {  	[tilespmem:$0x2CC0] =	vst v0  }
0x119: {  	v0 =	vld [tilespmem:s31+$0xFFFFFFE0];
	_ =	sdelay $0x4  }
0x11a: {  	v61 =	vand.u32 $0xFFFF, v0  }
0x11b: {  	v0 =	vshrl.u32 v0, $0x10;
	[tilespmem:$0x28D0] =	vst v61  }
0x11c: {  	[tilespmem:$0x2CD0] =	vst v0  }
0x11d: {  	v0 =	vld [tilespmem:s31+$0xFFFFFFF0];
	_ =	sdelay $0x4  }
0x11e: {  	v62 =	vand.u32 $0xFFFF, v0  }
0x11f: {  	v0 =	vshrl.u32 v0, $0x10;
	[tilespmem:$0x28E0] =	vst v62  }
0x120: {  	[tilespmem:$0x2CE0] =	vst v0  }
0x121: {  	v0 =	vld [tilespmem:s31+$0x0];
	_ =	sdelay $0x3  }
.Ltmp7:
0x122: {  	_ = 	snop;
	(pc) =	sbr.rel .LBB2_17-.Ltmp7, $4  }
0x123: {  	v63 =	vand.u32 $0xFFFF, v0  }
0x124: {  	v0 =	vshrl.u32 v0, $0x10;
	[tilespmem:$0x28F0] =	vst v63  }
0x125: {  	[tilespmem:$0x2CF0] =	vst v0  }
0x126: {  	[tilespmem:s15], [sflag:$0x2] =	stream.indirect.gather [hbm4b:s1+s11], $0x28, s14, s11, $0xb8;
	[tilespmem:$0x13400] =	vst v63  }
.LBB2_6:
0x127: {  	p1 =	sne.s32 @!p0 s2, $0x2  }
0x128: {  	p1 =	por p0, p1  }
.Ltmp8:
0x129: {  	_ = 	snop;
	(pc) =	sbr.rel @p1 .LBB2_8-.Ltmp8, $1  }
0x12a: {  	_ =	sdelay $0x3  }
0x12b: {  	v0 =	vld [tilespmem:s31+$0xFFFFFF90];
	_ =	sdelay $0x4  }
0x12c: {  	v1 =	vand.u32 $0xFFFF, v0  }
0x12d: {  	v0 =	vshrl.u32 v0, $0x10;
	[tilespmem:$0x2900] =	vst v1  }
0x12e: {  	[tilespmem:$0x2D00] =	vst v0  }
0x12f: {  	v0 =	vld [tilespmem:s31+$0xFFFFFFA0];
	_ =	sdelay $0x4  }
0x130: {  	v57 =	vand.u32 $0xFFFF, v0  }
0x131: {  	v0 =	vshrl.u32 v0, $0x10;
	[tilespmem:$0x2910] =	vst v57  }
0x132: {  	[tilespmem:$0x2D10] =	vst v0  }
0x133: {  	v0 =	vld [tilespmem:s31+$0xFFFFFFB0];
	_ =	sdelay $0x4  }
0x134: {  	v58 =	vand.u32 $0xFFFF, v0  }
0x135: {  	v0 =	vshrl.u32 v0, $0x10;
	[tilespmem:$0x2920] =	vst v58  }
0x136: {  	[tilespmem:$0x2D20] =	vst v0  }
0x137: {  	v0 =	vld [tilespmem:s31+$0xFFFFFFC0];
	_ =	sdelay $0x4  }
0x138: {  	v59 =	vand.u32 $0xFFFF, v0  }
0x139: {  	v0 =	vshrl.u32 v0, $0x10;
	[tilespmem:$0x2930] =	vst v59  }
0x13a: {  	[tilespmem:$0x2D30] =	vst v0  }
0x13b: {  	v0 =	vld [tilespmem:s31+$0xFFFFFFD0];
	_ =	sdelay $0x4  }
0x13c: {  	v60 =	vand.u32 $0xFFFF, v0  }
0x13d: {  	v0 =	vshrl.u32 v0, $0x10;
	[tilespmem:$0x2940] =	vst v60  }
0x13e: {  	[tilespmem:$0x2D40] =	vst v0  }
0x13f: {  	v0 =	vld [tilespmem:s31+$0xFFFFFFE0];
	_ =	sdelay $0x4  }
0x140: {  	v61 =	vand.u32 $0xFFFF, v0  }
0x141: {  	v0 =	vshrl.u32 v0, $0x10;
	[tilespmem:$0x2950] =	vst v61  }
0x142: {  	[tilespmem:$0x2D50] =	vst v0  }
0x143: {  	v0 =	vld [tilespmem:s31+$0xFFFFFFF0];
	_ =	sdelay $0x4  }
0x144: {  	v62 =	vand.u32 $0xFFFF, v0  }
0x145: {  	v0 =	vshrl.u32 v0, $0x10;
	[tilespmem:$0x2960] =	vst v62  }
0x146: {  	[tilespmem:$0x2D60] =	vst v0  }
0x147: {  	v0 =	vld [tilespmem:s31+$0x0];
	_ =	sdelay $0x3  }
.Ltmp9:
0x148: {  	_ = 	snop;
	(pc) =	sbr.rel .LBB2_17-.Ltmp9, $4  }
0x149: {  	v63 =	vand.u32 $0xFFFF, v0  }
0x14a: {  	v0 =	vshrl.u32 v0, $0x10;
	[tilespmem:$0x2970] =	vst v63  }
0x14b: {  	[tilespmem:$0x2D70] =	vst v0  }
0x14c: {  	[tilespmem:s17], [sflag:$0x3] =	stream.indirect.gather [hbm4b:s1+s11], $0x28, s16, s11, $0xb8;
	[tilespmem:$0x13400] =	vst v63  }
.LBB2_8:
0x14d: {  	p1 =	sne.s32 @!p0 s2, $0x3  }
0x14e: {  	p1 =	por p0, p1  }
.Ltmp10:
0x14f: {  	_ = 	snop;
	(pc) =	sbr.rel @p1 .LBB2_10-.Ltmp10, $1  }
0x150: {  	_ =	sdelay $0x3  }
0x151: {  	v0 =	vld [tilespmem:s31+$0xFFFFFF90];
	_ =	sdelay $0x4  }
0x152: {  	v1 =	vand.u32 $0xFFFF, v0  }
0x153: {  	v0 =	vshrl.u32 v0, $0x10;
	[tilespmem:$0x2980] =	vst v1  }
0x154: {  	[tilespmem:$0x2D80] =	vst v0  }
0x155: {  	v0 =	vld [tilespmem:s31+$0xFFFFFFA0];
	_ =	sdelay $0x4  }
0x156: {  	v57 =	vand.u32 $0xFFFF, v0  }
0x157: {  	v0 =	vshrl.u32 v0, $0x10;
	[tilespmem:$0x2990] =	vst v57  }
0x158: {  	[tilespmem:$0x2D90] =	vst v0  }
0x159: {  	v0 =	vld [tilespmem:s31+$0xFFFFFFB0];
	_ =	sdelay $0x4  }
0x15a: {  	v58 =	vand.u32 $0xFFFF, v0  }
0x15b: {  	v0 =	vshrl.u32 v0, $0x10;
	[tilespmem:$0x29A0] =	vst v58  }
0x15c: {  	[tilespmem:$0x2DA0] =	vst v0  }
0x15d: {  	v0 =	vld [tilespmem:s31+$0xFFFFFFC0];
	_ =	sdelay $0x4  }
0x15e: {  	v59 =	vand.u32 $0xFFFF, v0  }
0x15f: {  	v0 =	vshrl.u32 v0, $0x10;
	[tilespmem:$0x29B0] =	vst v59  }
0x160: {  	[tilespmem:$0x2DB0] =	vst v0  }
0x161: {  	v0 =	vld [tilespmem:s31+$0xFFFFFFD0];
	_ =	sdelay $0x4  }
0x162: {  	v60 =	vand.u32 $0xFFFF, v0  }
0x163: {  	v0 =	vshrl.u32 v0, $0x10;
	[tilespmem:$0x29C0] =	vst v60  }
0x164: {  	[tilespmem:$0x2DC0] =	vst v0  }
0x165: {  	v0 =	vld [tilespmem:s31+$0xFFFFFFE0];
	_ =	sdelay $0x4  }
0x166: {  	v61 =	vand.u32 $0xFFFF, v0  }
0x167: {  	v0 =	vshrl.u32 v0, $0x10;
	[tilespmem:$0x29D0] =	vst v61  }
0x168: {  	[tilespmem:$0x2DD0] =	vst v0  }
0x169: {  	v0 =	vld [tilespmem:s31+$0xFFFFFFF0];
	_ =	sdelay $0x4  }
0x16a: {  	v62 =	vand.u32 $0xFFFF, v0  }
0x16b: {  	v0 =	vshrl.u32 v0, $0x10;
	[tilespmem:$0x29E0] =	vst v62  }
0x16c: {  	[tilespmem:$0x2DE0] =	vst v0  }
0x16d: {  	v0 =	vld [tilespmem:s31+$0x0];
	_ =	sdelay $0x3  }
.Ltmp11:
0x16e: {  	_ = 	snop;
	(pc) =	sbr.rel .LBB2_17-.Ltmp11, $4  }
0x16f: {  	v63 =	vand.u32 $0xFFFF, v0  }
0x170: {  	v0 =	vshrl.u32 v0, $0x10;
	[tilespmem:$0x29F0] =	vst v63  }
0x171: {  	[tilespmem:$0x2DF0] =	vst v0  }
0x172: {  	[tilespmem:s19], [sflag:$0x4] =	stream.indirect.gather [hbm4b:s1+s11], $0x28, s18, s11, $0xb8;
	[tilespmem:$0x13400] =	vst v63  }
.LBB2_10:
0x173: {  	p1 =	sne.s32 @!p0 s2, $0x4  }
0x174: {  	p1 =	por p0, p1  }
.Ltmp12:
0x175: {  	_ = 	snop;
	(pc) =	sbr.rel @p1 .LBB2_12-.Ltmp12, $1  }
0x176: {  	_ =	sdelay $0x3  }
0x177: {  	v0 =	vld [tilespmem:s31+$0xFFFFFF90];
	_ =	sdelay $0x4  }
0x178: {  	v1 =	vand.u32 $0xFFFF, v0  }
0x179: {  	v0 =	vshrl.u32 v0, $0x10;
	[tilespmem:$0x2A00] =	vst v1  }
0x17a: {  	[tilespmem:$0x2E00] =	vst v0  }
0x17b: {  	v0 =	vld [tilespmem:s31+$0xFFFFFFA0];
	_ =	sdelay $0x4  }
0x17c: {  	v57 =	vand.u32 $0xFFFF, v0  }
0x17d: {  	v0 =	vshrl.u32 v0, $0x10;
	[tilespmem:$0x2A10] =	vst v57  }
0x17e: {  	[tilespmem:$0x2E10] =	vst v0  }
0x17f: {  	v0 =	vld [tilespmem:s31+$0xFFFFFFB0];
	_ =	sdelay $0x4  }
0x180: {  	v58 =	vand.u32 $0xFFFF, v0  }
0x181: {  	v0 =	vshrl.u32 v0, $0x10;
	[tilespmem:$0x2A20] =	vst v58  }
0x182: {  	[tilespmem:$0x2E20] =	vst v0  }
0x183: {  	v0 =	vld [tilespmem:s31+$0xFFFFFFC0];
	_ =	sdelay $0x4  }
0x184: {  	v59 =	vand.u32 $0xFFFF, v0  }
0x185: {  	v0 =	vshrl.u32 v0, $0x10;
	[tilespmem:$0x2A30] =	vst v59  }
0x186: {  	[tilespmem:$0x2E30] =	vst v0  }
0x187: {  	v0 =	vld [tilespmem:s31+$0xFFFFFFD0];
	_ =	sdelay $0x4  }
0x188: {  	v60 =	vand.u32 $0xFFFF, v0  }
0x189: {  	v0 =	vshrl.u32 v0, $0x10;
	[tilespmem:$0x2A40] =	vst v60  }
0x18a: {  	[tilespmem:$0x2E40] =	vst v0  }
0x18b: {  	v0 =	vld [tilespmem:s31+$0xFFFFFFE0];
	_ =	sdelay $0x4  }
0x18c: {  	v61 =	vand.u32 $0xFFFF, v0  }
0x18d: {  	v0 =	vshrl.u32 v0, $0x10;
	[tilespmem:$0x2A50] =	vst v61  }
0x18e: {  	[tilespmem:$0x2E50] =	vst v0  }
0x18f: {  	v0 =	vld [tilespmem:s31+$0xFFFFFFF0];
	_ =	sdelay $0x4  }
0x190: {  	v62 =	vand.u32 $0xFFFF, v0  }
0x191: {  	v0 =	vshrl.u32 v0, $0x10;
	[tilespmem:$0x2A60] =	vst v62  }
0x192: {  	[tilespmem:$0x2E60] =	vst v0  }
0x193: {  	v0 =	vld [tilespmem:s31+$0x0];
	_ =	sdelay $0x3  }
.Ltmp13:
0x194: {  	_ = 	snop;
	(pc) =	sbr.rel .LBB2_17-.Ltmp13, $4  }
0x195: {  	v63 =	vand.u32 $0xFFFF, v0  }
0x196: {  	v0 =	vshrl.u32 v0, $0x10;
	[tilespmem:$0x2A70] =	vst v63  }
0x197: {  	[tilespmem:$0x2E70] =	vst v0  }
0x198: {  	[tilespmem:s21], [sflag:$0x5] =	stream.indirect.gather [hbm4b:s1+s11], $0x28, s20, s11, $0xb8;
	[tilespmem:$0x13400] =	vst v63  }
.LBB2_12:
0x199: {  	p1 =	sne.s32 @!p0 s2, $0x5  }
0x19a: {  	p1 =	por p0, p1  }
.Ltmp14:
0x19b: {  	_ = 	snop;
	(pc) =	sbr.rel @p1 .LBB2_14-.Ltmp14, $1  }
0x19c: {  	_ =	sdelay $0x3  }
0x19d: {  	v0 =	vld [tilespmem:s31+$0xFFFFFF90];
	_ =	sdelay $0x4  }
0x19e: {  	v1 =	vand.u32 $0xFFFF, v0  }
0x19f: {  	v0 =	vshrl.u32 v0, $0x10;
	[tilespmem:$0x2A80] =	vst v1  }
0x1a0: {  	[tilespmem:$0x2E80] =	vst v0  }
0x1a1: {  	v0 =	vld [tilespmem:s31+$0xFFFFFFA0];
	_ =	sdelay $0x4  }
0x1a2: {  	v57 =	vand.u32 $0xFFFF, v0  }
0x1a3: {  	v0 =	vshrl.u32 v0, $0x10;
	[tilespmem:$0x2A90] =	vst v57  }
0x1a4: {  	[tilespmem:$0x2E90] =	vst v0  }
0x1a5: {  	v0 =	vld [tilespmem:s31+$0xFFFFFFB0];
	_ =	sdelay $0x4  }
0x1a6: {  	v58 =	vand.u32 $0xFFFF, v0  }
0x1a7: {  	v0 =	vshrl.u32 v0, $0x10;
	[tilespmem:$0x2AA0] =	vst v58  }
0x1a8: {  	[tilespmem:$0x2EA0] =	vst v0  }
0x1a9: {  	v0 =	vld [tilespmem:s31+$0xFFFFFFC0];
	_ =	sdelay $0x4  }
0x1aa: {  	v59 =	vand.u32 $0xFFFF, v0  }
0x1ab: {  	v0 =	vshrl.u32 v0, $0x10;
	[tilespmem:$0x2AB0] =	vst v59  }
0x1ac: {  	[tilespmem:$0x2EB0] =	vst v0  }
0x1ad: {  	v0 =	vld [tilespmem:s31+$0xFFFFFFD0];
	_ =	sdelay $0x4  }
0x1ae: {  	v60 =	vand.u32 $0xFFFF, v0  }
0x1af: {  	v0 =	vshrl.u32 v0, $0x10;
	[tilespmem:$0x2AC0] =	vst v60  }
0x1b0: {  	[tilespmem:$0x2EC0] =	vst v0  }
0x1b1: {  	v0 =	vld [tilespmem:s31+$0xFFFFFFE0];
	_ =	sdelay $0x4  }
0x1b2: {  	v61 =	vand.u32 $0xFFFF, v0  }
0x1b3: {  	v0 =	vshrl.u32 v0, $0x10;
	[tilespmem:$0x2AD0] =	vst v61  }
0x1b4: {  	[tilespmem:$0x2ED0] =	vst v0  }
0x1b5: {  	v0 =	vld [tilespmem:s31+$0xFFFFFFF0];
	_ =	sdelay $0x4  }
0x1b6: {  	v62 =	vand.u32 $0xFFFF, v0  }
0x1b7: {  	v0 =	vshrl.u32 v0, $0x10;
	[tilespmem:$0x2AE0] =	vst v62  }
0x1b8: {  	[tilespmem:$0x2EE0] =	vst v0  }
0x1b9: {  	v0 =	vld [tilespmem:s31+$0x0];
	_ =	sdelay $0x3  }
.Ltmp15:
0x1ba: {  	_ = 	snop;
	(pc) =	sbr.rel .LBB2_17-.Ltmp15, $4  }
0x1bb: {  	v63 =	vand.u32 $0xFFFF, v0  }
0x1bc: {  	v0 =	vshrl.u32 v0, $0x10;
	[tilespmem:$0x2AF0] =	vst v63  }
0x1bd: {  	[tilespmem:$0x2EF0] =	vst v0  }
0x1be: {  	[tilespmem:s23], [sflag:$0x6] =	stream.indirect.gather [hbm4b:s1+s11], $0x28, s22, s11, $0xb8;
	[tilespmem:$0x13400] =	vst v63  }
.LBB2_14:
0x1bf: {  	p1 =	sne.s32 @!p0 s2, $0x6  }
0x1c0: {  	p1 =	por p0, p1  }
.Ltmp16:
0x1c1: {  	_ = 	snop;
	(pc) =	sbr.rel @p1 .LBB2_16-.Ltmp16, $1  }
0x1c2: {  	_ =	sdelay $0x3  }
0x1c3: {  	v0 =	vld [tilespmem:s31+$0xFFFFFF90];
	_ =	sdelay $0x4  }
0x1c4: {  	v1 =	vand.u32 $0xFFFF, v0  }
0x1c5: {  	v0 =	vshrl.u32 v0, $0x10;
	[tilespmem:$0x2B00] =	vst v1  }
0x1c6: {  	[tilespmem:$0x2F00] =	vst v0  }
0x1c7: {  	v0 =	vld [tilespmem:s31+$0xFFFFFFA0];
	_ =	sdelay $0x4  }
0x1c8: {  	v57 =	vand.u32 $0xFFFF, v0  }
0x1c9: {  	v0 =	vshrl.u32 v0, $0x10;
	[tilespmem:$0x2B10] =	vst v57  }
0x1ca: {  	[tilespmem:$0x2F10] =	vst v0  }
0x1cb: {  	v0 =	vld [tilespmem:s31+$0xFFFFFFB0];
	_ =	sdelay $0x4  }
0x1cc: {  	v58 =	vand.u32 $0xFFFF, v0  }
0x1cd: {  	v0 =	vshrl.u32 v0, $0x10;
	[tilespmem:$0x2B20] =	vst v58  }
0x1ce: {  	[tilespmem:$0x2F20] =	vst v0  }
0x1cf: {  	v0 =	vld [tilespmem:s31+$0xFFFFFFC0];
	_ =	sdelay $0x4  }
0x1d0: {  	v59 =	vand.u32 $0xFFFF, v0  }
0x1d1: {  	v0 =	vshrl.u32 v0, $0x10;
	[tilespmem:$0x2B30] =	vst v59  }
0x1d2: {  	[tilespmem:$0x2F30] =	vst v0  }
0x1d3: {  	v0 =	vld [tilespmem:s31+$0xFFFFFFD0];
	_ =	sdelay $0x4  }
0x1d4: {  	v60 =	vand.u32 $0xFFFF, v0  }
0x1d5: {  	v0 =	vshrl.u32 v0, $0x10;
	[tilespmem:$0x2B40] =	vst v60  }
0x1d6: {  	[tilespmem:$0x2F40] =	vst v0  }
0x1d7: {  	v0 =	vld [tilespmem:s31+$0xFFFFFFE0];
	_ =	sdelay $0x4  }
0x1d8: {  	v61 =	vand.u32 $0xFFFF, v0  }
0x1d9: {  	v0 =	vshrl.u32 v0, $0x10;
	[tilespmem:$0x2B50] =	vst v61  }
0x1da: {  	[tilespmem:$0x2F50] =	vst v0  }
0x1db: {  	v0 =	vld [tilespmem:s31+$0xFFFFFFF0];
	_ =	sdelay $0x4  }
0x1dc: {  	v62 =	vand.u32 $0xFFFF, v0  }
0x1dd: {  	v0 =	vshrl.u32 v0, $0x10;
	[tilespmem:$0x2B60] =	vst v62  }
0x1de: {  	[tilespmem:$0x2F60] =	vst v0  }
0x1df: {  	v0 =	vld [tilespmem:s31+$0x0];
	_ =	sdelay $0x3  }
.Ltmp17:
0x1e0: {  	_ = 	snop;
	(pc) =	sbr.rel .LBB2_17-.Ltmp17, $4  }
0x1e1: {  	v63 =	vand.u32 $0xFFFF, v0  }
0x1e2: {  	v0 =	vshrl.u32 v0, $0x10;
	[tilespmem:$0x2B70] =	vst v63  }
0x1e3: {  	s2 =	simm.s32 $0x2B00;
	[tilespmem:$0x2F70] =	vst v0  }
0x1e4: {  	[tilespmem:s26], [sflag:$0x7] =	stream.indirect.gather [hbm4b:s1+s11], $0x28, s2, s11, $0xb8;
	[tilespmem:$0x13400] =	vst v63  }
.LBB2_16:
0x1e5: {  	p1 =	sne.s32 @!p0 s2, $0x7  }
0x1e6: {  	p0 =	por p1, p0  }
0x1e7: {  	v0 =	vld @!p0 [tilespmem:s31+$0xFFFFFF90];
	_ =	sdelay $0x4  }
0x1e8: {  	v1 =	vand.u32 @!p0 $0xFFFF, v0  }
0x1e9: {  	v0 =	vshrl.u32 @!p0 v0, $0x10;
	[tilespmem:$0x2B80] =	vst @!p0 v1  }
0x1ea: {  	[tilespmem:$0x2F80] =	vst @!p0 v0  }
0x1eb: {  	v0 =	vld @!p0 [tilespmem:s31+$0xFFFFFFA0];
	_ =	sdelay $0x4  }
0x1ec: {  	v1 =	vand.u32 @!p0 $0xFFFF, v0  }
0x1ed: {  	v0 =	vshrl.u32 @!p0 v0, $0x10;
	[tilespmem:$0x2B90] =	vst @!p0 v1  }
0x1ee: {  	[tilespmem:$0x2F90] =	vst @!p0 v0  }
0x1ef: {  	v0 =	vld @!p0 [tilespmem:s31+$0xFFFFFFB0];
	_ =	sdelay $0x4  }
0x1f0: {  	v1 =	vand.u32 @!p0 $0xFFFF, v0  }
0x1f1: {  	v0 =	vshrl.u32 @!p0 v0, $0x10;
	[tilespmem:$0x2BA0] =	vst @!p0 v1  }
0x1f2: {  	[tilespmem:$0x2FA0] =	vst @!p0 v0  }
0x1f3: {  	v0 =	vld @!p0 [tilespmem:s31+$0xFFFFFFC0];
	_ =	sdelay $0x4  }
0x1f4: {  	v1 =	vand.u32 @!p0 $0xFFFF, v0  }
0x1f5: {  	v0 =	vshrl.u32 @!p0 v0, $0x10;
	[tilespmem:$0x2BB0] =	vst @!p0 v1  }
0x1f6: {  	[tilespmem:$0x2FB0] =	vst @!p0 v0  }
0x1f7: {  	v0 =	vld @!p0 [tilespmem:s31+$0xFFFFFFD0];
	_ =	sdelay $0x4  }
0x1f8: {  	v1 =	vand.u32 @!p0 $0xFFFF, v0  }
0x1f9: {  	v0 =	vshrl.u32 @!p0 v0, $0x10;
	[tilespmem:$0x2BC0] =	vst @!p0 v1  }
0x1fa: {  	[tilespmem:$0x2FC0] =	vst @!p0 v0  }
0x1fb: {  	v0 =	vld @!p0 [tilespmem:s31+$0xFFFFFFE0];
	_ =	sdelay $0x4  }
0x1fc: {  	v1 =	vand.u32 @!p0 $0xFFFF, v0  }
0x1fd: {  	v0 =	vshrl.u32 @!p0 v0, $0x10;
	[tilespmem:$0x2BD0] =	vst @!p0 v1  }
0x1fe: {  	[tilespmem:$0x2FD0] =	vst @!p0 v0  }
0x1ff: {  	v0 =	vld @!p0 [tilespmem:s31+$0xFFFFFFF0];
	_ =	sdelay $0x4  }
0x200: {  	v1 =	vand.u32 @!p0 $0xFFFF, v0  }
0x201: {  	v0 =	vshrl.u32 @!p0 v0, $0x10;
	[tilespmem:$0x2BE0] =	vst @!p0 v1  }
0x202: {  	[tilespmem:$0x2FE0] =	vst @!p0 v0  }
0x203: {  	v0 =	vld @!p0 [tilespmem:s31+$0x0];
	_ =	sdelay $0x4  }
0x204: {  	v1 =	vand.u32 @!p0 $0xFFFF, v0  }
0x205: {  	v0 =	vshrl.u32 @!p0 v0, $0x10;
	[tilespmem:$0x2BF0] =	vst @!p0 v1  }
0x206: {  	s4 =	simm.s32 @!p0 $0x80;
	s24 =	simm.s32 @!p0 $0x2B80;
	s2 =	simm.s32 @!p0 $0xBC00;
	[tilespmem:$0x2FF0] =	vst @!p0 v0  }
0x207: {  	[tilespmem:s2], [sflag:$0x8] =	stream.indirect.gather @!p0 [hbm4b:s1+s4], $0x28, s24, s4, $0xb8;
	[tilespmem:$0x13400] =	vst v63  }
.LBB2_17:
0x208: {  	s0 =	sand.u32 $0x7, s0  }
0x209: {  	p0 =	sgt.s32 s0, $0x3  }
.Ltmp18:
0x20a: {  	_ = 	snop;
	(pc) =	sbr.rel @p0 .LBB2_19-.Ltmp18, $1  }
0x20b: {  	_ =	sdelay $0x3  }
0x20c: {  	p0 =	sgt.s32 s0, $0x1  }
0x20d: {  	p2 =	seq.s32 @p0 s0, $0x2  }
0x20e: {  	p1 =	por !p2, !p0  }
0x20f: {  	s2 =	simm.s32 @!p1 $0x3  }
0x210: {  	_ =	swait.ge @!p1 [sflag:s2], $0x1400  }
0x211: {  	p2 =	por p2, !p0;
	s4 =	simm.s32 @!p1 $0x2D00;
	[sflag:s2] =	ssyncset.done @!p1 $0x0  }
0x212: {  	s24 =	simm.s32 @!p1 $0x5800;
	[sflag:s2] =	ssyncadd.s32 @!p1 $0xFFFFEC00;
	s2 =	simm.s32 @!p1 $0x80  }
0x213: {  	[spmem:s3] =	stream.indirect.scatter.add.f32 @!p1 [tilespmem:s24], [sflag:$0xA], $0x28, s4, s2, $0xb8;
	[tilespmem:$0x13400] =	vst v63  }
0x214: {  	s2 =	simm.s32 @!p2 $0x4  }
0x215: {  	_ =	swait.ge @!p2 [sflag:s2], $0x1400  }
0x216: {  	p3 =	seq.s32 @!p0 s0, $0x0;
	s4 =	simm.s32 @!p2 $0x2D80;
	[sflag:s2] =	ssyncset.done @!p2 $0x0  }
0x217: {  	s24 =	simm.s32 @!p2 $0x6C00;
	[sflag:s2] =	ssyncadd.s32 @!p2 $0xFFFFEC00;
	s2 =	simm.s32 @!p2 $0x80  }
0x218: {  	[spmem:s3] =	stream.indirect.scatter.add.f32 @!p2 [tilespmem:s24], [sflag:$0xA], $0x28, s4, s2, $0xb8;
	[tilespmem:$0x13400] =	vst v63  }
0x219: {  	p2 =	por !p3, p0  }
0x21a: {  	s0 =	simm.s32 @!p2 $0x1  }
0x21b: {  	_ =	swait.ge @!p2 [sflag:s0], $0x1400  }
0x21c: {  	p3 =	por p3, p0;
	s2 =	simm.s32 @!p2 $0x2C00;
	[sflag:s0] =	ssyncset.done @!p2 $0x0  }
0x21d: {  	s4 =	simm.s32 @!p2 $0x3000;
	[sflag:s0] =	ssyncadd.s32 @!p2 $0xFFFFEC00;
	s0 =	simm.s32 @!p2 $0x80  }
0x21e: {  	[spmem:s3] =	stream.indirect.scatter.add.f32 @!p2 [tilespmem:s4], [sflag:$0xA], $0x28, s2, s0, $0xb8;
	[tilespmem:$0x13400] =	vst v63  }
0x21f: {  	s0 =	simm.s32 @!p3 $0x2  }
0x220: {  	_ =	swait.ge @!p3 [sflag:s0], $0x1400  }
0x221: {  	s2 =	simm.s32 @!p3 $0x2C80;
	s4 =	simm.s32 @!p3 $0x4400;
	[sflag:s0] =	ssyncset.done @!p3 $0x0  }
.Ltmp19:
0x222: {  	[sflag:s0] =	ssyncadd.s32 @!p3 $0xFFFFEC00;
	s0 =	simm.s32 @!p3 $0x80;
	(pc) =	sbr.rel .LBB2_20-.Ltmp19, $4  }
0x223: {  	[spmem:s3] =	stream.indirect.scatter.add.f32 @!p3 [tilespmem:s4], [sflag:$0xA], $0x28, s2, s0, $0xb8;
	[tilespmem:$0x13400] =	vst v63  }
0x224: {  	s2 =	simm.s32 @!p1 $0xA;
	s0 =	simm.s32 @!p2 $0xA  }
0x225: {  	s2 =	simm.s32 @p1 $0xA;
	s0 =	simm.s32 @p2 $0xA  }
0x226: {  	s0 =	smov.u32 @p0 s2  }
.LBB2_22:
0x227: {  	_ =	sfence.sel $0x180000  }
0x228: {  	[bflag:$0x0] =	sbarrier.arrive $0xFFFF  }
0x229: {  	_ =	strace $0x9000004D  }
0x22a: {  	s0 =	stileid.u32;
	[bflag:$0x2] =	sbarrier.arrive $0xFFFF  }
0x22b: {  	p0 =	sne.s32 s0, $0x0;
	s0 =	rddreg [dreg:$0x3]  }
0x22c: {  	s0 =	sadd.s32 @!p0 $0x100000, s0  }
0x22d: {  	[sflag:s0] =	ssyncadd.tile.s32 @!p0 $0x1;
	_ =	shalt  }
.Lfunc_end2:
_tile_overlayer_lowered:
.L_overlay_start_2:
0x22e: {  	(tag) =	ssettag $0x2  }
0x22f: {  	s0 =	rddreg [dreg:$0x0];
	s2 =	stileid.u32  }
0x230: {  	s1 =	rddreg [dreg:$0x1];
	p0 =	sne.s32 s2, $0x0  }
0x231: {  	s3 =	rddreg [dreg:$0x2];
	[bflag:$0x3] =	sbarrier.arrive $0xFFFF;
	s2 =	simm.s32 @!p0 $0x1C09  }
0x232: {  	[timem:s3], [sflag:s2] =	dma.local @!p0 [hbm:s0], s1  }
0x233: {  	s0 =	simm.s32 @!p0 $0x9  }
0x234: {  	_ =	swait.ge @!p0 [sflag:s0], s1  }
0x235: {  	s1 =	ssub.s32 @!p0 $0x0, s1;
	[sflag:s0] =	ssyncset.done @!p0 $0x0  }
0x236: {  	[sflag:s0] =	ssyncadd.s32 @!p0 s1  }
0x237: {  	[bflag:$0x3] =	sbarrier.arrive $0xFFFF  }
0x238: {  	_ =	shalt  }

// kernel: kernel.8.cloned.1.call-start
scs
__scs_entry_jumppad:
0x0: {  	(pc) =	sbr.rel $0x88, $3  }
0x1: {  	(tag) =	ssettag $0x0;
	lr =	simm.s32 $0x1  }
0x2: {  	[smem:$0x3F9D] =	sst lr;
	_ =	strace $0xD0000000  }
0x3: {  	_ = 	snop  }
0x4: {  	_ = 	snop  }
0x5: {  	_ = 	snop  }
0x6: {  	_ = 	snop  }
0x7: {  	_ = 	snop  }
__scs_overlays_trampoline_lowered:
0x8: {  	[smem:$0x3FAC] =	sst s0  }
0x9: {  	[smem:$0x3FAD] =	sst s1  }
0xa: {  	[smem:$0x3FAE] =	sst s2  }
0xb: {  	[smem:$0x3FAF] =	sst s3  }
0xc: {  	[smem:$0x3FB0] =	sst s4  }
0xd: {  	[smem:$0x3FB1] =	sst s5  }
0xe: {  	[smem:$0x3FB2] =	sst s6  }
0xf: {  	[smem:$0x3FB3] =	sst s7  }
0x10: {  	[smem:$0x3FB4] =	sst s8  }
0x11: {  	[smem:$0x3FB5] =	sst s9;
	s0 =	simm.s32 @!p0 $0x0  }
0x12: {  	s1 =	sld [smem:$0x3F9B];
	s0 =	simm.s32 @p0 $0x1  }
0x13: {  	[smem:$0x3FB6] =	sst s0;
	s0 =	simm.s32 @!p1 $0x0  }
0x14: {  	s2 =	sld [smem:$0x3F9A];
	s0 =	simm.s32 @p1 $0x1  }
0x15: {  	[smem:$0x3FB7] =	sst s0;
	s0 =	simm.s32 @!p2 $0x0  }
0x16: {  	s3 =	sld [smem:$0x3FDB];
	s0 =	simm.s32 @p2 $0x1  }
0x17: {  	s4 =	simm.s32 $0x1BF5;
	[smem:$0x3FB9] =	sst s0  }
0x18: {  	s0 =	sld [smem:$0x3F9C];
	_ =	swait.ge [sflag:s4], $0x0  }
0x19: {  	s7 =	sld [smem:$0x3F9D]  }
0x1a: {  	s8 =	sadd.s32 $0xFFFFE003, lr  }
0x1b: {  	s9 =	sadd.s32 $0xFFFFFEF7, lr;
	s5 =	simm.s32 $0xFFFFFFFF;
	p2 =	slt.u32 s8, $0xFFFFF086  }
0x1c: {  	p1 =	slt.u32 s9, $0xF7A;
	s5 =	simm.s32 @!p2 $0x0  }
0x1d: {  	s5 =	simm.s32 @p1 $0x1;
	p0 =	seq.s32 s7, s2  }
0x1e: {  	s7 =	smul.u32 @!p0 $0xF7A, s2;
	p2 =	seq.s32 @!p0 s5, $0x0  }
0x1f: {  	s9 =	smul.u32 $0xF7A, s1;
	s8 =	simm.s32 @!p0 $0x1BF5;
	p2 =	por !p2, p0  }
0x20: {  	[sflag:s8] =	ssyncset.s32 @!p0 $0xFFFFF086;
	s6 =	sadd.s32 @!p0 s3, s7;
	s7 =	simm.s32 @!p0 $0x108  }
0x21: {  	s3 =	sadd.s32 s3, s9;
	s6 =	sadd.s32 @!p0 $0x88, s6;
	s7 =	simm.s32 @p2 $0x1082  }
0x22: {  	[simem:s7], [sflag:s8] =	dma.local @!p0 [hbm:s6], $0xF7A  }
0x23: {  	s9 =	sor.u32 $0xD0000000, s2;
	s6 =	simm.s32 $0x108;
	_ =	swait.ge @!p0 [sflag:s8], $0x0  }
0x24: {  	s3 =	sadd.s32 $0x88, s3;
	s6 =	simm.s32 @!p1 $0x1082;
	[sflag:s4] =	ssyncset.s32 $0xFFFFF086  }
0x25: {  	[simem:s6], [sflag:s4] =	dma.local [hbm:s3], $0xF7A  }
0x26: {  	[smem:$0x3F9D] =	sst s1;
	(tag) =	ssettag s2;
	_ =	strace s9  }
0x27: {  	s1 =	sld [smem:$0x3FAD]  }
0x28: {  	s2 =	sld [smem:$0x3FAE]  }
0x29: {  	s4 =	sld [smem:$0x3FB0]  }
0x2a: {  	p0 =	seq.s32 s5, $0x0;
	s5 =	sld [smem:$0x3FB1]  }
0x2b: {  	s6 =	sld [smem:$0x3FB2]  }
0x2c: {  	s7 =	sld [smem:$0x3FB3]  }
0x2d: {  	s3 =	simm.s32 $0x108;
	s8 =	sld [smem:$0x3FB4]  }
0x2e: {  	s3 =	simm.s32 @!p0 $0x1082;
	s9 =	sld [smem:$0x3FB5]  }
0x2f: {  	lr =	sadd.s32 s0, s3;
	s0 =	sld [smem:$0x3FAC]  }
0x30: {  	s3 =	sld [smem:$0x3FAF]  }
0x31: {  	[smem:$0x3FB8] =	sst s10  }
0x32: {  	s10 =	sld [smem:$0x3FB6];
	_ =	sdelay $0x3  }
0x33: {  	p0 =	seq.s32 s10, $0x1;
	s10 =	sld [smem:$0x3FB8];
	_ =	sdelay $0x3  }
0x34: {  	[smem:$0x3FB8] =	sst s10  }
0x35: {  	s10 =	sld [smem:$0x3FB7];
	_ =	sdelay $0x3  }
0x36: {  	p1 =	seq.s32 s10, $0x1;
	s10 =	sld [smem:$0x3FB8];
	_ =	sdelay $0x3  }
0x37: {  	[smem:$0x3FB8] =	sst s10  }
0x38: {  	s10 =	sld [smem:$0x3FB9]  }
0x39: {  	_ = 	snop;
	(pc) =	sbr.ind lr, $3  }
0x3a: {  	_ = 	snop  }
0x3b: {  	_ = 	snop  }
0x3c: {  	p2 =	seq.s32 s10, $0x1;
	s10 =	sld [smem:$0x3FB8]  }
0x3d: {  	_ =	shalt  }
0x3e: {  	_ =	shalt  }
0x3f: {  	_ =	shalt  }
0x40: {  	_ =	shalt  }
0x41: {  	_ =	shalt  }
0x42: {  	_ =	shalt  }
0x43: {  	_ =	shalt  }
0x44: {  	_ =	shalt  }
0x45: {  	_ =	shalt  }
0x46: {  	_ =	shalt  }
0x47: {  	_ =	shalt  }
0x48: {  	_ =	shalt  }
0x49: {  	_ =	shalt  }
0x4a: {  	_ =	shalt  }
0x4b: {  	_ =	shalt  }
0x4c: {  	_ =	shalt  }
0x4d: {  	_ =	shalt  }
0x4e: {  	_ =	shalt  }
0x4f: {  	_ =	shalt  }
0x50: {  	_ =	shalt  }
0x51: {  	_ =	shalt  }
0x52: {  	_ =	shalt  }
0x53: {  	_ =	shalt  }
0x54: {  	_ =	shalt  }
0x55: {  	_ =	shalt  }
0x56: {  	_ =	shalt  }
0x57: {  	_ =	shalt  }
0x58: {  	_ =	shalt  }
0x59: {  	_ =	shalt  }
0x5a: {  	_ =	shalt  }
0x5b: {  	_ =	shalt  }
0x5c: {  	_ =	shalt  }
0x5d: {  	_ =	shalt  }
0x5e: {  	_ =	shalt  }
0x5f: {  	_ =	shalt  }
0x60: {  	_ =	shalt  }
0x61: {  	_ =	shalt  }
0x62: {  	_ =	shalt  }
0x63: {  	_ =	shalt  }
0x64: {  	_ =	shalt  }
0x65: {  	_ =	shalt  }
0x66: {  	_ =	shalt  }
0x67: {  	_ =	shalt  }
0x68: {  	_ =	shalt  }
0x69: {  	_ =	shalt  }
0x6a: {  	_ =	shalt  }
0x6b: {  	_ =	shalt  }
0x6c: {  	_ =	shalt  }
0x6d: {  	_ =	shalt  }
0x6e: {  	_ =	shalt  }
0x6f: {  	_ =	shalt  }
0x70: {  	_ =	shalt  }
0x71: {  	_ =	shalt  }
0x72: {  	_ =	shalt  }
0x73: {  	_ =	shalt  }
0x74: {  	_ =	shalt  }
0x75: {  	_ =	shalt  }
0x76: {  	_ =	shalt  }
0x77: {  	_ =	shalt  }
0x78: {  	_ =	shalt  }
0x79: {  	_ =	shalt  }
0x7a: {  	_ =	shalt  }
0x7b: {  	_ =	shalt  }
0x7c: {  	_ =	shalt  }
0x7d: {  	_ =	shalt  }
0x7e: {  	_ =	shalt  }
0x7f: {  	_ =	shalt  }
0x80: {  	_ =	shalt  }
0x81: {  	_ =	shalt  }
0x82: {  	_ =	shalt  }
0x83: {  	_ =	shalt  }
0x84: {  	_ =	shalt  }
0x85: {  	_ =	shalt  }
0x86: {  	_ =	shalt  }
0x87: {  	_ =	shalt  }
.Lfunc_end0:
.L_simem_size_0:
called_computation_lowered:
.L_overlay_start_0:
0x88: {  	s2 =	sld [smem:$0x3FD9]  }
0x89: {  	s3 =	sld [smem:$0x3FFE];
	_ =	sdelay $0x1  }
0x8a: {  	s1 =	srdreg.scid  }
0x8b: {  	s0 =	sand.u32 $0x1, s1  }
0x8c: {  	s17 =	sshll.u32 s0, $0xA;
	s2 =	sadd.s32 s3, s2  }
0x8d: {  	s2 =	sadd.s32 s2, s17  }
0x8e: {  	[smem:$0x3FC4] =	sst s2  }
0x8f: {  	_ = 	snop  }
0x90: {  	s2 =	sld [smem:$0x3FC8];
	(tm) =	ssettm $0x1  }
0x91: {  	s18 =	sld [smem:$0x3FFB];
	_ =	sdelay $0x3  }
0x92: {  	_ =	strace s18  }
0x93: {  	s3 =	sld [smem:$0x3FFC];
	_ =	sdelay $0x3  }
0x94: {  	_ =	strace s3  }
0x95: {  	s3 =	sld [smem:$0x3FFD];
	_ =	sdelay $0x3  }
0x96: {  	_ =	strace s3  }
0x97: {  	_ =	strace $0x8FFFFFFF  }
0x98: {  	s19 =	sld [smem:$0x3FDB];
	_ =	sdelay $0x1  }
0x99: {  	s4 =	simm.s32 $_scs_section_size  }
0x9a: {  	s5 =	simm.s32 $_size__tile_overlayer_lowered;
	s6 =	simm.s32 $_tile_overlayer_lowered  }
0x9b: {  	s22 =	simm.s32 $0x1BFF;
	s21 =	sshll.u32 s6, $0x1;
	s3 =	sadd.s32 s4, s19  }
0x9c: {  	s7 =	simm.s32 $0x0;
	s20 =	sshll.u32 s5, $0x1;
	s5 =	sadd.s32 s21, s3  }
0x9d: {  	[timem:s7], [sflag:s22] =	dma.local [hbm:s5], s20  }
0x9e: {  	_ =	swait.ge [sflag:s22], s20  }
0x9f: {  	s4 =	ssub.s32 $0x0, s20;
	[sflag:s22] =	ssyncset.done $0x0  }
0xa0: {  	[sflag:s22] =	ssyncadd.s32 s4;
	_ =	sdelay $0x1  }
0xa1: {  	s23 =	simm.s32 $0x1B8B  }
0xa2: {  	_ =	swait.ge [sflag:s23], $0x1  }
0xa3: {  	[sflag:s23] =	ssyncset.done $0x0  }
0xa4: {  	s25 =	simm.s32 $0x1B8E;
	s24 =	sld [smem:$0x3FFE];
	[sflag:s23] =	ssyncadd.s32 $0xFFFFFFFF  }
0xa5: {  	s26 =	simm.s32 $execute0_lowered;
	[smem:$0x3FD2] =	sst s25  }
0xa6: {  	s5 =	sshll.u32 s26, $0x1;
	_ =	strace $0x80000046;
	[dreg:$0x1] =	wrdreg $0xFFFFFFFF  }
0xa7: {  	s28 =	simm.s32 $_size_execute0_lowered;
	s3 =	sadd.s32 s3, s5;
	[dreg:$0x0] =	wrdreg $0x0  }
0xa8: {  	s5 =	sshll.u32 s28, $0x1;
	[dreg:$0x2] =	wrdreg s3  }
0xa9: {  	[dreg:$0x3] =	wrdreg s5  }
0xaa: {  	[dreg:$0x4] =	wrdreg $0xC0  }
0xab: {  	_ =	task [dreg:s7], $0x5FFFF  }
0xac: {  	[dreg:$0x1] =	wrdreg $0xFFFFFFFF  }
0xad: {  	[dreg:$0x0] =	wrdreg $0x60  }
0xae: {  	[dreg:$0x2] =	wrdreg s2  }
0xaf: {  	[dreg:$0x3] =	wrdreg s24  }
0xb0: {  	[dreg:$0x4] =	wrdreg $0x9  }
0xb1: {  	_ =	task.clear_ibuf [dreg:s7], $0x5FFFF;
	_ =	strace $0x90000046  }
0xb2: {  	s29 =	simm.s32 $0x9;
	_ =	strace $0x80000048  }
0xb3: {  	_ =	swait.ge [sflag:s29], $0x1  }
0xb4: {  	[sflag:s29] =	ssyncadd.s32 $0xFFFFFFFF  }
0xb5: {  	_ =	strace $0x90000048  }
0xb6: {  	_ =	sfence  }
0xb7: {  	s30 =	sld [smem:$0x0];
	_ =	sdelay $0x2  }
0xb8: {  	s31 =	sshll.u32 s1, $0xD;
	s1 =	sshrl.u32 s1, $0x2  }
0xb9: {  	s3 =	sand.u32 $0x4000, s31;
	s1 =	sadd.s32 s1, s30  }
0xba: {  	s0 =	sor.u32 s3, s0;
	s1 =	sshll.u32 s1, $0x11  }
0xbb: {  	s0 =	sor.u32 s1, s0  }
0xbc: {  	s0 =	sadd.s32 $0x8F2B, s0  }
0xbd: {  	[sflag:s0] =	ssyncadd.remote.s32 $0x1  }
0xbe: {  	_ =	sfence.sel $0xFFFF  }
0xbf: {  	[dreg:$0x0] =	wrdreg $0xFFFFFFFF;
	(pc) =	sbr.abs _section_cstart, $3  }
0xc0: {  	[dreg:$0x1] =	wrdreg $0xFFFFFFFF  }
0xc1: {  	_ =	task.clear_ibuf [dreg:s7], $0x2FFFF;
	_ =	strace $0x9FFFFFFF  }
0xc2: {  	(tm) =	ssettm $0x7FFFFFFF  }
0xc3: {  	_ =	shalt  }
tec
execute0_lowered:
.L_overlay_start_1:
0x0: {  	(tag) =	ssettag $0x1  }
0x1: {  	s1 =	srdreg.scid;
	s0 =	stileid.u32  }
0x2: {  	s3 =	sand.u32 $0x1, s1;
	s29 =	sshll.u32 s0, $0x1  }
0x3: {  	s4 =	sor.u32 s3, s29  }
0x4: {  	v0 =	vlaneseq.u32;
	s1 =	sshll.u32 s4, $0x4  }
0x5: {  	s5 =	rddreg [dreg:$0x0];
	v0 =	vor.u32 s1, v0  }
0x6: {  	s6 =	rddreg [dreg:$0x1];
	s2 =	simm.s32 $0x0;
	v1 =	vmulhi.u32 $0x92492493, v0  }
0x7: {  	s10 =	simm.s32 $0x0;
	[smem:$0x7FF] =	sst s2  }
0x8: {  	s9 =	sshll.u32 s0, $0x5;
	s8 =	ssub.s32 $0x2, s3;
	s7 =	smul.u32 $0x500, s4;
	v1 =	vshrl.u32 v1, $0x6  }
0x9: {  	s3 =	sshll.u32 s3, $0x4;
	s4 =	smul.u32 $0x9C4, s4;
	s30 =	sshrl.u32 s8, $0x1;
	v1 =	vmul.u32 $0x70, v1  }
0xa: {  	s3 =	sor.u32 s3, s9;
	s9 =	simm.s32 $0x5100;
	s1 =	rddreg [dreg:$0x2]  }
0xb: {  	_ =	strace $0x80000047;
	s31 =	sshrl.u32 s3, $0x4;
	s6 =	sadd.s32 s7, s6;
	v1 =	vsub.s32 v0, v1  }
0xc: {  	s7 =	ssub.s32 s8, s30;
	s4 =	sand.u32 $0x1FFE0, s4;
	s8 =	sand.u32 $0x7, s31;
	v1 =	vshll.u32 v1, $0x10  }
0xd: {  	s3 =	sadd.s32 s5, s4;
	s4 =	sadd.s32 $0x1E00, s6;
	s5 =	smax.u32 s7, $0x1;
	v0 =	vor.u32 v0, v1  }
0xe: {  	s6 =	sshll.u32 s8, $0x5;
	s7 =	sshll.u32 s8, $0x4;
	s8 =	simm.s32 $0x1;
	v0 =	vadd.s32 $0x27100000, v0  }
.LBB2_1:
0xf: {  	[tilespmem:s2], [sflag:$0x1] =	stream.linear.gather [hbm4b:s3+s2], $0x4F00, $0x38;
	[tilespmem:$0x7900] =	vst v63  }
0x10: {  	_ =	swait.ge [sflag:s8], $0x4F00  }
0x11: {  	s11 =	sand.u32 $0x70, s7;
	s12 =	sand.u32 $0xFF00, s6;
	[sflag:s8] =	ssyncset.done $0x0  }
0x12: {  	s11 =	sor.u32 s11, s12;
	[sflag:s8] =	ssyncadd.s32 $0xFFFFB100  }
0x13: {  	v1 =	vld [tilespmem:s11+$0x80]  }
0x14: {  	v2 =	vld [tilespmem:s11+$0x0];
	_ =	sdelay $0x2  }
0x15: {  	s15 =	simm.s32 $0x0  }
0x16: {  	s13 =	sadd.s32 $0x10, s7;
	s14 =	simm.s32 $0x80;
	s12 =	sadd.s32 $0x20, s6;
	v1 =	vshll.u32 v1, $0x10  }
0x17: {  	s16 =	sand.u32 $0x70, s13;
	s17 =	sand.u32 $0xFF00, s12;
	s11 =	simm.s32 $0x40;
	v1 =	vor.u32 v2, v1  }
.LBB2_2:
0x18: {  	p0 =	sne.s32 s14, $0x9FC0;
	s16 =	sor.u32 s16, s17;
	[tilespmem:s15+$0x5100] =	vst v1;
	s15 =	smov.u32 s11  }
0x19: {  	s11 =	smov.u32 s14;
	v1 =	vld [tilespmem:s16+$0x80]  }
0x1a: {  	v2 =	vld [tilespmem:s16+$0x0]  }
.Ltmp0:
0x1b: {  	(pc) =	sbr.rel @p0 .LBB2_2-.Ltmp0, $3  }
0x1c: {  	_ =	sdelay $0x1  }
0x1d: {  	s12 =	sadd.s32 $0x20, s12;
	s13 =	sadd.s32 $0x10, s13;
	s15 =	sshra.s32 s15, $0x2;
	v1 =	vshll.u32 v1, $0x10  }
0x1e: {  	s14 =	sadd.s32 $0x40, s14;
	s17 =	sand.u32 $0xFF00, s12;
	s16 =	sand.u32 $0x70, s13;
	v1 =	vor.u32 v2, v1  }
0x1f: {  	s12 =	sor.u32 s16, s17;
	[tilespmem:s15+$0x5100] =	vst v1  }
0x20: {  	v1 =	vld [tilespmem:s12+$0x80]  }
0x21: {  	v2 =	vld [tilespmem:s12+$0x0];
	_ =	sdelay $0x3  }
0x22: {  	v1 =	vshll.u32 v1, $0x10  }
0x23: {  	s11 =	sshra.s32 s11, $0x2;
	v1 =	vor.u32 v2, v1  }
0x24: {  	[tilespmem:s11+$0x5100] =	vst v1  }
0x25: {  	[tilespmem:$0x7810] =	vst v0  }
0x26: {  	[tilespmem:$0x7820] =	vst v0  }
0x27: {  	[tilespmem:$0x7830] =	vst v0  }
0x28: {  	[tilespmem:$0x7840] =	vst v0  }
0x29: {  	[tilespmem:$0x7850] =	vst v0  }
0x2a: {  	[tilespmem:$0x7860] =	vst v0  }
0x2b: {  	[tilespmem:$0x7870] =	vst v0  }
0x2c: {  	[tilespmem:$0x7880] =	vst v0  }
0x2d: {  	[tilespmem:$0x7890] =	vst v0  }
0x2e: {  	[tilespmem:$0x78A0] =	vst v0  }
0x2f: {  	[tilespmem:$0x78B0] =	vst v0  }
0x30: {  	[tilespmem:$0x78C0] =	vst v0  }
0x31: {  	s10 =	sadd.s32 $0x1, s10;
	[tilespmem:$0x78D0] =	vst v0  }
0x32: {  	p0 =	sne.s32 s10, s5;
	[tilespmem:$0x78E0] =	vst v0  }
.Ltmp1:
0x33: {  	[tilespmem:$0x78F0] =	vst v0;
	(pc) =	sbr.rel @p0 .LBB2_1-.Ltmp1, $4  }
0x34: {  	[hbm4b:s4+s2] =	stream.linear.scatter [tilespmem:s9], [sflag:$0x1], $0x2800, $0x38;
	[tilespmem:$0x7900] =	vst v63  }
0x35: {  	_ =	swait.ge [sflag:s8], $0x2800  }
0x36: {  	[sflag:s8] =	ssyncset.done $0x0  }
0x37: {  	[sflag:s8] =	ssyncadd.s32 $0xFFFFD800  }
0x38: {  	_ =	sfence.sel $0x180000  }
0x39: {  	[bflag:$0x0] =	sbarrier.arrive $0xFFFF  }
0x3a: {  	p0 =	sne.s32 s0, $0x0;
	_ =	strace $0x90000047  }
0x3b: {  	s0 =	sadd.s32 @!p0 $0x100000, s1;
	[bflag:$0x2] =	sbarrier.arrive $0xFFFF  }
0x3c: {  	[sflag:s0] =	ssyncadd.tile.s32 @!p0 $0x1;
	_ =	shalt  }
.Lfunc_end2:
_tile_overlayer_lowered:
.L_overlay_start_2:
0x3d: {  	(tag) =	ssettag $0x2  }
0x3e: {  	s0 =	rddreg [dreg:$0x0];
	s2 =	stileid.u32  }
0x3f: {  	s1 =	rddreg [dreg:$0x1];
	p0 =	sne.s32 s2, $0x0  }
0x40: {  	s3 =	rddreg [dreg:$0x2];
	[bflag:$0x3] =	sbarrier.arrive $0xFFFF;
	s2 =	simm.s32 @!p0 $0x1C01  }
0x41: {  	[timem:s3], [sflag:s2] =	dma.local @!p0 [hbm:s0], s1  }
0x42: {  	s0 =	simm.s32 @!p0 $0x1  }
0x43: {  	_ =	swait.ge @!p0 [sflag:s0], s1  }
0x44: {  	s1 =	ssub.s32 @!p0 $0x0, s1;
	[sflag:s0] =	ssyncset.done @!p0 $0x0  }
0x45: {  	[sflag:s0] =	ssyncadd.s32 @!p0 s1  }
0x46: {  	[bflag:$0x3] =	sbarrier.arrive $0xFFFF  }
0x47: {  	_ =	shalt  }

</sc_bundles>
